<compile_context>
chip_gen: v7x
topology: tpu7x:2x2x1
jax: 0.10.2.dev20260603
libtpu: 0.0.44.dev20260713+nightly
codegen_flags: <defaults>
</compile_context>

<pallas_src>
import functools

import jax
import jax.numpy as jnp
from jax.experimental import pallas as pl
from jax.experimental.pallas import tpu as pltpu
from jax.experimental.pallas import tpu_sc as plsc

VOCAB = 1000
EMB = 64
HID = 32
G4 = 4 * HID
NCLS = 10
B = 4096
L = 200

GATHER_WINDOW = 128
CHUNK_L = 20


def _project_kernel(emb_ref, wih_ref, p_ref):
    p_ref[...] = jnp.dot(
        emb_ref[...], wih_ref[...], preferred_element_type=jnp.float32
    ).astype(p_ref.dtype)


def _project_table(emb_table, wih_t, dtype):
    return pl.pallas_call(
        _project_kernel,
        out_shape=jax.ShapeDtypeStruct((VOCAB, G4), dtype),
    )(emb_table, wih_t)


def _sc_gather(table, idx_flat):
    n_idx = idx_flat.shape[0]
    d = table.shape[1]
    mesh = plsc.VectorSubcoreMesh(core_axis_name="c", subcore_axis_name="s")
    n_workers = 32
    per_w = n_idx // n_workers
    w = GATHER_WINDOW
    n_chunks = per_w // w

    @functools.partial(
        pl.kernel,
        out_type=jax.ShapeDtypeStruct((n_idx, d), table.dtype),
        mesh=mesh,
        scratch_types=[
            pltpu.VMEM((per_w,), jnp.int32),
            pltpu.VMEM((w, d), table.dtype),
            pltpu.VMEM((w, d), table.dtype),
            pltpu.SemaphoreType.DMA,
            pltpu.SemaphoreType.DMA,
        ],
    )
    def gather_kernel(table_hbm, idx_hbm, out_hbm, idx_v, rows0, rows1,
                      gsem0, gsem1):
        wid = jax.lax.axis_index("s") * 2 + jax.lax.axis_index("c")
        base = wid * per_w
        pltpu.sync_copy(idx_hbm.at[pl.ds(base, per_w)], idx_v)

        def start_gather(chunk, rows, sem):
            pltpu.async_copy(
                table_hbm.at[idx_v.at[pl.ds(chunk * w, w)]], rows, sem)

        def wait_gather(rows, sem):
            pltpu.make_async_copy(
                table_hbm.at[idx_v.at[pl.ds(0, w)]], rows, sem).wait()

        def writeout(rows, chunk):
            pltpu.sync_copy(rows, out_hbm.at[pl.ds(base + chunk * w, w)])

        start_gather(0, rows0, gsem0)

        @pl.loop(0, n_chunks, step=2)
        def _(ck):
            start_gather(ck + 1, rows1, gsem1)
            wait_gather(rows0, gsem0)
            writeout(rows0, ck)

            @pl.when(ck + 2 < n_chunks)
            def _():
                start_gather(ck + 2, rows0, gsem0)

            wait_gather(rows1, gsem1)
            writeout(rows1, ck + 1)

    return gather_kernel(table, idx_flat)


def _lstm_chunk_kernel(gx_ref, whh_ref, bias_ref, fcw_ref, fcb_ref, hin_ref,
                       cin_ref, hout_ref, cout_ref, out_ref):
    t = pl.program_id(0)

    @pl.when(t == 0)
    def _():
        hout_ref[...] = hin_ref[...]
        cout_ref[...] = cin_ref[...]

    h = hout_ref[...]
    gx_t = jnp.transpose(gx_ref[0].astype(jnp.float32))
    gates = gx_t + bias_ref[...] + jnp.dot(
        whh_ref[...], h, preferred_element_type=jnp.float32)

    def sigmoid(x):
        return 0.5 * jnp.tanh(0.5 * x) + 0.5

    i = sigmoid(gates[0 * HID:1 * HID, :])
    f = sigmoid(gates[1 * HID:2 * HID, :])
    g = jnp.tanh(gates[2 * HID:3 * HID, :])
    o = sigmoid(gates[3 * HID:4 * HID, :])
    c = f * cout_ref[...] + i * g
    h = o * jnp.tanh(c)
    cout_ref[...] = c
    hout_ref[...] = h

    @pl.when(t == CHUNK_L - 1)
    def _():
        out_t = jnp.dot(
            fcw_ref[...], h, preferred_element_type=jnp.float32)
        out_ref[...] = jnp.transpose(out_t) + fcb_ref[...]


def _tc_lstm_chunk(gx, whh, bias, fcw, fcb, h, c):
    return pl.pallas_call(
        _lstm_chunk_kernel,
        grid=(CHUNK_L,),
        in_specs=[
            pl.BlockSpec((1, B, G4), lambda t: (t, 0, 0)),
            pl.BlockSpec((G4, HID), lambda t: (0, 0)),
            pl.BlockSpec((G4, 1), lambda t: (0, 0)),
            pl.BlockSpec((NCLS, HID), lambda t: (0, 0)),
            pl.BlockSpec((1, NCLS), lambda t: (0, 0)),
            pl.BlockSpec((HID, B), lambda t: (0, 0)),
            pl.BlockSpec((HID, B), lambda t: (0, 0)),
        ],
        out_specs=[
            pl.BlockSpec((HID, B), lambda t: (0, 0)),
            pl.BlockSpec((HID, B), lambda t: (0, 0)),
            pl.BlockSpec((B, NCLS), lambda t: (0, 0)),
        ],
        out_shape=[
            jax.ShapeDtypeStruct((HID, B), jnp.float32),
            jax.ShapeDtypeStruct((HID, B), jnp.float32),
            jax.ShapeDtypeStruct((B, NCLS), jnp.float32),
        ],
        input_output_aliases={5: 0, 6: 1},
    )(gx, whh, bias, fcw, fcb, h, c)


@jax.jit
def kernel(text, emb_table, w_ih, w_hh, b_ih, b_hh, fc_w, fc_b):
    idx_flat = text.T.astype(jnp.int32).reshape(L * B)

    wih_t = w_ih.T
    proj = _project_table(emb_table, wih_t, jnp.float32)

    bias = (b_ih + b_hh).reshape(G4, 1)
    fcb = fc_b.reshape(1, NCLS)
    h = jnp.zeros((HID, B), jnp.float32)
    c = jnp.zeros((HID, B), jnp.float32)
    out = None
    for k in range(L // CHUNK_L):
        idx_k = jax.lax.dynamic_slice_in_dim(
            idx_flat, k * CHUNK_L * B, CHUNK_L * B)
        gx_k = _sc_gather(proj, idx_k).reshape(CHUNK_L, B, G4)
        h, c, out = _tc_lstm_chunk(gx_k, w_hh, bias, fc_w, fcb, h, c)
    return out

# --- scband reference (transcript-rebuilt; emitter-appended) ---
"""Pipeline reference for scband-lstmclassification-model-79525614453277 (READ-ONLY COPY).

The authoritative reference and input builder live on the scoring server;
editing this copy changes nothing except your own understanding.
"""

import jax, jax.numpy as jnp
import numpy as np

VOCAB = 1000
EMB = 64
HID = 32
NCLS = 10
B = 4096
L = 200


def setup_inputs(seed: int = 0) -> dict:
    key = jax.random.key(seed)
    ks = jax.random.split(key, 8)
    text = jax.random.randint(ks[0], (B, L), 0, 960)
    emb_table = jax.random.uniform(ks[1], (VOCAB, EMB), minval=-0.5, maxval=0.5, dtype=jnp.float32)
    s = 1.0 / np.sqrt(HID)
    w_ih = jax.random.uniform(ks[2], (4 * HID, EMB), minval=-s, maxval=s, dtype=jnp.float32)
    w_hh = jax.random.uniform(ks[3], (4 * HID, HID), minval=-s, maxval=s, dtype=jnp.float32)
    b_ih = jax.random.uniform(ks[4], (4 * HID,), minval=-s, maxval=s, dtype=jnp.float32)
    b_hh = jax.random.uniform(ks[5], (4 * HID,), minval=-s, maxval=s, dtype=jnp.float32)
    fc_w = jax.random.uniform(ks[6], (NCLS, HID), minval=-0.5, maxval=0.5, dtype=jnp.float32)
    fc_b = jnp.zeros((NCLS,), dtype=jnp.float32)
    return {"text": text, "emb_table": emb_table, "w_ih": w_ih, "w_hh": w_hh, "b_ih": b_ih, "b_hh": b_hh, "fc_w": fc_w, "fc_b": fc_b}


def _lstm_last_hidden(x, w_ih, w_hh, b_ih, b_hh):
    Bsz = x.shape[0]
    H = w_hh.shape[1]
    h0 = jnp.zeros((Bsz, H), dtype=x.dtype)
    c0 = jnp.zeros((Bsz, H), dtype=x.dtype)
    xs = jnp.swapaxes(x, 0, 1)  # [L, B, EMB]

    def step(carry, x_t):
        h, c = carry
        gates = x_t @ w_ih.T + b_ih + h @ w_hh.T + b_hh
        i, f, g, o = jnp.split(gates, 4, axis=-1)  # PyTorch gate order: i, f, g, o
        i = jax.nn.sigmoid(i)
        f = jax.nn.sigmoid(f)
        g = jnp.tanh(g)
        o = jax.nn.sigmoid(o)
        c = f * c + i * g
        h = o * jnp.tanh(c)
        return (h, c), None

    (h, c), _ = jax.lax.scan(step, (h0, c0), xs)
    return h


def reference(text, emb_table, w_ih, w_hh, b_ih, b_hh, fc_w, fc_b):
    # embedding lookup (padding_idx only affects gradients, not forward)
    embedded = jnp.take(emb_table, text, axis=0)  # [B, L, EMB]
    h_last = _lstm_last_hidden(embedded, w_ih, w_hh, b_ih, b_hh)  # [B, HID]
    return h_last @ fc_w.T + fc_b  # [B, NCLS]

if __name__ == "__main__":
    import jax
    _d = setup_inputs()
    print(jax.jit(kernel)(*tuple(_d.values())))

</pallas_src>

<mosaic_0001>
#map = affine_map<(d0, d1) -> (0, 0)>
#map1 = affine_map<(d0, d1) -> (0)>
module attributes {stable_mosaic.version = 14 : i64} {
  func.func @gather_kernel(%arg0: i32, %arg1: i32, %arg2: memref<1000x128xf32, #tpu.memory_space<hbm>>, %arg3: memref<81920xi32, #tpu.memory_space<hbm>>, %arg4: memref<81920x128xf32, #tpu.memory_space<hbm>>, %arg5: memref<2560xi32, #tpu.memory_space<vmem>>, %arg6: memref<128x128xf32, #tpu.memory_space<vmem>>, %arg7: memref<128x128xf32, #tpu.memory_space<vmem>>, %arg8: memref<!tpu.dma_semaphore, #tpu.memory_space<semaphore_mem>>, %arg9: memref<!tpu.dma_semaphore, #tpu.memory_space<semaphore_mem>>) attributes {dimension_semantics = [#tpu.dimension_semantics<core_parallel>, #tpu.dimension_semantics<subcore_parallel>], iteration_bounds = array<i64: 2, 16>, scalar_prefetch = 0 : i64, scratch_operands = 5 : i64, tpu.core_type = #tpu.core_type<sc_vector_subcore>, window_params = [{transform_indices = #map}, {transform_indices = #map1}, {transform_indices = #map}]} {
    %mul3A = arith.constant 2 : i32
    %mul3A_0 = arith.muli %arg1, %mul3A : i32
    %add3A = arith.addi %mul3A_0, %arg0 : i32
    %mul3A_1 = arith.constant 2560 : i32
    %mul3A_2 = arith.muli %add3A, %mul3A_1 : i32
    "tpu.region"() ({
      %run_scoped3A = tpu.sem_alloc : memref<!tpu.dma_semaphore, #tpu.memory_space<semaphore_mem>>
      %dma_start3A_11 = tpu.memref_slice %arg3[%mul3A_2] : memref<81920xi32, #tpu.memory_space<hbm>> -> memref<2560xi32, #tpu.memory_space<hbm>>
      %dma_start3A_12 = tpu.memref_slice %arg3[%mul3A_2] : memref<81920xi32, #tpu.memory_space<hbm>> -> memref<2560xi32, #tpu.memory_space<hbm>>
      tpu.enqueue_dma source(%dma_start3A_12 : memref<2560xi32, #tpu.memory_space<hbm>>) target(%arg5 : memref<2560xi32, #tpu.memory_space<vmem>>) target_semaphore(%run_scoped3A : memref<!tpu.dma_semaphore, #tpu.memory_space<semaphore_mem>>)
      %dma_wait3A = tpu.memref_slice %arg3[%mul3A_2] : memref<81920xi32, #tpu.memory_space<hbm>> -> memref<2560xi32, #tpu.memory_space<hbm>>
      %dma_wait3A_13 = tpu.memref_slice %arg3[%mul3A_2] : memref<81920xi32, #tpu.memory_space<hbm>> -> memref<2560xi32, #tpu.memory_space<hbm>>
      tpu.wait_dma2 semaphore(%run_scoped3A : memref<!tpu.dma_semaphore, #tpu.memory_space<semaphore_mem>>) src(%dma_wait3A_13 : memref<2560xi32, #tpu.memory_space<hbm>>) dst(%arg5 : memref<2560xi32, #tpu.memory_space<vmem>>)
      tpu.yield
    }) : () -> ()
    %dma_start3A = arith.constant 0 : i32
    %dma_start3A_3 = tpu.memref_slice %arg5[%dma_start3A] : memref<2560xi32, #tpu.memory_space<vmem>> -> memref<128xi32, #tpu.memory_space<vmem>>
    %dma_start3A_4 = arith.constant 0 : i32
    %dma_start3A_5 = arith.constant 0 : i32
    %dma_start3A_6 = tpu.memref_slice %arg2[%dma_start3A_4, %dma_start3A_5] : memref<1000x128xf32, #tpu.memory_space<hbm>> -> memref<1000x128xf32, #tpu.memory_space<hbm>>
    tpu.enqueue_indirect_dma source(%dma_start3A_6 : memref<1000x128xf32, #tpu.memory_space<hbm>>) target(%arg6 : memref<128x128xf32, #tpu.memory_space<vmem>>) offsets(%dma_start3A_3 : memref<128xi32, #tpu.memory_space<vmem>>) semaphore(%arg8 : memref<!tpu.dma_semaphore, #tpu.memory_space<semaphore_mem>>)
    %scan3A = arith.constant 0 : i32
    %scan3A_7 = arith.constant 10 : i32
    %scan3A_8 = arith.addi %scan3A, %scan3A_7 : i32
    %scan3A_9 = arith.constant 1 : i32
    scf.for %scan3A_11 = %scan3A to %scan3A_8 step %scan3A_9  : i32 {
      %mul3A_12 = arith.constant 2 : i32
      %mul3A_13 = arith.muli %scan3A_11, %mul3A_12 : i32
      %add3A_14 = arith.constant 0 : i32
      %add3A_15 = arith.addi %add3A_14, %mul3A_13 : i32
      %add3A_16 = arith.constant 1 : i32
      %add3A_17 = arith.addi %add3A_15, %add3A_16 : i32
      %mul3A_18 = arith.constant 128 : i32
      %mul3A_19 = arith.muli %add3A_17, %mul3A_18 : i32
      %dma_start3A_20 = tpu.memref_slice %arg5[%mul3A_19] : memref<2560xi32, #tpu.memory_space<vmem>> -> memref<128xi32, #tpu.memory_space<vmem>>
      %dma_start3A_21 = arith.constant 0 : i32
      %dma_start3A_22 = arith.constant 0 : i32
      %dma_start3A_23 = tpu.memref_slice %arg2[%dma_start3A_21, %dma_start3A_22] : memref<1000x128xf32, #tpu.memory_space<hbm>> -> memref<1000x128xf32, #tpu.memory_space<hbm>>
      tpu.enqueue_indirect_dma source(%dma_start3A_23 : memref<1000x128xf32, #tpu.memory_space<hbm>>) target(%arg7 : memref<128x128xf32, #tpu.memory_space<vmem>>) offsets(%dma_start3A_20 : memref<128xi32, #tpu.memory_space<vmem>>) semaphore(%arg9 : memref<!tpu.dma_semaphore, #tpu.memory_space<semaphore_mem>>)
      %dma_wait3A = arith.constant 0 : i32
      %dma_wait3A_24 = tpu.memref_slice %arg5[%dma_wait3A] : memref<2560xi32, #tpu.memory_space<vmem>> -> memref<128xi32, #tpu.memory_space<vmem>>
      %dma_wait3A_25 = arith.constant 0 : i32
      %dma_wait3A_26 = arith.constant 0 : i32
      %dma_wait3A_27 = tpu.memref_slice %arg2[%dma_wait3A_25, %dma_wait3A_26] : memref<1000x128xf32, #tpu.memory_space<hbm>> -> memref<1000x128xf32, #tpu.memory_space<hbm>>
      tpu.wait_indirect_dma semaphore(%arg8 : memref<!tpu.dma_semaphore, #tpu.memory_space<semaphore_mem>>) src(%dma_wait3A_27 : memref<1000x128xf32, #tpu.memory_space<hbm>>) dst(%arg6 : memref<128x128xf32, #tpu.memory_space<vmem>>)
      %mul3A_28 = arith.constant 128 : i32
      %mul3A_29 = arith.muli %add3A_15, %mul3A_28 : i32
      %add3A_30 = arith.addi %mul3A_2, %mul3A_29 : i32
      "tpu.region"() ({
        %run_scoped3A = tpu.sem_alloc : memref<!tpu.dma_semaphore, #tpu.memory_space<semaphore_mem>>
        %dma_start3A_45 = arith.constant 0 : i32
        %dma_start3A_46 = tpu.memref_slice %arg4[%add3A_30, %dma_start3A_45] : memref<81920x128xf32, #tpu.memory_space<hbm>> -> memref<128x128xf32, #tpu.memory_space<hbm>>
        %dma_start3A_47 = arith.constant 0 : i32
        %dma_start3A_48 = tpu.memref_slice %arg4[%add3A_30, %dma_start3A_47] : memref<81920x128xf32, #tpu.memory_space<hbm>> -> memref<128x128xf32, #tpu.memory_space<hbm>>
        tpu.enqueue_dma source(%arg6 : memref<128x128xf32, #tpu.memory_space<vmem>>) target(%dma_start3A_48 : memref<128x128xf32, #tpu.memory_space<hbm>>) target_semaphore(%run_scoped3A : memref<!tpu.dma_semaphore, #tpu.memory_space<semaphore_mem>>)
        %dma_wait3A_49 = arith.constant 0 : i32
        %dma_wait3A_50 = tpu.memref_slice %arg4[%add3A_30, %dma_wait3A_49] : memref<81920x128xf32, #tpu.memory_space<hbm>> -> memref<128x128xf32, #tpu.memory_space<hbm>>
        %dma_wait3A_51 = arith.constant 0 : i32
        %dma_wait3A_52 = tpu.memref_slice %arg4[%add3A_30, %dma_wait3A_51] : memref<81920x128xf32, #tpu.memory_space<hbm>> -> memref<128x128xf32, #tpu.memory_space<hbm>>
        tpu.wait_dma2 semaphore(%run_scoped3A : memref<!tpu.dma_semaphore, #tpu.memory_space<semaphore_mem>>) src(%arg6 : memref<128x128xf32, #tpu.memory_space<vmem>>) dst(%dma_wait3A_52 : memref<128x128xf32, #tpu.memory_space<hbm>>)
        tpu.yield
      }) : () -> ()
      %add3A_31 = arith.constant 2 : i32
      %add3A_32 = arith.addi %add3A_15, %add3A_31 : i32
      %lt3A = arith.constant 20 : i32
      %lt3A_33 = arith.cmpi slt, %add3A_32, %lt3A : i32
      %convert_element_type3A = arith.extui %lt3A_33 : i1 to i32
      %cond3A = arith.constant 0 : i32
      %cond3A_34 = arith.cmpi ne, %convert_element_type3A, %cond3A : i32
      scf.if %cond3A_34 {
        %add3A_45 = arith.constant 2 : i32
        %add3A_46 = arith.addi %add3A_15, %add3A_45 : i32
        %mul3A_47 = arith.constant 128 : i32
        %mul3A_48 = arith.muli %add3A_46, %mul3A_47 : i32
        %dma_start3A_49 = tpu.memref_slice %arg5[%mul3A_48] : memref<2560xi32, #tpu.memory_space<vmem>> -> memref<128xi32, #tpu.memory_space<vmem>>
        %dma_start3A_50 = arith.constant 0 : i32
        %dma_start3A_51 = arith.constant 0 : i32
        %dma_start3A_52 = tpu.memref_slice %arg2[%dma_start3A_50, %dma_start3A_51] : memref<1000x128xf32, #tpu.memory_space<hbm>> -> memref<1000x128xf32, #tpu.memory_space<hbm>>
        tpu.enqueue_indirect_dma source(%dma_start3A_52 : memref<1000x128xf32, #tpu.memory_space<hbm>>) target(%arg6 : memref<128x128xf32, #tpu.memory_space<vmem>>) offsets(%dma_start3A_49 : memref<128xi32, #tpu.memory_space<vmem>>) semaphore(%arg8 : memref<!tpu.dma_semaphore, #tpu.memory_space<semaphore_mem>>)
      } else {
      }
      %dma_wait3A_35 = arith.constant 0 : i32
      %dma_wait3A_36 = tpu.memref_slice %arg5[%dma_wait3A_35] : memref<2560xi32, #tpu.memory_space<vmem>> -> memref<128xi32, #tpu.memory_space<vmem>>
      %dma_wait3A_37 = arith.constant 0 : i32
      %dma_wait3A_38 = arith.constant 0 : i32
      %dma_wait3A_39 = tpu.memref_slice %arg2[%dma_wait3A_37, %dma_wait3A_38] : memref<1000x128xf32, #tpu.memory_space<hbm>> -> memref<1000x128xf32, #tpu.memory_space<hbm>>
      tpu.wait_indirect_dma semaphore(%arg9 : memref<!tpu.dma_semaphore, #tpu.memory_space<semaphore_mem>>) src(%dma_wait3A_39 : memref<1000x128xf32, #tpu.memory_space<hbm>>) dst(%arg7 : memref<128x128xf32, #tpu.memory_space<vmem>>)
      %add3A_40 = arith.constant 1 : i32
      %add3A_41 = arith.addi %add3A_15, %add3A_40 : i32
      %mul3A_42 = arith.constant 128 : i32
      %mul3A_43 = arith.muli %add3A_41, %mul3A_42 : i32
      %add3A_44 = arith.addi %mul3A_2, %mul3A_43 : i32
      "tpu.region"() ({
        %run_scoped3A = tpu.sem_alloc : memref<!tpu.dma_semaphore, #tpu.memory_space<semaphore_mem>>
        %dma_start3A_45 = arith.constant 0 : i32
        %dma_start3A_46 = tpu.memref_slice %arg4[%add3A_44, %dma_start3A_45] : memref<81920x128xf32, #tpu.memory_space<hbm>> -> memref<128x128xf32, #tpu.memory_space<hbm>>
        %dma_start3A_47 = arith.constant 0 : i32
        %dma_start3A_48 = tpu.memref_slice %arg4[%add3A_44, %dma_start3A_47] : memref<81920x128xf32, #tpu.memory_space<hbm>> -> memref<128x128xf32, #tpu.memory_space<hbm>>
        tpu.enqueue_dma source(%arg7 : memref<128x128xf32, #tpu.memory_space<vmem>>) target(%dma_start3A_48 : memref<128x128xf32, #tpu.memory_space<hbm>>) target_semaphore(%run_scoped3A : memref<!tpu.dma_semaphore, #tpu.memory_space<semaphore_mem>>)
        %dma_wait3A_49 = arith.constant 0 : i32
        %dma_wait3A_50 = tpu.memref_slice %arg4[%add3A_44, %dma_wait3A_49] : memref<81920x128xf32, #tpu.memory_space<hbm>> -> memref<128x128xf32, #tpu.memory_space<hbm>>
        %dma_wait3A_51 = arith.constant 0 : i32
        %dma_wait3A_52 = tpu.memref_slice %arg4[%add3A_44, %dma_wait3A_51] : memref<81920x128xf32, #tpu.memory_space<hbm>> -> memref<128x128xf32, #tpu.memory_space<hbm>>
        tpu.wait_dma2 semaphore(%run_scoped3A : memref<!tpu.dma_semaphore, #tpu.memory_space<semaphore_mem>>) src(%arg7 : memref<128x128xf32, #tpu.memory_space<vmem>>) dst(%dma_wait3A_52 : memref<128x128xf32, #tpu.memory_space<hbm>>)
        tpu.yield
      }) : () -> ()
    }
    %scan3A_10 = arith.constant 10 : i32
    return
  }
}

#map = affine_map<(d0, d1) -> (0, 0)>
#map1 = affine_map<(d0, d1) -> (0)>
module attributes {stable_mosaic.version = 14 : i64} {
  func.func @gather_kernel(%arg0: i32, %arg1: i32, %arg2: memref<1000x128xf32, #tpu.memory_space<hbm>>, %arg3: memref<81920xi32, #tpu.memory_space<hbm>>, %arg4: memref<81920x128xf32, #tpu.memory_space<hbm>>, %arg5: memref<2560xi32, #tpu.memory_space<vmem>>, %arg6: memref<128x128xf32, #tpu.memory_space<vmem>>, %arg7: memref<128x128xf32, #tpu.memory_space<vmem>>, %arg8: memref<!tpu.dma_semaphore, #tpu.memory_space<semaphore_mem>>, %arg9: memref<!tpu.dma_semaphore, #tpu.memory_space<semaphore_mem>>) attributes {dimension_semantics = [#tpu.dimension_semantics<core_parallel>, #tpu.dimension_semantics<subcore_parallel>], iteration_bounds = array<i64: 2, 16>, scalar_prefetch = 0 : i64, scratch_operands = 5 : i64, tpu.core_type = #tpu.core_type<sc_vector_subcore>, window_params = [{transform_indices = #map}, {transform_indices = #map1}, {transform_indices = #map}]} {
    %mul3A = arith.constant 2 : i32
    %mul3A_0 = arith.muli %arg1, %mul3A : i32
    %add3A = arith.addi %mul3A_0, %arg0 : i32
    %mul3A_1 = arith.constant 2560 : i32
    %mul3A_2 = arith.muli %add3A, %mul3A_1 : i32
    "tpu.region"() ({
      %run_scoped3A = tpu.sem_alloc : memref<!tpu.dma_semaphore, #tpu.memory_space<semaphore_mem>>
      %dma_start3A_11 = tpu.memref_slice %arg3[%mul3A_2] : memref<81920xi32, #tpu.memory_space<hbm>> -> memref<2560xi32, #tpu.memory_space<hbm>>
      %dma_start3A_12 = tpu.memref_slice %arg3[%mul3A_2] : memref<81920xi32, #tpu.memory_space<hbm>> -> memref<2560xi32, #tpu.memory_space<hbm>>
      tpu.enqueue_dma source(%dma_start3A_12 : memref<2560xi32, #tpu.memory_space<hbm>>) target(%arg5 : memref<2560xi32, #tpu.memory_space<vmem>>) target_semaphore(%run_scoped3A : memref<!tpu.dma_semaphore, #tpu.memory_space<semaphore_mem>>)
      %dma_wait3A = tpu.memref_slice %arg3[%mul3A_2] : memref<81920xi32, #tpu.memory_space<hbm>> -> memref<2560xi32, #tpu.memory_space<hbm>>
      %dma_wait3A_13 = tpu.memref_slice %arg3[%mul3A_2] : memref<81920xi32, #tpu.memory_space<hbm>> -> memref<2560xi32, #tpu.memory_space<hbm>>
      tpu.wait_dma2 semaphore(%run_scoped3A : memref<!tpu.dma_semaphore, #tpu.memory_space<semaphore_mem>>) src(%dma_wait3A_13 : memref<2560xi32, #tpu.memory_space<hbm>>) dst(%arg5 : memref<2560xi32, #tpu.memory_space<vmem>>)
      tpu.yield
    }) : () -> ()
    %dma_start3A = arith.constant 0 : i32
    %dma_start3A_3 = tpu.memref_slice %arg5[%dma_start3A] : memref<2560xi32, #tpu.memory_space<vmem>> -> memref<128xi32, #tpu.memory_space<vmem>>
    %dma_start3A_4 = arith.constant 0 : i32
    %dma_start3A_5 = arith.constant 0 : i32
    %dma_start3A_6 = tpu.memref_slice %arg2[%dma_start3A_4, %dma_start3A_5] : memref<1000x128xf32, #tpu.memory_space<hbm>> -> memref<1000x128xf32, #tpu.memory_space<hbm>>
    tpu.enqueue_indirect_dma source(%dma_start3A_6 : memref<1000x128xf32, #tpu.memory_space<hbm>>) target(%arg6 : memref<128x128xf32, #tpu.memory_space<vmem>>) offsets(%dma_start3A_3 : memref<128xi32, #tpu.memory_space<vmem>>) semaphore(%arg8 : memref<!tpu.dma_semaphore, #tpu.memory_space<semaphore_mem>>)
    %scan3A = arith.constant 0 : i32
    %scan3A_7 = arith.constant 10 : i32
    %scan3A_8 = arith.addi %scan3A, %scan3A_7 : i32
    %scan3A_9 = arith.constant 1 : i32
    scf.for %scan3A_11 = %scan3A to %scan3A_8 step %scan3A_9  : i32 {
      %mul3A_12 = arith.constant 2 : i32
      %mul3A_13 = arith.muli %scan3A_11, %mul3A_12 : i32
      %add3A_14 = arith.constant 0 : i32
      %add3A_15 = arith.addi %add3A_14, %mul3A_13 : i32
      %add3A_16 = arith.constant 1 : i32
      %add3A_17 = arith.addi %add3A_15, %add3A_16 : i32
      %mul3A_18 = arith.constant 128 : i32
      %mul3A_19 = arith.muli %add3A_17, %mul3A_18 : i32
      %dma_start3A_20 = tpu.memref_slice %arg5[%mul3A_19] : memref<2560xi32, #tpu.memory_space<vmem>> -> memref<128xi32, #tpu.memory_space<vmem>>
      %dma_start3A_21 = arith.constant 0 : i32
      %dma_start3A_22 = arith.constant 0 : i32
      %dma_start3A_23 = tpu.memref_slice %arg2[%dma_start3A_21, %dma_start3A_22] : memref<1000x128xf32, #tpu.memory_space<hbm>> -> memref<1000x128xf32, #tpu.memory_space<hbm>>
      tpu.enqueue_indirect_dma source(%dma_start3A_23 : memref<1000x128xf32, #tpu.memory_space<hbm>>) target(%arg7 : memref<128x128xf32, #tpu.memory_space<vmem>>) offsets(%dma_start3A_20 : memref<128xi32, #tpu.memory_space<vmem>>) semaphore(%arg9 : memref<!tpu.dma_semaphore, #tpu.memory_space<semaphore_mem>>)
      %dma_wait3A = arith.constant 0 : i32
      %dma_wait3A_24 = tpu.memref_slice %arg5[%dma_wait3A] : memref<2560xi32, #tpu.memory_space<vmem>> -> memref<128xi32, #tpu.memory_space<vmem>>
      %dma_wait3A_25 = arith.constant 0 : i32
      %dma_wait3A_26 = arith.constant 0 : i32
      %dma_wait3A_27 = tpu.memref_slice %arg2[%dma_wait3A_25, %dma_wait3A_26] : memref<1000x128xf32, #tpu.memory_space<hbm>> -> memref<1000x128xf32, #tpu.memory_space<hbm>>
      tpu.wait_indirect_dma semaphore(%arg8 : memref<!tpu.dma_semaphore, #tpu.memory_space<semaphore_mem>>) src(%dma_wait3A_27 : memref<1000x128xf32, #tpu.memory_space<hbm>>) dst(%arg6 : memref<128x128xf32, #tpu.memory_space<vmem>>)
      %mul3A_28 = arith.constant 128 : i32
      %mul3A_29 = arith.muli %add3A_15, %mul3A_28 : i32
      %add3A_30 = arith.addi %mul3A_2, %mul3A_29 : i32
      "tpu.region"() ({
        %run_scoped3A = tpu.sem_alloc : memref<!tpu.dma_semaphore, #tpu.memory_space<semaphore_mem>>
        %dma_start3A_45 = arith.constant 0 : i32
        %dma_start3A_46 = tpu.memref_slice %arg4[%add3A_30, %dma_start3A_45] : memref<81920x128xf32, #tpu.memory_space<hbm>> -> memref<128x128xf32, #tpu.memory_space<hbm>>
        %dma_start3A_47 = arith.constant 0 : i32
        %dma_start3A_48 = tpu.memref_slice %arg4[%add3A_30, %dma_start3A_47] : memref<81920x128xf32, #tpu.memory_space<hbm>> -> memref<128x128xf32, #tpu.memory_space<hbm>>
        tpu.enqueue_dma source(%arg6 : memref<128x128xf32, #tpu.memory_space<vmem>>) target(%dma_start3A_48 : memref<128x128xf32, #tpu.memory_space<hbm>>) target_semaphore(%run_scoped3A : memref<!tpu.dma_semaphore, #tpu.memory_space<semaphore_mem>>)
        %dma_wait3A_49 = arith.constant 0 : i32
        %dma_wait3A_50 = tpu.memref_slice %arg4[%add3A_30, %dma_wait3A_49] : memref<81920x128xf32, #tpu.memory_space<hbm>> -> memref<128x128xf32, #tpu.memory_space<hbm>>
        %dma_wait3A_51 = arith.constant 0 : i32
        %dma_wait3A_52 = tpu.memref_slice %arg4[%add3A_30, %dma_wait3A_51] : memref<81920x128xf32, #tpu.memory_space<hbm>> -> memref<128x128xf32, #tpu.memory_space<hbm>>
        tpu.wait_dma2 semaphore(%run_scoped3A : memref<!tpu.dma_semaphore, #tpu.memory_space<semaphore_mem>>) src(%arg6 : memref<128x128xf32, #tpu.memory_space<vmem>>) dst(%dma_wait3A_52 : memref<128x128xf32, #tpu.memory_space<hbm>>)
        tpu.yield
      }) : () -> ()
      %add3A_31 = arith.constant 2 : i32
      %add3A_32 = arith.addi %add3A_15, %add3A_31 : i32
      %lt3A = arith.constant 20 : i32
      %lt3A_33 = arith.cmpi slt, %add3A_32, %lt3A : i32
      %convert_element_type3A = arith.extui %lt3A_33 : i1 to i32
      %cond3A = arith.constant 0 : i32
      %cond3A_34 = arith.cmpi ne, %convert_element_type3A, %cond3A : i32
      scf.if %cond3A_34 {
        %add3A_45 = arith.constant 2 : i32
        %add3A_46 = arith.addi %add3A_15, %add3A_45 : i32
        %mul3A_47 = arith.constant 128 : i32
        %mul3A_48 = arith.muli %add3A_46, %mul3A_47 : i32
        %dma_start3A_49 = tpu.memref_slice %arg5[%mul3A_48] : memref<2560xi32, #tpu.memory_space<vmem>> -> memref<128xi32, #tpu.memory_space<vmem>>
        %dma_start3A_50 = arith.constant 0 : i32
        %dma_start3A_51 = arith.constant 0 : i32
        %dma_start3A_52 = tpu.memref_slice %arg2[%dma_start3A_50, %dma_start3A_51] : memref<1000x128xf32, #tpu.memory_space<hbm>> -> memref<1000x128xf32, #tpu.memory_space<hbm>>
        tpu.enqueue_indirect_dma source(%dma_start3A_52 : memref<1000x128xf32, #tpu.memory_space<hbm>>) target(%arg6 : memref<128x128xf32, #tpu.memory_space<vmem>>) offsets(%dma_start3A_49 : memref<128xi32, #tpu.memory_space<vmem>>) semaphore(%arg8 : memref<!tpu.dma_semaphore, #tpu.memory_space<semaphore_mem>>)
      } else {
      }
      %dma_wait3A_35 = arith.constant 0 : i32
      %dma_wait3A_36 = tpu.memref_slice %arg5[%dma_wait3A_35] : memref<2560xi32, #tpu.memory_space<vmem>> -> memref<128xi32, #tpu.memory_space<vmem>>
      %dma_wait3A_37 = arith.constant 0 : i32
      %dma_wait3A_38 = arith.constant 0 : i32
      %dma_wait3A_39 = tpu.memref_slice %arg2[%dma_wait3A_37, %dma_wait3A_38] : memref<1000x128xf32, #tpu.memory_space<hbm>> -> memref<1000x128xf32, #tpu.memory_space<hbm>>
      tpu.wait_indirect_dma semaphore(%arg9 : memref<!tpu.dma_semaphore, #tpu.memory_space<semaphore_mem>>) src(%dma_wait3A_39 : memref<1000x128xf32, #tpu.memory_space<hbm>>) dst(%arg7 : memref<128x128xf32, #tpu.memory_space<vmem>>)
      %add3A_40 = arith.constant 1 : i32
      %add3A_41 = arith.addi %add3A_15, %add3A_40 : i32
      %mul3A_42 = arith.constant 128 : i32
      %mul3A_43 = arith.muli %add3A_41, %mul3A_42 : i32
      %add3A_44 = arith.addi %mul3A_2, %mul3A_43 : i32
      "tpu.region"() ({
        %run_scoped3A = tpu.sem_alloc : memref<!tpu.dma_semaphore, #tpu.memory_space<semaphore_mem>>
        %dma_start3A_45 = arith.constant 0 : i32
        %dma_start3A_46 = tpu.memref_slice %arg4[%add3A_44, %dma_start3A_45] : memref<81920x128xf32, #tpu.memory_space<hbm>> -> memref<128x128xf32, #tpu.memory_space<hbm>>
        %dma_start3A_47 = arith.constant 0 : i32
        %dma_start3A_48 = tpu.memref_slice %arg4[%add3A_44, %dma_start3A_47] : memref<81920x128xf32, #tpu.memory_space<hbm>> -> memref<128x128xf32, #tpu.memory_space<hbm>>
        tpu.enqueue_dma source(%arg7 : memref<128x128xf32, #tpu.memory_space<vmem>>) target(%dma_start3A_48 : memref<128x128xf32, #tpu.memory_space<hbm>>) target_semaphore(%run_scoped3A : memref<!tpu.dma_semaphore, #tpu.memory_space<semaphore_mem>>)
        %dma_wait3A_49 = arith.constant 0 : i32
        %dma_wait3A_50 = tpu.memref_slice %arg4[%add3A_44, %dma_wait3A_49] : memref<81920x128xf32, #tpu.memory_space<hbm>> -> memref<128x128xf32, #tpu.memory_space<hbm>>
        %dma_wait3A_51 = arith.constant 0 : i32
        %dma_wait3A_52 = tpu.memref_slice %arg4[%add3A_44, %dma_wait3A_51] : memref<81920x128xf32, #tpu.memory_space<hbm>> -> memref<128x128xf32, #tpu.memory_space<hbm>>
        tpu.wait_dma2 semaphore(%run_scoped3A : memref<!tpu.dma_semaphore, #tpu.memory_space<semaphore_mem>>) src(%arg7 : memref<128x128xf32, #tpu.memory_space<vmem>>) dst(%dma_wait3A_52 : memref<128x128xf32, #tpu.memory_space<hbm>>)
        tpu.yield
      }) : () -> ()
    }
    %scan3A_10 = arith.constant 10 : i32
    return
  }
}

#map = affine_map<(d0, d1) -> (0, 0)>
#map1 = affine_map<(d0, d1) -> (0)>
module attributes {stable_mosaic.version = 14 : i64} {
  func.func @gather_kernel(%arg0: i32, %arg1: i32, %arg2: memref<1000x128xf32, #tpu.memory_space<hbm>>, %arg3: memref<81920xi32, #tpu.memory_space<hbm>>, %arg4: memref<81920x128xf32, #tpu.memory_space<hbm>>, %arg5: memref<2560xi32, #tpu.memory_space<vmem>>, %arg6: memref<128x128xf32, #tpu.memory_space<vmem>>, %arg7: memref<128x128xf32, #tpu.memory_space<vmem>>, %arg8: memref<!tpu.dma_semaphore, #tpu.memory_space<semaphore_mem>>, %arg9: memref<!tpu.dma_semaphore, #tpu.memory_space<semaphore_mem>>) attributes {dimension_semantics = [#tpu.dimension_semantics<core_parallel>, #tpu.dimension_semantics<subcore_parallel>], iteration_bounds = array<i64: 2, 16>, scalar_prefetch = 0 : i64, scratch_operands = 5 : i64, tpu.core_type = #tpu.core_type<sc_vector_subcore>, window_params = [{transform_indices = #map}, {transform_indices = #map1}, {transform_indices = #map}]} {
    %mul3A = arith.constant 2 : i32
    %mul3A_0 = arith.muli %arg1, %mul3A : i32
    %add3A = arith.addi %mul3A_0, %arg0 : i32
    %mul3A_1 = arith.constant 2560 : i32
    %mul3A_2 = arith.muli %add3A, %mul3A_1 : i32
    "tpu.region"() ({
      %run_scoped3A = tpu.sem_alloc : memref<!tpu.dma_semaphore, #tpu.memory_space<semaphore_mem>>
      %dma_start3A_11 = tpu.memref_slice %arg3[%mul3A_2] : memref<81920xi32, #tpu.memory_space<hbm>> -> memref<2560xi32, #tpu.memory_space<hbm>>
      %dma_start3A_12 = tpu.memref_slice %arg3[%mul3A_2] : memref<81920xi32, #tpu.memory_space<hbm>> -> memref<2560xi32, #tpu.memory_space<hbm>>
      tpu.enqueue_dma source(%dma_start3A_12 : memref<2560xi32, #tpu.memory_space<hbm>>) target(%arg5 : memref<2560xi32, #tpu.memory_space<vmem>>) target_semaphore(%run_scoped3A : memref<!tpu.dma_semaphore, #tpu.memory_space<semaphore_mem>>)
      %dma_wait3A = tpu.memref_slice %arg3[%mul3A_2] : memref<81920xi32, #tpu.memory_space<hbm>> -> memref<2560xi32, #tpu.memory_space<hbm>>
      %dma_wait3A_13 = tpu.memref_slice %arg3[%mul3A_2] : memref<81920xi32, #tpu.memory_space<hbm>> -> memref<2560xi32, #tpu.memory_space<hbm>>
      tpu.wait_dma2 semaphore(%run_scoped3A : memref<!tpu.dma_semaphore, #tpu.memory_space<semaphore_mem>>) src(%dma_wait3A_13 : memref<2560xi32, #tpu.memory_space<hbm>>) dst(%arg5 : memref<2560xi32, #tpu.memory_space<vmem>>)
      tpu.yield
    }) : () -> ()
    %dma_start3A = arith.constant 0 : i32
    %dma_start3A_3 = tpu.memref_slice %arg5[%dma_start3A] : memref<2560xi32, #tpu.memory_space<vmem>> -> memref<128xi32, #tpu.memory_space<vmem>>
    %dma_start3A_4 = arith.constant 0 : i32
    %dma_start3A_5 = arith.constant 0 : i32
    %dma_start3A_6 = tpu.memref_slice %arg2[%dma_start3A_4, %dma_start3A_5] : memref<1000x128xf32, #tpu.memory_space<hbm>> -> memref<1000x128xf32, #tpu.memory_space<hbm>>
    tpu.enqueue_indirect_dma source(%dma_start3A_6 : memref<1000x128xf32, #tpu.memory_space<hbm>>) target(%arg6 : memref<128x128xf32, #tpu.memory_space<vmem>>) offsets(%dma_start3A_3 : memref<128xi32, #tpu.memory_space<vmem>>) semaphore(%arg8 : memref<!tpu.dma_semaphore, #tpu.memory_space<semaphore_mem>>)
    %scan3A = arith.constant 0 : i32
    %scan3A_7 = arith.constant 10 : i32
    %scan3A_8 = arith.addi %scan3A, %scan3A_7 : i32
    %scan3A_9 = arith.constant 1 : i32
    scf.for %scan3A_11 = %scan3A to %scan3A_8 step %scan3A_9  : i32 {
      %mul3A_12 = arith.constant 2 : i32
      %mul3A_13 = arith.muli %scan3A_11, %mul3A_12 : i32
      %add3A_14 = arith.constant 0 : i32
      %add3A_15 = arith.addi %add3A_14, %mul3A_13 : i32
      %add3A_16 = arith.constant 1 : i32
      %add3A_17 = arith.addi %add3A_15, %add3A_16 : i32
      %mul3A_18 = arith.constant 128 : i32
      %mul3A_19 = arith.muli %add3A_17, %mul3A_18 : i32
      %dma_start3A_20 = tpu.memref_slice %arg5[%mul3A_19] : memref<2560xi32, #tpu.memory_space<vmem>> -> memref<128xi32, #tpu.memory_space<vmem>>
      %dma_start3A_21 = arith.constant 0 : i32
      %dma_start3A_22 = arith.constant 0 : i32
      %dma_start3A_23 = tpu.memref_slice %arg2[%dma_start3A_21, %dma_start3A_22] : memref<1000x128xf32, #tpu.memory_space<hbm>> -> memref<1000x128xf32, #tpu.memory_space<hbm>>
      tpu.enqueue_indirect_dma source(%dma_start3A_23 : memref<1000x128xf32, #tpu.memory_space<hbm>>) target(%arg7 : memref<128x128xf32, #tpu.memory_space<vmem>>) offsets(%dma_start3A_20 : memref<128xi32, #tpu.memory_space<vmem>>) semaphore(%arg9 : memref<!tpu.dma_semaphore, #tpu.memory_space<semaphore_mem>>)
      %dma_wait3A = arith.constant 0 : i32
      %dma_wait3A_24 = tpu.memref_slice %arg5[%dma_wait3A] : memref<2560xi32, #tpu.memory_space<vmem>> -> memref<128xi32, #tpu.memory_space<vmem>>
      %dma_wait3A_25 = arith.constant 0 : i32
      %dma_wait3A_26 = arith.constant 0 : i32
      %dma_wait3A_27 = tpu.memref_slice %arg2[%dma_wait3A_25, %dma_wait3A_26] : memref<1000x128xf32, #tpu.memory_space<hbm>> -> memref<1000x128xf32, #tpu.memory_space<hbm>>
      tpu.wait_indirect_dma semaphore(%arg8 : memref<!tpu.dma_semaphore, #tpu.memory_space<semaphore_mem>>) src(%dma_wait3A_27 : memref<1000x128xf32, #tpu.memory_space<hbm>>) dst(%arg6 : memref<128x128xf32, #tpu.memory_space<vmem>>)
      %mul3A_28 = arith.constant 128 : i32
      %mul3A_29 = arith.muli %add3A_15, %mul3A_28 : i32
      %add3A_30 = arith.addi %mul3A_2, %mul3A_29 : i32
      "tpu.region"() ({
        %run_scoped3A = tpu.sem_alloc : memref<!tpu.dma_semaphore, #tpu.memory_space<semaphore_mem>>
        %dma_start3A_45 = arith.constant 0 : i32
        %dma_start3A_46 = tpu.memref_slice %arg4[%add3A_30, %dma_start3A_45] : memref<81920x128xf32, #tpu.memory_space<hbm>> -> memref<128x128xf32, #tpu.memory_space<hbm>>
        %dma_start3A_47 = arith.constant 0 : i32
        %dma_start3A_48 = tpu.memref_slice %arg4[%add3A_30, %dma_start3A_47] : memref<81920x128xf32, #tpu.memory_space<hbm>> -> memref<128x128xf32, #tpu.memory_space<hbm>>
        tpu.enqueue_dma source(%arg6 : memref<128x128xf32, #tpu.memory_space<vmem>>) target(%dma_start3A_48 : memref<128x128xf32, #tpu.memory_space<hbm>>) target_semaphore(%run_scoped3A : memref<!tpu.dma_semaphore, #tpu.memory_space<semaphore_mem>>)
        %dma_wait3A_49 = arith.constant 0 : i32
        %dma_wait3A_50 = tpu.memref_slice %arg4[%add3A_30, %dma_wait3A_49] : memref<81920x128xf32, #tpu.memory_space<hbm>> -> memref<128x128xf32, #tpu.memory_space<hbm>>
        %dma_wait3A_51 = arith.constant 0 : i32
        %dma_wait3A_52 = tpu.memref_slice %arg4[%add3A_30, %dma_wait3A_51] : memref<81920x128xf32, #tpu.memory_space<hbm>> -> memref<128x128xf32, #tpu.memory_space<hbm>>
        tpu.wait_dma2 semaphore(%run_scoped3A : memref<!tpu.dma_semaphore, #tpu.memory_space<semaphore_mem>>) src(%arg6 : memref<128x128xf32, #tpu.memory_space<vmem>>) dst(%dma_wait3A_52 : memref<128x128xf32, #tpu.memory_space<hbm>>)
        tpu.yield
      }) : () -> ()
      %add3A_31 = arith.constant 2 : i32
      %add3A_32 = arith.addi %add3A_15, %add3A_31 : i32
      %lt3A = arith.constant 20 : i32
      %lt3A_33 = arith.cmpi slt, %add3A_32, %lt3A : i32
      %convert_element_type3A = arith.extui %lt3A_33 : i1 to i32
      %cond3A = arith.constant 0 : i32
      %cond3A_34 = arith.cmpi ne, %convert_element_type3A, %cond3A : i32
      scf.if %cond3A_34 {
        %add3A_45 = arith.constant 2 : i32
        %add3A_46 = arith.addi %add3A_15, %add3A_45 : i32
        %mul3A_47 = arith.constant 128 : i32
        %mul3A_48 = arith.muli %add3A_46, %mul3A_47 : i32
        %dma_start3A_49 = tpu.memref_slice %arg5[%mul3A_48] : memref<2560xi32, #tpu.memory_space<vmem>> -> memref<128xi32, #tpu.memory_space<vmem>>
        %dma_start3A_50 = arith.constant 0 : i32
        %dma_start3A_51 = arith.constant 0 : i32
        %dma_start3A_52 = tpu.memref_slice %arg2[%dma_start3A_50, %dma_start3A_51] : memref<1000x128xf32, #tpu.memory_space<hbm>> -> memref<1000x128xf32, #tpu.memory_space<hbm>>
        tpu.enqueue_indirect_dma source(%dma_start3A_52 : memref<1000x128xf32, #tpu.memory_space<hbm>>) target(%arg6 : memref<128x128xf32, #tpu.memory_space<vmem>>) offsets(%dma_start3A_49 : memref<128xi32, #tpu.memory_space<vmem>>) semaphore(%arg8 : memref<!tpu.dma_semaphore, #tpu.memory_space<semaphore_mem>>)
      } else {
      }
      %dma_wait3A_35 = arith.constant 0 : i32
      %dma_wait3A_36 = tpu.memref_slice %arg5[%dma_wait3A_35] : memref<2560xi32, #tpu.memory_space<vmem>> -> memref<128xi32, #tpu.memory_space<vmem>>
      %dma_wait3A_37 = arith.constant 0 : i32
      %dma_wait3A_38 = arith.constant 0 : i32
      %dma_wait3A_39 = tpu.memref_slice %arg2[%dma_wait3A_37, %dma_wait3A_38] : memref<1000x128xf32, #tpu.memory_space<hbm>> -> memref<1000x128xf32, #tpu.memory_space<hbm>>
      tpu.wait_indirect_dma semaphore(%arg9 : memref<!tpu.dma_semaphore, #tpu.memory_space<semaphore_mem>>) src(%dma_wait3A_39 : memref<1000x128xf32, #tpu.memory_space<hbm>>) dst(%arg7 : memref<128x128xf32, #tpu.memory_space<vmem>>)
      %add3A_40 = arith.constant 1 : i32
      %add3A_41 = arith.addi %add3A_15, %add3A_40 : i32
      %mul3A_42 = arith.constant 128 : i32
      %mul3A_43 = arith.muli %add3A_41, %mul3A_42 : i32
      %add3A_44 = arith.addi %mul3A_2, %mul3A_43 : i32
      "tpu.region"() ({
        %run_scoped3A = tpu.sem_alloc : memref<!tpu.dma_semaphore, #tpu.memory_space<semaphore_mem>>
        %dma_start3A_45 = arith.constant 0 : i32
        %dma_start3A_46 = tpu.memref_slice %arg4[%add3A_44, %dma_start3A_45] : memref<81920x128xf32, #tpu.memory_space<hbm>> -> memref<128x128xf32, #tpu.memory_space<hbm>>
        %dma_start3A_47 = arith.constant 0 : i32
        %dma_start3A_48 = tpu.memref_slice %arg4[%add3A_44, %dma_start3A_47] : memref<81920x128xf32, #tpu.memory_space<hbm>> -> memref<128x128xf32, #tpu.memory_space<hbm>>
        tpu.enqueue_dma source(%arg7 : memref<128x128xf32, #tpu.memory_space<vmem>>) target(%dma_start3A_48 : memref<128x128xf32, #tpu.memory_space<hbm>>) target_semaphore(%run_scoped3A : memref<!tpu.dma_semaphore, #tpu.memory_space<semaphore_mem>>)
        %dma_wait3A_49 = arith.constant 0 : i32
        %dma_wait3A_50 = tpu.memref_slice %arg4[%add3A_44, %dma_wait3A_49] : memref<81920x128xf32, #tpu.memory_space<hbm>> -> memref<128x128xf32, #tpu.memory_space<hbm>>
        %dma_wait3A_51 = arith.constant 0 : i32
        %dma_wait3A_52 = tpu.memref_slice %arg4[%add3A_44, %dma_wait3A_51] : memref<81920x128xf32, #tpu.memory_space<hbm>> -> memref<128x128xf32, #tpu.memory_space<hbm>>
        tpu.wait_dma2 semaphore(%run_scoped3A : memref<!tpu.dma_semaphore, #tpu.memory_space<semaphore_mem>>) src(%arg7 : memref<128x128xf32, #tpu.memory_space<vmem>>) dst(%dma_wait3A_52 : memref<128x128xf32, #tpu.memory_space<hbm>>)
        tpu.yield
      }) : () -> ()
    }
    %scan3A_10 = arith.constant 10 : i32
    return
  }
}

#map = affine_map<(d0, d1) -> (0, 0)>
#map1 = affine_map<(d0, d1) -> (0)>
module attributes {stable_mosaic.version = 14 : i64} {
  func.func @gather_kernel(%arg0: i32, %arg1: i32, %arg2: memref<1000x128xf32, #tpu.memory_space<hbm>>, %arg3: memref<81920xi32, #tpu.memory_space<hbm>>, %arg4: memref<81920x128xf32, #tpu.memory_space<hbm>>, %arg5: memref<2560xi32, #tpu.memory_space<vmem>>, %arg6: memref<128x128xf32, #tpu.memory_space<vmem>>, %arg7: memref<128x128xf32, #tpu.memory_space<vmem>>, %arg8: memref<!tpu.dma_semaphore, #tpu.memory_space<semaphore_mem>>, %arg9: memref<!tpu.dma_semaphore, #tpu.memory_space<semaphore_mem>>) attributes {dimension_semantics = [#tpu.dimension_semantics<core_parallel>, #tpu.dimension_semantics<subcore_parallel>], iteration_bounds = array<i64: 2, 16>, scalar_prefetch = 0 : i64, scratch_operands = 5 : i64, tpu.core_type = #tpu.core_type<sc_vector_subcore>, window_params = [{transform_indices = #map}, {transform_indices = #map1}, {transform_indices = #map}]} {
    %mul3A = arith.constant 2 : i32
    %mul3A_0 = arith.muli %arg1, %mul3A : i32
    %add3A = arith.addi %mul3A_0, %arg0 : i32
    %mul3A_1 = arith.constant 2560 : i32
    %mul3A_2 = arith.muli %add3A, %mul3A_1 : i32
    "tpu.region"() ({
      %run_scoped3A = tpu.sem_alloc : memref<!tpu.dma_semaphore, #tpu.memory_space<semaphore_mem>>
      %dma_start3A_11 = tpu.memref_slice %arg3[%mul3A_2] : memref<81920xi32, #tpu.memory_space<hbm>> -> memref<2560xi32, #tpu.memory_space<hbm>>
      %dma_start3A_12 = tpu.memref_slice %arg3[%mul3A_2] : memref<81920xi32, #tpu.memory_space<hbm>> -> memref<2560xi32, #tpu.memory_space<hbm>>
      tpu.enqueue_dma source(%dma_start3A_12 : memref<2560xi32, #tpu.memory_space<hbm>>) target(%arg5 : memref<2560xi32, #tpu.memory_space<vmem>>) target_semaphore(%run_scoped3A : memref<!tpu.dma_semaphore, #tpu.memory_space<semaphore_mem>>)
      %dma_wait3A = tpu.memref_slice %arg3[%mul3A_2] : memref<81920xi32, #tpu.memory_space<hbm>> -> memref<2560xi32, #tpu.memory_space<hbm>>
      %dma_wait3A_13 = tpu.memref_slice %arg3[%mul3A_2] : memref<81920xi32, #tpu.memory_space<hbm>> -> memref<2560xi32, #tpu.memory_space<hbm>>
      tpu.wait_dma2 semaphore(%run_scoped3A : memref<!tpu.dma_semaphore, #tpu.memory_space<semaphore_mem>>) src(%dma_wait3A_13 : memref<2560xi32, #tpu.memory_space<hbm>>) dst(%arg5 : memref<2560xi32, #tpu.memory_space<vmem>>)
      tpu.yield
    }) : () -> ()
    %dma_start3A = arith.constant 0 : i32
    %dma_start3A_3 = tpu.memref_slice %arg5[%dma_start3A] : memref<2560xi32, #tpu.memory_space<vmem>> -> memref<128xi32, #tpu.memory_space<vmem>>
    %dma_start3A_4 = arith.constant 0 : i32
    %dma_start3A_5 = arith.constant 0 : i32
    %dma_start3A_6 = tpu.memref_slice %arg2[%dma_start3A_4, %dma_start3A_5] : memref<1000x128xf32, #tpu.memory_space<hbm>> -> memref<1000x128xf32, #tpu.memory_space<hbm>>
    tpu.enqueue_indirect_dma source(%dma_start3A_6 : memref<1000x128xf32, #tpu.memory_space<hbm>>) target(%arg6 : memref<128x128xf32, #tpu.memory_space<vmem>>) offsets(%dma_start3A_3 : memref<128xi32, #tpu.memory_space<vmem>>) semaphore(%arg8 : memref<!tpu.dma_semaphore, #tpu.memory_space<semaphore_mem>>)
    %scan3A = arith.constant 0 : i32
    %scan3A_7 = arith.constant 10 : i32
    %scan3A_8 = arith.addi %scan3A, %scan3A_7 : i32
    %scan3A_9 = arith.constant 1 : i32
    scf.for %scan3A_11 = %scan3A to %scan3A_8 step %scan3A_9  : i32 {
      %mul3A_12 = arith.constant 2 : i32
      %mul3A_13 = arith.muli %scan3A_11, %mul3A_12 : i32
      %add3A_14 = arith.constant 0 : i32
      %add3A_15 = arith.addi %add3A_14, %mul3A_13 : i32
      %add3A_16 = arith.constant 1 : i32
      %add3A_17 = arith.addi %add3A_15, %add3A_16 : i32
      %mul3A_18 = arith.constant 128 : i32
      %mul3A_19 = arith.muli %add3A_17, %mul3A_18 : i32
      %dma_start3A_20 = tpu.memref_slice %arg5[%mul3A_19] : memref<2560xi32, #tpu.memory_space<vmem>> -> memref<128xi32, #tpu.memory_space<vmem>>
      %dma_start3A_21 = arith.constant 0 : i32
      %dma_start3A_22 = arith.constant 0 : i32
      %dma_start3A_23 = tpu.memref_slice %arg2[%dma_start3A_21, %dma_start3A_22] : memref<1000x128xf32, #tpu.memory_space<hbm>> -> memref<1000x128xf32, #tpu.memory_space<hbm>>
      tpu.enqueue_indirect_dma source(%dma_start3A_23 : memref<1000x128xf32, #tpu.memory_space<hbm>>) target(%arg7 : memref<128x128xf32, #tpu.memory_space<vmem>>) offsets(%dma_start3A_20 : memref<128xi32, #tpu.memory_space<vmem>>) semaphore(%arg9 : memref<!tpu.dma_semaphore, #tpu.memory_space<semaphore_mem>>)
      %dma_wait3A = arith.constant 0 : i32
      %dma_wait3A_24 = tpu.memref_slice %arg5[%dma_wait3A] : memref<2560xi32, #tpu.memory_space<vmem>> -> memref<128xi32, #tpu.memory_space<vmem>>
      %dma_wait3A_25 = arith.constant 0 : i32
      %dma_wait3A_26 = arith.constant 0 : i32
      %dma_wait3A_27 = tpu.memref_slice %arg2[%dma_wait3A_25, %dma_wait3A_26] : memref<1000x128xf32, #tpu.memory_space<hbm>> -> memref<1000x128xf32, #tpu.memory_space<hbm>>
      tpu.wait_indirect_dma semaphore(%arg8 : memref<!tpu.dma_semaphore, #tpu.memory_space<semaphore_mem>>) src(%dma_wait3A_27 : memref<1000x128xf32, #tpu.memory_space<hbm>>) dst(%arg6 : memref<128x128xf32, #tpu.memory_space<vmem>>)
      %mul3A_28 = arith.constant 128 : i32
      %mul3A_29 = arith.muli %add3A_15, %mul3A_28 : i32
      %add3A_30 = arith.addi %mul3A_2, %mul3A_29 : i32
      "tpu.region"() ({
        %run_scoped3A = tpu.sem_alloc : memref<!tpu.dma_semaphore, #tpu.memory_space<semaphore_mem>>
        %dma_start3A_45 = arith.constant 0 : i32
        %dma_start3A_46 = tpu.memref_slice %arg4[%add3A_30, %dma_start3A_45] : memref<81920x128xf32, #tpu.memory_space<hbm>> -> memref<128x128xf32, #tpu.memory_space<hbm>>
        %dma_start3A_47 = arith.constant 0 : i32
        %dma_start3A_48 = tpu.memref_slice %arg4[%add3A_30, %dma_start3A_47] : memref<81920x128xf32, #tpu.memory_space<hbm>> -> memref<128x128xf32, #tpu.memory_space<hbm>>
        tpu.enqueue_dma source(%arg6 : memref<128x128xf32, #tpu.memory_space<vmem>>) target(%dma_start3A_48 : memref<128x128xf32, #tpu.memory_space<hbm>>) target_semaphore(%run_scoped3A : memref<!tpu.dma_semaphore, #tpu.memory_space<semaphore_mem>>)
        %dma_wait3A_49 = arith.constant 0 : i32
        %dma_wait3A_50 = tpu.memref_slice %arg4[%add3A_30, %dma_wait3A_49] : memref<81920x128xf32, #tpu.memory_space<hbm>> -> memref<128x128xf32, #tpu.memory_space<hbm>>
        %dma_wait3A_51 = arith.constant 0 : i32
        %dma_wait3A_52 = tpu.memref_slice %arg4[%add3A_30, %dma_wait3A_51] : memref<81920x128xf32, #tpu.memory_space<hbm>> -> memref<128x128xf32, #tpu.memory_space<hbm>>
        tpu.wait_dma2 semaphore(%run_scoped3A : memref<!tpu.dma_semaphore, #tpu.memory_space<semaphore_mem>>) src(%arg6 : memref<128x128xf32, #tpu.memory_space<vmem>>) dst(%dma_wait3A_52 : memref<128x128xf32, #tpu.memory_space<hbm>>)
        tpu.yield
      }) : () -> ()
      %add3A_31 = arith.constant 2 : i32
      %add3A_32 = arith.addi %add3A_15, %add3A_31 : i32
      %lt3A = arith.constant 20 : i32
      %lt3A_33 = arith.cmpi slt, %add3A_32, %lt3A : i32
      %convert_element_type3A = arith.extui %lt3A_33 : i1 to i32
      %cond3A = arith.constant 0 : i32
      %cond3A_34 = arith.cmpi ne, %convert_element_type3A, %cond3A : i32
      scf.if %cond3A_34 {
        %add3A_45 = arith.constant 2 : i32
        %add3A_46 = arith.addi %add3A_15, %add3A_45 : i32
        %mul3A_47 = arith.constant 128 : i32
        %mul3A_48 = arith.muli %add3A_46, %mul3A_47 : i32
        %dma_start3A_49 = tpu.memref_slice %arg5[%mul3A_48] : memref<2560xi32, #tpu.memory_space<vmem>> -> memref<128xi32, #tpu.memory_space<vmem>>
        %dma_start3A_50 = arith.constant 0 : i32
        %dma_start3A_51 = arith.constant 0 : i32
        %dma_start3A_52 = tpu.memref_slice %arg2[%dma_start3A_50, %dma_start3A_51] : memref<1000x128xf32, #tpu.memory_space<hbm>> -> memref<1000x128xf32, #tpu.memory_space<hbm>>
        tpu.enqueue_indirect_dma source(%dma_start3A_52 : memref<1000x128xf32, #tpu.memory_space<hbm>>) target(%arg6 : memref<128x128xf32, #tpu.memory_space<vmem>>) offsets(%dma_start3A_49 : memref<128xi32, #tpu.memory_space<vmem>>) semaphore(%arg8 : memref<!tpu.dma_semaphore, #tpu.memory_space<semaphore_mem>>)
      } else {
      }
      %dma_wait3A_35 = arith.constant 0 : i32
      %dma_wait3A_36 = tpu.memref_slice %arg5[%dma_wait3A_35] : memref<2560xi32, #tpu.memory_space<vmem>> -> memref<128xi32, #tpu.memory_space<vmem>>
      %dma_wait3A_37 = arith.constant 0 : i32
      %dma_wait3A_38 = arith.constant 0 : i32
      %dma_wait3A_39 = tpu.memref_slice %arg2[%dma_wait3A_37, %dma_wait3A_38] : memref<1000x128xf32, #tpu.memory_space<hbm>> -> memref<1000x128xf32, #tpu.memory_space<hbm>>
      tpu.wait_indirect_dma semaphore(%arg9 : memref<!tpu.dma_semaphore, #tpu.memory_space<semaphore_mem>>) src(%dma_wait3A_39 : memref<1000x128xf32, #tpu.memory_space<hbm>>) dst(%arg7 : memref<128x128xf32, #tpu.memory_space<vmem>>)
      %add3A_40 = arith.constant 1 : i32
      %add3A_41 = arith.addi %add3A_15, %add3A_40 : i32
      %mul3A_42 = arith.constant 128 : i32
      %mul3A_43 = arith.muli %add3A_41, %mul3A_42 : i32
      %add3A_44 = arith.addi %mul3A_2, %mul3A_43 : i32
      "tpu.region"() ({
        %run_scoped3A = tpu.sem_alloc : memref<!tpu.dma_semaphore, #tpu.memory_space<semaphore_mem>>
        %dma_start3A_45 = arith.constant 0 : i32
        %dma_start3A_46 = tpu.memref_slice %arg4[%add3A_44, %dma_start3A_45] : memref<81920x128xf32, #tpu.memory_space<hbm>> -> memref<128x128xf32, #tpu.memory_space<hbm>>
        %dma_start3A_47 = arith.constant 0 : i32
        %dma_start3A_48 = tpu.memref_slice %arg4[%add3A_44, %dma_start3A_47] : memref<81920x128xf32, #tpu.memory_space<hbm>> -> memref<128x128xf32, #tpu.memory_space<hbm>>
        tpu.enqueue_dma source(%arg7 : memref<128x128xf32, #tpu.memory_space<vmem>>) target(%dma_start3A_48 : memref<128x128xf32, #tpu.memory_space<hbm>>) target_semaphore(%run_scoped3A : memref<!tpu.dma_semaphore, #tpu.memory_space<semaphore_mem>>)
        %dma_wait3A_49 = arith.constant 0 : i32
        %dma_wait3A_50 = tpu.memref_slice %arg4[%add3A_44, %dma_wait3A_49] : memref<81920x128xf32, #tpu.memory_space<hbm>> -> memref<128x128xf32, #tpu.memory_space<hbm>>
        %dma_wait3A_51 = arith.constant 0 : i32
        %dma_wait3A_52 = tpu.memref_slice %arg4[%add3A_44, %dma_wait3A_51] : memref<81920x128xf32, #tpu.memory_space<hbm>> -> memref<128x128xf32, #tpu.memory_space<hbm>>
        tpu.wait_dma2 semaphore(%run_scoped3A : memref<!tpu.dma_semaphore, #tpu.memory_space<semaphore_mem>>) src(%arg7 : memref<128x128xf32, #tpu.memory_space<vmem>>) dst(%dma_wait3A_52 : memref<128x128xf32, #tpu.memory_space<hbm>>)
        tpu.yield
      }) : () -> ()
    }
    %scan3A_10 = arith.constant 10 : i32
    return
  }
}

#map = affine_map<(d0, d1) -> (0, 0)>
#map1 = affine_map<(d0, d1) -> (0)>
module attributes {stable_mosaic.version = 14 : i64} {
  func.func @gather_kernel(%arg0: i32, %arg1: i32, %arg2: memref<1000x128xf32, #tpu.memory_space<hbm>>, %arg3: memref<81920xi32, #tpu.memory_space<hbm>>, %arg4: memref<81920x128xf32, #tpu.memory_space<hbm>>, %arg5: memref<2560xi32, #tpu.memory_space<vmem>>, %arg6: memref<128x128xf32, #tpu.memory_space<vmem>>, %arg7: memref<128x128xf32, #tpu.memory_space<vmem>>, %arg8: memref<!tpu.dma_semaphore, #tpu.memory_space<semaphore_mem>>, %arg9: memref<!tpu.dma_semaphore, #tpu.memory_space<semaphore_mem>>) attributes {dimension_semantics = [#tpu.dimension_semantics<core_parallel>, #tpu.dimension_semantics<subcore_parallel>], iteration_bounds = array<i64: 2, 16>, scalar_prefetch = 0 : i64, scratch_operands = 5 : i64, tpu.core_type = #tpu.core_type<sc_vector_subcore>, window_params = [{transform_indices = #map}, {transform_indices = #map1}, {transform_indices = #map}]} {
    %mul3A = arith.constant 2 : i32
    %mul3A_0 = arith.muli %arg1, %mul3A : i32
    %add3A = arith.addi %mul3A_0, %arg0 : i32
    %mul3A_1 = arith.constant 2560 : i32
    %mul3A_2 = arith.muli %add3A, %mul3A_1 : i32
    "tpu.region"() ({
      %run_scoped3A = tpu.sem_alloc : memref<!tpu.dma_semaphore, #tpu.memory_space<semaphore_mem>>
      %dma_start3A_11 = tpu.memref_slice %arg3[%mul3A_2] : memref<81920xi32, #tpu.memory_space<hbm>> -> memref<2560xi32, #tpu.memory_space<hbm>>
      %dma_start3A_12 = tpu.memref_slice %arg3[%mul3A_2] : memref<81920xi32, #tpu.memory_space<hbm>> -> memref<2560xi32, #tpu.memory_space<hbm>>
      tpu.enqueue_dma source(%dma_start3A_12 : memref<2560xi32, #tpu.memory_space<hbm>>) target(%arg5 : memref<2560xi32, #tpu.memory_space<vmem>>) target_semaphore(%run_scoped3A : memref<!tpu.dma_semaphore, #tpu.memory_space<semaphore_mem>>)
      %dma_wait3A = tpu.memref_slice %arg3[%mul3A_2] : memref<81920xi32, #tpu.memory_space<hbm>> -> memref<2560xi32, #tpu.memory_space<hbm>>
      %dma_wait3A_13 = tpu.memref_slice %arg3[%mul3A_2] : memref<81920xi32, #tpu.memory_space<hbm>> -> memref<2560xi32, #tpu.memory_space<hbm>>
      tpu.wait_dma2 semaphore(%run_scoped3A : memref<!tpu.dma_semaphore, #tpu.memory_space<semaphore_mem>>) src(%dma_wait3A_13 : memref<2560xi32, #tpu.memory_space<hbm>>) dst(%arg5 : memref<2560xi32, #tpu.memory_space<vmem>>)
      tpu.yield
    }) : () -> ()
    %dma_start3A = arith.constant 0 : i32
    %dma_start3A_3 = tpu.memref_slice %arg5[%dma_start3A] : memref<2560xi32, #tpu.memory_space<vmem>> -> memref<128xi32, #tpu.memory_space<vmem>>
    %dma_start3A_4 = arith.constant 0 : i32
    %dma_start3A_5 = arith.constant 0 : i32
    %dma_start3A_6 = tpu.memref_slice %arg2[%dma_start3A_4, %dma_start3A_5] : memref<1000x128xf32, #tpu.memory_space<hbm>> -> memref<1000x128xf32, #tpu.memory_space<hbm>>
    tpu.enqueue_indirect_dma source(%dma_start3A_6 : memref<1000x128xf32, #tpu.memory_space<hbm>>) target(%arg6 : memref<128x128xf32, #tpu.memory_space<vmem>>) offsets(%dma_start3A_3 : memref<128xi32, #tpu.memory_space<vmem>>) semaphore(%arg8 : memref<!tpu.dma_semaphore, #tpu.memory_space<semaphore_mem>>)
    %scan3A = arith.constant 0 : i32
    %scan3A_7 = arith.constant 10 : i32
    %scan3A_8 = arith.addi %scan3A, %scan3A_7 : i32
    %scan3A_9 = arith.constant 1 : i32
    scf.for %scan3A_11 = %scan3A to %scan3A_8 step %scan3A_9  : i32 {
      %mul3A_12 = arith.constant 2 : i32
      %mul3A_13 = arith.muli %scan3A_11, %mul3A_12 : i32
      %add3A_14 = arith.constant 0 : i32
      %add3A_15 = arith.addi %add3A_14, %mul3A_13 : i32
      %add3A_16 = arith.constant 1 : i32
      %add3A_17 = arith.addi %add3A_15, %add3A_16 : i32
      %mul3A_18 = arith.constant 128 : i32
      %mul3A_19 = arith.muli %add3A_17, %mul3A_18 : i32
      %dma_start3A_20 = tpu.memref_slice %arg5[%mul3A_19] : memref<2560xi32, #tpu.memory_space<vmem>> -> memref<128xi32, #tpu.memory_space<vmem>>
      %dma_start3A_21 = arith.constant 0 : i32
      %dma_start3A_22 = arith.constant 0 : i32
      %dma_start3A_23 = tpu.memref_slice %arg2[%dma_start3A_21, %dma_start3A_22] : memref<1000x128xf32, #tpu.memory_space<hbm>> -> memref<1000x128xf32, #tpu.memory_space<hbm>>
      tpu.enqueue_indirect_dma source(%dma_start3A_23 : memref<1000x128xf32, #tpu.memory_space<hbm>>) target(%arg7 : memref<128x128xf32, #tpu.memory_space<vmem>>) offsets(%dma_start3A_20 : memref<128xi32, #tpu.memory_space<vmem>>) semaphore(%arg9 : memref<!tpu.dma_semaphore, #tpu.memory_space<semaphore_mem>>)
      %dma_wait3A = arith.constant 0 : i32
      %dma_wait3A_24 = tpu.memref_slice %arg5[%dma_wait3A] : memref<2560xi32, #tpu.memory_space<vmem>> -> memref<128xi32, #tpu.memory_space<vmem>>
      %dma_wait3A_25 = arith.constant 0 : i32
      %dma_wait3A_26 = arith.constant 0 : i32
      %dma_wait3A_27 = tpu.memref_slice %arg2[%dma_wait3A_25, %dma_wait3A_26] : memref<1000x128xf32, #tpu.memory_space<hbm>> -> memref<1000x128xf32, #tpu.memory_space<hbm>>
      tpu.wait_indirect_dma semaphore(%arg8 : memref<!tpu.dma_semaphore, #tpu.memory_space<semaphore_mem>>) src(%dma_wait3A_27 : memref<1000x128xf32, #tpu.memory_space<hbm>>) dst(%arg6 : memref<128x128xf32, #tpu.memory_space<vmem>>)
      %mul3A_28 = arith.constant 128 : i32
      %mul3A_29 = arith.muli %add3A_15, %mul3A_28 : i32
      %add3A_30 = arith.addi %mul3A_2, %mul3A_29 : i32
      "tpu.region"() ({
        %run_scoped3A = tpu.sem_alloc : memref<!tpu.dma_semaphore, #tpu.memory_space<semaphore_mem>>
        %dma_start3A_45 = arith.constant 0 : i32
        %dma_start3A_46 = tpu.memref_slice %arg4[%add3A_30, %dma_start3A_45] : memref<81920x128xf32, #tpu.memory_space<hbm>> -> memref<128x128xf32, #tpu.memory_space<hbm>>
        %dma_start3A_47 = arith.constant 0 : i32
        %dma_start3A_48 = tpu.memref_slice %arg4[%add3A_30, %dma_start3A_47] : memref<81920x128xf32, #tpu.memory_space<hbm>> -> memref<128x128xf32, #tpu.memory_space<hbm>>
        tpu.enqueue_dma source(%arg6 : memref<128x128xf32, #tpu.memory_space<vmem>>) target(%dma_start3A_48 : memref<128x128xf32, #tpu.memory_space<hbm>>) target_semaphore(%run_scoped3A : memref<!tpu.dma_semaphore, #tpu.memory_space<semaphore_mem>>)
        %dma_wait3A_49 = arith.constant 0 : i32
        %dma_wait3A_50 = tpu.memref_slice %arg4[%add3A_30, %dma_wait3A_49] : memref<81920x128xf32, #tpu.memory_space<hbm>> -> memref<128x128xf32, #tpu.memory_space<hbm>>
        %dma_wait3A_51 = arith.constant 0 : i32
        %dma_wait3A_52 = tpu.memref_slice %arg4[%add3A_30, %dma_wait3A_51] : memref<81920x128xf32, #tpu.memory_space<hbm>> -> memref<128x128xf32, #tpu.memory_space<hbm>>
        tpu.wait_dma2 semaphore(%run_scoped3A : memref<!tpu.dma_semaphore, #tpu.memory_space<semaphore_mem>>) src(%arg6 : memref<128x128xf32, #tpu.memory_space<vmem>>) dst(%dma_wait3A_52 : memref<128x128xf32, #tpu.memory_space<hbm>>)
        tpu.yield
      }) : () -> ()
      %add3A_31 = arith.constant 2 : i32
      %add3A_32 = arith.addi %add3A_15, %add3A_31 : i32
      %lt3A = arith.constant 20 : i32
      %lt3A_33 = arith.cmpi slt, %add3A_32, %lt3A : i32
      %convert_element_type3A = arith.extui %lt3A_33 : i1 to i32
      %cond3A = arith.constant 0 : i32
      %cond3A_34 = arith.cmpi ne, %convert_element_type3A, %cond3A : i32
      scf.if %cond3A_34 {
        %add3A_45 = arith.constant 2 : i32
        %add3A_46 = arith.addi %add3A_15, %add3A_45 : i32
        %mul3A_47 = arith.constant 128 : i32
        %mul3A_48 = arith.muli %add3A_46, %mul3A_47 : i32
        %dma_start3A_49 = tpu.memref_slice %arg5[%mul3A_48] : memref<2560xi32, #tpu.memory_space<vmem>> -> memref<128xi32, #tpu.memory_space<vmem>>
        %dma_start3A_50 = arith.constant 0 : i32
        %dma_start3A_51 = arith.constant 0 : i32
        %dma_start3A_52 = tpu.memref_slice %arg2[%dma_start3A_50, %dma_start3A_51] : memref<1000x128xf32, #tpu.memory_space<hbm>> -> memref<1000x128xf32, #tpu.memory_space<hbm>>
        tpu.enqueue_indirect_dma source(%dma_start3A_52 : memref<1000x128xf32, #tpu.memory_space<hbm>>) target(%arg6 : memref<128x128xf32, #tpu.memory_space<vmem>>) offsets(%dma_start3A_49 : memref<128xi32, #tpu.memory_space<vmem>>) semaphore(%arg8 : memref<!tpu.dma_semaphore, #tpu.memory_space<semaphore_mem>>)
      } else {
      }
      %dma_wait3A_35 = arith.constant 0 : i32
      %dma_wait3A_36 = tpu.memref_slice %arg5[%dma_wait3A_35] : memref<2560xi32, #tpu.memory_space<vmem>> -> memref<128xi32, #tpu.memory_space<vmem>>
      %dma_wait3A_37 = arith.constant 0 : i32
      %dma_wait3A_38 = arith.constant 0 : i32
      %dma_wait3A_39 = tpu.memref_slice %arg2[%dma_wait3A_37, %dma_wait3A_38] : memref<1000x128xf32, #tpu.memory_space<hbm>> -> memref<1000x128xf32, #tpu.memory_space<hbm>>
      tpu.wait_indirect_dma semaphore(%arg9 : memref<!tpu.dma_semaphore, #tpu.memory_space<semaphore_mem>>) src(%dma_wait3A_39 : memref<1000x128xf32, #tpu.memory_space<hbm>>) dst(%arg7 : memref<128x128xf32, #tpu.memory_space<vmem>>)
      %add3A_40 = arith.constant 1 : i32
      %add3A_41 = arith.addi %add3A_15, %add3A_40 : i32
      %mul3A_42 = arith.constant 128 : i32
      %mul3A_43 = arith.muli %add3A_41, %mul3A_42 : i32
      %add3A_44 = arith.addi %mul3A_2, %mul3A_43 : i32
      "tpu.region"() ({
        %run_scoped3A = tpu.sem_alloc : memref<!tpu.dma_semaphore, #tpu.memory_space<semaphore_mem>>
        %dma_start3A_45 = arith.constant 0 : i32
        %dma_start3A_46 = tpu.memref_slice %arg4[%add3A_44, %dma_start3A_45] : memref<81920x128xf32, #tpu.memory_space<hbm>> -> memref<128x128xf32, #tpu.memory_space<hbm>>
        %dma_start3A_47 = arith.constant 0 : i32
        %dma_start3A_48 = tpu.memref_slice %arg4[%add3A_44, %dma_start3A_47] : memref<81920x128xf32, #tpu.memory_space<hbm>> -> memref<128x128xf32, #tpu.memory_space<hbm>>
        tpu.enqueue_dma source(%arg7 : memref<128x128xf32, #tpu.memory_space<vmem>>) target(%dma_start3A_48 : memref<128x128xf32, #tpu.memory_space<hbm>>) target_semaphore(%run_scoped3A : memref<!tpu.dma_semaphore, #tpu.memory_space<semaphore_mem>>)
        %dma_wait3A_49 = arith.constant 0 : i32
        %dma_wait3A_50 = tpu.memref_slice %arg4[%add3A_44, %dma_wait3A_49] : memref<81920x128xf32, #tpu.memory_space<hbm>> -> memref<128x128xf32, #tpu.memory_space<hbm>>
        %dma_wait3A_51 = arith.constant 0 : i32
        %dma_wait3A_52 = tpu.memref_slice %arg4[%add3A_44, %dma_wait3A_51] : memref<81920x128xf32, #tpu.memory_space<hbm>> -> memref<128x128xf32, #tpu.memory_space<hbm>>
        tpu.wait_dma2 semaphore(%run_scoped3A : memref<!tpu.dma_semaphore, #tpu.memory_space<semaphore_mem>>) src(%arg7 : memref<128x128xf32, #tpu.memory_space<vmem>>) dst(%dma_wait3A_52 : memref<128x128xf32, #tpu.memory_space<hbm>>)
        tpu.yield
      }) : () -> ()
    }
    %scan3A_10 = arith.constant 10 : i32
    return
  }
}

#map = affine_map<(d0, d1) -> (0, 0)>
#map1 = affine_map<(d0, d1) -> (0)>
module attributes {stable_mosaic.version = 14 : i64} {
  func.func @gather_kernel(%arg0: i32, %arg1: i32, %arg2: memref<1000x128xf32, #tpu.memory_space<hbm>>, %arg3: memref<81920xi32, #tpu.memory_space<hbm>>, %arg4: memref<81920x128xf32, #tpu.memory_space<hbm>>, %arg5: memref<2560xi32, #tpu.memory_space<vmem>>, %arg6: memref<128x128xf32, #tpu.memory_space<vmem>>, %arg7: memref<128x128xf32, #tpu.memory_space<vmem>>, %arg8: memref<!tpu.dma_semaphore, #tpu.memory_space<semaphore_mem>>, %arg9: memref<!tpu.dma_semaphore, #tpu.memory_space<semaphore_mem>>) attributes {dimension_semantics = [#tpu.dimension_semantics<core_parallel>, #tpu.dimension_semantics<subcore_parallel>], iteration_bounds = array<i64: 2, 16>, scalar_prefetch = 0 : i64, scratch_operands = 5 : i64, tpu.core_type = #tpu.core_type<sc_vector_subcore>, window_params = [{transform_indices = #map}, {transform_indices = #map1}, {transform_indices = #map}]} {
    %mul3A = arith.constant 2 : i32
    %mul3A_0 = arith.muli %arg1, %mul3A : i32
    %add3A = arith.addi %mul3A_0, %arg0 : i32
    %mul3A_1 = arith.constant 2560 : i32
    %mul3A_2 = arith.muli %add3A, %mul3A_1 : i32
    "tpu.region"() ({
      %run_scoped3A = tpu.sem_alloc : memref<!tpu.dma_semaphore, #tpu.memory_space<semaphore_mem>>
      %dma_start3A_11 = tpu.memref_slice %arg3[%mul3A_2] : memref<81920xi32, #tpu.memory_space<hbm>> -> memref<2560xi32, #tpu.memory_space<hbm>>
      %dma_start3A_12 = tpu.memref_slice %arg3[%mul3A_2] : memref<81920xi32, #tpu.memory_space<hbm>> -> memref<2560xi32, #tpu.memory_space<hbm>>
      tpu.enqueue_dma source(%dma_start3A_12 : memref<2560xi32, #tpu.memory_space<hbm>>) target(%arg5 : memref<2560xi32, #tpu.memory_space<vmem>>) target_semaphore(%run_scoped3A : memref<!tpu.dma_semaphore, #tpu.memory_space<semaphore_mem>>)
      %dma_wait3A = tpu.memref_slice %arg3[%mul3A_2] : memref<81920xi32, #tpu.memory_space<hbm>> -> memref<2560xi32, #tpu.memory_space<hbm>>
      %dma_wait3A_13 = tpu.memref_slice %arg3[%mul3A_2] : memref<81920xi32, #tpu.memory_space<hbm>> -> memref<2560xi32, #tpu.memory_space<hbm>>
      tpu.wait_dma2 semaphore(%run_scoped3A : memref<!tpu.dma_semaphore, #tpu.memory_space<semaphore_mem>>) src(%dma_wait3A_13 : memref<2560xi32, #tpu.memory_space<hbm>>) dst(%arg5 : memref<2560xi32, #tpu.memory_space<vmem>>)
      tpu.yield
    }) : () -> ()
    %dma_start3A = arith.constant 0 : i32
    %dma_start3A_3 = tpu.memref_slice %arg5[%dma_start3A] : memref<2560xi32, #tpu.memory_space<vmem>> -> memref<128xi32, #tpu.memory_space<vmem>>
    %dma_start3A_4 = arith.constant 0 : i32
    %dma_start3A_5 = arith.constant 0 : i32
    %dma_start3A_6 = tpu.memref_slice %arg2[%dma_start3A_4, %dma_start3A_5] : memref<1000x128xf32, #tpu.memory_space<hbm>> -> memref<1000x128xf32, #tpu.memory_space<hbm>>
    tpu.enqueue_indirect_dma source(%dma_start3A_6 : memref<1000x128xf32, #tpu.memory_space<hbm>>) target(%arg6 : memref<128x128xf32, #tpu.memory_space<vmem>>) offsets(%dma_start3A_3 : memref<128xi32, #tpu.memory_space<vmem>>) semaphore(%arg8 : memref<!tpu.dma_semaphore, #tpu.memory_space<semaphore_mem>>)
    %scan3A = arith.constant 0 : i32
    %scan3A_7 = arith.constant 10 : i32
    %scan3A_8 = arith.addi %scan3A, %scan3A_7 : i32
    %scan3A_9 = arith.constant 1 : i32
    scf.for %scan3A_11 = %scan3A to %scan3A_8 step %scan3A_9  : i32 {
      %mul3A_12 = arith.constant 2 : i32
      %mul3A_13 = arith.muli %scan3A_11, %mul3A_12 : i32
      %add3A_14 = arith.constant 0 : i32
      %add3A_15 = arith.addi %add3A_14, %mul3A_13 : i32
      %add3A_16 = arith.constant 1 : i32
      %add3A_17 = arith.addi %add3A_15, %add3A_16 : i32
      %mul3A_18 = arith.constant 128 : i32
      %mul3A_19 = arith.muli %add3A_17, %mul3A_18 : i32
      %dma_start3A_20 = tpu.memref_slice %arg5[%mul3A_19] : memref<2560xi32, #tpu.memory_space<vmem>> -> memref<128xi32, #tpu.memory_space<vmem>>
      %dma_start3A_21 = arith.constant 0 : i32
      %dma_start3A_22 = arith.constant 0 : i32
      %dma_start3A_23 = tpu.memref_slice %arg2[%dma_start3A_21, %dma_start3A_22] : memref<1000x128xf32, #tpu.memory_space<hbm>> -> memref<1000x128xf32, #tpu.memory_space<hbm>>
      tpu.enqueue_indirect_dma source(%dma_start3A_23 : memref<1000x128xf32, #tpu.memory_space<hbm>>) target(%arg7 : memref<128x128xf32, #tpu.memory_space<vmem>>) offsets(%dma_start3A_20 : memref<128xi32, #tpu.memory_space<vmem>>) semaphore(%arg9 : memref<!tpu.dma_semaphore, #tpu.memory_space<semaphore_mem>>)
      %dma_wait3A = arith.constant 0 : i32
      %dma_wait3A_24 = tpu.memref_slice %arg5[%dma_wait3A] : memref<2560xi32, #tpu.memory_space<vmem>> -> memref<128xi32, #tpu.memory_space<vmem>>
      %dma_wait3A_25 = arith.constant 0 : i32
      %dma_wait3A_26 = arith.constant 0 : i32
      %dma_wait3A_27 = tpu.memref_slice %arg2[%dma_wait3A_25, %dma_wait3A_26] : memref<1000x128xf32, #tpu.memory_space<hbm>> -> memref<1000x128xf32, #tpu.memory_space<hbm>>
      tpu.wait_indirect_dma semaphore(%arg8 : memref<!tpu.dma_semaphore, #tpu.memory_space<semaphore_mem>>) src(%dma_wait3A_27 : memref<1000x128xf32, #tpu.memory_space<hbm>>) dst(%arg6 : memref<128x128xf32, #tpu.memory_space<vmem>>)
      %mul3A_28 = arith.constant 128 : i32
      %mul3A_29 = arith.muli %add3A_15, %mul3A_28 : i32
      %add3A_30 = arith.addi %mul3A_2, %mul3A_29 : i32
      "tpu.region"() ({
        %run_scoped3A = tpu.sem_alloc : memref<!tpu.dma_semaphore, #tpu.memory_space<semaphore_mem>>
        %dma_start3A_45 = arith.constant 0 : i32
        %dma_start3A_46 = tpu.memref_slice %arg4[%add3A_30, %dma_start3A_45] : memref<81920x128xf32, #tpu.memory_space<hbm>> -> memref<128x128xf32, #tpu.memory_space<hbm>>
        %dma_start3A_47 = arith.constant 0 : i32
        %dma_start3A_48 = tpu.memref_slice %arg4[%add3A_30, %dma_start3A_47] : memref<81920x128xf32, #tpu.memory_space<hbm>> -> memref<128x128xf32, #tpu.memory_space<hbm>>
        tpu.enqueue_dma source(%arg6 : memref<128x128xf32, #tpu.memory_space<vmem>>) target(%dma_start3A_48 : memref<128x128xf32, #tpu.memory_space<hbm>>) target_semaphore(%run_scoped3A : memref<!tpu.dma_semaphore, #tpu.memory_space<semaphore_mem>>)
        %dma_wait3A_49 = arith.constant 0 : i32
        %dma_wait3A_50 = tpu.memref_slice %arg4[%add3A_30, %dma_wait3A_49] : memref<81920x128xf32, #tpu.memory_space<hbm>> -> memref<128x128xf32, #tpu.memory_space<hbm>>
        %dma_wait3A_51 = arith.constant 0 : i32
        %dma_wait3A_52 = tpu.memref_slice %arg4[%add3A_30, %dma_wait3A_51] : memref<81920x128xf32, #tpu.memory_space<hbm>> -> memref<128x128xf32, #tpu.memory_space<hbm>>
        tpu.wait_dma2 semaphore(%run_scoped3A : memref<!tpu.dma_semaphore, #tpu.memory_space<semaphore_mem>>) src(%arg6 : memref<128x128xf32, #tpu.memory_space<vmem>>) dst(%dma_wait3A_52 : memref<128x128xf32, #tpu.memory_space<hbm>>)
        tpu.yield
      }) : () -> ()
      %add3A_31 = arith.constant 2 : i32
      %add3A_32 = arith.addi %add3A_15, %add3A_31 : i32
      %lt3A = arith.constant 20 : i32
      %lt3A_33 = arith.cmpi slt, %add3A_32, %lt3A : i32
      %convert_element_type3A = arith.extui %lt3A_33 : i1 to i32
      %cond3A = arith.constant 0 : i32
      %cond3A_34 = arith.cmpi ne, %convert_element_type3A, %cond3A : i32
      scf.if %cond3A_34 {
        %add3A_45 = arith.constant 2 : i32
        %add3A_46 = arith.addi %add3A_15, %add3A_45 : i32
        %mul3A_47 = arith.constant 128 : i32
        %mul3A_48 = arith.muli %add3A_46, %mul3A_47 : i32
        %dma_start3A_49 = tpu.memref_slice %arg5[%mul3A_48] : memref<2560xi32, #tpu.memory_space<vmem>> -> memref<128xi32, #tpu.memory_space<vmem>>
        %dma_start3A_50 = arith.constant 0 : i32
        %dma_start3A_51 = arith.constant 0 : i32
        %dma_start3A_52 = tpu.memref_slice %arg2[%dma_start3A_50, %dma_start3A_51] : memref<1000x128xf32, #tpu.memory_space<hbm>> -> memref<1000x128xf32, #tpu.memory_space<hbm>>
        tpu.enqueue_indirect_dma source(%dma_start3A_52 : memref<1000x128xf32, #tpu.memory_space<hbm>>) target(%arg6 : memref<128x128xf32, #tpu.memory_space<vmem>>) offsets(%dma_start3A_49 : memref<128xi32, #tpu.memory_space<vmem>>) semaphore(%arg8 : memref<!tpu.dma_semaphore, #tpu.memory_space<semaphore_mem>>)
      } else {
      }
      %dma_wait3A_35 = arith.constant 0 : i32
      %dma_wait3A_36 = tpu.memref_slice %arg5[%dma_wait3A_35] : memref<2560xi32, #tpu.memory_space<vmem>> -> memref<128xi32, #tpu.memory_space<vmem>>
      %dma_wait3A_37 = arith.constant 0 : i32
      %dma_wait3A_38 = arith.constant 0 : i32
      %dma_wait3A_39 = tpu.memref_slice %arg2[%dma_wait3A_37, %dma_wait3A_38] : memref<1000x128xf32, #tpu.memory_space<hbm>> -> memref<1000x128xf32, #tpu.memory_space<hbm>>
      tpu.wait_indirect_dma semaphore(%arg9 : memref<!tpu.dma_semaphore, #tpu.memory_space<semaphore_mem>>) src(%dma_wait3A_39 : memref<1000x128xf32, #tpu.memory_space<hbm>>) dst(%arg7 : memref<128x128xf32, #tpu.memory_space<vmem>>)
      %add3A_40 = arith.constant 1 : i32
      %add3A_41 = arith.addi %add3A_15, %add3A_40 : i32
      %mul3A_42 = arith.constant 128 : i32
      %mul3A_43 = arith.muli %add3A_41, %mul3A_42 : i32
      %add3A_44 = arith.addi %mul3A_2, %mul3A_43 : i32
      "tpu.region"() ({
        %run_scoped3A = tpu.sem_alloc : memref<!tpu.dma_semaphore, #tpu.memory_space<semaphore_mem>>
        %dma_start3A_45 = arith.constant 0 : i32
        %dma_start3A_46 = tpu.memref_slice %arg4[%add3A_44, %dma_start3A_45] : memref<81920x128xf32, #tpu.memory_space<hbm>> -> memref<128x128xf32, #tpu.memory_space<hbm>>
        %dma_start3A_47 = arith.constant 0 : i32
        %dma_start3A_48 = tpu.memref_slice %arg4[%add3A_44, %dma_start3A_47] : memref<81920x128xf32, #tpu.memory_space<hbm>> -> memref<128x128xf32, #tpu.memory_space<hbm>>
        tpu.enqueue_dma source(%arg7 : memref<128x128xf32, #tpu.memory_space<vmem>>) target(%dma_start3A_48 : memref<128x128xf32, #tpu.memory_space<hbm>>) target_semaphore(%run_scoped3A : memref<!tpu.dma_semaphore, #tpu.memory_space<semaphore_mem>>)
        %dma_wait3A_49 = arith.constant 0 : i32
        %dma_wait3A_50 = tpu.memref_slice %arg4[%add3A_44, %dma_wait3A_49] : memref<81920x128xf32, #tpu.memory_space<hbm>> -> memref<128x128xf32, #tpu.memory_space<hbm>>
        %dma_wait3A_51 = arith.constant 0 : i32
        %dma_wait3A_52 = tpu.memref_slice %arg4[%add3A_44, %dma_wait3A_51] : memref<81920x128xf32, #tpu.memory_space<hbm>> -> memref<128x128xf32, #tpu.memory_space<hbm>>
        tpu.wait_dma2 semaphore(%run_scoped3A : memref<!tpu.dma_semaphore, #tpu.memory_space<semaphore_mem>>) src(%arg7 : memref<128x128xf32, #tpu.memory_space<vmem>>) dst(%dma_wait3A_52 : memref<128x128xf32, #tpu.memory_space<hbm>>)
        tpu.yield
      }) : () -> ()
    }
    %scan3A_10 = arith.constant 10 : i32
    return
  }
}

#map = affine_map<(d0, d1) -> (0, 0)>
#map1 = affine_map<(d0, d1) -> (0)>
module attributes {stable_mosaic.version = 14 : i64} {
  func.func @gather_kernel(%arg0: i32, %arg1: i32, %arg2: memref<1000x128xf32, #tpu.memory_space<hbm>>, %arg3: memref<81920xi32, #tpu.memory_space<hbm>>, %arg4: memref<81920x128xf32, #tpu.memory_space<hbm>>, %arg5: memref<2560xi32, #tpu.memory_space<vmem>>, %arg6: memref<128x128xf32, #tpu.memory_space<vmem>>, %arg7: memref<128x128xf32, #tpu.memory_space<vmem>>, %arg8: memref<!tpu.dma_semaphore, #tpu.memory_space<semaphore_mem>>, %arg9: memref<!tpu.dma_semaphore, #tpu.memory_space<semaphore_mem>>) attributes {dimension_semantics = [#tpu.dimension_semantics<core_parallel>, #tpu.dimension_semantics<subcore_parallel>], iteration_bounds = array<i64: 2, 16>, scalar_prefetch = 0 : i64, scratch_operands = 5 : i64, tpu.core_type = #tpu.core_type<sc_vector_subcore>, window_params = [{transform_indices = #map}, {transform_indices = #map1}, {transform_indices = #map}]} {
    %mul3A = arith.constant 2 : i32
    %mul3A_0 = arith.muli %arg1, %mul3A : i32
    %add3A = arith.addi %mul3A_0, %arg0 : i32
    %mul3A_1 = arith.constant 2560 : i32
    %mul3A_2 = arith.muli %add3A, %mul3A_1 : i32
    "tpu.region"() ({
      %run_scoped3A = tpu.sem_alloc : memref<!tpu.dma_semaphore, #tpu.memory_space<semaphore_mem>>
      %dma_start3A_11 = tpu.memref_slice %arg3[%mul3A_2] : memref<81920xi32, #tpu.memory_space<hbm>> -> memref<2560xi32, #tpu.memory_space<hbm>>
      %dma_start3A_12 = tpu.memref_slice %arg3[%mul3A_2] : memref<81920xi32, #tpu.memory_space<hbm>> -> memref<2560xi32, #tpu.memory_space<hbm>>
      tpu.enqueue_dma source(%dma_start3A_12 : memref<2560xi32, #tpu.memory_space<hbm>>) target(%arg5 : memref<2560xi32, #tpu.memory_space<vmem>>) target_semaphore(%run_scoped3A : memref<!tpu.dma_semaphore, #tpu.memory_space<semaphore_mem>>)
      %dma_wait3A = tpu.memref_slice %arg3[%mul3A_2] : memref<81920xi32, #tpu.memory_space<hbm>> -> memref<2560xi32, #tpu.memory_space<hbm>>
      %dma_wait3A_13 = tpu.memref_slice %arg3[%mul3A_2] : memref<81920xi32, #tpu.memory_space<hbm>> -> memref<2560xi32, #tpu.memory_space<hbm>>
      tpu.wait_dma2 semaphore(%run_scoped3A : memref<!tpu.dma_semaphore, #tpu.memory_space<semaphore_mem>>) src(%dma_wait3A_13 : memref<2560xi32, #tpu.memory_space<hbm>>) dst(%arg5 : memref<2560xi32, #tpu.memory_space<vmem>>)
      tpu.yield
    }) : () -> ()
    %dma_start3A = arith.constant 0 : i32
    %dma_start3A_3 = tpu.memref_slice %arg5[%dma_start3A] : memref<2560xi32, #tpu.memory_space<vmem>> -> memref<128xi32, #tpu.memory_space<vmem>>
    %dma_start3A_4 = arith.constant 0 : i32
    %dma_start3A_5 = arith.constant 0 : i32
    %dma_start3A_6 = tpu.memref_slice %arg2[%dma_start3A_4, %dma_start3A_5] : memref<1000x128xf32, #tpu.memory_space<hbm>> -> memref<1000x128xf32, #tpu.memory_space<hbm>>
    tpu.enqueue_indirect_dma source(%dma_start3A_6 : memref<1000x128xf32, #tpu.memory_space<hbm>>) target(%arg6 : memref<128x128xf32, #tpu.memory_space<vmem>>) offsets(%dma_start3A_3 : memref<128xi32, #tpu.memory_space<vmem>>) semaphore(%arg8 : memref<!tpu.dma_semaphore, #tpu.memory_space<semaphore_mem>>)
    %scan3A = arith.constant 0 : i32
    %scan3A_7 = arith.constant 10 : i32
    %scan3A_8 = arith.addi %scan3A, %scan3A_7 : i32
    %scan3A_9 = arith.constant 1 : i32
    scf.for %scan3A_11 = %scan3A to %scan3A_8 step %scan3A_9  : i32 {
      %mul3A_12 = arith.constant 2 : i32
      %mul3A_13 = arith.muli %scan3A_11, %mul3A_12 : i32
      %add3A_14 = arith.constant 0 : i32
      %add3A_15 = arith.addi %add3A_14, %mul3A_13 : i32
      %add3A_16 = arith.constant 1 : i32
      %add3A_17 = arith.addi %add3A_15, %add3A_16 : i32
      %mul3A_18 = arith.constant 128 : i32
      %mul3A_19 = arith.muli %add3A_17, %mul3A_18 : i32
      %dma_start3A_20 = tpu.memref_slice %arg5[%mul3A_19] : memref<2560xi32, #tpu.memory_space<vmem>> -> memref<128xi32, #tpu.memory_space<vmem>>
      %dma_start3A_21 = arith.constant 0 : i32
      %dma_start3A_22 = arith.constant 0 : i32
      %dma_start3A_23 = tpu.memref_slice %arg2[%dma_start3A_21, %dma_start3A_22] : memref<1000x128xf32, #tpu.memory_space<hbm>> -> memref<1000x128xf32, #tpu.memory_space<hbm>>
      tpu.enqueue_indirect_dma source(%dma_start3A_23 : memref<1000x128xf32, #tpu.memory_space<hbm>>) target(%arg7 : memref<128x128xf32, #tpu.memory_space<vmem>>) offsets(%dma_start3A_20 : memref<128xi32, #tpu.memory_space<vmem>>) semaphore(%arg9 : memref<!tpu.dma_semaphore, #tpu.memory_space<semaphore_mem>>)
      %dma_wait3A = arith.constant 0 : i32
      %dma_wait3A_24 = tpu.memref_slice %arg5[%dma_wait3A] : memref<2560xi32, #tpu.memory_space<vmem>> -> memref<128xi32, #tpu.memory_space<vmem>>
      %dma_wait3A_25 = arith.constant 0 : i32
      %dma_wait3A_26 = arith.constant 0 : i32
      %dma_wait3A_27 = tpu.memref_slice %arg2[%dma_wait3A_25, %dma_wait3A_26] : memref<1000x128xf32, #tpu.memory_space<hbm>> -> memref<1000x128xf32, #tpu.memory_space<hbm>>
      tpu.wait_indirect_dma semaphore(%arg8 : memref<!tpu.dma_semaphore, #tpu.memory_space<semaphore_mem>>) src(%dma_wait3A_27 : memref<1000x128xf32, #tpu.memory_space<hbm>>) dst(%arg6 : memref<128x128xf32, #tpu.memory_space<vmem>>)
      %mul3A_28 = arith.constant 128 : i32
      %mul3A_29 = arith.muli %add3A_15, %mul3A_28 : i32
      %add3A_30 = arith.addi %mul3A_2, %mul3A_29 : i32
      "tpu.region"() ({
        %run_scoped3A = tpu.sem_alloc : memref<!tpu.dma_semaphore, #tpu.memory_space<semaphore_mem>>
        %dma_start3A_45 = arith.constant 0 : i32
        %dma_start3A_46 = tpu.memref_slice %arg4[%add3A_30, %dma_start3A_45] : memref<81920x128xf32, #tpu.memory_space<hbm>> -> memref<128x128xf32, #tpu.memory_space<hbm>>
        %dma_start3A_47 = arith.constant 0 : i32
        %dma_start3A_48 = tpu.memref_slice %arg4[%add3A_30, %dma_start3A_47] : memref<81920x128xf32, #tpu.memory_space<hbm>> -> memref<128x128xf32, #tpu.memory_space<hbm>>
        tpu.enqueue_dma source(%arg6 : memref<128x128xf32, #tpu.memory_space<vmem>>) target(%dma_start3A_48 : memref<128x128xf32, #tpu.memory_space<hbm>>) target_semaphore(%run_scoped3A : memref<!tpu.dma_semaphore, #tpu.memory_space<semaphore_mem>>)
        %dma_wait3A_49 = arith.constant 0 : i32
        %dma_wait3A_50 = tpu.memref_slice %arg4[%add3A_30, %dma_wait3A_49] : memref<81920x128xf32, #tpu.memory_space<hbm>> -> memref<128x128xf32, #tpu.memory_space<hbm>>
        %dma_wait3A_51 = arith.constant 0 : i32
        %dma_wait3A_52 = tpu.memref_slice %arg4[%add3A_30, %dma_wait3A_51] : memref<81920x128xf32, #tpu.memory_space<hbm>> -> memref<128x128xf32, #tpu.memory_space<hbm>>
        tpu.wait_dma2 semaphore(%run_scoped3A : memref<!tpu.dma_semaphore, #tpu.memory_space<semaphore_mem>>) src(%arg6 : memref<128x128xf32, #tpu.memory_space<vmem>>) dst(%dma_wait3A_52 : memref<128x128xf32, #tpu.memory_space<hbm>>)
        tpu.yield
      }) : () -> ()
      %add3A_31 = arith.constant 2 : i32
      %add3A_32 = arith.addi %add3A_15, %add3A_31 : i32
      %lt3A = arith.constant 20 : i32
      %lt3A_33 = arith.cmpi slt, %add3A_32, %lt3A : i32
      %convert_element_type3A = arith.extui %lt3A_33 : i1 to i32
      %cond3A = arith.constant 0 : i32
      %cond3A_34 = arith.cmpi ne, %convert_element_type3A, %cond3A : i32
      scf.if %cond3A_34 {
        %add3A_45 = arith.constant 2 : i32
        %add3A_46 = arith.addi %add3A_15, %add3A_45 : i32
        %mul3A_47 = arith.constant 128 : i32
        %mul3A_48 = arith.muli %add3A_46, %mul3A_47 : i32
        %dma_start3A_49 = tpu.memref_slice %arg5[%mul3A_48] : memref<2560xi32, #tpu.memory_space<vmem>> -> memref<128xi32, #tpu.memory_space<vmem>>
        %dma_start3A_50 = arith.constant 0 : i32
        %dma_start3A_51 = arith.constant 0 : i32
        %dma_start3A_52 = tpu.memref_slice %arg2[%dma_start3A_50, %dma_start3A_51] : memref<1000x128xf32, #tpu.memory_space<hbm>> -> memref<1000x128xf32, #tpu.memory_space<hbm>>
        tpu.enqueue_indirect_dma source(%dma_start3A_52 : memref<1000x128xf32, #tpu.memory_space<hbm>>) target(%arg6 : memref<128x128xf32, #tpu.memory_space<vmem>>) offsets(%dma_start3A_49 : memref<128xi32, #tpu.memory_space<vmem>>) semaphore(%arg8 : memref<!tpu.dma_semaphore, #tpu.memory_space<semaphore_mem>>)
      } else {
      }
      %dma_wait3A_35 = arith.constant 0 : i32
      %dma_wait3A_36 = tpu.memref_slice %arg5[%dma_wait3A_35] : memref<2560xi32, #tpu.memory_space<vmem>> -> memref<128xi32, #tpu.memory_space<vmem>>
      %dma_wait3A_37 = arith.constant 0 : i32
      %dma_wait3A_38 = arith.constant 0 : i32
      %dma_wait3A_39 = tpu.memref_slice %arg2[%dma_wait3A_37, %dma_wait3A_38] : memref<1000x128xf32, #tpu.memory_space<hbm>> -> memref<1000x128xf32, #tpu.memory_space<hbm>>
      tpu.wait_indirect_dma semaphore(%arg9 : memref<!tpu.dma_semaphore, #tpu.memory_space<semaphore_mem>>) src(%dma_wait3A_39 : memref<1000x128xf32, #tpu.memory_space<hbm>>) dst(%arg7 : memref<128x128xf32, #tpu.memory_space<vmem>>)
      %add3A_40 = arith.constant 1 : i32
      %add3A_41 = arith.addi %add3A_15, %add3A_40 : i32
      %mul3A_42 = arith.constant 128 : i32
      %mul3A_43 = arith.muli %add3A_41, %mul3A_42 : i32
      %add3A_44 = arith.addi %mul3A_2, %mul3A_43 : i32
      "tpu.region"() ({
        %run_scoped3A = tpu.sem_alloc : memref<!tpu.dma_semaphore, #tpu.memory_space<semaphore_mem>>
        %dma_start3A_45 = arith.constant 0 : i32
        %dma_start3A_46 = tpu.memref_slice %arg4[%add3A_44, %dma_start3A_45] : memref<81920x128xf32, #tpu.memory_space<hbm>> -> memref<128x128xf32, #tpu.memory_space<hbm>>
        %dma_start3A_47 = arith.constant 0 : i32
        %dma_start3A_48 = tpu.memref_slice %arg4[%add3A_44, %dma_start3A_47] : memref<81920x128xf32, #tpu.memory_space<hbm>> -> memref<128x128xf32, #tpu.memory_space<hbm>>
        tpu.enqueue_dma source(%arg7 : memref<128x128xf32, #tpu.memory_space<vmem>>) target(%dma_start3A_48 : memref<128x128xf32, #tpu.memory_space<hbm>>) target_semaphore(%run_scoped3A : memref<!tpu.dma_semaphore, #tpu.memory_space<semaphore_mem>>)
        %dma_wait3A_49 = arith.constant 0 : i32
        %dma_wait3A_50 = tpu.memref_slice %arg4[%add3A_44, %dma_wait3A_49] : memref<81920x128xf32, #tpu.memory_space<hbm>> -> memref<128x128xf32, #tpu.memory_space<hbm>>
        %dma_wait3A_51 = arith.constant 0 : i32
        %dma_wait3A_52 = tpu.memref_slice %arg4[%add3A_44, %dma_wait3A_51] : memref<81920x128xf32, #tpu.memory_space<hbm>> -> memref<128x128xf32, #tpu.memory_space<hbm>>
        tpu.wait_dma2 semaphore(%run_scoped3A : memref<!tpu.dma_semaphore, #tpu.memory_space<semaphore_mem>>) src(%arg7 : memref<128x128xf32, #tpu.memory_space<vmem>>) dst(%dma_wait3A_52 : memref<128x128xf32, #tpu.memory_space<hbm>>)
        tpu.yield
      }) : () -> ()
    }
    %scan3A_10 = arith.constant 10 : i32
    return
  }
}

#map = affine_map<(d0, d1) -> (0, 0)>
#map1 = affine_map<(d0, d1) -> (0)>
module attributes {stable_mosaic.version = 14 : i64} {
  func.func @gather_kernel(%arg0: i32, %arg1: i32, %arg2: memref<1000x128xf32, #tpu.memory_space<hbm>>, %arg3: memref<81920xi32, #tpu.memory_space<hbm>>, %arg4: memref<81920x128xf32, #tpu.memory_space<hbm>>, %arg5: memref<2560xi32, #tpu.memory_space<vmem>>, %arg6: memref<128x128xf32, #tpu.memory_space<vmem>>, %arg7: memref<128x128xf32, #tpu.memory_space<vmem>>, %arg8: memref<!tpu.dma_semaphore, #tpu.memory_space<semaphore_mem>>, %arg9: memref<!tpu.dma_semaphore, #tpu.memory_space<semaphore_mem>>) attributes {dimension_semantics = [#tpu.dimension_semantics<core_parallel>, #tpu.dimension_semantics<subcore_parallel>], iteration_bounds = array<i64: 2, 16>, scalar_prefetch = 0 : i64, scratch_operands = 5 : i64, tpu.core_type = #tpu.core_type<sc_vector_subcore>, window_params = [{transform_indices = #map}, {transform_indices = #map1}, {transform_indices = #map}]} {
    %mul3A = arith.constant 2 : i32
    %mul3A_0 = arith.muli %arg1, %mul3A : i32
    %add3A = arith.addi %mul3A_0, %arg0 : i32
    %mul3A_1 = arith.constant 2560 : i32
    %mul3A_2 = arith.muli %add3A, %mul3A_1 : i32
    "tpu.region"() ({
      %run_scoped3A = tpu.sem_alloc : memref<!tpu.dma_semaphore, #tpu.memory_space<semaphore_mem>>
      %dma_start3A_11 = tpu.memref_slice %arg3[%mul3A_2] : memref<81920xi32, #tpu.memory_space<hbm>> -> memref<2560xi32, #tpu.memory_space<hbm>>
      %dma_start3A_12 = tpu.memref_slice %arg3[%mul3A_2] : memref<81920xi32, #tpu.memory_space<hbm>> -> memref<2560xi32, #tpu.memory_space<hbm>>
      tpu.enqueue_dma source(%dma_start3A_12 : memref<2560xi32, #tpu.memory_space<hbm>>) target(%arg5 : memref<2560xi32, #tpu.memory_space<vmem>>) target_semaphore(%run_scoped3A : memref<!tpu.dma_semaphore, #tpu.memory_space<semaphore_mem>>)
      %dma_wait3A = tpu.memref_slice %arg3[%mul3A_2] : memref<81920xi32, #tpu.memory_space<hbm>> -> memref<2560xi32, #tpu.memory_space<hbm>>
      %dma_wait3A_13 = tpu.memref_slice %arg3[%mul3A_2] : memref<81920xi32, #tpu.memory_space<hbm>> -> memref<2560xi32, #tpu.memory_space<hbm>>
      tpu.wait_dma2 semaphore(%run_scoped3A : memref<!tpu.dma_semaphore, #tpu.memory_space<semaphore_mem>>) src(%dma_wait3A_13 : memref<2560xi32, #tpu.memory_space<hbm>>) dst(%arg5 : memref<2560xi32, #tpu.memory_space<vmem>>)
      tpu.yield
    }) : () -> ()
    %dma_start3A = arith.constant 0 : i32
    %dma_start3A_3 = tpu.memref_slice %arg5[%dma_start3A] : memref<2560xi32, #tpu.memory_space<vmem>> -> memref<128xi32, #tpu.memory_space<vmem>>
    %dma_start3A_4 = arith.constant 0 : i32
    %dma_start3A_5 = arith.constant 0 : i32
    %dma_start3A_6 = tpu.memref_slice %arg2[%dma_start3A_4, %dma_start3A_5] : memref<1000x128xf32, #tpu.memory_space<hbm>> -> memref<1000x128xf32, #tpu.memory_space<hbm>>
    tpu.enqueue_indirect_dma source(%dma_start3A_6 : memref<1000x128xf32, #tpu.memory_space<hbm>>) target(%arg6 : memref<128x128xf32, #tpu.memory_space<vmem>>) offsets(%dma_start3A_3 : memref<128xi32, #tpu.memory_space<vmem>>) semaphore(%arg8 : memref<!tpu.dma_semaphore, #tpu.memory_space<semaphore_mem>>)
    %scan3A = arith.constant 0 : i32
    %scan3A_7 = arith.constant 10 : i32
    %scan3A_8 = arith.addi %scan3A, %scan3A_7 : i32
    %scan3A_9 = arith.constant 1 : i32
    scf.for %scan3A_11 = %scan3A to %scan3A_8 step %scan3A_9  : i32 {
      %mul3A_12 = arith.constant 2 : i32
      %mul3A_13 = arith.muli %scan3A_11, %mul3A_12 : i32
      %add3A_14 = arith.constant 0 : i32
      %add3A_15 = arith.addi %add3A_14, %mul3A_13 : i32
      %add3A_16 = arith.constant 1 : i32
      %add3A_17 = arith.addi %add3A_15, %add3A_16 : i32
      %mul3A_18 = arith.constant 128 : i32
      %mul3A_19 = arith.muli %add3A_17, %mul3A_18 : i32
      %dma_start3A_20 = tpu.memref_slice %arg5[%mul3A_19] : memref<2560xi32, #tpu.memory_space<vmem>> -> memref<128xi32, #tpu.memory_space<vmem>>
      %dma_start3A_21 = arith.constant 0 : i32
      %dma_start3A_22 = arith.constant 0 : i32
      %dma_start3A_23 = tpu.memref_slice %arg2[%dma_start3A_21, %dma_start3A_22] : memref<1000x128xf32, #tpu.memory_space<hbm>> -> memref<1000x128xf32, #tpu.memory_space<hbm>>
      tpu.enqueue_indirect_dma source(%dma_start3A_23 : memref<1000x128xf32, #tpu.memory_space<hbm>>) target(%arg7 : memref<128x128xf32, #tpu.memory_space<vmem>>) offsets(%dma_start3A_20 : memref<128xi32, #tpu.memory_space<vmem>>) semaphore(%arg9 : memref<!tpu.dma_semaphore, #tpu.memory_space<semaphore_mem>>)
      %dma_wait3A = arith.constant 0 : i32
      %dma_wait3A_24 = tpu.memref_slice %arg5[%dma_wait3A] : memref<2560xi32, #tpu.memory_space<vmem>> -> memref<128xi32, #tpu.memory_space<vmem>>
      %dma_wait3A_25 = arith.constant 0 : i32
      %dma_wait3A_26 = arith.constant 0 : i32
      %dma_wait3A_27 = tpu.memref_slice %arg2[%dma_wait3A_25, %dma_wait3A_26] : memref<1000x128xf32, #tpu.memory_space<hbm>> -> memref<1000x128xf32, #tpu.memory_space<hbm>>
      tpu.wait_indirect_dma semaphore(%arg8 : memref<!tpu.dma_semaphore, #tpu.memory_space<semaphore_mem>>) src(%dma_wait3A_27 : memref<1000x128xf32, #tpu.memory_space<hbm>>) dst(%arg6 : memref<128x128xf32, #tpu.memory_space<vmem>>)
      %mul3A_28 = arith.constant 128 : i32
      %mul3A_29 = arith.muli %add3A_15, %mul3A_28 : i32
      %add3A_30 = arith.addi %mul3A_2, %mul3A_29 : i32
      "tpu.region"() ({
        %run_scoped3A = tpu.sem_alloc : memref<!tpu.dma_semaphore, #tpu.memory_space<semaphore_mem>>
        %dma_start3A_45 = arith.constant 0 : i32
        %dma_start3A_46 = tpu.memref_slice %arg4[%add3A_30, %dma_start3A_45] : memref<81920x128xf32, #tpu.memory_space<hbm>> -> memref<128x128xf32, #tpu.memory_space<hbm>>
        %dma_start3A_47 = arith.constant 0 : i32
        %dma_start3A_48 = tpu.memref_slice %arg4[%add3A_30, %dma_start3A_47] : memref<81920x128xf32, #tpu.memory_space<hbm>> -> memref<128x128xf32, #tpu.memory_space<hbm>>
        tpu.enqueue_dma source(%arg6 : memref<128x128xf32, #tpu.memory_space<vmem>>) target(%dma_start3A_48 : memref<128x128xf32, #tpu.memory_space<hbm>>) target_semaphore(%run_scoped3A : memref<!tpu.dma_semaphore, #tpu.memory_space<semaphore_mem>>)
        %dma_wait3A_49 = arith.constant 0 : i32
        %dma_wait3A_50 = tpu.memref_slice %arg4[%add3A_30, %dma_wait3A_49] : memref<81920x128xf32, #tpu.memory_space<hbm>> -> memref<128x128xf32, #tpu.memory_space<hbm>>
        %dma_wait3A_51 = arith.constant 0 : i32
        %dma_wait3A_52 = tpu.memref_slice %arg4[%add3A_30, %dma_wait3A_51] : memref<81920x128xf32, #tpu.memory_space<hbm>> -> memref<128x128xf32, #tpu.memory_space<hbm>>
        tpu.wait_dma2 semaphore(%run_scoped3A : memref<!tpu.dma_semaphore, #tpu.memory_space<semaphore_mem>>) src(%arg6 : memref<128x128xf32, #tpu.memory_space<vmem>>) dst(%dma_wait3A_52 : memref<128x128xf32, #tpu.memory_space<hbm>>)
        tpu.yield
      }) : () -> ()
      %add3A_31 = arith.constant 2 : i32
      %add3A_32 = arith.addi %add3A_15, %add3A_31 : i32
      %lt3A = arith.constant 20 : i32
      %lt3A_33 = arith.cmpi slt, %add3A_32, %lt3A : i32
      %convert_element_type3A = arith.extui %lt3A_33 : i1 to i32
      %cond3A = arith.constant 0 : i32
      %cond3A_34 = arith.cmpi ne, %convert_element_type3A, %cond3A : i32
      scf.if %cond3A_34 {
        %add3A_45 = arith.constant 2 : i32
        %add3A_46 = arith.addi %add3A_15, %add3A_45 : i32
        %mul3A_47 = arith.constant 128 : i32
        %mul3A_48 = arith.muli %add3A_46, %mul3A_47 : i32
        %dma_start3A_49 = tpu.memref_slice %arg5[%mul3A_48] : memref<2560xi32, #tpu.memory_space<vmem>> -> memref<128xi32, #tpu.memory_space<vmem>>
        %dma_start3A_50 = arith.constant 0 : i32
        %dma_start3A_51 = arith.constant 0 : i32
        %dma_start3A_52 = tpu.memref_slice %arg2[%dma_start3A_50, %dma_start3A_51] : memref<1000x128xf32, #tpu.memory_space<hbm>> -> memref<1000x128xf32, #tpu.memory_space<hbm>>
        tpu.enqueue_indirect_dma source(%dma_start3A_52 : memref<1000x128xf32, #tpu.memory_space<hbm>>) target(%arg6 : memref<128x128xf32, #tpu.memory_space<vmem>>) offsets(%dma_start3A_49 : memref<128xi32, #tpu.memory_space<vmem>>) semaphore(%arg8 : memref<!tpu.dma_semaphore, #tpu.memory_space<semaphore_mem>>)
      } else {
      }
      %dma_wait3A_35 = arith.constant 0 : i32
      %dma_wait3A_36 = tpu.memref_slice %arg5[%dma_wait3A_35] : memref<2560xi32, #tpu.memory_space<vmem>> -> memref<128xi32, #tpu.memory_space<vmem>>
      %dma_wait3A_37 = arith.constant 0 : i32
      %dma_wait3A_38 = arith.constant 0 : i32
      %dma_wait3A_39 = tpu.memref_slice %arg2[%dma_wait3A_37, %dma_wait3A_38] : memref<1000x128xf32, #tpu.memory_space<hbm>> -> memref<1000x128xf32, #tpu.memory_space<hbm>>
      tpu.wait_indirect_dma semaphore(%arg9 : memref<!tpu.dma_semaphore, #tpu.memory_space<semaphore_mem>>) src(%dma_wait3A_39 : memref<1000x128xf32, #tpu.memory_space<hbm>>) dst(%arg7 : memref<128x128xf32, #tpu.memory_space<vmem>>)
      %add3A_40 = arith.constant 1 : i32
      %add3A_41 = arith.addi %add3A_15, %add3A_40 : i32
      %mul3A_42 = arith.constant 128 : i32
      %mul3A_43 = arith.muli %add3A_41, %mul3A_42 : i32
      %add3A_44 = arith.addi %mul3A_2, %mul3A_43 : i32
      "tpu.region"() ({
        %run_scoped3A = tpu.sem_alloc : memref<!tpu.dma_semaphore, #tpu.memory_space<semaphore_mem>>
        %dma_start3A_45 = arith.constant 0 : i32
        %dma_start3A_46 = tpu.memref_slice %arg4[%add3A_44, %dma_start3A_45] : memref<81920x128xf32, #tpu.memory_space<hbm>> -> memref<128x128xf32, #tpu.memory_space<hbm>>
        %dma_start3A_47 = arith.constant 0 : i32
        %dma_start3A_48 = tpu.memref_slice %arg4[%add3A_44, %dma_start3A_47] : memref<81920x128xf32, #tpu.memory_space<hbm>> -> memref<128x128xf32, #tpu.memory_space<hbm>>
        tpu.enqueue_dma source(%arg7 : memref<128x128xf32, #tpu.memory_space<vmem>>) target(%dma_start3A_48 : memref<128x128xf32, #tpu.memory_space<hbm>>) target_semaphore(%run_scoped3A : memref<!tpu.dma_semaphore, #tpu.memory_space<semaphore_mem>>)
        %dma_wait3A_49 = arith.constant 0 : i32
        %dma_wait3A_50 = tpu.memref_slice %arg4[%add3A_44, %dma_wait3A_49] : memref<81920x128xf32, #tpu.memory_space<hbm>> -> memref<128x128xf32, #tpu.memory_space<hbm>>
        %dma_wait3A_51 = arith.constant 0 : i32
        %dma_wait3A_52 = tpu.memref_slice %arg4[%add3A_44, %dma_wait3A_51] : memref<81920x128xf32, #tpu.memory_space<hbm>> -> memref<128x128xf32, #tpu.memory_space<hbm>>
        tpu.wait_dma2 semaphore(%run_scoped3A : memref<!tpu.dma_semaphore, #tpu.memory_space<semaphore_mem>>) src(%arg7 : memref<128x128xf32, #tpu.memory_space<vmem>>) dst(%dma_wait3A_52 : memref<128x128xf32, #tpu.memory_space<hbm>>)
        tpu.yield
      }) : () -> ()
    }
    %scan3A_10 = arith.constant 10 : i32
    return
  }
}

#map = affine_map<(d0, d1) -> (0, 0)>
#map1 = affine_map<(d0, d1) -> (0)>
module attributes {stable_mosaic.version = 14 : i64} {
  func.func @gather_kernel(%arg0: i32, %arg1: i32, %arg2: memref<1000x128xf32, #tpu.memory_space<hbm>>, %arg3: memref<81920xi32, #tpu.memory_space<hbm>>, %arg4: memref<81920x128xf32, #tpu.memory_space<hbm>>, %arg5: memref<2560xi32, #tpu.memory_space<vmem>>, %arg6: memref<128x128xf32, #tpu.memory_space<vmem>>, %arg7: memref<128x128xf32, #tpu.memory_space<vmem>>, %arg8: memref<!tpu.dma_semaphore, #tpu.memory_space<semaphore_mem>>, %arg9: memref<!tpu.dma_semaphore, #tpu.memory_space<semaphore_mem>>) attributes {dimension_semantics = [#tpu.dimension_semantics<core_parallel>, #tpu.dimension_semantics<subcore_parallel>], iteration_bounds = array<i64: 2, 16>, scalar_prefetch = 0 : i64, scratch_operands = 5 : i64, tpu.core_type = #tpu.core_type<sc_vector_subcore>, window_params = [{transform_indices = #map}, {transform_indices = #map1}, {transform_indices = #map}]} {
    %mul3A = arith.constant 2 : i32
    %mul3A_0 = arith.muli %arg1, %mul3A : i32
    %add3A = arith.addi %mul3A_0, %arg0 : i32
    %mul3A_1 = arith.constant 2560 : i32
    %mul3A_2 = arith.muli %add3A, %mul3A_1 : i32
    "tpu.region"() ({
      %run_scoped3A = tpu.sem_alloc : memref<!tpu.dma_semaphore, #tpu.memory_space<semaphore_mem>>
      %dma_start3A_11 = tpu.memref_slice %arg3[%mul3A_2] : memref<81920xi32, #tpu.memory_space<hbm>> -> memref<2560xi32, #tpu.memory_space<hbm>>
      %dma_start3A_12 = tpu.memref_slice %arg3[%mul3A_2] : memref<81920xi32, #tpu.memory_space<hbm>> -> memref<2560xi32, #tpu.memory_space<hbm>>
      tpu.enqueue_dma source(%dma_start3A_12 : memref<2560xi32, #tpu.memory_space<hbm>>) target(%arg5 : memref<2560xi32, #tpu.memory_space<vmem>>) target_semaphore(%run_scoped3A : memref<!tpu.dma_semaphore, #tpu.memory_space<semaphore_mem>>)
      %dma_wait3A = tpu.memref_slice %arg3[%mul3A_2] : memref<81920xi32, #tpu.memory_space<hbm>> -> memref<2560xi32, #tpu.memory_space<hbm>>
      %dma_wait3A_13 = tpu.memref_slice %arg3[%mul3A_2] : memref<81920xi32, #tpu.memory_space<hbm>> -> memref<2560xi32, #tpu.memory_space<hbm>>
      tpu.wait_dma2 semaphore(%run_scoped3A : memref<!tpu.dma_semaphore, #tpu.memory_space<semaphore_mem>>) src(%dma_wait3A_13 : memref<2560xi32, #tpu.memory_space<hbm>>) dst(%arg5 : memref<2560xi32, #tpu.memory_space<vmem>>)
      tpu.yield
    }) : () -> ()
    %dma_start3A = arith.constant 0 : i32
    %dma_start3A_3 = tpu.memref_slice %arg5[%dma_start3A] : memref<2560xi32, #tpu.memory_space<vmem>> -> memref<128xi32, #tpu.memory_space<vmem>>
    %dma_start3A_4 = arith.constant 0 : i32
    %dma_start3A_5 = arith.constant 0 : i32
    %dma_start3A_6 = tpu.memref_slice %arg2[%dma_start3A_4, %dma_start3A_5] : memref<1000x128xf32, #tpu.memory_space<hbm>> -> memref<1000x128xf32, #tpu.memory_space<hbm>>
    tpu.enqueue_indirect_dma source(%dma_start3A_6 : memref<1000x128xf32, #tpu.memory_space<hbm>>) target(%arg6 : memref<128x128xf32, #tpu.memory_space<vmem>>) offsets(%dma_start3A_3 : memref<128xi32, #tpu.memory_space<vmem>>) semaphore(%arg8 : memref<!tpu.dma_semaphore, #tpu.memory_space<semaphore_mem>>)
    %scan3A = arith.constant 0 : i32
    %scan3A_7 = arith.constant 10 : i32
    %scan3A_8 = arith.addi %scan3A, %scan3A_7 : i32
    %scan3A_9 = arith.constant 1 : i32
    scf.for %scan3A_11 = %scan3A to %scan3A_8 step %scan3A_9  : i32 {
      %mul3A_12 = arith.constant 2 : i32
      %mul3A_13 = arith.muli %scan3A_11, %mul3A_12 : i32
      %add3A_14 = arith.constant 0 : i32
      %add3A_15 = arith.addi %add3A_14, %mul3A_13 : i32
      %add3A_16 = arith.constant 1 : i32
      %add3A_17 = arith.addi %add3A_15, %add3A_16 : i32
      %mul3A_18 = arith.constant 128 : i32
      %mul3A_19 = arith.muli %add3A_17, %mul3A_18 : i32
      %dma_start3A_20 = tpu.memref_slice %arg5[%mul3A_19] : memref<2560xi32, #tpu.memory_space<vmem>> -> memref<128xi32, #tpu.memory_space<vmem>>
      %dma_start3A_21 = arith.constant 0 : i32
      %dma_start3A_22 = arith.constant 0 : i32
      %dma_start3A_23 = tpu.memref_slice %arg2[%dma_start3A_21, %dma_start3A_22] : memref<1000x128xf32, #tpu.memory_space<hbm>> -> memref<1000x128xf32, #tpu.memory_space<hbm>>
      tpu.enqueue_indirect_dma source(%dma_start3A_23 : memref<1000x128xf32, #tpu.memory_space<hbm>>) target(%arg7 : memref<128x128xf32, #tpu.memory_space<vmem>>) offsets(%dma_start3A_20 : memref<128xi32, #tpu.memory_space<vmem>>) semaphore(%arg9 : memref<!tpu.dma_semaphore, #tpu.memory_space<semaphore_mem>>)
      %dma_wait3A = arith.constant 0 : i32
      %dma_wait3A_24 = tpu.memref_slice %arg5[%dma_wait3A] : memref<2560xi32, #tpu.memory_space<vmem>> -> memref<128xi32, #tpu.memory_space<vmem>>
      %dma_wait3A_25 = arith.constant 0 : i32
      %dma_wait3A_26 = arith.constant 0 : i32
      %dma_wait3A_27 = tpu.memref_slice %arg2[%dma_wait3A_25, %dma_wait3A_26] : memref<1000x128xf32, #tpu.memory_space<hbm>> -> memref<1000x128xf32, #tpu.memory_space<hbm>>
      tpu.wait_indirect_dma semaphore(%arg8 : memref<!tpu.dma_semaphore, #tpu.memory_space<semaphore_mem>>) src(%dma_wait3A_27 : memref<1000x128xf32, #tpu.memory_space<hbm>>) dst(%arg6 : memref<128x128xf32, #tpu.memory_space<vmem>>)
      %mul3A_28 = arith.constant 128 : i32
      %mul3A_29 = arith.muli %add3A_15, %mul3A_28 : i32
      %add3A_30 = arith.addi %mul3A_2, %mul3A_29 : i32
      "tpu.region"() ({
        %run_scoped3A = tpu.sem_alloc : memref<!tpu.dma_semaphore, #tpu.memory_space<semaphore_mem>>
        %dma_start3A_45 = arith.constant 0 : i32
        %dma_start3A_46 = tpu.memref_slice %arg4[%add3A_30, %dma_start3A_45] : memref<81920x128xf32, #tpu.memory_space<hbm>> -> memref<128x128xf32, #tpu.memory_space<hbm>>
        %dma_start3A_47 = arith.constant 0 : i32
        %dma_start3A_48 = tpu.memref_slice %arg4[%add3A_30, %dma_start3A_47] : memref<81920x128xf32, #tpu.memory_space<hbm>> -> memref<128x128xf32, #tpu.memory_space<hbm>>
        tpu.enqueue_dma source(%arg6 : memref<128x128xf32, #tpu.memory_space<vmem>>) target(%dma_start3A_48 : memref<128x128xf32, #tpu.memory_space<hbm>>) target_semaphore(%run_scoped3A : memref<!tpu.dma_semaphore, #tpu.memory_space<semaphore_mem>>)
        %dma_wait3A_49 = arith.constant 0 : i32
        %dma_wait3A_50 = tpu.memref_slice %arg4[%add3A_30, %dma_wait3A_49] : memref<81920x128xf32, #tpu.memory_space<hbm>> -> memref<128x128xf32, #tpu.memory_space<hbm>>
        %dma_wait3A_51 = arith.constant 0 : i32
        %dma_wait3A_52 = tpu.memref_slice %arg4[%add3A_30, %dma_wait3A_51] : memref<81920x128xf32, #tpu.memory_space<hbm>> -> memref<128x128xf32, #tpu.memory_space<hbm>>
        tpu.wait_dma2 semaphore(%run_scoped3A : memref<!tpu.dma_semaphore, #tpu.memory_space<semaphore_mem>>) src(%arg6 : memref<128x128xf32, #tpu.memory_space<vmem>>) dst(%dma_wait3A_52 : memref<128x128xf32, #tpu.memory_space<hbm>>)
        tpu.yield
      }) : () -> ()
      %add3A_31 = arith.constant 2 : i32
      %add3A_32 = arith.addi %add3A_15, %add3A_31 : i32
      %lt3A = arith.constant 20 : i32
      %lt3A_33 = arith.cmpi slt, %add3A_32, %lt3A : i32
      %convert_element_type3A = arith.extui %lt3A_33 : i1 to i32
      %cond3A = arith.constant 0 : i32
      %cond3A_34 = arith.cmpi ne, %convert_element_type3A, %cond3A : i32
      scf.if %cond3A_34 {
        %add3A_45 = arith.constant 2 : i32
        %add3A_46 = arith.addi %add3A_15, %add3A_45 : i32
        %mul3A_47 = arith.constant 128 : i32
        %mul3A_48 = arith.muli %add3A_46, %mul3A_47 : i32
        %dma_start3A_49 = tpu.memref_slice %arg5[%mul3A_48] : memref<2560xi32, #tpu.memory_space<vmem>> -> memref<128xi32, #tpu.memory_space<vmem>>
        %dma_start3A_50 = arith.constant 0 : i32
        %dma_start3A_51 = arith.constant 0 : i32
        %dma_start3A_52 = tpu.memref_slice %arg2[%dma_start3A_50, %dma_start3A_51] : memref<1000x128xf32, #tpu.memory_space<hbm>> -> memref<1000x128xf32, #tpu.memory_space<hbm>>
        tpu.enqueue_indirect_dma source(%dma_start3A_52 : memref<1000x128xf32, #tpu.memory_space<hbm>>) target(%arg6 : memref<128x128xf32, #tpu.memory_space<vmem>>) offsets(%dma_start3A_49 : memref<128xi32, #tpu.memory_space<vmem>>) semaphore(%arg8 : memref<!tpu.dma_semaphore, #tpu.memory_space<semaphore_mem>>)
      } else {
      }
      %dma_wait3A_35 = arith.constant 0 : i32
      %dma_wait3A_36 = tpu.memref_slice %arg5[%dma_wait3A_35] : memref<2560xi32, #tpu.memory_space<vmem>> -> memref<128xi32, #tpu.memory_space<vmem>>
      %dma_wait3A_37 = arith.constant 0 : i32
      %dma_wait3A_38 = arith.constant 0 : i32
      %dma_wait3A_39 = tpu.memref_slice %arg2[%dma_wait3A_37, %dma_wait3A_38] : memref<1000x128xf32, #tpu.memory_space<hbm>> -> memref<1000x128xf32, #tpu.memory_space<hbm>>
      tpu.wait_indirect_dma semaphore(%arg9 : memref<!tpu.dma_semaphore, #tpu.memory_space<semaphore_mem>>) src(%dma_wait3A_39 : memref<1000x128xf32, #tpu.memory_space<hbm>>) dst(%arg7 : memref<128x128xf32, #tpu.memory_space<vmem>>)
      %add3A_40 = arith.constant 1 : i32
      %add3A_41 = arith.addi %add3A_15, %add3A_40 : i32
      %mul3A_42 = arith.constant 128 : i32
      %mul3A_43 = arith.muli %add3A_41, %mul3A_42 : i32
      %add3A_44 = arith.addi %mul3A_2, %mul3A_43 : i32
      "tpu.region"() ({
        %run_scoped3A = tpu.sem_alloc : memref<!tpu.dma_semaphore, #tpu.memory_space<semaphore_mem>>
        %dma_start3A_45 = arith.constant 0 : i32
        %dma_start3A_46 = tpu.memref_slice %arg4[%add3A_44, %dma_start3A_45] : memref<81920x128xf32, #tpu.memory_space<hbm>> -> memref<128x128xf32, #tpu.memory_space<hbm>>
        %dma_start3A_47 = arith.constant 0 : i32
        %dma_start3A_48 = tpu.memref_slice %arg4[%add3A_44, %dma_start3A_47] : memref<81920x128xf32, #tpu.memory_space<hbm>> -> memref<128x128xf32, #tpu.memory_space<hbm>>
        tpu.enqueue_dma source(%arg7 : memref<128x128xf32, #tpu.memory_space<vmem>>) target(%dma_start3A_48 : memref<128x128xf32, #tpu.memory_space<hbm>>) target_semaphore(%run_scoped3A : memref<!tpu.dma_semaphore, #tpu.memory_space<semaphore_mem>>)
        %dma_wait3A_49 = arith.constant 0 : i32
        %dma_wait3A_50 = tpu.memref_slice %arg4[%add3A_44, %dma_wait3A_49] : memref<81920x128xf32, #tpu.memory_space<hbm>> -> memref<128x128xf32, #tpu.memory_space<hbm>>
        %dma_wait3A_51 = arith.constant 0 : i32
        %dma_wait3A_52 = tpu.memref_slice %arg4[%add3A_44, %dma_wait3A_51] : memref<81920x128xf32, #tpu.memory_space<hbm>> -> memref<128x128xf32, #tpu.memory_space<hbm>>
        tpu.wait_dma2 semaphore(%run_scoped3A : memref<!tpu.dma_semaphore, #tpu.memory_space<semaphore_mem>>) src(%arg7 : memref<128x128xf32, #tpu.memory_space<vmem>>) dst(%dma_wait3A_52 : memref<128x128xf32, #tpu.memory_space<hbm>>)
        tpu.yield
      }) : () -> ()
    }
    %scan3A_10 = arith.constant 10 : i32
    return
  }
}

#map = affine_map<(d0, d1) -> (0, 0)>
#map1 = affine_map<(d0, d1) -> (0)>
module attributes {stable_mosaic.version = 14 : i64} {
  func.func @gather_kernel(%arg0: i32, %arg1: i32, %arg2: memref<1000x128xf32, #tpu.memory_space<hbm>>, %arg3: memref<81920xi32, #tpu.memory_space<hbm>>, %arg4: memref<81920x128xf32, #tpu.memory_space<hbm>>, %arg5: memref<2560xi32, #tpu.memory_space<vmem>>, %arg6: memref<128x128xf32, #tpu.memory_space<vmem>>, %arg7: memref<128x128xf32, #tpu.memory_space<vmem>>, %arg8: memref<!tpu.dma_semaphore, #tpu.memory_space<semaphore_mem>>, %arg9: memref<!tpu.dma_semaphore, #tpu.memory_space<semaphore_mem>>) attributes {dimension_semantics = [#tpu.dimension_semantics<core_parallel>, #tpu.dimension_semantics<subcore_parallel>], iteration_bounds = array<i64: 2, 16>, scalar_prefetch = 0 : i64, scratch_operands = 5 : i64, tpu.core_type = #tpu.core_type<sc_vector_subcore>, window_params = [{transform_indices = #map}, {transform_indices = #map1}, {transform_indices = #map}]} {
    %mul3A = arith.constant 2 : i32
    %mul3A_0 = arith.muli %arg1, %mul3A : i32
    %add3A = arith.addi %mul3A_0, %arg0 : i32
    %mul3A_1 = arith.constant 2560 : i32
    %mul3A_2 = arith.muli %add3A, %mul3A_1 : i32
    "tpu.region"() ({
      %run_scoped3A = tpu.sem_alloc : memref<!tpu.dma_semaphore, #tpu.memory_space<semaphore_mem>>
      %dma_start3A_11 = tpu.memref_slice %arg3[%mul3A_2] : memref<81920xi32, #tpu.memory_space<hbm>> -> memref<2560xi32, #tpu.memory_space<hbm>>
      %dma_start3A_12 = tpu.memref_slice %arg3[%mul3A_2] : memref<81920xi32, #tpu.memory_space<hbm>> -> memref<2560xi32, #tpu.memory_space<hbm>>
      tpu.enqueue_dma source(%dma_start3A_12 : memref<2560xi32, #tpu.memory_space<hbm>>) target(%arg5 : memref<2560xi32, #tpu.memory_space<vmem>>) target_semaphore(%run_scoped3A : memref<!tpu.dma_semaphore, #tpu.memory_space<semaphore_mem>>)
      %dma_wait3A = tpu.memref_slice %arg3[%mul3A_2] : memref<81920xi32, #tpu.memory_space<hbm>> -> memref<2560xi32, #tpu.memory_space<hbm>>
      %dma_wait3A_13 = tpu.memref_slice %arg3[%mul3A_2] : memref<81920xi32, #tpu.memory_space<hbm>> -> memref<2560xi32, #tpu.memory_space<hbm>>
      tpu.wait_dma2 semaphore(%run_scoped3A : memref<!tpu.dma_semaphore, #tpu.memory_space<semaphore_mem>>) src(%dma_wait3A_13 : memref<2560xi32, #tpu.memory_space<hbm>>) dst(%arg5 : memref<2560xi32, #tpu.memory_space<vmem>>)
      tpu.yield
    }) : () -> ()
    %dma_start3A = arith.constant 0 : i32
    %dma_start3A_3 = tpu.memref_slice %arg5[%dma_start3A] : memref<2560xi32, #tpu.memory_space<vmem>> -> memref<128xi32, #tpu.memory_space<vmem>>
    %dma_start3A_4 = arith.constant 0 : i32
    %dma_start3A_5 = arith.constant 0 : i32
    %dma_start3A_6 = tpu.memref_slice %arg2[%dma_start3A_4, %dma_start3A_5] : memref<1000x128xf32, #tpu.memory_space<hbm>> -> memref<1000x128xf32, #tpu.memory_space<hbm>>
    tpu.enqueue_indirect_dma source(%dma_start3A_6 : memref<1000x128xf32, #tpu.memory_space<hbm>>) target(%arg6 : memref<128x128xf32, #tpu.memory_space<vmem>>) offsets(%dma_start3A_3 : memref<128xi32, #tpu.memory_space<vmem>>) semaphore(%arg8 : memref<!tpu.dma_semaphore, #tpu.memory_space<semaphore_mem>>)
    %scan3A = arith.constant 0 : i32
    %scan3A_7 = arith.constant 10 : i32
    %scan3A_8 = arith.addi %scan3A, %scan3A_7 : i32
    %scan3A_9 = arith.constant 1 : i32
    scf.for %scan3A_11 = %scan3A to %scan3A_8 step %scan3A_9  : i32 {
      %mul3A_12 = arith.constant 2 : i32
      %mul3A_13 = arith.muli %scan3A_11, %mul3A_12 : i32
      %add3A_14 = arith.constant 0 : i32
      %add3A_15 = arith.addi %add3A_14, %mul3A_13 : i32
      %add3A_16 = arith.constant 1 : i32
      %add3A_17 = arith.addi %add3A_15, %add3A_16 : i32
      %mul3A_18 = arith.constant 128 : i32
      %mul3A_19 = arith.muli %add3A_17, %mul3A_18 : i32
      %dma_start3A_20 = tpu.memref_slice %arg5[%mul3A_19] : memref<2560xi32, #tpu.memory_space<vmem>> -> memref<128xi32, #tpu.memory_space<vmem>>
      %dma_start3A_21 = arith.constant 0 : i32
      %dma_start3A_22 = arith.constant 0 : i32
      %dma_start3A_23 = tpu.memref_slice %arg2[%dma_start3A_21, %dma_start3A_22] : memref<1000x128xf32, #tpu.memory_space<hbm>> -> memref<1000x128xf32, #tpu.memory_space<hbm>>
      tpu.enqueue_indirect_dma source(%dma_start3A_23 : memref<1000x128xf32, #tpu.memory_space<hbm>>) target(%arg7 : memref<128x128xf32, #tpu.memory_space<vmem>>) offsets(%dma_start3A_20 : memref<128xi32, #tpu.memory_space<vmem>>) semaphore(%arg9 : memref<!tpu.dma_semaphore, #tpu.memory_space<semaphore_mem>>)
      %dma_wait3A = arith.constant 0 : i32
      %dma_wait3A_24 = tpu.memref_slice %arg5[%dma_wait3A] : memref<2560xi32, #tpu.memory_space<vmem>> -> memref<128xi32, #tpu.memory_space<vmem>>
      %dma_wait3A_25 = arith.constant 0 : i32
      %dma_wait3A_26 = arith.constant 0 : i32
      %dma_wait3A_27 = tpu.memref_slice %arg2[%dma_wait3A_25, %dma_wait3A_26] : memref<1000x128xf32, #tpu.memory_space<hbm>> -> memref<1000x128xf32, #tpu.memory_space<hbm>>
      tpu.wait_indirect_dma semaphore(%arg8 : memref<!tpu.dma_semaphore, #tpu.memory_space<semaphore_mem>>) src(%dma_wait3A_27 : memref<1000x128xf32, #tpu.memory_space<hbm>>) dst(%arg6 : memref<128x128xf32, #tpu.memory_space<vmem>>)
      %mul3A_28 = arith.constant 128 : i32
      %mul3A_29 = arith.muli %add3A_15, %mul3A_28 : i32
      %add3A_30 = arith.addi %mul3A_2, %mul3A_29 : i32
      "tpu.region"() ({
        %run_scoped3A = tpu.sem_alloc : memref<!tpu.dma_semaphore, #tpu.memory_space<semaphore_mem>>
        %dma_start3A_45 = arith.constant 0 : i32
        %dma_start3A_46 = tpu.memref_slice %arg4[%add3A_30, %dma_start3A_45] : memref<81920x128xf32, #tpu.memory_space<hbm>> -> memref<128x128xf32, #tpu.memory_space<hbm>>
        %dma_start3A_47 = arith.constant 0 : i32
        %dma_start3A_48 = tpu.memref_slice %arg4[%add3A_30, %dma_start3A_47] : memref<81920x128xf32, #tpu.memory_space<hbm>> -> memref<128x128xf32, #tpu.memory_space<hbm>>
        tpu.enqueue_dma source(%arg6 : memref<128x128xf32, #tpu.memory_space<vmem>>) target(%dma_start3A_48 : memref<128x128xf32, #tpu.memory_space<hbm>>) target_semaphore(%run_scoped3A : memref<!tpu.dma_semaphore, #tpu.memory_space<semaphore_mem>>)
        %dma_wait3A_49 = arith.constant 0 : i32
        %dma_wait3A_50 = tpu.memref_slice %arg4[%add3A_30, %dma_wait3A_49] : memref<81920x128xf32, #tpu.memory_space<hbm>> -> memref<128x128xf32, #tpu.memory_space<hbm>>
        %dma_wait3A_51 = arith.constant 0 : i32
        %dma_wait3A_52 = tpu.memref_slice %arg4[%add3A_30, %dma_wait3A_51] : memref<81920x128xf32, #tpu.memory_space<hbm>> -> memref<128x128xf32, #tpu.memory_space<hbm>>
        tpu.wait_dma2 semaphore(%run_scoped3A : memref<!tpu.dma_semaphore, #tpu.memory_space<semaphore_mem>>) src(%arg6 : memref<128x128xf32, #tpu.memory_space<vmem>>) dst(%dma_wait3A_52 : memref<128x128xf32, #tpu.memory_space<hbm>>)
        tpu.yield
      }) : () -> ()
      %add3A_31 = arith.constant 2 : i32
      %add3A_32 = arith.addi %add3A_15, %add3A_31 : i32
      %lt3A = arith.constant 20 : i32
      %lt3A_33 = arith.cmpi slt, %add3A_32, %lt3A : i32
      %convert_element_type3A = arith.extui %lt3A_33 : i1 to i32
      %cond3A = arith.constant 0 : i32
      %cond3A_34 = arith.cmpi ne, %convert_element_type3A, %cond3A : i32
      scf.if %cond3A_34 {
        %add3A_45 = arith.constant 2 : i32
        %add3A_46 = arith.addi %add3A_15, %add3A_45 : i32
        %mul3A_47 = arith.constant 128 : i32
        %mul3A_48 = arith.muli %add3A_46, %mul3A_47 : i32
        %dma_start3A_49 = tpu.memref_slice %arg5[%mul3A_48] : memref<2560xi32, #tpu.memory_space<vmem>> -> memref<128xi32, #tpu.memory_space<vmem>>
        %dma_start3A_50 = arith.constant 0 : i32
        %dma_start3A_51 = arith.constant 0 : i32
        %dma_start3A_52 = tpu.memref_slice %arg2[%dma_start3A_50, %dma_start3A_51] : memref<1000x128xf32, #tpu.memory_space<hbm>> -> memref<1000x128xf32, #tpu.memory_space<hbm>>
        tpu.enqueue_indirect_dma source(%dma_start3A_52 : memref<1000x128xf32, #tpu.memory_space<hbm>>) target(%arg6 : memref<128x128xf32, #tpu.memory_space<vmem>>) offsets(%dma_start3A_49 : memref<128xi32, #tpu.memory_space<vmem>>) semaphore(%arg8 : memref<!tpu.dma_semaphore, #tpu.memory_space<semaphore_mem>>)
      } else {
      }
      %dma_wait3A_35 = arith.constant 0 : i32
      %dma_wait3A_36 = tpu.memref_slice %arg5[%dma_wait3A_35] : memref<2560xi32, #tpu.memory_space<vmem>> -> memref<128xi32, #tpu.memory_space<vmem>>
      %dma_wait3A_37 = arith.constant 0 : i32
      %dma_wait3A_38 = arith.constant 0 : i32
      %dma_wait3A_39 = tpu.memref_slice %arg2[%dma_wait3A_37, %dma_wait3A_38] : memref<1000x128xf32, #tpu.memory_space<hbm>> -> memref<1000x128xf32, #tpu.memory_space<hbm>>
      tpu.wait_indirect_dma semaphore(%arg9 : memref<!tpu.dma_semaphore, #tpu.memory_space<semaphore_mem>>) src(%dma_wait3A_39 : memref<1000x128xf32, #tpu.memory_space<hbm>>) dst(%arg7 : memref<128x128xf32, #tpu.memory_space<vmem>>)
      %add3A_40 = arith.constant 1 : i32
      %add3A_41 = arith.addi %add3A_15, %add3A_40 : i32
      %mul3A_42 = arith.constant 128 : i32
      %mul3A_43 = arith.muli %add3A_41, %mul3A_42 : i32
      %add3A_44 = arith.addi %mul3A_2, %mul3A_43 : i32
      "tpu.region"() ({
        %run_scoped3A = tpu.sem_alloc : memref<!tpu.dma_semaphore, #tpu.memory_space<semaphore_mem>>
        %dma_start3A_45 = arith.constant 0 : i32
        %dma_start3A_46 = tpu.memref_slice %arg4[%add3A_44, %dma_start3A_45] : memref<81920x128xf32, #tpu.memory_space<hbm>> -> memref<128x128xf32, #tpu.memory_space<hbm>>
        %dma_start3A_47 = arith.constant 0 : i32
        %dma_start3A_48 = tpu.memref_slice %arg4[%add3A_44, %dma_start3A_47] : memref<81920x128xf32, #tpu.memory_space<hbm>> -> memref<128x128xf32, #tpu.memory_space<hbm>>
        tpu.enqueue_dma source(%arg7 : memref<128x128xf32, #tpu.memory_space<vmem>>) target(%dma_start3A_48 : memref<128x128xf32, #tpu.memory_space<hbm>>) target_semaphore(%run_scoped3A : memref<!tpu.dma_semaphore, #tpu.memory_space<semaphore_mem>>)
        %dma_wait3A_49 = arith.constant 0 : i32
        %dma_wait3A_50 = tpu.memref_slice %arg4[%add3A_44, %dma_wait3A_49] : memref<81920x128xf32, #tpu.memory_space<hbm>> -> memref<128x128xf32, #tpu.memory_space<hbm>>
        %dma_wait3A_51 = arith.constant 0 : i32
        %dma_wait3A_52 = tpu.memref_slice %arg4[%add3A_44, %dma_wait3A_51] : memref<81920x128xf32, #tpu.memory_space<hbm>> -> memref<128x128xf32, #tpu.memory_space<hbm>>
        tpu.wait_dma2 semaphore(%run_scoped3A : memref<!tpu.dma_semaphore, #tpu.memory_space<semaphore_mem>>) src(%arg7 : memref<128x128xf32, #tpu.memory_space<vmem>>) dst(%dma_wait3A_52 : memref<128x128xf32, #tpu.memory_space<hbm>>)
        tpu.yield
      }) : () -> ()
    }
    %scan3A_10 = arith.constant 10 : i32
    return
  }
}

module attributes {stable_mosaic.version = 14 : i64} {
  func.func @_project_kernel(%arg0: memref<1000x64xf32, #tpu.memory_space<vmem>>, %arg1: memref<64x128xf32, #tpu.memory_space<vmem>>, %arg2: memref<1000x128xf32, #tpu.memory_space<vmem>>) attributes {dimension_semantics = [], scalar_prefetch = 0 : i64, scratch_operands = 0 : i64, tpu.core_type = #tpu.core_type<tc>} {
    %get3A = arith.constant 0 : index
    %get3A_0 = arith.constant 0 : index
    %get3A_1 = vector.load %arg0[%get3A, %get3A_0] : memref<1000x64xf32, #tpu.memory_space<vmem>>, vector<1000x64xf32>
    %get3A_2 = arith.constant 0 : index
    %get3A_3 = arith.constant 0 : index
    %get3A_4 = vector.load %arg1[%get3A_2, %get3A_3] : memref<64x128xf32, #tpu.memory_space<vmem>>, vector<64x128xf32>
    %dot_general3A = arith.constant dense<0.000000e+00> : vector<1000x128xf32>
    %dot_general3A_5 = tpu.matmul %get3A_1, %get3A_4, %dot_general3A {dimension_numbers = #tpu.dot_dimension_numbers<[1], [0], [0], [1], [0, 0, 1, 1], [], []>, transpose_lhs_hint = false} : vector<1000x64xf32>, vector<64x128xf32>, vector<1000x128xf32> -> vector<1000x128xf32>
    %swap3A = arith.constant 0 : index
    %swap3A_6 = arith.constant 0 : index
    %swap3A_7 = vector.load %arg2[%swap3A, %swap3A_6] : memref<1000x128xf32, #tpu.memory_space<vmem>>, vector<1000x128xf32>
    tpu.vector_store %arg2[%swap3A, %swap3A_6], %dot_general3A_5 {strides = array<i32>} : memref<1000x128xf32, #tpu.memory_space<vmem>>, vector<1000x128xf32>,
    return
  }
}

module attributes {stable_mosaic.version = 14 : i64} {
  func.func @_lstm_chunk_kernel(%arg0: i32, %arg1: memref<1x4096x128xf32, #tpu.memory_space<vmem>>, %arg2: memref<128x32xf32, #tpu.memory_space<vmem>>, %arg3: memref<128x1xf32, #tpu.memory_space<vmem>>, %arg4: memref<10x32xf32, #tpu.memory_space<vmem>>, %arg5: memref<1x10xf32, #tpu.memory_space<vmem>>, %arg6: memref<32x4096xf32, #tpu.memory_space<vmem>>, %arg7: memref<32x4096xf32, #tpu.memory_space<vmem>>, %arg8: memref<32x4096xf32, #tpu.memory_space<vmem>>, %arg9: memref<32x4096xf32, #tpu.memory_space<vmem>>, %arg10: memref<4096x10xf32, #tpu.memory_space<vmem>>) attributes {dimension_semantics = [#tpu.dimension_semantics<arbitrary>], iteration_bounds = array<i64: 20>, scalar_prefetch = 0 : i64, scratch_operands = 0 : i64, tpu.core_type = #tpu.core_type<tc>, window_params = [{transform_indices = @transform_0, window_bounds = array<i64: 1, 4096, 128>}, {pipeline_mode = #tpu.pipeline_mode<synchronous>, transform_indices = @transform_1, window_bounds = array<i64: 128, 32>}, {pipeline_mode = #tpu.pipeline_mode<synchronous>, transform_indices = @transform_2, window_bounds = array<i64: 128, 1>}, {pipeline_mode = #tpu.pipeline_mode<synchronous>, transform_indices = @transform_3, window_bounds = array<i64: 10, 32>}, {pipeline_mode = #tpu.pipeline_mode<synchronous>, transform_indices = @transform_4, window_bounds = array<i64: 1, 10>}, {pipeline_mode = #tpu.pipeline_mode<synchronous>, transform_indices = @transform_5, window_bounds = array<i64: 32, 4096>}, {pipeline_mode = #tpu.pipeline_mode<synchronous>, transform_indices = @transform_6, window_bounds = array<i64: 32, 4096>}, {pipeline_mode = #tpu.pipeline_mode<synchronous>, transform_indices = @transform_7, window_bounds = array<i64: 32, 4096>}, {pipeline_mode = #tpu.pipeline_mode<synchronous>, transform_indices = @transform_8, window_bounds = array<i64: 32, 4096>}, {pipeline_mode = #tpu.pipeline_mode<synchronous>, transform_indices = @transform_9, window_bounds = array<i64: 4096, 10>}]} {
    %eq3A = arith.constant 0 : i32
    %eq3A_0 = arith.cmpi eq, %arg0, %eq3A : i32
    %convert_element_type3A = arith.extui %eq3A_0 : i1 to i32
    %cond3A = arith.constant 0 : i32
    %cond3A_1 = arith.cmpi ne, %convert_element_type3A, %cond3A : i32
    scf.if %cond3A_1 {
      %get3A_68 = arith.constant 0 : index
      %get3A_69 = arith.constant 0 : index
      %get3A_70 = vector.load %arg6[%get3A_68, %get3A_69] : memref<32x4096xf32, #tpu.memory_space<vmem>>, vector<32x4096xf32>
      %swap3A_71 = arith.constant 0 : index
      %swap3A_72 = arith.constant 0 : index
      %swap3A_73 = vector.load %arg8[%swap3A_71, %swap3A_72] : memref<32x4096xf32, #tpu.memory_space<vmem>>, vector<32x4096xf32>
      tpu.vector_store %arg8[%swap3A_71, %swap3A_72], %get3A_70 {strides = array<i32>} : memref<32x4096xf32, #tpu.memory_space<vmem>>, vector<32x4096xf32>,
      %get3A_74 = arith.constant 0 : index
      %get3A_75 = arith.constant 0 : index
      %get3A_76 = vector.load %arg7[%get3A_74, %get3A_75] : memref<32x4096xf32, #tpu.memory_space<vmem>>, vector<32x4096xf32>
      %swap3A_77 = arith.constant 0 : index
      %swap3A_78 = arith.constant 0 : index
      %swap3A_79 = vector.load %arg9[%swap3A_77, %swap3A_78] : memref<32x4096xf32, #tpu.memory_space<vmem>>, vector<32x4096xf32>
      tpu.vector_store %arg9[%swap3A_77, %swap3A_78], %get3A_76 {strides = array<i32>} : memref<32x4096xf32, #tpu.memory_space<vmem>>, vector<32x4096xf32>,
    } else {
    }
    %get3A = arith.constant 0 : index
    %get3A_2 = arith.constant 0 : index
    %get3A_3 = vector.load %arg8[%get3A, %get3A_2] : memref<32x4096xf32, #tpu.memory_space<vmem>>, vector<32x4096xf32>
    %get3A_4 = arith.constant 0 : index
    %get3A_5 = arith.constant 0 : index
    %get3A_6 = arith.constant 0 : index
    %get3A_7 = vector.load %arg1[%get3A_4, %get3A_5, %get3A_6] : memref<1x4096x128xf32, #tpu.memory_space<vmem>>, vector<1x4096x128xf32>
    %get3A_8 = vector.shape_cast %get3A_7 : vector<1x4096x128xf32> to vector<4096x128xf32>
    %transpose3A = tpu.transpose %get3A_8, [1, 0] : vector<4096x128xf32> -> vector<128x4096xf32>
    %get3A_9 = arith.constant 0 : index
    %get3A_10 = arith.constant 0 : index
    %get3A_11 = vector.load %arg3[%get3A_9, %get3A_10] : memref<128x1xf32, #tpu.memory_space<vmem>>, vector<128x1xf32>
    %add3A = vector.broadcast %get3A_11 : vector<128x1xf32> to vector<128x4096xf32>
    %add3A_12 = arith.addf %transpose3A, %add3A : vector<128x4096xf32>
    %get3A_13 = arith.constant 0 : index
    %get3A_14 = arith.constant 0 : index
    %get3A_15 = vector.load %arg2[%get3A_13, %get3A_14] : memref<128x32xf32, #tpu.memory_space<vmem>>, vector<128x32xf32>
    %dot_general3A = arith.constant dense<0.000000e+00> : vector<128x4096xf32>
    %dot_general3A_16 = tpu.matmul %get3A_15, %get3A_3, %dot_general3A {dimension_numbers = #tpu.dot_dimension_numbers<[1], [0], [0], [1], [0, 0, 1, 1], [], []>, transpose_lhs_hint = false} : vector<128x32xf32>, vector<32x4096xf32>, vector<128x4096xf32> -> vector<128x4096xf32>
    %add3A_17 = arith.addf %add3A_12, %dot_general3A_16 : vector<128x4096xf32>
    %slice3A = vector.extract_strided_slice %add3A_17 {offsets = [0, 0], sizes = [32, 4096], strides = [1, 1]} : vector<128x4096xf32> to vector<32x4096xf32>
    %mul3A = arith.constant 5.000000e-01 : f32
    %mul3A_18 = vector.broadcast %mul3A : f32 to vector<32x4096xf32>
    %mul3A_19 = arith.mulf %mul3A_18, %slice3A : vector<32x4096xf32>
    %tanh3A = math.tanh %mul3A_19 : vector<32x4096xf32>
    %mul3A_20 = arith.constant 5.000000e-01 : f32
    %mul3A_21 = vector.broadcast %mul3A_20 : f32 to vector<32x4096xf32>
    %mul3A_22 = arith.mulf %mul3A_21, %tanh3A : vector<32x4096xf32>
    %add3A_23 = arith.constant 5.000000e-01 : f32
    %add3A_24 = vector.broadcast %add3A_23 : f32 to vector<32x4096xf32>
    %add3A_25 = arith.addf %mul3A_22, %add3A_24 : vector<32x4096xf32>
    %slice3A_26 = vector.extract_strided_slice %add3A_17 {offsets = [32, 0], sizes = [32, 4096], strides = [1, 1]} : vector<128x4096xf32> to vector<32x4096xf32>
    %mul3A_27 = arith.constant 5.000000e-01 : f32
    %mul3A_28 = vector.broadcast %mul3A_27 : f32 to vector<32x4096xf32>
    %mul3A_29 = arith.mulf %mul3A_28, %slice3A_26 : vector<32x4096xf32>
    %tanh3A_30 = math.tanh %mul3A_29 : vector<32x4096xf32>
    %mul3A_31 = arith.constant 5.000000e-01 : f32
    %mul3A_32 = vector.broadcast %mul3A_31 : f32 to vector<32x4096xf32>
    %mul3A_33 = arith.mulf %mul3A_32, %tanh3A_30 : vector<32x4096xf32>
    %add3A_34 = arith.constant 5.000000e-01 : f32
    %add3A_35 = vector.broadcast %add3A_34 : f32 to vector<32x4096xf32>
    %add3A_36 = arith.addf %mul3A_33, %add3A_35 : vector<32x4096xf32>
    %slice3A_37 = vector.extract_strided_slice %add3A_17 {offsets = [64, 0], sizes = [32, 4096], strides = [1, 1]} : vector<128x4096xf32> to vector<32x4096xf32>
    %tanh3A_38 = math.tanh %slice3A_37 : vector<32x4096xf32>
    %slice3A_39 = vector.extract_strided_slice %add3A_17 {offsets = [96, 0], sizes = [32, 4096], strides = [1, 1]} : vector<128x4096xf32> to vector<32x4096xf32>
    %mul3A_40 = arith.constant 5.000000e-01 : f32
    %mul3A_41 = vector.broadcast %mul3A_40 : f32 to vector<32x4096xf32>
    %mul3A_42 = arith.mulf %mul3A_41, %slice3A_39 : vector<32x4096xf32>
    %tanh3A_43 = math.tanh %mul3A_42 : vector<32x4096xf32>
    %mul3A_44 = arith.constant 5.000000e-01 : f32
    %mul3A_45 = vector.broadcast %mul3A_44 : f32 to vector<32x4096xf32>
    %mul3A_46 = arith.mulf %mul3A_45, %tanh3A_43 : vector<32x4096xf32>
    %add3A_47 = arith.constant 5.000000e-01 : f32
    %add3A_48 = vector.broadcast %add3A_47 : f32 to vector<32x4096xf32>
    %add3A_49 = arith.addf %mul3A_46, %add3A_48 : vector<32x4096xf32>
    %get3A_50 = arith.constant 0 : index
    %get3A_51 = arith.constant 0 : index
    %get3A_52 = vector.load %arg9[%get3A_50, %get3A_51] : memref<32x4096xf32, #tpu.memory_space<vmem>>, vector<32x4096xf32>
    %mul3A_53 = arith.mulf %add3A_36, %get3A_52 : vector<32x4096xf32>
    %mul3A_54 = arith.mulf %add3A_25, %tanh3A_38 : vector<32x4096xf32>
    %add3A_55 = arith.addf %mul3A_53, %mul3A_54 : vector<32x4096xf32>
    %tanh3A_56 = math.tanh %add3A_55 : vector<32x4096xf32>
    %mul3A_57 = arith.mulf %add3A_49, %tanh3A_56 : vector<32x4096xf32>
    %swap3A = arith.constant 0 : index
    %swap3A_58 = arith.constant 0 : index
    %swap3A_59 = vector.load %arg9[%swap3A, %swap3A_58] : memref<32x4096xf32, #tpu.memory_space<vmem>>, vector<32x4096xf32>
    tpu.vector_store %arg9[%swap3A, %swap3A_58], %add3A_55 {strides = array<i32>} : memref<32x4096xf32, #tpu.memory_space<vmem>>, vector<32x4096xf32>,
    %swap3A_60 = arith.constant 0 : index
    %swap3A_61 = arith.constant 0 : index
    %swap3A_62 = vector.load %arg8[%swap3A_60, %swap3A_61] : memref<32x4096xf32, #tpu.memory_space<vmem>>, vector<32x4096xf32>
    tpu.vector_store %arg8[%swap3A_60, %swap3A_61], %mul3A_57 {strides = array<i32>} : memref<32x4096xf32, #tpu.memory_space<vmem>>, vector<32x4096xf32>,
    %eq3A_63 = arith.constant 19 : i32
    %eq3A_64 = arith.cmpi eq, %arg0, %eq3A_63 : i32
    %convert_element_type3A_65 = arith.extui %eq3A_64 : i1 to i32
    %cond3A_66 = arith.constant 0 : i32
    %cond3A_67 = arith.cmpi ne, %convert_element_type3A_65, %cond3A_66 : i32
    scf.if %cond3A_67 {
      %get3A_68 = arith.constant 0 : index
      %get3A_69 = arith.constant 0 : index
      %get3A_70 = vector.load %arg4[%get3A_68, %get3A_69] : memref<10x32xf32, #tpu.memory_space<vmem>>, vector<10x32xf32>
      %dot_general3A_71 = arith.constant dense<0.000000e+00> : vector<10x4096xf32>
      %dot_general3A_72 = tpu.matmul %get3A_70, %mul3A_57, %dot_general3A_71 {dimension_numbers = #tpu.dot_dimension_numbers<[1], [0], [0], [1], [0, 0, 1, 1], [], []>, transpose_lhs_hint = false} : vector<10x32xf32>, vector<32x4096xf32>, vector<10x4096xf32> -> vector<10x4096xf32>
      %transpose3A_73 = tpu.transpose %dot_general3A_72, [1, 0] : vector<10x4096xf32> -> vector<4096x10xf32>
      %get3A_74 = arith.constant 0 : index
      %get3A_75 = arith.constant 0 : index
      %get3A_76 = vector.load %arg5[%get3A_74, %get3A_75] : memref<1x10xf32, #tpu.memory_space<vmem>>, vector<1x10xf32>
      %add3A_77 = vector.broadcast %get3A_76 : vector<1x10xf32> to vector<4096x10xf32>
      %add3A_78 = arith.addf %transpose3A_73, %add3A_77 : vector<4096x10xf32>
      %swap3A_79 = arith.constant 0 : index
      %swap3A_80 = arith.constant 0 : index
      %swap3A_81 = vector.load %arg10[%swap3A_79, %swap3A_80] : memref<4096x10xf32, #tpu.memory_space<vmem>>, vector<4096x10xf32>
      tpu.vector_store %arg10[%swap3A_79, %swap3A_80], %add3A_78 {strides = array<i32>} : memref<4096x10xf32, #tpu.memory_space<vmem>>, vector<4096x10xf32>,
    } else {
    }
    return
  }
  func.func @transform_0(%arg0: i32) -> (i32, i32, i32) {
    %c0_i32 = arith.constant 0 : i32
    %c0_i32_0 = arith.constant 0 : i32
    %c0_i32_1 = arith.constant 0 : i32
    return %arg0, %c0_i32, %c0_i32_0 : i32, i32, i32
  }
  func.func @transform_1(%arg0: i32) -> (i32, i32) {
    %c0_i32 = arith.constant 0 : i32
    %c0_i32_0 = arith.constant 0 : i32
    %c0_i32_1 = arith.constant 0 : i32
    return %c0_i32, %c0_i32_0 : i32, i32
  }
  func.func @transform_2(%arg0: i32) -> (i32, i32) {
    %c0_i32 = arith.constant 0 : i32
    %c0_i32_0 = arith.constant 0 : i32
    %c0_i32_1 = arith.constant 0 : i32
    return %c0_i32, %c0_i32_0 : i32, i32
  }
  func.func @transform_3(%arg0: i32) -> (i32, i32) {
    %c0_i32 = arith.constant 0 : i32
    %c0_i32_0 = arith.constant 0 : i32
    %c0_i32_1 = arith.constant 0 : i32
    return %c0_i32, %c0_i32_0 : i32, i32
  }
  func.func @transform_4(%arg0: i32) -> (i32, i32) {
    %c0_i32 = arith.constant 0 : i32
    %c0_i32_0 = arith.constant 0 : i32
    %c0_i32_1 = arith.constant 0 : i32
    return %c0_i32, %c0_i32_0 : i32, i32
  }
  func.func @transform_5(%arg0: i32) -> (i32, i32) {
    %c0_i32 = arith.constant 0 : i32
    %c0_i32_0 = arith.constant 0 : i32
    %c0_i32_1 = arith.constant 0 : i32
    return %c0_i32, %c0_i32_0 : i32, i32
  }
  func.func @transform_6(%arg0: i32) -> (i32, i32) {
    %c0_i32 = arith.constant 0 : i32
    %c0_i32_0 = arith.constant 0 : i32
    %c0_i32_1 = arith.constant 0 : i32
    return %c0_i32, %c0_i32_0 : i32, i32
  }
  func.func @transform_7(%arg0: i32) -> (i32, i32) {
    %c0_i32 = arith.constant 0 : i32
    %c0_i32_0 = arith.constant 0 : i32
    %c0_i32_1 = arith.constant 0 : i32
    return %c0_i32, %c0_i32_0 : i32, i32
  }
  func.func @transform_8(%arg0: i32) -> (i32, i32) {
    %c0_i32 = arith.constant 0 : i32
    %c0_i32_0 = arith.constant 0 : i32
    %c0_i32_1 = arith.constant 0 : i32
    return %c0_i32, %c0_i32_0 : i32, i32
  }
  func.func @transform_9(%arg0: i32) -> (i32, i32) {
    %c0_i32 = arith.constant 0 : i32
    %c0_i32_0 = arith.constant 0 : i32
    %c0_i32_1 = arith.constant 0 : i32
    return %c0_i32, %c0_i32_0 : i32, i32
  }
}

module attributes {stable_mosaic.version = 14 : i64} {
  func.func @_lstm_chunk_kernel(%arg0: i32, %arg1: memref<1x4096x128xf32, #tpu.memory_space<vmem>>, %arg2: memref<128x32xf32, #tpu.memory_space<vmem>>, %arg3: memref<128x1xf32, #tpu.memory_space<vmem>>, %arg4: memref<10x32xf32, #tpu.memory_space<vmem>>, %arg5: memref<1x10xf32, #tpu.memory_space<vmem>>, %arg6: memref<32x4096xf32, #tpu.memory_space<vmem>>, %arg7: memref<32x4096xf32, #tpu.memory_space<vmem>>, %arg8: memref<32x4096xf32, #tpu.memory_space<vmem>>, %arg9: memref<32x4096xf32, #tpu.memory_space<vmem>>, %arg10: memref<4096x10xf32, #tpu.memory_space<vmem>>) attributes {dimension_semantics = [#tpu.dimension_semantics<arbitrary>], iteration_bounds = array<i64: 20>, scalar_prefetch = 0 : i64, scratch_operands = 0 : i64, tpu.core_type = #tpu.core_type<tc>, window_params = [{transform_indices = @transform_0, window_bounds = array<i64: 1, 4096, 128>}, {pipeline_mode = #tpu.pipeline_mode<synchronous>, transform_indices = @transform_1, window_bounds = array<i64: 128, 32>}, {pipeline_mode = #tpu.pipeline_mode<synchronous>, transform_indices = @transform_2, window_bounds = array<i64: 128, 1>}, {pipeline_mode = #tpu.pipeline_mode<synchronous>, transform_indices = @transform_3, window_bounds = array<i64: 10, 32>}, {pipeline_mode = #tpu.pipeline_mode<synchronous>, transform_indices = @transform_4, window_bounds = array<i64: 1, 10>}, {pipeline_mode = #tpu.pipeline_mode<synchronous>, transform_indices = @transform_5, window_bounds = array<i64: 32, 4096>}, {pipeline_mode = #tpu.pipeline_mode<synchronous>, transform_indices = @transform_6, window_bounds = array<i64: 32, 4096>}, {pipeline_mode = #tpu.pipeline_mode<synchronous>, transform_indices = @transform_7, window_bounds = array<i64: 32, 4096>}, {pipeline_mode = #tpu.pipeline_mode<synchronous>, transform_indices = @transform_8, window_bounds = array<i64: 32, 4096>}, {pipeline_mode = #tpu.pipeline_mode<synchronous>, transform_indices = @transform_9, window_bounds = array<i64: 4096, 10>}]} {
    %eq3A = arith.constant 0 : i32
    %eq3A_0 = arith.cmpi eq, %arg0, %eq3A : i32
    %convert_element_type3A = arith.extui %eq3A_0 : i1 to i32
    %cond3A = arith.constant 0 : i32
    %cond3A_1 = arith.cmpi ne, %convert_element_type3A, %cond3A : i32
    scf.if %cond3A_1 {
      %get3A_68 = arith.constant 0 : index
      %get3A_69 = arith.constant 0 : index
      %get3A_70 = vector.load %arg6[%get3A_68, %get3A_69] : memref<32x4096xf32, #tpu.memory_space<vmem>>, vector<32x4096xf32>
      %swap3A_71 = arith.constant 0 : index
      %swap3A_72 = arith.constant 0 : index
      %swap3A_73 = vector.load %arg8[%swap3A_71, %swap3A_72] : memref<32x4096xf32, #tpu.memory_space<vmem>>, vector<32x4096xf32>
      tpu.vector_store %arg8[%swap3A_71, %swap3A_72], %get3A_70 {strides = array<i32>} : memref<32x4096xf32, #tpu.memory_space<vmem>>, vector<32x4096xf32>,
      %get3A_74 = arith.constant 0 : index
      %get3A_75 = arith.constant 0 : index
      %get3A_76 = vector.load %arg7[%get3A_74, %get3A_75] : memref<32x4096xf32, #tpu.memory_space<vmem>>, vector<32x4096xf32>
      %swap3A_77 = arith.constant 0 : index
      %swap3A_78 = arith.constant 0 : index
      %swap3A_79 = vector.load %arg9[%swap3A_77, %swap3A_78] : memref<32x4096xf32, #tpu.memory_space<vmem>>, vector<32x4096xf32>
      tpu.vector_store %arg9[%swap3A_77, %swap3A_78], %get3A_76 {strides = array<i32>} : memref<32x4096xf32, #tpu.memory_space<vmem>>, vector<32x4096xf32>,
    } else {
    }
    %get3A = arith.constant 0 : index
    %get3A_2 = arith.constant 0 : index
    %get3A_3 = vector.load %arg8[%get3A, %get3A_2] : memref<32x4096xf32, #tpu.memory_space<vmem>>, vector<32x4096xf32>
    %get3A_4 = arith.constant 0 : index
    %get3A_5 = arith.constant 0 : index
    %get3A_6 = arith.constant 0 : index
    %get3A_7 = vector.load %arg1[%get3A_4, %get3A_5, %get3A_6] : memref<1x4096x128xf32, #tpu.memory_space<vmem>>, vector<1x4096x128xf32>
    %get3A_8 = vector.shape_cast %get3A_7 : vector<1x4096x128xf32> to vector<4096x128xf32>
    %transpose3A = tpu.transpose %get3A_8, [1, 0] : vector<4096x128xf32> -> vector<128x4096xf32>
    %get3A_9 = arith.constant 0 : index
    %get3A_10 = arith.constant 0 : index
    %get3A_11 = vector.load %arg3[%get3A_9, %get3A_10] : memref<128x1xf32, #tpu.memory_space<vmem>>, vector<128x1xf32>
    %add3A = vector.broadcast %get3A_11 : vector<128x1xf32> to vector<128x4096xf32>
    %add3A_12 = arith.addf %transpose3A, %add3A : vector<128x4096xf32>
    %get3A_13 = arith.constant 0 : index
    %get3A_14 = arith.constant 0 : index
    %get3A_15 = vector.load %arg2[%get3A_13, %get3A_14] : memref<128x32xf32, #tpu.memory_space<vmem>>, vector<128x32xf32>
    %dot_general3A = arith.constant dense<0.000000e+00> : vector<128x4096xf32>
    %dot_general3A_16 = tpu.matmul %get3A_15, %get3A_3, %dot_general3A {dimension_numbers = #tpu.dot_dimension_numbers<[1], [0], [0], [1], [0, 0, 1, 1], [], []>, transpose_lhs_hint = false} : vector<128x32xf32>, vector<32x4096xf32>, vector<128x4096xf32> -> vector<128x4096xf32>
    %add3A_17 = arith.addf %add3A_12, %dot_general3A_16 : vector<128x4096xf32>
    %slice3A = vector.extract_strided_slice %add3A_17 {offsets = [0, 0], sizes = [32, 4096], strides = [1, 1]} : vector<128x4096xf32> to vector<32x4096xf32>
    %mul3A = arith.constant 5.000000e-01 : f32
    %mul3A_18 = vector.broadcast %mul3A : f32 to vector<32x4096xf32>
    %mul3A_19 = arith.mulf %mul3A_18, %slice3A : vector<32x4096xf32>
    %tanh3A = math.tanh %mul3A_19 : vector<32x4096xf32>
    %mul3A_20 = arith.constant 5.000000e-01 : f32
    %mul3A_21 = vector.broadcast %mul3A_20 : f32 to vector<32x4096xf32>
    %mul3A_22 = arith.mulf %mul3A_21, %tanh3A : vector<32x4096xf32>
    %add3A_23 = arith.constant 5.000000e-01 : f32
    %add3A_24 = vector.broadcast %add3A_23 : f32 to vector<32x4096xf32>
    %add3A_25 = arith.addf %mul3A_22, %add3A_24 : vector<32x4096xf32>
    %slice3A_26 = vector.extract_strided_slice %add3A_17 {offsets = [32, 0], sizes = [32, 4096], strides = [1, 1]} : vector<128x4096xf32> to vector<32x4096xf32>
    %mul3A_27 = arith.constant 5.000000e-01 : f32
    %mul3A_28 = vector.broadcast %mul3A_27 : f32 to vector<32x4096xf32>
    %mul3A_29 = arith.mulf %mul3A_28, %slice3A_26 : vector<32x4096xf32>
    %tanh3A_30 = math.tanh %mul3A_29 : vector<32x4096xf32>
    %mul3A_31 = arith.constant 5.000000e-01 : f32
    %mul3A_32 = vector.broadcast %mul3A_31 : f32 to vector<32x4096xf32>
    %mul3A_33 = arith.mulf %mul3A_32, %tanh3A_30 : vector<32x4096xf32>
    %add3A_34 = arith.constant 5.000000e-01 : f32
    %add3A_35 = vector.broadcast %add3A_34 : f32 to vector<32x4096xf32>
    %add3A_36 = arith.addf %mul3A_33, %add3A_35 : vector<32x4096xf32>
    %slice3A_37 = vector.extract_strided_slice %add3A_17 {offsets = [64, 0], sizes = [32, 4096], strides = [1, 1]} : vector<128x4096xf32> to vector<32x4096xf32>
    %tanh3A_38 = math.tanh %slice3A_37 : vector<32x4096xf32>
    %slice3A_39 = vector.extract_strided_slice %add3A_17 {offsets = [96, 0], sizes = [32, 4096], strides = [1, 1]} : vector<128x4096xf32> to vector<32x4096xf32>
    %mul3A_40 = arith.constant 5.000000e-01 : f32
    %mul3A_41 = vector.broadcast %mul3A_40 : f32 to vector<32x4096xf32>
    %mul3A_42 = arith.mulf %mul3A_41, %slice3A_39 : vector<32x4096xf32>
    %tanh3A_43 = math.tanh %mul3A_42 : vector<32x4096xf32>
    %mul3A_44 = arith.constant 5.000000e-01 : f32
    %mul3A_45 = vector.broadcast %mul3A_44 : f32 to vector<32x4096xf32>
    %mul3A_46 = arith.mulf %mul3A_45, %tanh3A_43 : vector<32x4096xf32>
    %add3A_47 = arith.constant 5.000000e-01 : f32
    %add3A_48 = vector.broadcast %add3A_47 : f32 to vector<32x4096xf32>
    %add3A_49 = arith.addf %mul3A_46, %add3A_48 : vector<32x4096xf32>
    %get3A_50 = arith.constant 0 : index
    %get3A_51 = arith.constant 0 : index
    %get3A_52 = vector.load %arg9[%get3A_50, %get3A_51] : memref<32x4096xf32, #tpu.memory_space<vmem>>, vector<32x4096xf32>
    %mul3A_53 = arith.mulf %add3A_36, %get3A_52 : vector<32x4096xf32>
    %mul3A_54 = arith.mulf %add3A_25, %tanh3A_38 : vector<32x4096xf32>
    %add3A_55 = arith.addf %mul3A_53, %mul3A_54 : vector<32x4096xf32>
    %tanh3A_56 = math.tanh %add3A_55 : vector<32x4096xf32>
    %mul3A_57 = arith.mulf %add3A_49, %tanh3A_56 : vector<32x4096xf32>
    %swap3A = arith.constant 0 : index
    %swap3A_58 = arith.constant 0 : index
    %swap3A_59 = vector.load %arg9[%swap3A, %swap3A_58] : memref<32x4096xf32, #tpu.memory_space<vmem>>, vector<32x4096xf32>
    tpu.vector_store %arg9[%swap3A, %swap3A_58], %add3A_55 {strides = array<i32>} : memref<32x4096xf32, #tpu.memory_space<vmem>>, vector<32x4096xf32>,
    %swap3A_60 = arith.constant 0 : index
    %swap3A_61 = arith.constant 0 : index
    %swap3A_62 = vector.load %arg8[%swap3A_60, %swap3A_61] : memref<32x4096xf32, #tpu.memory_space<vmem>>, vector<32x4096xf32>
    tpu.vector_store %arg8[%swap3A_60, %swap3A_61], %mul3A_57 {strides = array<i32>} : memref<32x4096xf32, #tpu.memory_space<vmem>>, vector<32x4096xf32>,
    %eq3A_63 = arith.constant 19 : i32
    %eq3A_64 = arith.cmpi eq, %arg0, %eq3A_63 : i32
    %convert_element_type3A_65 = arith.extui %eq3A_64 : i1 to i32
    %cond3A_66 = arith.constant 0 : i32
    %cond3A_67 = arith.cmpi ne, %convert_element_type3A_65, %cond3A_66 : i32
    scf.if %cond3A_67 {
      %get3A_68 = arith.constant 0 : index
      %get3A_69 = arith.constant 0 : index
      %get3A_70 = vector.load %arg4[%get3A_68, %get3A_69] : memref<10x32xf32, #tpu.memory_space<vmem>>, vector<10x32xf32>
      %dot_general3A_71 = arith.constant dense<0.000000e+00> : vector<10x4096xf32>
      %dot_general3A_72 = tpu.matmul %get3A_70, %mul3A_57, %dot_general3A_71 {dimension_numbers = #tpu.dot_dimension_numbers<[1], [0], [0], [1], [0, 0, 1, 1], [], []>, transpose_lhs_hint = false} : vector<10x32xf32>, vector<32x4096xf32>, vector<10x4096xf32> -> vector<10x4096xf32>
      %transpose3A_73 = tpu.transpose %dot_general3A_72, [1, 0] : vector<10x4096xf32> -> vector<4096x10xf32>
      %get3A_74 = arith.constant 0 : index
      %get3A_75 = arith.constant 0 : index
      %get3A_76 = vector.load %arg5[%get3A_74, %get3A_75] : memref<1x10xf32, #tpu.memory_space<vmem>>, vector<1x10xf32>
      %add3A_77 = vector.broadcast %get3A_76 : vector<1x10xf32> to vector<4096x10xf32>
      %add3A_78 = arith.addf %transpose3A_73, %add3A_77 : vector<4096x10xf32>
      %swap3A_79 = arith.constant 0 : index
      %swap3A_80 = arith.constant 0 : index
      %swap3A_81 = vector.load %arg10[%swap3A_79, %swap3A_80] : memref<4096x10xf32, #tpu.memory_space<vmem>>, vector<4096x10xf32>
      tpu.vector_store %arg10[%swap3A_79, %swap3A_80], %add3A_78 {strides = array<i32>} : memref<4096x10xf32, #tpu.memory_space<vmem>>, vector<4096x10xf32>,
    } else {
    }
    return
  }
  func.func @transform_0(%arg0: i32) -> (i32, i32, i32) {
    %c0_i32 = arith.constant 0 : i32
    %c0_i32_0 = arith.constant 0 : i32
    %c0_i32_1 = arith.constant 0 : i32
    return %arg0, %c0_i32, %c0_i32_0 : i32, i32, i32
  }
  func.func @transform_1(%arg0: i32) -> (i32, i32) {
    %c0_i32 = arith.constant 0 : i32
    %c0_i32_0 = arith.constant 0 : i32
    %c0_i32_1 = arith.constant 0 : i32
    return %c0_i32, %c0_i32_0 : i32, i32
  }
  func.func @transform_2(%arg0: i32) -> (i32, i32) {
    %c0_i32 = arith.constant 0 : i32
    %c0_i32_0 = arith.constant 0 : i32
    %c0_i32_1 = arith.constant 0 : i32
    return %c0_i32, %c0_i32_0 : i32, i32
  }
  func.func @transform_3(%arg0: i32) -> (i32, i32) {
    %c0_i32 = arith.constant 0 : i32
    %c0_i32_0 = arith.constant 0 : i32
    %c0_i32_1 = arith.constant 0 : i32
    return %c0_i32, %c0_i32_0 : i32, i32
  }
  func.func @transform_4(%arg0: i32) -> (i32, i32) {
    %c0_i32 = arith.constant 0 : i32
    %c0_i32_0 = arith.constant 0 : i32
    %c0_i32_1 = arith.constant 0 : i32
    return %c0_i32, %c0_i32_0 : i32, i32
  }
  func.func @transform_5(%arg0: i32) -> (i32, i32) {
    %c0_i32 = arith.constant 0 : i32
    %c0_i32_0 = arith.constant 0 : i32
    %c0_i32_1 = arith.constant 0 : i32
    return %c0_i32, %c0_i32_0 : i32, i32
  }
  func.func @transform_6(%arg0: i32) -> (i32, i32) {
    %c0_i32 = arith.constant 0 : i32
    %c0_i32_0 = arith.constant 0 : i32
    %c0_i32_1 = arith.constant 0 : i32
    return %c0_i32, %c0_i32_0 : i32, i32
  }
  func.func @transform_7(%arg0: i32) -> (i32, i32) {
    %c0_i32 = arith.constant 0 : i32
    %c0_i32_0 = arith.constant 0 : i32
    %c0_i32_1 = arith.constant 0 : i32
    return %c0_i32, %c0_i32_0 : i32, i32
  }
  func.func @transform_8(%arg0: i32) -> (i32, i32) {
    %c0_i32 = arith.constant 0 : i32
    %c0_i32_0 = arith.constant 0 : i32
    %c0_i32_1 = arith.constant 0 : i32
    return %c0_i32, %c0_i32_0 : i32, i32
  }
  func.func @transform_9(%arg0: i32) -> (i32, i32) {
    %c0_i32 = arith.constant 0 : i32
    %c0_i32_0 = arith.constant 0 : i32
    %c0_i32_1 = arith.constant 0 : i32
    return %c0_i32, %c0_i32_0 : i32, i32
  }
}

</mosaic_0001>

<sc_bundles>
// kernel: kernel.23.cloned.1.call-start
scs
__scs_entry_jumppad:
0x0: {  	(pc) =	sbr.rel $0x88, $3  }
0x1: {  	(tag) =	ssettag $0x0;
	lr =	simm.s32 $0x1  }
0x2: {  	[smem:$0x3F99] =	sst lr;
	_ =	strace $0xD0000000  }
0x3: {  	_ = 	snop  }
0x4: {  	_ = 	snop  }
0x5: {  	_ = 	snop  }
0x6: {  	_ = 	snop  }
0x7: {  	_ = 	snop  }
__scs_overlays_trampoline_lowered:
0x8: {  	[smem:$0x3FA8] =	sst s0  }
0x9: {  	[smem:$0x3FA9] =	sst s1  }
0xa: {  	[smem:$0x3FAA] =	sst s2  }
0xb: {  	[smem:$0x3FAB] =	sst s3  }
0xc: {  	[smem:$0x3FAC] =	sst s4  }
0xd: {  	[smem:$0x3FAD] =	sst s5  }
0xe: {  	[smem:$0x3FAE] =	sst s6  }
0xf: {  	[smem:$0x3FAF] =	sst s7  }
0x10: {  	[smem:$0x3FB0] =	sst s8  }
0x11: {  	[smem:$0x3FB1] =	sst s9;
	s0 =	simm.s32 @!p0 $0x0  }
0x12: {  	s1 =	sld [smem:$0x3F97];
	s0 =	simm.s32 @p0 $0x1  }
0x13: {  	[smem:$0x3FB2] =	sst s0;
	s0 =	simm.s32 @!p1 $0x0  }
0x14: {  	s2 =	sld [smem:$0x3F96];
	s0 =	simm.s32 @p1 $0x1  }
0x15: {  	[smem:$0x3FB3] =	sst s0;
	s0 =	simm.s32 @!p2 $0x0  }
0x16: {  	s3 =	sld [smem:$0x3FDB];
	s0 =	simm.s32 @p2 $0x1  }
0x17: {  	s4 =	simm.s32 $0x1BF5;
	[smem:$0x3FB5] =	sst s0  }
0x18: {  	s0 =	sld [smem:$0x3F98];
	_ =	swait.ge [sflag:s4], $0x0  }
0x19: {  	s7 =	sld [smem:$0x3F99]  }
0x1a: {  	s8 =	sadd.s32 $0xFFFFE003, lr  }
0x1b: {  	s9 =	sadd.s32 $0xFFFFFEF7, lr;
	s5 =	simm.s32 $0xFFFFFFFF;
	p2 =	slt.u32 s8, $0xFFFFF086  }
0x1c: {  	p1 =	slt.u32 s9, $0xF7A;
	s5 =	simm.s32 @!p2 $0x0  }
0x1d: {  	s5 =	simm.s32 @p1 $0x1;
	p0 =	seq.s32 s7, s2  }
0x1e: {  	s7 =	smul.u32 @!p0 $0xF7A, s2;
	p2 =	seq.s32 @!p0 s5, $0x0  }
0x1f: {  	s9 =	smul.u32 $0xF7A, s1;
	s8 =	simm.s32 @!p0 $0x1BF5;
	p2 =	por !p2, p0  }
0x20: {  	[sflag:s8] =	ssyncset.s32 @!p0 $0xFFFFF086;
	s6 =	sadd.s32 @!p0 s3, s7;
	s7 =	simm.s32 @!p0 $0x108  }
0x21: {  	s3 =	sadd.s32 s3, s9;
	s6 =	sadd.s32 @!p0 $0x88, s6;
	s7 =	simm.s32 @p2 $0x1082  }
0x22: {  	[simem:s7], [sflag:s8] =	dma.local @!p0 [hbm:s6], $0xF7A  }
0x23: {  	s9 =	sor.u32 $0xD0000000, s2;
	s6 =	simm.s32 $0x108;
	_ =	swait.ge @!p0 [sflag:s8], $0x0  }
0x24: {  	s3 =	sadd.s32 $0x88, s3;
	s6 =	simm.s32 @!p1 $0x1082;
	[sflag:s4] =	ssyncset.s32 $0xFFFFF086  }
0x25: {  	[simem:s6], [sflag:s4] =	dma.local [hbm:s3], $0xF7A  }
0x26: {  	[smem:$0x3F99] =	sst s1;
	(tag) =	ssettag s2;
	_ =	strace s9  }
0x27: {  	s1 =	sld [smem:$0x3FA9]  }
0x28: {  	s2 =	sld [smem:$0x3FAA]  }
0x29: {  	s4 =	sld [smem:$0x3FAC]  }
0x2a: {  	p0 =	seq.s32 s5, $0x0;
	s5 =	sld [smem:$0x3FAD]  }
0x2b: {  	s6 =	sld [smem:$0x3FAE]  }
0x2c: {  	s7 =	sld [smem:$0x3FAF]  }
0x2d: {  	s3 =	simm.s32 $0x108;
	s8 =	sld [smem:$0x3FB0]  }
0x2e: {  	s3 =	simm.s32 @!p0 $0x1082;
	s9 =	sld [smem:$0x3FB1]  }
0x2f: {  	lr =	sadd.s32 s0, s3;
	s0 =	sld [smem:$0x3FA8]  }
0x30: {  	s3 =	sld [smem:$0x3FAB]  }
0x31: {  	[smem:$0x3FB4] =	sst s10  }
0x32: {  	s10 =	sld [smem:$0x3FB2];
	_ =	sdelay $0x3  }
0x33: {  	p0 =	seq.s32 s10, $0x1;
	s10 =	sld [smem:$0x3FB4];
	_ =	sdelay $0x3  }
0x34: {  	[smem:$0x3FB4] =	sst s10  }
0x35: {  	s10 =	sld [smem:$0x3FB3];
	_ =	sdelay $0x3  }
0x36: {  	p1 =	seq.s32 s10, $0x1;
	s10 =	sld [smem:$0x3FB4];
	_ =	sdelay $0x3  }
0x37: {  	[smem:$0x3FB4] =	sst s10  }
0x38: {  	s10 =	sld [smem:$0x3FB5]  }
0x39: {  	_ = 	snop;
	(pc) =	sbr.ind lr, $3  }
0x3a: {  	_ = 	snop  }
0x3b: {  	_ = 	snop  }
0x3c: {  	p2 =	seq.s32 s10, $0x1;
	s10 =	sld [smem:$0x3FB4]  }
0x3d: {  	_ =	shalt  }
0x3e: {  	_ =	shalt  }
0x3f: {  	_ =	shalt  }
0x40: {  	_ =	shalt  }
0x41: {  	_ =	shalt  }
0x42: {  	_ =	shalt  }
0x43: {  	_ =	shalt  }
0x44: {  	_ =	shalt  }
0x45: {  	_ =	shalt  }
0x46: {  	_ =	shalt  }
0x47: {  	_ =	shalt  }
0x48: {  	_ =	shalt  }
0x49: {  	_ =	shalt  }
0x4a: {  	_ =	shalt  }
0x4b: {  	_ =	shalt  }
0x4c: {  	_ =	shalt  }
0x4d: {  	_ =	shalt  }
0x4e: {  	_ =	shalt  }
0x4f: {  	_ =	shalt  }
0x50: {  	_ =	shalt  }
0x51: {  	_ =	shalt  }
0x52: {  	_ =	shalt  }
0x53: {  	_ =	shalt  }
0x54: {  	_ =	shalt  }
0x55: {  	_ =	shalt  }
0x56: {  	_ =	shalt  }
0x57: {  	_ =	shalt  }
0x58: {  	_ =	shalt  }
0x59: {  	_ =	shalt  }
0x5a: {  	_ =	shalt  }
0x5b: {  	_ =	shalt  }
0x5c: {  	_ =	shalt  }
0x5d: {  	_ =	shalt  }
0x5e: {  	_ =	shalt  }
0x5f: {  	_ =	shalt  }
0x60: {  	_ =	shalt  }
0x61: {  	_ =	shalt  }
0x62: {  	_ =	shalt  }
0x63: {  	_ =	shalt  }
0x64: {  	_ =	shalt  }
0x65: {  	_ =	shalt  }
0x66: {  	_ =	shalt  }
0x67: {  	_ =	shalt  }
0x68: {  	_ =	shalt  }
0x69: {  	_ =	shalt  }
0x6a: {  	_ =	shalt  }
0x6b: {  	_ =	shalt  }
0x6c: {  	_ =	shalt  }
0x6d: {  	_ =	shalt  }
0x6e: {  	_ =	shalt  }
0x6f: {  	_ =	shalt  }
0x70: {  	_ =	shalt  }
0x71: {  	_ =	shalt  }
0x72: {  	_ =	shalt  }
0x73: {  	_ =	shalt  }
0x74: {  	_ =	shalt  }
0x75: {  	_ =	shalt  }
0x76: {  	_ =	shalt  }
0x77: {  	_ =	shalt  }
0x78: {  	_ =	shalt  }
0x79: {  	_ =	shalt  }
0x7a: {  	_ =	shalt  }
0x7b: {  	_ =	shalt  }
0x7c: {  	_ =	shalt  }
0x7d: {  	_ =	shalt  }
0x7e: {  	_ =	shalt  }
0x7f: {  	_ =	shalt  }
0x80: {  	_ =	shalt  }
0x81: {  	_ =	shalt  }
0x82: {  	_ =	shalt  }
0x83: {  	_ =	shalt  }
0x84: {  	_ =	shalt  }
0x85: {  	_ =	shalt  }
0x86: {  	_ =	shalt  }
0x87: {  	_ =	shalt  }
.Lfunc_end0:
.L_simem_size_0:
called_computation_lowered:
.L_overlay_start_0:
0x88: {  	s2 =	sld [smem:$0x3FD9]  }
0x89: {  	s3 =	sld [smem:$0x3FFE];
	_ =	sdelay $0x1  }
0x8a: {  	s1 =	srdreg.scid  }
0x8b: {  	s0 =	sand.u32 $0x1, s1  }
0x8c: {  	s16 =	sshll.u32 s0, $0xA;
	s2 =	sadd.s32 s3, s2  }
0x8d: {  	s2 =	sadd.s32 s2, s16  }
0x8e: {  	[smem:$0x3FC0] =	sst s2  }
0x8f: {  	_ = 	snop  }
0x90: {  	(tm) =	ssettm $0x1  }
0x91: {  	s17 =	sld [smem:$0x3FFB];
	_ =	sdelay $0x3  }
0x92: {  	_ =	strace s17  }
0x93: {  	s2 =	sld [smem:$0x3FFC];
	_ =	sdelay $0x3  }
0x94: {  	_ =	strace s2  }
0x95: {  	s2 =	sld [smem:$0x3FFD];
	_ =	sdelay $0x3  }
0x96: {  	_ =	strace s2  }
0x97: {  	_ =	strace $0x8FFFFFFF  }
0x98: {  	s18 =	sld [smem:$0x3FDB];
	_ =	sdelay $0x1  }
0x99: {  	s19 =	simm.s32 $_scs_section_size  }
0x9a: {  	s4 =	simm.s32 $_size__tile_overlayer_lowered;
	s5 =	simm.s32 $_tile_overlayer_lowered  }
0x9b: {  	s22 =	simm.s32 $0x1BFF;
	s21 =	sshll.u32 s5, $0x1;
	s2 =	sadd.s32 s19, s18  }
0x9c: {  	s6 =	simm.s32 $0x0;
	s20 =	sshll.u32 s4, $0x1;
	s4 =	sadd.s32 s21, s2  }
0x9d: {  	[timem:s6], [sflag:s22] =	dma.local [hbm:s4], s20  }
0x9e: {  	_ =	swait.ge [sflag:s22], s20  }
0x9f: {  	s3 =	ssub.s32 $0x0, s20;
	[sflag:s22] =	ssyncset.done $0x0  }
0xa0: {  	[sflag:s22] =	ssyncadd.s32 s3;
	_ =	sdelay $0x1  }
0xa1: {  	s23 =	simm.s32 $0x1B8B  }
0xa2: {  	_ =	swait.ge [sflag:s23], $0x1  }
0xa3: {  	[sflag:s23] =	ssyncset.done $0x0  }
0xa4: {  	s25 =	simm.s32 $0x1B8E;
	s24 =	sld [smem:$0x3FFE];
	[sflag:s23] =	ssyncadd.s32 $0xFFFFFFFF  }
0xa5: {  	s26 =	simm.s32 $execute0_lowered;
	[smem:$0x3FD2] =	sst s25  }
0xa6: {  	s4 =	sshll.u32 s26, $0x1;
	_ =	strace $0x80000046;
	[dreg:$0x1] =	wrdreg $0xFFFFFFFF  }
0xa7: {  	s28 =	simm.s32 $_size_execute0_lowered;
	s2 =	sadd.s32 s2, s4;
	[dreg:$0x0] =	wrdreg $0x0  }
0xa8: {  	s4 =	sshll.u32 s28, $0x1;
	[dreg:$0x2] =	wrdreg s2  }
0xa9: {  	[dreg:$0x3] =	wrdreg s4  }
0xaa: {  	[dreg:$0x4] =	wrdreg $0xC0  }
0xab: {  	_ =	task [dreg:s6], $0x5FFFF  }
0xac: {  	[dreg:$0x1] =	wrdreg $0xFFFFFFFF  }
0xad: {  	[dreg:$0x0] =	wrdreg $0x60  }
0xae: {  	[dreg:$0x2] =	wrdreg s24  }
0xaf: {  	[dreg:$0x3] =	wrdreg $0x9  }
0xb0: {  	_ =	task.clear_ibuf [dreg:s6], $0x4FFFF;
	_ =	strace $0x90000046  }
0xb1: {  	s29 =	simm.s32 $0x9;
	_ =	strace $0x80000048  }
0xb2: {  	_ =	swait.ge [sflag:s29], $0x1  }
0xb3: {  	[sflag:s29] =	ssyncadd.s32 $0xFFFFFFFF  }
0xb4: {  	_ =	strace $0x90000048  }
0xb5: {  	_ =	sfence  }
0xb6: {  	s30 =	sld [smem:$0x0];
	_ =	sdelay $0x2  }
0xb7: {  	s31 =	sshll.u32 s1, $0xD;
	s1 =	sshrl.u32 s1, $0x2  }
0xb8: {  	s3 =	sand.u32 $0x4000, s31;
	s1 =	sadd.s32 s1, s30  }
0xb9: {  	s0 =	sor.u32 s3, s0;
	s1 =	sshll.u32 s1, $0x11  }
0xba: {  	s0 =	sor.u32 s1, s0  }
0xbb: {  	s0 =	sadd.s32 $0x8F2B, s0  }
0xbc: {  	[sflag:s0] =	ssyncadd.remote.s32 $0x1  }
0xbd: {  	_ =	sfence.sel $0xFFFF  }
0xbe: {  	[dreg:$0x0] =	wrdreg $0xFFFFFFFF;
	(pc) =	sbr.abs _section_cstart, $3  }
0xbf: {  	[dreg:$0x1] =	wrdreg $0xFFFFFFFF  }
0xc0: {  	_ =	task.clear_ibuf [dreg:s6], $0x2FFFF;
	_ =	strace $0x9FFFFFFF  }
0xc1: {  	(tm) =	ssettm $0x7FFFFFFF  }
tec
execute0_lowered:
.L_overlay_start_1:
0x0: {  	(tag) =	ssettag $0x1  }
0x1: {  	s1 =	srdreg.scid  }
0x2: {  	s0 =	stileid.u32;
	s4 =	rddreg [dreg:$0x0]  }
0x3: {  	s2 =	simm.s32 $0x0;
	s13 =	simm.s32 $0x4A00;
	s14 =	simm.s32 $0x1  }
0x4: {  	s15 =	simm.s32 $0x2;
	s16 =	simm.s32 $0x980;
	s25 =	smul.u32 $0xA0000, s0  }
0x5: {  	s17 =	simm.s32 $0x0;
	s7 =	sand.u32 $0x1, s1;
	s29 =	smul.u32 $0x14000, s0  }
0x6: {  	s3 =	sshll.u32 s0, $0x1;
	s1 =	rddreg [dreg:$0x1];
	s28 =	smul.u32 $0x50000, s7  }
0x7: {  	[smem:$0x7FF] =	sst s2;
	s5 =	sor.u32 s7, s3;
	s30 =	smul.u32 $0xA000, s7  }
0x8: {  	s12 =	sadd.s32 $0xB600, s4;
	s8 =	ssub.s32 $0x2, s7;
	s6 =	smul.u32 $0xA00, s5  }
0x9: {  	_ =	strace $0x80000047;
	s9 =	smul.u32 $0x50000, s5;
	s10 =	sshrl.u32 s8, $0x1  }
0xa: {  	s3 =	sadd.s32 $0x7600, s4;
	s11 =	smul.u32 $0xA000, s5;
	s24 =	ssub.s32 s8, s10  }
0xb: {  	s8 =	sadd.s32 s28, s25;
	s10 =	sadd.s32 s29, s12;
	s6 =	sshrl.u32 s6, $0x3  }
0xc: {  	s26 =	sshrl.u32 s9, $0x3;
	s5 =	smax.u32 s24, $0x1;
	s31 =	sadd.s32 s12, s11  }
0xd: {  	s8 =	sshrl.u32 s8, $0x3;
	s9 =	sadd.s32 s30, s10;
	s10 =	simm.s32 $0x3  }
0xe: {  	s11 =	simm.s32 $0xA00;
	s6 =	sadd.s32 s6, s4;
	s7 =	sadd.s32 $0x9800, s31  }
0xf: {  	s8 =	sadd.s32 s8, s12;
	s4 =	sadd.s32 $0x4E00, s6;
	s6 =	sadd.s32 s12, s26  }
0x10: {  	s9 =	sadd.s32 $0x800, s9;
	s12 =	simm.s32 $0x80;
	s6 =	sadd.s32 $0x9000, s6  }
.LBB2_1:
0x11: {  	[tilespmem:s2], [sflag:$0x3] =	stream.linear.gather [hbm4b:s4+s2], $0xA00, $0x38;
	[tilespmem:$0x8A00] =	vst v63  }
0x12: {  	_ =	swait.ge [sflag:s10], $0xA00  }
0x13: {  	[sflag:s10] =	ssyncset.done $0x0  }
0x14: {  	[sflag:s10] =	ssyncadd.s32 $0xFFFFF600  }
0x15: {  	[tilespmem:s11], [sflag:$0x1] =	stream.indirect.gather [hbm4b:s3+s12], $0x80, s2, s12, $0xb8;
	[tilespmem:$0x8A00] =	vst v63  }
0x16: {  	_ = 	snop  }
0x17: {  	[tilespmem:s13], [sflag:$0x2] =	stream.indirect.gather [hbm4b:s3+s12], $0x80, s12, s12, $0xb8;
	[tilespmem:$0x8A00] =	vst v63  }
0x18: {  	_ =	swait.ge [sflag:s14], $0x4000  }
0x19: {  	[sflag:s14] =	ssyncset.done $0x0  }
0x1a: {  	s18 =	sadd.s32 $0x0, s8;
	[sflag:s14] =	ssyncadd.s32 $0xFFFFC000  }
0x1b: {  	[hbm4b:s18+s2] =	stream.linear.scatter [tilespmem:s11], [sflag:$0x3], $0x4000, $0x38;
	[tilespmem:$0x8A00] =	vst v63  }
0x1c: {  	_ =	swait.ge [sflag:s10], $0x4000  }
0x1d: {  	[sflag:s10] =	ssyncset.done $0x0  }
0x1e: {  	s30 =	simm.s32 $0x100;
	[sflag:s10] =	ssyncadd.s32 $0xFFFFC000  }
0x1f: {  	[tilespmem:s11], [sflag:$0x1] =	stream.indirect.gather [hbm4b:s3+s12], $0x80, s30, s12, $0xb8;
	[tilespmem:$0x8A00] =	vst v63  }
0x20: {  	_ =	swait.ge [sflag:s15], $0x4000  }
0x21: {  	[sflag:s15] =	ssyncset.done $0x0  }
0x22: {  	s31 =	sadd.s32 $0x0, s9;
	[sflag:s15] =	ssyncadd.s32 $0xFFFFC000  }
0x23: {  	[hbm4b:s31+s2] =	stream.linear.scatter [tilespmem:s13], [sflag:$0x3], $0x4000, $0x38;
	[tilespmem:$0x8A00] =	vst v63  }
0x24: {  	_ =	swait.ge [sflag:s10], $0x4000  }
0x25: {  	s19 =	simm.s32 $0x80;
	s18 =	simm.s32 $0x1000;
	[sflag:s10] =	ssyncset.done $0x0  }
.LBB2_2:
0x26: {  	p0 =	sne.s32 s18, $0x8000;
	[sflag:s10] =	ssyncadd.s32 $0xFFFFC000;
	s19 =	sadd.s32 $0x100, s19  }
0x27: {  	[tilespmem:s13], [sflag:$0x2] =	stream.indirect.gather [hbm4b:s3+s12], $0x80, s19, s12, $0xb8;
	[tilespmem:$0x8A00] =	vst v63  }
0x28: {  	s20 =	smov.u32 s18;
	s18 =	sadd.s32 $0x1000, s18;
	_ =	swait.ge [sflag:s14], $0x4000  }
0x29: {  	[sflag:s14] =	ssyncset.done $0x0  }
0x2a: {  	s21 =	sadd.s32 s20, s8;
	[sflag:s14] =	ssyncadd.s32 $0xFFFFC000  }
0x2b: {  	[hbm4b:s21+s2] =	stream.linear.scatter [tilespmem:s11], [sflag:$0x3], $0x4000, $0x38;
	[tilespmem:$0x8A00] =	vst v63  }
0x2c: {  	_ =	swait.ge [sflag:s10], $0x4000  }
0x2d: {  	[sflag:s10] =	ssyncset.done $0x0  }
0x2e: {  	s21 =	sadd.s32 $0x80, s19;
	[sflag:s10] =	ssyncadd.s32 $0xFFFFC000  }
0x2f: {  	[tilespmem:s11], [sflag:$0x1] =	stream.indirect.gather [hbm4b:s3+s12], $0x80, s21, s12, $0xb8;
	[tilespmem:$0x8A00] =	vst v63  }
0x30: {  	_ =	swait.ge [sflag:s15], $0x4000  }
.Ltmp0:
0x31: {  	[sflag:s15] =	ssyncset.done $0x0;
	(pc) =	sbr.rel @p0 .LBB2_2-.Ltmp0, $4  }
0x32: {  	s20 =	sadd.s32 s20, s9;
	[sflag:s15] =	ssyncadd.s32 $0xFFFFC000  }
0x33: {  	[hbm4b:s20+s2] =	stream.linear.scatter [tilespmem:s13], [sflag:$0x3], $0x4000, $0x38;
	[tilespmem:$0x8A00] =	vst v63  }
0x34: {  	_ =	swait.ge [sflag:s10], $0x4000  }
0x35: {  	[sflag:s10] =	ssyncset.done $0x0  }
0x36: {  	[sflag:s10] =	ssyncadd.s32 $0xFFFFC000  }
0x37: {  	[tilespmem:s13], [sflag:$0x2] =	stream.indirect.gather [hbm4b:s3+s12], $0x80, s16, s12, $0xb8;
	[tilespmem:$0x8A00] =	vst v63  }
0x38: {  	_ =	swait.ge [sflag:s14], $0x4000  }
0x39: {  	[sflag:s14] =	ssyncset.done $0x0  }
0x3a: {  	[sflag:s14] =	ssyncadd.s32 $0xFFFFC000  }
0x3b: {  	[hbm4b:s6+s2] =	stream.linear.scatter [tilespmem:s11], [sflag:$0x3], $0x4000, $0x38;
	[tilespmem:$0x8A00] =	vst v63  }
0x3c: {  	_ =	swait.ge [sflag:s10], $0x4000  }
0x3d: {  	[sflag:s10] =	ssyncset.done $0x0  }
0x3e: {  	[sflag:s10] =	ssyncadd.s32 $0xFFFFC000  }
0x3f: {  	s17 =	sadd.s32 $0x1, s17;
	_ =	swait.ge [sflag:s15], $0x4000  }
0x40: {  	p0 =	sne.s32 s17, s5;
	[sflag:s15] =	ssyncset.done $0x0  }
.Ltmp1:
0x41: {  	[sflag:s15] =	ssyncadd.s32 $0xFFFFC000;
	(pc) =	sbr.rel @p0 .LBB2_1-.Ltmp1, $4  }
0x42: {  	[hbm4b:s7+s2] =	stream.linear.scatter [tilespmem:s13], [sflag:$0x3], $0x4000, $0x38;
	[tilespmem:$0x8A00] =	vst v63  }
0x43: {  	_ =	swait.ge [sflag:s10], $0x4000  }
0x44: {  	[sflag:s10] =	ssyncset.done $0x0  }
0x45: {  	[sflag:s10] =	ssyncadd.s32 $0xFFFFC000  }
0x46: {  	_ =	sfence.sel $0x180000  }
0x47: {  	[bflag:$0x0] =	sbarrier.arrive $0xFFFF  }
0x48: {  	p0 =	sne.s32 s0, $0x0;
	_ =	strace $0x90000047  }
0x49: {  	s0 =	sadd.s32 @!p0 $0x100000, s1;
	[bflag:$0x2] =	sbarrier.arrive $0xFFFF  }
0x4a: {  	[sflag:s0] =	ssyncadd.tile.s32 @!p0 $0x1;
	_ =	shalt  }
.Lfunc_end2:
_tile_overlayer_lowered:
.L_overlay_start_2:
0x4b: {  	(tag) =	ssettag $0x2  }
0x4c: {  	s0 =	rddreg [dreg:$0x0];
	s2 =	stileid.u32  }
0x4d: {  	s1 =	rddreg [dreg:$0x1];
	p0 =	sne.s32 s2, $0x0  }
0x4e: {  	s3 =	rddreg [dreg:$0x2];
	[bflag:$0x3] =	sbarrier.arrive $0xFFFF;
	s2 =	simm.s32 @!p0 $0x1C03  }
0x4f: {  	[timem:s3], [sflag:s2] =	dma.local @!p0 [hbm:s0], s1  }
0x50: {  	s0 =	simm.s32 @!p0 $0x3  }
0x51: {  	_ =	swait.ge @!p0 [sflag:s0], s1  }
0x52: {  	s1 =	ssub.s32 @!p0 $0x0, s1;
	[sflag:s0] =	ssyncset.done @!p0 $0x0  }
0x53: {  	[sflag:s0] =	ssyncadd.s32 @!p0 s1  }
0x54: {  	[bflag:$0x3] =	sbarrier.arrive $0xFFFF  }
0x55: {  	_ =	shalt  }

// kernel: kernel.26.cloned.1.call-start
scs
__scs_entry_jumppad:
0x0: {  	(pc) =	sbr.rel $0x88, $3  }
0x1: {  	(tag) =	ssettag $0x0;
	lr =	simm.s32 $0x1  }
0x2: {  	[smem:$0x3F99] =	sst lr;
	_ =	strace $0xD0000000  }
0x3: {  	_ = 	snop  }
0x4: {  	_ = 	snop  }
0x5: {  	_ = 	snop  }
0x6: {  	_ = 	snop  }
0x7: {  	_ = 	snop  }
__scs_overlays_trampoline_lowered:
0x8: {  	[smem:$0x3FA8] =	sst s0  }
0x9: {  	[smem:$0x3FA9] =	sst s1  }
0xa: {  	[smem:$0x3FAA] =	sst s2  }
0xb: {  	[smem:$0x3FAB] =	sst s3  }
0xc: {  	[smem:$0x3FAC] =	sst s4  }
0xd: {  	[smem:$0x3FAD] =	sst s5  }
0xe: {  	[smem:$0x3FAE] =	sst s6  }
0xf: {  	[smem:$0x3FAF] =	sst s7  }
0x10: {  	[smem:$0x3FB0] =	sst s8  }
0x11: {  	[smem:$0x3FB1] =	sst s9;
	s0 =	simm.s32 @!p0 $0x0  }
0x12: {  	s1 =	sld [smem:$0x3F97];
	s0 =	simm.s32 @p0 $0x1  }
0x13: {  	[smem:$0x3FB2] =	sst s0;
	s0 =	simm.s32 @!p1 $0x0  }
0x14: {  	s2 =	sld [smem:$0x3F96];
	s0 =	simm.s32 @p1 $0x1  }
0x15: {  	[smem:$0x3FB3] =	sst s0;
	s0 =	simm.s32 @!p2 $0x0  }
0x16: {  	s3 =	sld [smem:$0x3FDB];
	s0 =	simm.s32 @p2 $0x1  }
0x17: {  	s4 =	simm.s32 $0x1BF5;
	[smem:$0x3FB5] =	sst s0  }
0x18: {  	s0 =	sld [smem:$0x3F98];
	_ =	swait.ge [sflag:s4], $0x0  }
0x19: {  	s7 =	sld [smem:$0x3F99]  }
0x1a: {  	s8 =	sadd.s32 $0xFFFFE003, lr  }
0x1b: {  	s9 =	sadd.s32 $0xFFFFFEF7, lr;
	s5 =	simm.s32 $0xFFFFFFFF;
	p2 =	slt.u32 s8, $0xFFFFF086  }
0x1c: {  	p1 =	slt.u32 s9, $0xF7A;
	s5 =	simm.s32 @!p2 $0x0  }
0x1d: {  	s5 =	simm.s32 @p1 $0x1;
	p0 =	seq.s32 s7, s2  }
0x1e: {  	s7 =	smul.u32 @!p0 $0xF7A, s2;
	p2 =	seq.s32 @!p0 s5, $0x0  }
0x1f: {  	s9 =	smul.u32 $0xF7A, s1;
	s8 =	simm.s32 @!p0 $0x1BF5;
	p2 =	por !p2, p0  }
0x20: {  	[sflag:s8] =	ssyncset.s32 @!p0 $0xFFFFF086;
	s6 =	sadd.s32 @!p0 s3, s7;
	s7 =	simm.s32 @!p0 $0x108  }
0x21: {  	s3 =	sadd.s32 s3, s9;
	s6 =	sadd.s32 @!p0 $0x88, s6;
	s7 =	simm.s32 @p2 $0x1082  }
0x22: {  	[simem:s7], [sflag:s8] =	dma.local @!p0 [hbm:s6], $0xF7A  }
0x23: {  	s9 =	sor.u32 $0xD0000000, s2;
	s6 =	simm.s32 $0x108;
	_ =	swait.ge @!p0 [sflag:s8], $0x0  }
0x24: {  	s3 =	sadd.s32 $0x88, s3;
	s6 =	simm.s32 @!p1 $0x1082;
	[sflag:s4] =	ssyncset.s32 $0xFFFFF086  }
0x25: {  	[simem:s6], [sflag:s4] =	dma.local [hbm:s3], $0xF7A  }
0x26: {  	[smem:$0x3F99] =	sst s1;
	(tag) =	ssettag s2;
	_ =	strace s9  }
0x27: {  	s1 =	sld [smem:$0x3FA9]  }
0x28: {  	s2 =	sld [smem:$0x3FAA]  }
0x29: {  	s4 =	sld [smem:$0x3FAC]  }
0x2a: {  	p0 =	seq.s32 s5, $0x0;
	s5 =	sld [smem:$0x3FAD]  }
0x2b: {  	s6 =	sld [smem:$0x3FAE]  }
0x2c: {  	s7 =	sld [smem:$0x3FAF]  }
0x2d: {  	s3 =	simm.s32 $0x108;
	s8 =	sld [smem:$0x3FB0]  }
0x2e: {  	s3 =	simm.s32 @!p0 $0x1082;
	s9 =	sld [smem:$0x3FB1]  }
0x2f: {  	lr =	sadd.s32 s0, s3;
	s0 =	sld [smem:$0x3FA8]  }
0x30: {  	s3 =	sld [smem:$0x3FAB]  }
0x31: {  	[smem:$0x3FB4] =	sst s10  }
0x32: {  	s10 =	sld [smem:$0x3FB2];
	_ =	sdelay $0x3  }
0x33: {  	p0 =	seq.s32 s10, $0x1;
	s10 =	sld [smem:$0x3FB4];
	_ =	sdelay $0x3  }
0x34: {  	[smem:$0x3FB4] =	sst s10  }
0x35: {  	s10 =	sld [smem:$0x3FB3];
	_ =	sdelay $0x3  }
0x36: {  	p1 =	seq.s32 s10, $0x1;
	s10 =	sld [smem:$0x3FB4];
	_ =	sdelay $0x3  }
0x37: {  	[smem:$0x3FB4] =	sst s10  }
0x38: {  	s10 =	sld [smem:$0x3FB5]  }
0x39: {  	_ = 	snop;
	(pc) =	sbr.ind lr, $3  }
0x3a: {  	_ = 	snop  }
0x3b: {  	_ = 	snop  }
0x3c: {  	p2 =	seq.s32 s10, $0x1;
	s10 =	sld [smem:$0x3FB4]  }
0x3d: {  	_ =	shalt  }
0x3e: {  	_ =	shalt  }
0x3f: {  	_ =	shalt  }
0x40: {  	_ =	shalt  }
0x41: {  	_ =	shalt  }
0x42: {  	_ =	shalt  }
0x43: {  	_ =	shalt  }
0x44: {  	_ =	shalt  }
0x45: {  	_ =	shalt  }
0x46: {  	_ =	shalt  }
0x47: {  	_ =	shalt  }
0x48: {  	_ =	shalt  }
0x49: {  	_ =	shalt  }
0x4a: {  	_ =	shalt  }
0x4b: {  	_ =	shalt  }
0x4c: {  	_ =	shalt  }
0x4d: {  	_ =	shalt  }
0x4e: {  	_ =	shalt  }
0x4f: {  	_ =	shalt  }
0x50: {  	_ =	shalt  }
0x51: {  	_ =	shalt  }
0x52: {  	_ =	shalt  }
0x53: {  	_ =	shalt  }
0x54: {  	_ =	shalt  }
0x55: {  	_ =	shalt  }
0x56: {  	_ =	shalt  }
0x57: {  	_ =	shalt  }
0x58: {  	_ =	shalt  }
0x59: {  	_ =	shalt  }
0x5a: {  	_ =	shalt  }
0x5b: {  	_ =	shalt  }
0x5c: {  	_ =	shalt  }
0x5d: {  	_ =	shalt  }
0x5e: {  	_ =	shalt  }
0x5f: {  	_ =	shalt  }
0x60: {  	_ =	shalt  }
0x61: {  	_ =	shalt  }
0x62: {  	_ =	shalt  }
0x63: {  	_ =	shalt  }
0x64: {  	_ =	shalt  }
0x65: {  	_ =	shalt  }
0x66: {  	_ =	shalt  }
0x67: {  	_ =	shalt  }
0x68: {  	_ =	shalt  }
0x69: {  	_ =	shalt  }
0x6a: {  	_ =	shalt  }
0x6b: {  	_ =	shalt  }
0x6c: {  	_ =	shalt  }
0x6d: {  	_ =	shalt  }
0x6e: {  	_ =	shalt  }
0x6f: {  	_ =	shalt  }
0x70: {  	_ =	shalt  }
0x71: {  	_ =	shalt  }
0x72: {  	_ =	shalt  }
0x73: {  	_ =	shalt  }
0x74: {  	_ =	shalt  }
0x75: {  	_ =	shalt  }
0x76: {  	_ =	shalt  }
0x77: {  	_ =	shalt  }
0x78: {  	_ =	shalt  }
0x79: {  	_ =	shalt  }
0x7a: {  	_ =	shalt  }
0x7b: {  	_ =	shalt  }
0x7c: {  	_ =	shalt  }
0x7d: {  	_ =	shalt  }
0x7e: {  	_ =	shalt  }
0x7f: {  	_ =	shalt  }
0x80: {  	_ =	shalt  }
0x81: {  	_ =	shalt  }
0x82: {  	_ =	shalt  }
0x83: {  	_ =	shalt  }
0x84: {  	_ =	shalt  }
0x85: {  	_ =	shalt  }
0x86: {  	_ =	shalt  }
0x87: {  	_ =	shalt  }
.Lfunc_end0:
.L_simem_size_0:
called_computation.1_lowered:
.L_overlay_start_0:
0x88: {  	s2 =	sld [smem:$0x3FD9]  }
0x89: {  	s3 =	sld [smem:$0x3FFE];
	_ =	sdelay $0x1  }
0x8a: {  	s1 =	srdreg.scid  }
0x8b: {  	s0 =	sand.u32 $0x1, s1  }
0x8c: {  	s17 =	sshll.u32 s0, $0xA;
	s2 =	sadd.s32 s3, s2  }
0x8d: {  	s2 =	sadd.s32 s2, s17  }
0x8e: {  	[smem:$0x3FC0] =	sst s2  }
0x8f: {  	_ = 	snop  }
0x90: {  	(tm) =	ssettm $0x1  }
0x91: {  	s18 =	sld [smem:$0x3FFB];
	_ =	sdelay $0x3  }
0x92: {  	_ =	strace s18  }
0x93: {  	s2 =	sld [smem:$0x3FFC];
	_ =	sdelay $0x3  }
0x94: {  	_ =	strace s2  }
0x95: {  	s2 =	sld [smem:$0x3FFD];
	_ =	sdelay $0x3  }
0x96: {  	_ =	strace s2  }
0x97: {  	_ =	strace $0x8FFFFFFF  }
0x98: {  	s19 =	sld [smem:$0x3FDB];
	_ =	sdelay $0x1  }
0x99: {  	s20 =	simm.s32 $_scs_section_size  }
0x9a: {  	s4 =	simm.s32 $_size__tile_overlayer_lowered;
	s5 =	simm.s32 $_tile_overlayer_lowered  }
0x9b: {  	s6 =	simm.s32 $0x1BFF;
	s21 =	sshll.u32 s5, $0x1;
	s3 =	sadd.s32 s20, s19  }
0x9c: {  	s22 =	simm.s32 $0x0;
	s4 =	sshll.u32 s4, $0x1;
	s5 =	sadd.s32 s21, s3  }
0x9d: {  	[timem:s22], [sflag:s6] =	dma.local [hbm:s5], s4  }
0x9e: {  	_ =	swait.ge [sflag:s6], s4  }
0x9f: {  	s4 =	ssub.s32 $0x0, s4;
	[sflag:s6] =	ssyncset.done $0x0  }
0xa0: {  	[sflag:s6] =	ssyncadd.s32 s4;
	_ =	sdelay $0x1  }
0xa1: {  	s23 =	simm.s32 $0x1B8B  }
0xa2: {  	_ =	swait.ge [sflag:s23], $0x1  }
0xa3: {  	[sflag:s23] =	ssyncset.done $0x0  }
0xa4: {  	[sflag:s23] =	ssyncadd.s32 $0xFFFFFFFF  }
0xa5: {  	s4 =	sld [smem:$0x0]  }
0xa6: {  	s5 =	sand.u32 $0xFFFFFFFE, s1  }
0xa7: {  	p0 =	sne.s32 s1, s5  }
0xa8: {  	s5 =	sshll.u32 @p0 s5, $0xE  }
0xa9: {  	s5 =	sadd.s32 @p0 $0x11B8D, s5;
	s6 =	sshll.u32 @p0 s4, $0x11  }
0xaa: {  	s5 =	sor.u32 @p0 s6, s5  }
0xab: {  	[sflag:s5] =	ssyncadd.remote.s32 @p0 $0x1;
	_ =	sdelay $0x1  }
0xac: {  	s5 =	simm.s32 @p0 $0x1B8D  }
0xad: {  	_ =	swait.eq @p0 [sflag:s5], $0x1  }
0xae: {  	[sflag:s5] =	ssyncadd.s32 @p0 $0xFFFFFFFF  }
0xaf: {  	s6 =	sshll.u32 @!p0 s1, $0xE  }
0xb0: {  	s6 =	sor.u32 @!p0 $0x4000, s6;
	s5 =	simm.s32 @!p0 $0x1B8D  }
0xb1: {  	s4 =	sshll.u32 @!p0 s4, $0x11;
	s6 =	sadd.s32 @!p0 $0x11B8D, s6;
	_ =	swait.eq @!p0 [sflag:s5], $0x1  }
0xb2: {  	s4 =	sor.u32 @!p0 s4, s6;
	[sflag:s5] =	ssyncadd.s32 @!p0 $0xFFFFFFFF  }
0xb3: {  	s25 =	simm.s32 $0x1B8E;
	s24 =	sld [smem:$0x3FFE];
	[sflag:s4] =	ssyncadd.remote.s32 @!p0 $0x1  }
0xb4: {  	s26 =	simm.s32 $execute0_lowered;
	[smem:$0x3FD2] =	sst s25  }
0xb5: {  	s5 =	sshll.u32 s26, $0x1;
	_ =	strace $0x80000049;
	[dreg:$0x1] =	wrdreg $0xFFFFFFFF  }
0xb6: {  	s28 =	simm.s32 $_size_execute0_lowered;
	s3 =	sadd.s32 s3, s5;
	[dreg:$0x0] =	wrdreg $0x0  }
0xb7: {  	s5 =	sshll.u32 s28, $0x1;
	[dreg:$0x2] =	wrdreg s3  }
0xb8: {  	[dreg:$0x3] =	wrdreg s5  }
0xb9: {  	[dreg:$0x4] =	wrdreg $0xC0  }
0xba: {  	_ =	task [dreg:s22], $0x5FFFF  }
0xbb: {  	[dreg:$0x1] =	wrdreg $0xFFFFFFFF  }
0xbc: {  	[dreg:$0x0] =	wrdreg $0x60  }
0xbd: {  	[dreg:$0x2] =	wrdreg s24  }
0xbe: {  	[dreg:$0x3] =	wrdreg $0xA  }
0xbf: {  	_ =	task.clear_ibuf [dreg:s22], $0x4FFFF;
	_ =	strace $0x90000049  }
0xc0: {  	s29 =	simm.s32 $0xA;
	_ =	strace $0x8000004B  }
0xc1: {  	_ =	swait.ge [sflag:s29], $0x1  }
0xc2: {  	[sflag:s29] =	ssyncadd.s32 $0xFFFFFFFF  }
0xc3: {  	_ =	strace $0x9000004B  }
0xc4: {  	_ =	sfence  }
0xc5: {  	s30 =	sld [smem:$0x0];
	_ =	sdelay $0x2  }
0xc6: {  	s31 =	sshll.u32 s1, $0xD;
	s1 =	sshrl.u32 s1, $0x2  }
0xc7: {  	s4 =	sand.u32 $0x4000, s31;
	s1 =	sadd.s32 s1, s30  }
0xc8: {  	s0 =	sor.u32 s4, s0;
	s1 =	sshll.u32 s1, $0x11  }
0xc9: {  	s0 =	sor.u32 s1, s0  }
0xca: {  	s0 =	sadd.s32 $0x8F2B, s0  }
0xcb: {  	[sflag:s0] =	ssyncadd.remote.s32 $0x1  }
0xcc: {  	_ =	sfence.sel $0xFFFF  }
0xcd: {  	[dreg:$0x0] =	wrdreg $0xFFFFFFFF;
	(pc) =	sbr.abs _section_cstart, $3  }
0xce: {  	[dreg:$0x1] =	wrdreg $0xFFFFFFFF  }
0xcf: {  	_ =	task.clear_ibuf [dreg:s22], $0x2FFFF;
	_ =	strace $0x9FFFFFFF  }
0xd0: {  	(tm) =	ssettm $0x7FFFFFFF  }
0xd1: {  	_ =	shalt  }
tec
execute0_lowered:
.L_overlay_start_1:
0x0: {  	(tag) =	ssettag $0x1  }
0x1: {  	s1 =	srdreg.scid  }
0x2: {  	s0 =	stileid.u32;
	s4 =	rddreg [dreg:$0x0]  }
0x3: {  	s2 =	simm.s32 $0x0;
	s13 =	simm.s32 $0x4A00;
	s14 =	simm.s32 $0x1  }
0x4: {  	s15 =	simm.s32 $0x2;
	s16 =	simm.s32 $0x980;
	s25 =	smul.u32 $0xA0000, s0  }
0x5: {  	s17 =	simm.s32 $0x0;
	s7 =	sand.u32 $0x1, s1;
	s29 =	smul.u32 $0x14000, s0  }
0x6: {  	s3 =	sshll.u32 s0, $0x1;
	s1 =	rddreg [dreg:$0x1];
	s28 =	smul.u32 $0x50000, s7  }
0x7: {  	[smem:$0x7FF] =	sst s2;
	s5 =	sor.u32 s7, s3;
	s30 =	smul.u32 $0xA000, s7  }
0x8: {  	s12 =	sadd.s32 $0x161E00, s4;
	s8 =	ssub.s32 $0x2, s7;
	s6 =	smul.u32 $0xA00, s5  }
0x9: {  	_ =	strace $0x8000004A;
	s9 =	smul.u32 $0x50000, s5;
	s10 =	sshrl.u32 s8, $0x1  }
0xa: {  	s3 =	sadd.s32 $0x7600, s4;
	s11 =	smul.u32 $0xA000, s5;
	s24 =	ssub.s32 s8, s10  }
0xb: {  	s8 =	sadd.s32 s28, s25;
	s10 =	sadd.s32 s29, s12;
	s6 =	sshrl.u32 s6, $0x3  }
0xc: {  	s26 =	sshrl.u32 s9, $0x3;
	s5 =	smax.u32 s24, $0x1;
	s31 =	sadd.s32 s12, s11  }
0xd: {  	s8 =	sshrl.u32 s8, $0x3;
	s9 =	sadd.s32 s30, s10;
	s10 =	simm.s32 $0x3  }
0xe: {  	s11 =	simm.s32 $0xA00;
	s6 =	sadd.s32 s6, s4;
	s7 =	sadd.s32 $0x9800, s31  }
0xf: {  	s8 =	sadd.s32 s8, s12;
	s4 =	sadd.s32 $0x14B600, s6;
	s6 =	sadd.s32 s12, s26  }
0x10: {  	s9 =	sadd.s32 $0x800, s9;
	s12 =	simm.s32 $0x80;
	s6 =	sadd.s32 $0x9000, s6  }
.LBB2_1:
0x11: {  	[tilespmem:s2], [sflag:$0x3] =	stream.linear.gather [hbm4b:s4+s2], $0xA00, $0x38;
	[tilespmem:$0x8A00] =	vst v63  }
0x12: {  	_ =	swait.ge [sflag:s10], $0xA00  }
0x13: {  	[sflag:s10] =	ssyncset.done $0x0  }
0x14: {  	[sflag:s10] =	ssyncadd.s32 $0xFFFFF600  }
0x15: {  	[tilespmem:s11], [sflag:$0x1] =	stream.indirect.gather [hbm4b:s3+s12], $0x80, s2, s12, $0xb8;
	[tilespmem:$0x8A00] =	vst v63  }
0x16: {  	_ = 	snop  }
0x17: {  	[tilespmem:s13], [sflag:$0x2] =	stream.indirect.gather [hbm4b:s3+s12], $0x80, s12, s12, $0xb8;
	[tilespmem:$0x8A00] =	vst v63  }
0x18: {  	_ =	swait.ge [sflag:s14], $0x4000  }
0x19: {  	[sflag:s14] =	ssyncset.done $0x0  }
0x1a: {  	s18 =	sadd.s32 $0x0, s8;
	[sflag:s14] =	ssyncadd.s32 $0xFFFFC000  }
0x1b: {  	[hbm4b:s18+s2] =	stream.linear.scatter [tilespmem:s11], [sflag:$0x3], $0x4000, $0x38;
	[tilespmem:$0x8A00] =	vst v63  }
0x1c: {  	_ =	swait.ge [sflag:s10], $0x4000  }
0x1d: {  	[sflag:s10] =	ssyncset.done $0x0  }
0x1e: {  	s30 =	simm.s32 $0x100;
	[sflag:s10] =	ssyncadd.s32 $0xFFFFC000  }
0x1f: {  	[tilespmem:s11], [sflag:$0x1] =	stream.indirect.gather [hbm4b:s3+s12], $0x80, s30, s12, $0xb8;
	[tilespmem:$0x8A00] =	vst v63  }
0x20: {  	_ =	swait.ge [sflag:s15], $0x4000  }
0x21: {  	[sflag:s15] =	ssyncset.done $0x0  }
0x22: {  	s31 =	sadd.s32 $0x0, s9;
	[sflag:s15] =	ssyncadd.s32 $0xFFFFC000  }
0x23: {  	[hbm4b:s31+s2] =	stream.linear.scatter [tilespmem:s13], [sflag:$0x3], $0x4000, $0x38;
	[tilespmem:$0x8A00] =	vst v63  }
0x24: {  	_ =	swait.ge [sflag:s10], $0x4000  }
0x25: {  	s19 =	simm.s32 $0x80;
	s18 =	simm.s32 $0x1000;
	[sflag:s10] =	ssyncset.done $0x0  }
.LBB2_2:
0x26: {  	p0 =	sne.s32 s18, $0x8000;
	[sflag:s10] =	ssyncadd.s32 $0xFFFFC000;
	s19 =	sadd.s32 $0x100, s19  }
0x27: {  	[tilespmem:s13], [sflag:$0x2] =	stream.indirect.gather [hbm4b:s3+s12], $0x80, s19, s12, $0xb8;
	[tilespmem:$0x8A00] =	vst v63  }
0x28: {  	s20 =	smov.u32 s18;
	s18 =	sadd.s32 $0x1000, s18;
	_ =	swait.ge [sflag:s14], $0x4000  }
0x29: {  	[sflag:s14] =	ssyncset.done $0x0  }
0x2a: {  	s21 =	sadd.s32 s20, s8;
	[sflag:s14] =	ssyncadd.s32 $0xFFFFC000  }
0x2b: {  	[hbm4b:s21+s2] =	stream.linear.scatter [tilespmem:s11], [sflag:$0x3], $0x4000, $0x38;
	[tilespmem:$0x8A00] =	vst v63  }
0x2c: {  	_ =	swait.ge [sflag:s10], $0x4000  }
0x2d: {  	[sflag:s10] =	ssyncset.done $0x0  }
0x2e: {  	s21 =	sadd.s32 $0x80, s19;
	[sflag:s10] =	ssyncadd.s32 $0xFFFFC000  }
0x2f: {  	[tilespmem:s11], [sflag:$0x1] =	stream.indirect.gather [hbm4b:s3+s12], $0x80, s21, s12, $0xb8;
	[tilespmem:$0x8A00] =	vst v63  }
0x30: {  	_ =	swait.ge [sflag:s15], $0x4000  }
.Ltmp0:
0x31: {  	[sflag:s15] =	ssyncset.done $0x0;
	(pc) =	sbr.rel @p0 .LBB2_2-.Ltmp0, $4  }
0x32: {  	s20 =	sadd.s32 s20, s9;
	[sflag:s15] =	ssyncadd.s32 $0xFFFFC000  }
0x33: {  	[hbm4b:s20+s2] =	stream.linear.scatter [tilespmem:s13], [sflag:$0x3], $0x4000, $0x38;
	[tilespmem:$0x8A00] =	vst v63  }
0x34: {  	_ =	swait.ge [sflag:s10], $0x4000  }
0x35: {  	[sflag:s10] =	ssyncset.done $0x0  }
0x36: {  	[sflag:s10] =	ssyncadd.s32 $0xFFFFC000  }
0x37: {  	[tilespmem:s13], [sflag:$0x2] =	stream.indirect.gather [hbm4b:s3+s12], $0x80, s16, s12, $0xb8;
	[tilespmem:$0x8A00] =	vst v63  }
0x38: {  	_ =	swait.ge [sflag:s14], $0x4000  }
0x39: {  	[sflag:s14] =	ssyncset.done $0x0  }
0x3a: {  	[sflag:s14] =	ssyncadd.s32 $0xFFFFC000  }
0x3b: {  	[hbm4b:s6+s2] =	stream.linear.scatter [tilespmem:s11], [sflag:$0x3], $0x4000, $0x38;
	[tilespmem:$0x8A00] =	vst v63  }
0x3c: {  	_ =	swait.ge [sflag:s10], $0x4000  }
0x3d: {  	[sflag:s10] =	ssyncset.done $0x0  }
0x3e: {  	[sflag:s10] =	ssyncadd.s32 $0xFFFFC000  }
0x3f: {  	s17 =	sadd.s32 $0x1, s17;
	_ =	swait.ge [sflag:s15], $0x4000  }
0x40: {  	p0 =	sne.s32 s17, s5;
	[sflag:s15] =	ssyncset.done $0x0  }
.Ltmp1:
0x41: {  	[sflag:s15] =	ssyncadd.s32 $0xFFFFC000;
	(pc) =	sbr.rel @p0 .LBB2_1-.Ltmp1, $4  }
0x42: {  	[hbm4b:s7+s2] =	stream.linear.scatter [tilespmem:s13], [sflag:$0x3], $0x4000, $0x38;
	[tilespmem:$0x8A00] =	vst v63  }
0x43: {  	_ =	swait.ge [sflag:s10], $0x4000  }
0x44: {  	[sflag:s10] =	ssyncset.done $0x0  }
0x45: {  	[sflag:s10] =	ssyncadd.s32 $0xFFFFC000  }
0x46: {  	_ =	sfence.sel $0x180000  }
0x47: {  	[bflag:$0x0] =	sbarrier.arrive $0xFFFF  }
0x48: {  	p0 =	sne.s32 s0, $0x0;
	_ =	strace $0x9000004A  }
0x49: {  	s0 =	sadd.s32 @!p0 $0x100000, s1;
	[bflag:$0x2] =	sbarrier.arrive $0xFFFF  }
0x4a: {  	[sflag:s0] =	ssyncadd.tile.s32 @!p0 $0x1;
	_ =	shalt  }
.Lfunc_end2:
_tile_overlayer_lowered:
.L_overlay_start_2:
0x4b: {  	(tag) =	ssettag $0x2  }
0x4c: {  	s0 =	rddreg [dreg:$0x0];
	s2 =	stileid.u32  }
0x4d: {  	s1 =	rddreg [dreg:$0x1];
	p0 =	sne.s32 s2, $0x0  }
0x4e: {  	s3 =	rddreg [dreg:$0x2];
	[bflag:$0x3] =	sbarrier.arrive $0xFFFF;
	s2 =	simm.s32 @!p0 $0x1C03  }
0x4f: {  	[timem:s3], [sflag:s2] =	dma.local @!p0 [hbm:s0], s1  }
0x50: {  	s0 =	simm.s32 @!p0 $0x3  }
0x51: {  	_ =	swait.ge @!p0 [sflag:s0], s1  }
0x52: {  	s1 =	ssub.s32 @!p0 $0x0, s1;
	[sflag:s0] =	ssyncset.done @!p0 $0x0  }
0x53: {  	[sflag:s0] =	ssyncadd.s32 @!p0 s1  }
0x54: {  	[bflag:$0x3] =	sbarrier.arrive $0xFFFF  }
0x55: {  	_ =	shalt  }

// kernel: kernel.29.cloned.1.call-start
scs
__scs_entry_jumppad:
0x0: {  	(pc) =	sbr.rel $0x88, $3  }
0x1: {  	(tag) =	ssettag $0x0;
	lr =	simm.s32 $0x1  }
0x2: {  	[smem:$0x3F99] =	sst lr;
	_ =	strace $0xD0000000  }
0x3: {  	_ = 	snop  }
0x4: {  	_ = 	snop  }
0x5: {  	_ = 	snop  }
0x6: {  	_ = 	snop  }
0x7: {  	_ = 	snop  }
__scs_overlays_trampoline_lowered:
0x8: {  	[smem:$0x3FA8] =	sst s0  }
0x9: {  	[smem:$0x3FA9] =	sst s1  }
0xa: {  	[smem:$0x3FAA] =	sst s2  }
0xb: {  	[smem:$0x3FAB] =	sst s3  }
0xc: {  	[smem:$0x3FAC] =	sst s4  }
0xd: {  	[smem:$0x3FAD] =	sst s5  }
0xe: {  	[smem:$0x3FAE] =	sst s6  }
0xf: {  	[smem:$0x3FAF] =	sst s7  }
0x10: {  	[smem:$0x3FB0] =	sst s8  }
0x11: {  	[smem:$0x3FB1] =	sst s9;
	s0 =	simm.s32 @!p0 $0x0  }
0x12: {  	s1 =	sld [smem:$0x3F97];
	s0 =	simm.s32 @p0 $0x1  }
0x13: {  	[smem:$0x3FB2] =	sst s0;
	s0 =	simm.s32 @!p1 $0x0  }
0x14: {  	s2 =	sld [smem:$0x3F96];
	s0 =	simm.s32 @p1 $0x1  }
0x15: {  	[smem:$0x3FB3] =	sst s0;
	s0 =	simm.s32 @!p2 $0x0  }
0x16: {  	s3 =	sld [smem:$0x3FDB];
	s0 =	simm.s32 @p2 $0x1  }
0x17: {  	s4 =	simm.s32 $0x1BF5;
	[smem:$0x3FB5] =	sst s0  }
0x18: {  	s0 =	sld [smem:$0x3F98];
	_ =	swait.ge [sflag:s4], $0x0  }
0x19: {  	s7 =	sld [smem:$0x3F99]  }
0x1a: {  	s8 =	sadd.s32 $0xFFFFE003, lr  }
0x1b: {  	s9 =	sadd.s32 $0xFFFFFEF7, lr;
	s5 =	simm.s32 $0xFFFFFFFF;
	p2 =	slt.u32 s8, $0xFFFFF086  }
0x1c: {  	p1 =	slt.u32 s9, $0xF7A;
	s5 =	simm.s32 @!p2 $0x0  }
0x1d: {  	s5 =	simm.s32 @p1 $0x1;
	p0 =	seq.s32 s7, s2  }
0x1e: {  	s7 =	smul.u32 @!p0 $0xF7A, s2;
	p2 =	seq.s32 @!p0 s5, $0x0  }
0x1f: {  	s9 =	smul.u32 $0xF7A, s1;
	s8 =	simm.s32 @!p0 $0x1BF5;
	p2 =	por !p2, p0  }
0x20: {  	[sflag:s8] =	ssyncset.s32 @!p0 $0xFFFFF086;
	s6 =	sadd.s32 @!p0 s3, s7;
	s7 =	simm.s32 @!p0 $0x108  }
0x21: {  	s3 =	sadd.s32 s3, s9;
	s6 =	sadd.s32 @!p0 $0x88, s6;
	s7 =	simm.s32 @p2 $0x1082  }
0x22: {  	[simem:s7], [sflag:s8] =	dma.local @!p0 [hbm:s6], $0xF7A  }
0x23: {  	s9 =	sor.u32 $0xD0000000, s2;
	s6 =	simm.s32 $0x108;
	_ =	swait.ge @!p0 [sflag:s8], $0x0  }
0x24: {  	s3 =	sadd.s32 $0x88, s3;
	s6 =	simm.s32 @!p1 $0x1082;
	[sflag:s4] =	ssyncset.s32 $0xFFFFF086  }
0x25: {  	[simem:s6], [sflag:s4] =	dma.local [hbm:s3], $0xF7A  }
0x26: {  	[smem:$0x3F99] =	sst s1;
	(tag) =	ssettag s2;
	_ =	strace s9  }
0x27: {  	s1 =	sld [smem:$0x3FA9]  }
0x28: {  	s2 =	sld [smem:$0x3FAA]  }
0x29: {  	s4 =	sld [smem:$0x3FAC]  }
0x2a: {  	p0 =	seq.s32 s5, $0x0;
	s5 =	sld [smem:$0x3FAD]  }
0x2b: {  	s6 =	sld [smem:$0x3FAE]  }
0x2c: {  	s7 =	sld [smem:$0x3FAF]  }
0x2d: {  	s3 =	simm.s32 $0x108;
	s8 =	sld [smem:$0x3FB0]  }
0x2e: {  	s3 =	simm.s32 @!p0 $0x1082;
	s9 =	sld [smem:$0x3FB1]  }
0x2f: {  	lr =	sadd.s32 s0, s3;
	s0 =	sld [smem:$0x3FA8]  }
0x30: {  	s3 =	sld [smem:$0x3FAB]  }
0x31: {  	[smem:$0x3FB4] =	sst s10  }
0x32: {  	s10 =	sld [smem:$0x3FB2];
	_ =	sdelay $0x3  }
0x33: {  	p0 =	seq.s32 s10, $0x1;
	s10 =	sld [smem:$0x3FB4];
	_ =	sdelay $0x3  }
0x34: {  	[smem:$0x3FB4] =	sst s10  }
0x35: {  	s10 =	sld [smem:$0x3FB3];
	_ =	sdelay $0x3  }
0x36: {  	p1 =	seq.s32 s10, $0x1;
	s10 =	sld [smem:$0x3FB4];
	_ =	sdelay $0x3  }
0x37: {  	[smem:$0x3FB4] =	sst s10  }
0x38: {  	s10 =	sld [smem:$0x3FB5]  }
0x39: {  	_ = 	snop;
	(pc) =	sbr.ind lr, $3  }
0x3a: {  	_ = 	snop  }
0x3b: {  	_ = 	snop  }
0x3c: {  	p2 =	seq.s32 s10, $0x1;
	s10 =	sld [smem:$0x3FB4]  }
0x3d: {  	_ =	shalt  }
0x3e: {  	_ =	shalt  }
0x3f: {  	_ =	shalt  }
0x40: {  	_ =	shalt  }
0x41: {  	_ =	shalt  }
0x42: {  	_ =	shalt  }
0x43: {  	_ =	shalt  }
0x44: {  	_ =	shalt  }
0x45: {  	_ =	shalt  }
0x46: {  	_ =	shalt  }
0x47: {  	_ =	shalt  }
0x48: {  	_ =	shalt  }
0x49: {  	_ =	shalt  }
0x4a: {  	_ =	shalt  }
0x4b: {  	_ =	shalt  }
0x4c: {  	_ =	shalt  }
0x4d: {  	_ =	shalt  }
0x4e: {  	_ =	shalt  }
0x4f: {  	_ =	shalt  }
0x50: {  	_ =	shalt  }
0x51: {  	_ =	shalt  }
0x52: {  	_ =	shalt  }
0x53: {  	_ =	shalt  }
0x54: {  	_ =	shalt  }
0x55: {  	_ =	shalt  }
0x56: {  	_ =	shalt  }
0x57: {  	_ =	shalt  }
0x58: {  	_ =	shalt  }
0x59: {  	_ =	shalt  }
0x5a: {  	_ =	shalt  }
0x5b: {  	_ =	shalt  }
0x5c: {  	_ =	shalt  }
0x5d: {  	_ =	shalt  }
0x5e: {  	_ =	shalt  }
0x5f: {  	_ =	shalt  }
0x60: {  	_ =	shalt  }
0x61: {  	_ =	shalt  }
0x62: {  	_ =	shalt  }
0x63: {  	_ =	shalt  }
0x64: {  	_ =	shalt  }
0x65: {  	_ =	shalt  }
0x66: {  	_ =	shalt  }
0x67: {  	_ =	shalt  }
0x68: {  	_ =	shalt  }
0x69: {  	_ =	shalt  }
0x6a: {  	_ =	shalt  }
0x6b: {  	_ =	shalt  }
0x6c: {  	_ =	shalt  }
0x6d: {  	_ =	shalt  }
0x6e: {  	_ =	shalt  }
0x6f: {  	_ =	shalt  }
0x70: {  	_ =	shalt  }
0x71: {  	_ =	shalt  }
0x72: {  	_ =	shalt  }
0x73: {  	_ =	shalt  }
0x74: {  	_ =	shalt  }
0x75: {  	_ =	shalt  }
0x76: {  	_ =	shalt  }
0x77: {  	_ =	shalt  }
0x78: {  	_ =	shalt  }
0x79: {  	_ =	shalt  }
0x7a: {  	_ =	shalt  }
0x7b: {  	_ =	shalt  }
0x7c: {  	_ =	shalt  }
0x7d: {  	_ =	shalt  }
0x7e: {  	_ =	shalt  }
0x7f: {  	_ =	shalt  }
0x80: {  	_ =	shalt  }
0x81: {  	_ =	shalt  }
0x82: {  	_ =	shalt  }
0x83: {  	_ =	shalt  }
0x84: {  	_ =	shalt  }
0x85: {  	_ =	shalt  }
0x86: {  	_ =	shalt  }
0x87: {  	_ =	shalt  }
.Lfunc_end0:
.L_simem_size_0:
called_computation.2_lowered:
.L_overlay_start_0:
0x88: {  	s2 =	sld [smem:$0x3FD9]  }
0x89: {  	s3 =	sld [smem:$0x3FFE];
	_ =	sdelay $0x1  }
0x8a: {  	s1 =	srdreg.scid  }
0x8b: {  	s0 =	sand.u32 $0x1, s1  }
0x8c: {  	s17 =	sshll.u32 s0, $0xA;
	s2 =	sadd.s32 s3, s2  }
0x8d: {  	s2 =	sadd.s32 s2, s17  }
0x8e: {  	[smem:$0x3FC0] =	sst s2  }
0x8f: {  	_ = 	snop  }
0x90: {  	(tm) =	ssettm $0x1  }
0x91: {  	s18 =	sld [smem:$0x3FFB];
	_ =	sdelay $0x3  }
0x92: {  	_ =	strace s18  }
0x93: {  	s2 =	sld [smem:$0x3FFC];
	_ =	sdelay $0x3  }
0x94: {  	_ =	strace s2  }
0x95: {  	s2 =	sld [smem:$0x3FFD];
	_ =	sdelay $0x3  }
0x96: {  	_ =	strace s2  }
0x97: {  	_ =	strace $0x8FFFFFFF  }
0x98: {  	s19 =	sld [smem:$0x3FDB];
	_ =	sdelay $0x1  }
0x99: {  	s20 =	simm.s32 $_scs_section_size  }
0x9a: {  	s4 =	simm.s32 $_size__tile_overlayer_lowered;
	s5 =	simm.s32 $_tile_overlayer_lowered  }
0x9b: {  	s6 =	simm.s32 $0x1BFF;
	s21 =	sshll.u32 s5, $0x1;
	s3 =	sadd.s32 s20, s19  }
0x9c: {  	s22 =	simm.s32 $0x0;
	s4 =	sshll.u32 s4, $0x1;
	s5 =	sadd.s32 s21, s3  }
0x9d: {  	[timem:s22], [sflag:s6] =	dma.local [hbm:s5], s4  }
0x9e: {  	_ =	swait.ge [sflag:s6], s4  }
0x9f: {  	s4 =	ssub.s32 $0x0, s4;
	[sflag:s6] =	ssyncset.done $0x0  }
0xa0: {  	[sflag:s6] =	ssyncadd.s32 s4;
	_ =	sdelay $0x1  }
0xa1: {  	s23 =	simm.s32 $0x1B8B  }
0xa2: {  	_ =	swait.ge [sflag:s23], $0x1  }
0xa3: {  	[sflag:s23] =	ssyncset.done $0x0  }
0xa4: {  	[sflag:s23] =	ssyncadd.s32 $0xFFFFFFFF  }
0xa5: {  	s4 =	sld [smem:$0x0]  }
0xa6: {  	s5 =	sand.u32 $0xFFFFFFFE, s1  }
0xa7: {  	p0 =	sne.s32 s1, s5  }
0xa8: {  	s5 =	sshll.u32 @p0 s5, $0xE  }
0xa9: {  	s5 =	sadd.s32 @p0 $0x11B8D, s5;
	s6 =	sshll.u32 @p0 s4, $0x11  }
0xaa: {  	s5 =	sor.u32 @p0 s6, s5  }
0xab: {  	[sflag:s5] =	ssyncadd.remote.s32 @p0 $0x1;
	_ =	sdelay $0x1  }
0xac: {  	s5 =	simm.s32 @p0 $0x1B8D  }
0xad: {  	_ =	swait.eq @p0 [sflag:s5], $0x1  }
0xae: {  	[sflag:s5] =	ssyncadd.s32 @p0 $0xFFFFFFFF  }
0xaf: {  	s6 =	sshll.u32 @!p0 s1, $0xE  }
0xb0: {  	s6 =	sor.u32 @!p0 $0x4000, s6;
	s5 =	simm.s32 @!p0 $0x1B8D  }
0xb1: {  	s4 =	sshll.u32 @!p0 s4, $0x11;
	s6 =	sadd.s32 @!p0 $0x11B8D, s6;
	_ =	swait.eq @!p0 [sflag:s5], $0x1  }
0xb2: {  	s4 =	sor.u32 @!p0 s4, s6;
	[sflag:s5] =	ssyncadd.s32 @!p0 $0xFFFFFFFF  }
0xb3: {  	s25 =	simm.s32 $0x1B8E;
	s24 =	sld [smem:$0x3FFE];
	[sflag:s4] =	ssyncadd.remote.s32 @!p0 $0x1  }
0xb4: {  	s26 =	simm.s32 $execute0_lowered;
	[smem:$0x3FD2] =	sst s25  }
0xb5: {  	s5 =	sshll.u32 s26, $0x1;
	_ =	strace $0x8000004C;
	[dreg:$0x1] =	wrdreg $0xFFFFFFFF  }
0xb6: {  	s28 =	simm.s32 $_size_execute0_lowered;
	s3 =	sadd.s32 s3, s5;
	[dreg:$0x0] =	wrdreg $0x0  }
0xb7: {  	s5 =	sshll.u32 s28, $0x1;
	[dreg:$0x2] =	wrdreg s3  }
0xb8: {  	[dreg:$0x3] =	wrdreg s5  }
0xb9: {  	[dreg:$0x4] =	wrdreg $0xC0  }
0xba: {  	_ =	task [dreg:s22], $0x5FFFF  }
0xbb: {  	[dreg:$0x1] =	wrdreg $0xFFFFFFFF  }
0xbc: {  	[dreg:$0x0] =	wrdreg $0x60  }
0xbd: {  	[dreg:$0x2] =	wrdreg s24  }
0xbe: {  	[dreg:$0x3] =	wrdreg $0xB  }
0xbf: {  	_ =	task.clear_ibuf [dreg:s22], $0x4FFFF;
	_ =	strace $0x9000004C  }
0xc0: {  	s29 =	simm.s32 $0xB;
	_ =	strace $0x8000004E  }
0xc1: {  	_ =	swait.ge [sflag:s29], $0x1  }
0xc2: {  	[sflag:s29] =	ssyncadd.s32 $0xFFFFFFFF  }
0xc3: {  	_ =	strace $0x9000004E  }
0xc4: {  	_ =	sfence  }
0xc5: {  	s30 =	sld [smem:$0x0];
	_ =	sdelay $0x2  }
0xc6: {  	s31 =	sshll.u32 s1, $0xD;
	s1 =	sshrl.u32 s1, $0x2  }
0xc7: {  	s4 =	sand.u32 $0x4000, s31;
	s1 =	sadd.s32 s1, s30  }
0xc8: {  	s0 =	sor.u32 s4, s0;
	s1 =	sshll.u32 s1, $0x11  }
0xc9: {  	s0 =	sor.u32 s1, s0  }
0xca: {  	s0 =	sadd.s32 $0x8F2B, s0  }
0xcb: {  	[sflag:s0] =	ssyncadd.remote.s32 $0x1  }
0xcc: {  	_ =	sfence.sel $0xFFFF  }
0xcd: {  	[dreg:$0x0] =	wrdreg $0xFFFFFFFF;
	(pc) =	sbr.abs _section_cstart, $3  }
0xce: {  	[dreg:$0x1] =	wrdreg $0xFFFFFFFF  }
0xcf: {  	_ =	task.clear_ibuf [dreg:s22], $0x2FFFF;
	_ =	strace $0x9FFFFFFF  }
0xd0: {  	(tm) =	ssettm $0x7FFFFFFF  }
0xd1: {  	_ =	shalt  }
tec
execute0_lowered:
.L_overlay_start_1:
0x0: {  	(tag) =	ssettag $0x1  }
0x1: {  	s1 =	srdreg.scid  }
0x2: {  	s0 =	stileid.u32;
	s4 =	rddreg [dreg:$0x0]  }
0x3: {  	s2 =	simm.s32 $0x0;
	s13 =	simm.s32 $0x4A00;
	s14 =	simm.s32 $0x1  }
0x4: {  	s15 =	simm.s32 $0x2;
	s16 =	simm.s32 $0x980;
	s25 =	smul.u32 $0xA0000, s0  }
0x5: {  	s17 =	simm.s32 $0x0;
	s7 =	sand.u32 $0x1, s1;
	s29 =	smul.u32 $0x14000, s0  }
0x6: {  	s3 =	sshll.u32 s0, $0x1;
	s1 =	rddreg [dreg:$0x1];
	s28 =	smul.u32 $0x50000, s7  }
0x7: {  	[smem:$0x7FF] =	sst s2;
	s5 =	sor.u32 s7, s3;
	s30 =	smul.u32 $0xA000, s7  }
0x8: {  	s12 =	sadd.s32 $0x2A1E00, s4;
	s8 =	ssub.s32 $0x2, s7;
	s6 =	smul.u32 $0xA00, s5  }
0x9: {  	_ =	strace $0x8000004D;
	s9 =	smul.u32 $0x50000, s5;
	s10 =	sshrl.u32 s8, $0x1  }
0xa: {  	s3 =	sadd.s32 $0x7600, s4;
	s11 =	smul.u32 $0xA000, s5;
	s24 =	ssub.s32 s8, s10  }
0xb: {  	s8 =	sadd.s32 s28, s25;
	s10 =	sadd.s32 s29, s12;
	s6 =	sshrl.u32 s6, $0x3  }
0xc: {  	s26 =	sshrl.u32 s9, $0x3;
	s5 =	smax.u32 s24, $0x1;
	s31 =	sadd.s32 s12, s11  }
0xd: {  	s8 =	sshrl.u32 s8, $0x3;
	s9 =	sadd.s32 s30, s10;
	s10 =	simm.s32 $0x3  }
0xe: {  	s11 =	simm.s32 $0xA00;
	s6 =	sadd.s32 s6, s4;
	s7 =	sadd.s32 $0x9800, s31  }
0xf: {  	s8 =	sadd.s32 s8, s12;
	s4 =	sadd.s32 $0x14DE00, s6;
	s6 =	sadd.s32 s12, s26  }
0x10: {  	s9 =	sadd.s32 $0x800, s9;
	s12 =	simm.s32 $0x80;
	s6 =	sadd.s32 $0x9000, s6  }
.LBB2_1:
0x11: {  	[tilespmem:s2], [sflag:$0x3] =	stream.linear.gather [hbm4b:s4+s2], $0xA00, $0x38;
	[tilespmem:$0x8A00] =	vst v63  }
0x12: {  	_ =	swait.ge [sflag:s10], $0xA00  }
0x13: {  	[sflag:s10] =	ssyncset.done $0x0  }
0x14: {  	[sflag:s10] =	ssyncadd.s32 $0xFFFFF600  }
0x15: {  	[tilespmem:s11], [sflag:$0x1] =	stream.indirect.gather [hbm4b:s3+s12], $0x80, s2, s12, $0xb8;
	[tilespmem:$0x8A00] =	vst v63  }
0x16: {  	_ = 	snop  }
0x17: {  	[tilespmem:s13], [sflag:$0x2] =	stream.indirect.gather [hbm4b:s3+s12], $0x80, s12, s12, $0xb8;
	[tilespmem:$0x8A00] =	vst v63  }
0x18: {  	_ =	swait.ge [sflag:s14], $0x4000  }
0x19: {  	[sflag:s14] =	ssyncset.done $0x0  }
0x1a: {  	s18 =	sadd.s32 $0x0, s8;
	[sflag:s14] =	ssyncadd.s32 $0xFFFFC000  }
0x1b: {  	[hbm4b:s18+s2] =	stream.linear.scatter [tilespmem:s11], [sflag:$0x3], $0x4000, $0x38;
	[tilespmem:$0x8A00] =	vst v63  }
0x1c: {  	_ =	swait.ge [sflag:s10], $0x4000  }
0x1d: {  	[sflag:s10] =	ssyncset.done $0x0  }
0x1e: {  	s30 =	simm.s32 $0x100;
	[sflag:s10] =	ssyncadd.s32 $0xFFFFC000  }
0x1f: {  	[tilespmem:s11], [sflag:$0x1] =	stream.indirect.gather [hbm4b:s3+s12], $0x80, s30, s12, $0xb8;
	[tilespmem:$0x8A00] =	vst v63  }
0x20: {  	_ =	swait.ge [sflag:s15], $0x4000  }
0x21: {  	[sflag:s15] =	ssyncset.done $0x0  }
0x22: {  	s31 =	sadd.s32 $0x0, s9;
	[sflag:s15] =	ssyncadd.s32 $0xFFFFC000  }
0x23: {  	[hbm4b:s31+s2] =	stream.linear.scatter [tilespmem:s13], [sflag:$0x3], $0x4000, $0x38;
	[tilespmem:$0x8A00] =	vst v63  }
0x24: {  	_ =	swait.ge [sflag:s10], $0x4000  }
0x25: {  	s19 =	simm.s32 $0x80;
	s18 =	simm.s32 $0x1000;
	[sflag:s10] =	ssyncset.done $0x0  }
.LBB2_2:
0x26: {  	p0 =	sne.s32 s18, $0x8000;
	[sflag:s10] =	ssyncadd.s32 $0xFFFFC000;
	s19 =	sadd.s32 $0x100, s19  }
0x27: {  	[tilespmem:s13], [sflag:$0x2] =	stream.indirect.gather [hbm4b:s3+s12], $0x80, s19, s12, $0xb8;
	[tilespmem:$0x8A00] =	vst v63  }
0x28: {  	s20 =	smov.u32 s18;
	s18 =	sadd.s32 $0x1000, s18;
	_ =	swait.ge [sflag:s14], $0x4000  }
0x29: {  	[sflag:s14] =	ssyncset.done $0x0  }
0x2a: {  	s21 =	sadd.s32 s20, s8;
	[sflag:s14] =	ssyncadd.s32 $0xFFFFC000  }
0x2b: {  	[hbm4b:s21+s2] =	stream.linear.scatter [tilespmem:s11], [sflag:$0x3], $0x4000, $0x38;
	[tilespmem:$0x8A00] =	vst v63  }
0x2c: {  	_ =	swait.ge [sflag:s10], $0x4000  }
0x2d: {  	[sflag:s10] =	ssyncset.done $0x0  }
0x2e: {  	s21 =	sadd.s32 $0x80, s19;
	[sflag:s10] =	ssyncadd.s32 $0xFFFFC000  }
0x2f: {  	[tilespmem:s11], [sflag:$0x1] =	stream.indirect.gather [hbm4b:s3+s12], $0x80, s21, s12, $0xb8;
	[tilespmem:$0x8A00] =	vst v63  }
0x30: {  	_ =	swait.ge [sflag:s15], $0x4000  }
.Ltmp0:
0x31: {  	[sflag:s15] =	ssyncset.done $0x0;
	(pc) =	sbr.rel @p0 .LBB2_2-.Ltmp0, $4  }
0x32: {  	s20 =	sadd.s32 s20, s9;
	[sflag:s15] =	ssyncadd.s32 $0xFFFFC000  }
0x33: {  	[hbm4b:s20+s2] =	stream.linear.scatter [tilespmem:s13], [sflag:$0x3], $0x4000, $0x38;
	[tilespmem:$0x8A00] =	vst v63  }
0x34: {  	_ =	swait.ge [sflag:s10], $0x4000  }
0x35: {  	[sflag:s10] =	ssyncset.done $0x0  }
0x36: {  	[sflag:s10] =	ssyncadd.s32 $0xFFFFC000  }
0x37: {  	[tilespmem:s13], [sflag:$0x2] =	stream.indirect.gather [hbm4b:s3+s12], $0x80, s16, s12, $0xb8;
	[tilespmem:$0x8A00] =	vst v63  }
0x38: {  	_ =	swait.ge [sflag:s14], $0x4000  }
0x39: {  	[sflag:s14] =	ssyncset.done $0x0  }
0x3a: {  	[sflag:s14] =	ssyncadd.s32 $0xFFFFC000  }
0x3b: {  	[hbm4b:s6+s2] =	stream.linear.scatter [tilespmem:s11], [sflag:$0x3], $0x4000, $0x38;
	[tilespmem:$0x8A00] =	vst v63  }
0x3c: {  	_ =	swait.ge [sflag:s10], $0x4000  }
0x3d: {  	[sflag:s10] =	ssyncset.done $0x0  }
0x3e: {  	[sflag:s10] =	ssyncadd.s32 $0xFFFFC000  }
0x3f: {  	s17 =	sadd.s32 $0x1, s17;
	_ =	swait.ge [sflag:s15], $0x4000  }
0x40: {  	p0 =	sne.s32 s17, s5;
	[sflag:s15] =	ssyncset.done $0x0  }
.Ltmp1:
0x41: {  	[sflag:s15] =	ssyncadd.s32 $0xFFFFC000;
	(pc) =	sbr.rel @p0 .LBB2_1-.Ltmp1, $4  }
0x42: {  	[hbm4b:s7+s2] =	stream.linear.scatter [tilespmem:s13], [sflag:$0x3], $0x4000, $0x38;
	[tilespmem:$0x8A00] =	vst v63  }
0x43: {  	_ =	swait.ge [sflag:s10], $0x4000  }
0x44: {  	[sflag:s10] =	ssyncset.done $0x0  }
0x45: {  	[sflag:s10] =	ssyncadd.s32 $0xFFFFC000  }
0x46: {  	_ =	sfence.sel $0x180000  }
0x47: {  	[bflag:$0x0] =	sbarrier.arrive $0xFFFF  }
0x48: {  	p0 =	sne.s32 s0, $0x0;
	_ =	strace $0x9000004D  }
0x49: {  	s0 =	sadd.s32 @!p0 $0x100000, s1;
	[bflag:$0x2] =	sbarrier.arrive $0xFFFF  }
0x4a: {  	[sflag:s0] =	ssyncadd.tile.s32 @!p0 $0x1;
	_ =	shalt  }
.Lfunc_end2:
_tile_overlayer_lowered:
.L_overlay_start_2:
0x4b: {  	(tag) =	ssettag $0x2  }
0x4c: {  	s0 =	rddreg [dreg:$0x0];
	s2 =	stileid.u32  }
0x4d: {  	s1 =	rddreg [dreg:$0x1];
	p0 =	sne.s32 s2, $0x0  }
0x4e: {  	s3 =	rddreg [dreg:$0x2];
	[bflag:$0x3] =	sbarrier.arrive $0xFFFF;
	s2 =	simm.s32 @!p0 $0x1C03  }
0x4f: {  	[timem:s3], [sflag:s2] =	dma.local @!p0 [hbm:s0], s1  }
0x50: {  	s0 =	simm.s32 @!p0 $0x3  }
0x51: {  	_ =	swait.ge @!p0 [sflag:s0], s1  }
0x52: {  	s1 =	ssub.s32 @!p0 $0x0, s1;
	[sflag:s0] =	ssyncset.done @!p0 $0x0  }
0x53: {  	[sflag:s0] =	ssyncadd.s32 @!p0 s1  }
0x54: {  	[bflag:$0x3] =	sbarrier.arrive $0xFFFF  }
0x55: {  	_ =	shalt  }

// kernel: kernel.32.cloned.1.call-start
scs
__scs_entry_jumppad:
0x0: {  	(pc) =	sbr.rel $0x88, $3  }
0x1: {  	(tag) =	ssettag $0x0;
	lr =	simm.s32 $0x1  }
0x2: {  	[smem:$0x3F99] =	sst lr;
	_ =	strace $0xD0000000  }
0x3: {  	_ = 	snop  }
0x4: {  	_ = 	snop  }
0x5: {  	_ = 	snop  }
0x6: {  	_ = 	snop  }
0x7: {  	_ = 	snop  }
__scs_overlays_trampoline_lowered:
0x8: {  	[smem:$0x3FA8] =	sst s0  }
0x9: {  	[smem:$0x3FA9] =	sst s1  }
0xa: {  	[smem:$0x3FAA] =	sst s2  }
0xb: {  	[smem:$0x3FAB] =	sst s3  }
0xc: {  	[smem:$0x3FAC] =	sst s4  }
0xd: {  	[smem:$0x3FAD] =	sst s5  }
0xe: {  	[smem:$0x3FAE] =	sst s6  }
0xf: {  	[smem:$0x3FAF] =	sst s7  }
0x10: {  	[smem:$0x3FB0] =	sst s8  }
0x11: {  	[smem:$0x3FB1] =	sst s9;
	s0 =	simm.s32 @!p0 $0x0  }
0x12: {  	s1 =	sld [smem:$0x3F97];
	s0 =	simm.s32 @p0 $0x1  }
0x13: {  	[smem:$0x3FB2] =	sst s0;
	s0 =	simm.s32 @!p1 $0x0  }
0x14: {  	s2 =	sld [smem:$0x3F96];
	s0 =	simm.s32 @p1 $0x1  }
0x15: {  	[smem:$0x3FB3] =	sst s0;
	s0 =	simm.s32 @!p2 $0x0  }
0x16: {  	s3 =	sld [smem:$0x3FDB];
	s0 =	simm.s32 @p2 $0x1  }
0x17: {  	s4 =	simm.s32 $0x1BF5;
	[smem:$0x3FB5] =	sst s0  }
0x18: {  	s0 =	sld [smem:$0x3F98];
	_ =	swait.ge [sflag:s4], $0x0  }
0x19: {  	s7 =	sld [smem:$0x3F99]  }
0x1a: {  	s8 =	sadd.s32 $0xFFFFE003, lr  }
0x1b: {  	s9 =	sadd.s32 $0xFFFFFEF7, lr;
	s5 =	simm.s32 $0xFFFFFFFF;
	p2 =	slt.u32 s8, $0xFFFFF086  }
0x1c: {  	p1 =	slt.u32 s9, $0xF7A;
	s5 =	simm.s32 @!p2 $0x0  }
0x1d: {  	s5 =	simm.s32 @p1 $0x1;
	p0 =	seq.s32 s7, s2  }
0x1e: {  	s7 =	smul.u32 @!p0 $0xF7A, s2;
	p2 =	seq.s32 @!p0 s5, $0x0  }
0x1f: {  	s9 =	smul.u32 $0xF7A, s1;
	s8 =	simm.s32 @!p0 $0x1BF5;
	p2 =	por !p2, p0  }
0x20: {  	[sflag:s8] =	ssyncset.s32 @!p0 $0xFFFFF086;
	s6 =	sadd.s32 @!p0 s3, s7;
	s7 =	simm.s32 @!p0 $0x108  }
0x21: {  	s3 =	sadd.s32 s3, s9;
	s6 =	sadd.s32 @!p0 $0x88, s6;
	s7 =	simm.s32 @p2 $0x1082  }
0x22: {  	[simem:s7], [sflag:s8] =	dma.local @!p0 [hbm:s6], $0xF7A  }
0x23: {  	s9 =	sor.u32 $0xD0000000, s2;
	s6 =	simm.s32 $0x108;
	_ =	swait.ge @!p0 [sflag:s8], $0x0  }
0x24: {  	s3 =	sadd.s32 $0x88, s3;
	s6 =	simm.s32 @!p1 $0x1082;
	[sflag:s4] =	ssyncset.s32 $0xFFFFF086  }
0x25: {  	[simem:s6], [sflag:s4] =	dma.local [hbm:s3], $0xF7A  }
0x26: {  	[smem:$0x3F99] =	sst s1;
	(tag) =	ssettag s2;
	_ =	strace s9  }
0x27: {  	s1 =	sld [smem:$0x3FA9]  }
0x28: {  	s2 =	sld [smem:$0x3FAA]  }
0x29: {  	s4 =	sld [smem:$0x3FAC]  }
0x2a: {  	p0 =	seq.s32 s5, $0x0;
	s5 =	sld [smem:$0x3FAD]  }
0x2b: {  	s6 =	sld [smem:$0x3FAE]  }
0x2c: {  	s7 =	sld [smem:$0x3FAF]  }
0x2d: {  	s3 =	simm.s32 $0x108;
	s8 =	sld [smem:$0x3FB0]  }
0x2e: {  	s3 =	simm.s32 @!p0 $0x1082;
	s9 =	sld [smem:$0x3FB1]  }
0x2f: {  	lr =	sadd.s32 s0, s3;
	s0 =	sld [smem:$0x3FA8]  }
0x30: {  	s3 =	sld [smem:$0x3FAB]  }
0x31: {  	[smem:$0x3FB4] =	sst s10  }
0x32: {  	s10 =	sld [smem:$0x3FB2];
	_ =	sdelay $0x3  }
0x33: {  	p0 =	seq.s32 s10, $0x1;
	s10 =	sld [smem:$0x3FB4];
	_ =	sdelay $0x3  }
0x34: {  	[smem:$0x3FB4] =	sst s10  }
0x35: {  	s10 =	sld [smem:$0x3FB3];
	_ =	sdelay $0x3  }
0x36: {  	p1 =	seq.s32 s10, $0x1;
	s10 =	sld [smem:$0x3FB4];
	_ =	sdelay $0x3  }
0x37: {  	[smem:$0x3FB4] =	sst s10  }
0x38: {  	s10 =	sld [smem:$0x3FB5]  }
0x39: {  	_ = 	snop;
	(pc) =	sbr.ind lr, $3  }
0x3a: {  	_ = 	snop  }
0x3b: {  	_ = 	snop  }
0x3c: {  	p2 =	seq.s32 s10, $0x1;
	s10 =	sld [smem:$0x3FB4]  }
0x3d: {  	_ =	shalt  }
0x3e: {  	_ =	shalt  }
0x3f: {  	_ =	shalt  }
0x40: {  	_ =	shalt  }
0x41: {  	_ =	shalt  }
0x42: {  	_ =	shalt  }
0x43: {  	_ =	shalt  }
0x44: {  	_ =	shalt  }
0x45: {  	_ =	shalt  }
0x46: {  	_ =	shalt  }
0x47: {  	_ =	shalt  }
0x48: {  	_ =	shalt  }
0x49: {  	_ =	shalt  }
0x4a: {  	_ =	shalt  }
0x4b: {  	_ =	shalt  }
0x4c: {  	_ =	shalt  }
0x4d: {  	_ =	shalt  }
0x4e: {  	_ =	shalt  }
0x4f: {  	_ =	shalt  }
0x50: {  	_ =	shalt  }
0x51: {  	_ =	shalt  }
0x52: {  	_ =	shalt  }
0x53: {  	_ =	shalt  }
0x54: {  	_ =	shalt  }
0x55: {  	_ =	shalt  }
0x56: {  	_ =	shalt  }
0x57: {  	_ =	shalt  }
0x58: {  	_ =	shalt  }
0x59: {  	_ =	shalt  }
0x5a: {  	_ =	shalt  }
0x5b: {  	_ =	shalt  }
0x5c: {  	_ =	shalt  }
0x5d: {  	_ =	shalt  }
0x5e: {  	_ =	shalt  }
0x5f: {  	_ =	shalt  }
0x60: {  	_ =	shalt  }
0x61: {  	_ =	shalt  }
0x62: {  	_ =	shalt  }
0x63: {  	_ =	shalt  }
0x64: {  	_ =	shalt  }
0x65: {  	_ =	shalt  }
0x66: {  	_ =	shalt  }
0x67: {  	_ =	shalt  }
0x68: {  	_ =	shalt  }
0x69: {  	_ =	shalt  }
0x6a: {  	_ =	shalt  }
0x6b: {  	_ =	shalt  }
0x6c: {  	_ =	shalt  }
0x6d: {  	_ =	shalt  }
0x6e: {  	_ =	shalt  }
0x6f: {  	_ =	shalt  }
0x70: {  	_ =	shalt  }
0x71: {  	_ =	shalt  }
0x72: {  	_ =	shalt  }
0x73: {  	_ =	shalt  }
0x74: {  	_ =	shalt  }
0x75: {  	_ =	shalt  }
0x76: {  	_ =	shalt  }
0x77: {  	_ =	shalt  }
0x78: {  	_ =	shalt  }
0x79: {  	_ =	shalt  }
0x7a: {  	_ =	shalt  }
0x7b: {  	_ =	shalt  }
0x7c: {  	_ =	shalt  }
0x7d: {  	_ =	shalt  }
0x7e: {  	_ =	shalt  }
0x7f: {  	_ =	shalt  }
0x80: {  	_ =	shalt  }
0x81: {  	_ =	shalt  }
0x82: {  	_ =	shalt  }
0x83: {  	_ =	shalt  }
0x84: {  	_ =	shalt  }
0x85: {  	_ =	shalt  }
0x86: {  	_ =	shalt  }
0x87: {  	_ =	shalt  }
.Lfunc_end0:
.L_simem_size_0:
called_computation.3_lowered:
.L_overlay_start_0:
0x88: {  	s2 =	sld [smem:$0x3FD9]  }
0x89: {  	s3 =	sld [smem:$0x3FFE];
	_ =	sdelay $0x1  }
0x8a: {  	s1 =	srdreg.scid  }
0x8b: {  	s0 =	sand.u32 $0x1, s1  }
0x8c: {  	s17 =	sshll.u32 s0, $0xA;
	s2 =	sadd.s32 s3, s2  }
0x8d: {  	s2 =	sadd.s32 s2, s17  }
0x8e: {  	[smem:$0x3FC0] =	sst s2  }
0x8f: {  	_ = 	snop  }
0x90: {  	(tm) =	ssettm $0x1  }
0x91: {  	s18 =	sld [smem:$0x3FFB];
	_ =	sdelay $0x3  }
0x92: {  	_ =	strace s18  }
0x93: {  	s2 =	sld [smem:$0x3FFC];
	_ =	sdelay $0x3  }
0x94: {  	_ =	strace s2  }
0x95: {  	s2 =	sld [smem:$0x3FFD];
	_ =	sdelay $0x3  }
0x96: {  	_ =	strace s2  }
0x97: {  	_ =	strace $0x8FFFFFFF  }
0x98: {  	s19 =	sld [smem:$0x3FDB];
	_ =	sdelay $0x1  }
0x99: {  	s20 =	simm.s32 $_scs_section_size  }
0x9a: {  	s4 =	simm.s32 $_size__tile_overlayer_lowered;
	s5 =	simm.s32 $_tile_overlayer_lowered  }
0x9b: {  	s6 =	simm.s32 $0x1BFF;
	s21 =	sshll.u32 s5, $0x1;
	s3 =	sadd.s32 s20, s19  }
0x9c: {  	s22 =	simm.s32 $0x0;
	s4 =	sshll.u32 s4, $0x1;
	s5 =	sadd.s32 s21, s3  }
0x9d: {  	[timem:s22], [sflag:s6] =	dma.local [hbm:s5], s4  }
0x9e: {  	_ =	swait.ge [sflag:s6], s4  }
0x9f: {  	s4 =	ssub.s32 $0x0, s4;
	[sflag:s6] =	ssyncset.done $0x0  }
0xa0: {  	[sflag:s6] =	ssyncadd.s32 s4;
	_ =	sdelay $0x1  }
0xa1: {  	s23 =	simm.s32 $0x1B8B  }
0xa2: {  	_ =	swait.ge [sflag:s23], $0x1  }
0xa3: {  	[sflag:s23] =	ssyncset.done $0x0  }
0xa4: {  	[sflag:s23] =	ssyncadd.s32 $0xFFFFFFFF  }
0xa5: {  	s4 =	sld [smem:$0x0]  }
0xa6: {  	s5 =	sand.u32 $0xFFFFFFFE, s1  }
0xa7: {  	p0 =	sne.s32 s1, s5  }
0xa8: {  	s5 =	sshll.u32 @p0 s5, $0xE  }
0xa9: {  	s5 =	sadd.s32 @p0 $0x11B8D, s5;
	s6 =	sshll.u32 @p0 s4, $0x11  }
0xaa: {  	s5 =	sor.u32 @p0 s6, s5  }
0xab: {  	[sflag:s5] =	ssyncadd.remote.s32 @p0 $0x1;
	_ =	sdelay $0x1  }
0xac: {  	s5 =	simm.s32 @p0 $0x1B8D  }
0xad: {  	_ =	swait.eq @p0 [sflag:s5], $0x1  }
0xae: {  	[sflag:s5] =	ssyncadd.s32 @p0 $0xFFFFFFFF  }
0xaf: {  	s6 =	sshll.u32 @!p0 s1, $0xE  }
0xb0: {  	s6 =	sor.u32 @!p0 $0x4000, s6;
	s5 =	simm.s32 @!p0 $0x1B8D  }
0xb1: {  	s4 =	sshll.u32 @!p0 s4, $0x11;
	s6 =	sadd.s32 @!p0 $0x11B8D, s6;
	_ =	swait.eq @!p0 [sflag:s5], $0x1  }
0xb2: {  	s4 =	sor.u32 @!p0 s4, s6;
	[sflag:s5] =	ssyncadd.s32 @!p0 $0xFFFFFFFF  }
0xb3: {  	s25 =	simm.s32 $0x1B8E;
	s24 =	sld [smem:$0x3FFE];
	[sflag:s4] =	ssyncadd.remote.s32 @!p0 $0x1  }
0xb4: {  	s26 =	simm.s32 $execute0_lowered;
	[smem:$0x3FD2] =	sst s25  }
0xb5: {  	s5 =	sshll.u32 s26, $0x1;
	_ =	strace $0x8000004F;
	[dreg:$0x1] =	wrdreg $0xFFFFFFFF  }
0xb6: {  	s28 =	simm.s32 $_size_execute0_lowered;
	s3 =	sadd.s32 s3, s5;
	[dreg:$0x0] =	wrdreg $0x0  }
0xb7: {  	s5 =	sshll.u32 s28, $0x1;
	[dreg:$0x2] =	wrdreg s3  }
0xb8: {  	[dreg:$0x3] =	wrdreg s5  }
0xb9: {  	[dreg:$0x4] =	wrdreg $0xC0  }
0xba: {  	_ =	task [dreg:s22], $0x5FFFF  }
0xbb: {  	[dreg:$0x1] =	wrdreg $0xFFFFFFFF  }
0xbc: {  	[dreg:$0x0] =	wrdreg $0x60  }
0xbd: {  	[dreg:$0x2] =	wrdreg s24  }
0xbe: {  	[dreg:$0x3] =	wrdreg $0xC  }
0xbf: {  	_ =	task.clear_ibuf [dreg:s22], $0x4FFFF;
	_ =	strace $0x9000004F  }
0xc0: {  	s29 =	simm.s32 $0xC;
	_ =	strace $0x80000051  }
0xc1: {  	_ =	swait.ge [sflag:s29], $0x1  }
0xc2: {  	[sflag:s29] =	ssyncadd.s32 $0xFFFFFFFF  }
0xc3: {  	_ =	strace $0x90000051  }
0xc4: {  	_ =	sfence  }
0xc5: {  	s30 =	sld [smem:$0x0];
	_ =	sdelay $0x2  }
0xc6: {  	s31 =	sshll.u32 s1, $0xD;
	s1 =	sshrl.u32 s1, $0x2  }
0xc7: {  	s4 =	sand.u32 $0x4000, s31;
	s1 =	sadd.s32 s1, s30  }
0xc8: {  	s0 =	sor.u32 s4, s0;
	s1 =	sshll.u32 s1, $0x11  }
0xc9: {  	s0 =	sor.u32 s1, s0  }
0xca: {  	s0 =	sadd.s32 $0x8F2B, s0  }
0xcb: {  	[sflag:s0] =	ssyncadd.remote.s32 $0x1  }
0xcc: {  	_ =	sfence.sel $0xFFFF  }
0xcd: {  	[dreg:$0x0] =	wrdreg $0xFFFFFFFF;
	(pc) =	sbr.abs _section_cstart, $3  }
0xce: {  	[dreg:$0x1] =	wrdreg $0xFFFFFFFF  }
0xcf: {  	_ =	task.clear_ibuf [dreg:s22], $0x2FFFF;
	_ =	strace $0x9FFFFFFF  }
0xd0: {  	(tm) =	ssettm $0x7FFFFFFF  }
0xd1: {  	_ =	shalt  }
tec
execute0_lowered:
.L_overlay_start_1:
0x0: {  	(tag) =	ssettag $0x1  }
0x1: {  	s1 =	srdreg.scid  }
0x2: {  	s0 =	stileid.u32;
	s4 =	rddreg [dreg:$0x0]  }
0x3: {  	s2 =	simm.s32 $0x0;
	s13 =	simm.s32 $0x4A00;
	s14 =	simm.s32 $0x1  }
0x4: {  	s15 =	simm.s32 $0x2;
	s16 =	simm.s32 $0x980;
	s25 =	smul.u32 $0xA0000, s0  }
0x5: {  	s17 =	simm.s32 $0x0;
	s7 =	sand.u32 $0x1, s1;
	s29 =	smul.u32 $0x14000, s0  }
0x6: {  	s3 =	sshll.u32 s0, $0x1;
	s1 =	rddreg [dreg:$0x1];
	s28 =	smul.u32 $0x50000, s7  }
0x7: {  	[smem:$0x7FF] =	sst s2;
	s5 =	sor.u32 s7, s3;
	s30 =	smul.u32 $0xA000, s7  }
0x8: {  	s12 =	sadd.s32 $0x3E1E00, s4;
	s8 =	ssub.s32 $0x2, s7;
	s6 =	smul.u32 $0xA00, s5  }
0x9: {  	_ =	strace $0x80000050;
	s9 =	smul.u32 $0x50000, s5;
	s10 =	sshrl.u32 s8, $0x1  }
0xa: {  	s3 =	sadd.s32 $0x7600, s4;
	s11 =	smul.u32 $0xA000, s5;
	s24 =	ssub.s32 s8, s10  }
0xb: {  	s8 =	sadd.s32 s28, s25;
	s10 =	sadd.s32 s29, s12;
	s6 =	sshrl.u32 s6, $0x3  }
0xc: {  	s26 =	sshrl.u32 s9, $0x3;
	s5 =	smax.u32 s24, $0x1;
	s31 =	sadd.s32 s12, s11  }
0xd: {  	s8 =	sshrl.u32 s8, $0x3;
	s9 =	sadd.s32 s30, s10;
	s10 =	simm.s32 $0x3  }
0xe: {  	s11 =	simm.s32 $0xA00;
	s6 =	sadd.s32 s6, s4;
	s7 =	sadd.s32 $0x9800, s31  }
0xf: {  	s8 =	sadd.s32 s8, s12;
	s4 =	sadd.s32 $0x150600, s6;
	s6 =	sadd.s32 s12, s26  }
0x10: {  	s9 =	sadd.s32 $0x800, s9;
	s12 =	simm.s32 $0x80;
	s6 =	sadd.s32 $0x9000, s6  }
.LBB2_1:
0x11: {  	[tilespmem:s2], [sflag:$0x3] =	stream.linear.gather [hbm4b:s4+s2], $0xA00, $0x38;
	[tilespmem:$0x8A00] =	vst v63  }
0x12: {  	_ =	swait.ge [sflag:s10], $0xA00  }
0x13: {  	[sflag:s10] =	ssyncset.done $0x0  }
0x14: {  	[sflag:s10] =	ssyncadd.s32 $0xFFFFF600  }
0x15: {  	[tilespmem:s11], [sflag:$0x1] =	stream.indirect.gather [hbm4b:s3+s12], $0x80, s2, s12, $0xb8;
	[tilespmem:$0x8A00] =	vst v63  }
0x16: {  	_ = 	snop  }
0x17: {  	[tilespmem:s13], [sflag:$0x2] =	stream.indirect.gather [hbm4b:s3+s12], $0x80, s12, s12, $0xb8;
	[tilespmem:$0x8A00] =	vst v63  }
0x18: {  	_ =	swait.ge [sflag:s14], $0x4000  }
0x19: {  	[sflag:s14] =	ssyncset.done $0x0  }
0x1a: {  	s18 =	sadd.s32 $0x0, s8;
	[sflag:s14] =	ssyncadd.s32 $0xFFFFC000  }
0x1b: {  	[hbm4b:s18+s2] =	stream.linear.scatter [tilespmem:s11], [sflag:$0x3], $0x4000, $0x38;
	[tilespmem:$0x8A00] =	vst v63  }
0x1c: {  	_ =	swait.ge [sflag:s10], $0x4000  }
0x1d: {  	[sflag:s10] =	ssyncset.done $0x0  }
0x1e: {  	s30 =	simm.s32 $0x100;
	[sflag:s10] =	ssyncadd.s32 $0xFFFFC000  }
0x1f: {  	[tilespmem:s11], [sflag:$0x1] =	stream.indirect.gather [hbm4b:s3+s12], $0x80, s30, s12, $0xb8;
	[tilespmem:$0x8A00] =	vst v63  }
0x20: {  	_ =	swait.ge [sflag:s15], $0x4000  }
0x21: {  	[sflag:s15] =	ssyncset.done $0x0  }
0x22: {  	s31 =	sadd.s32 $0x0, s9;
	[sflag:s15] =	ssyncadd.s32 $0xFFFFC000  }
0x23: {  	[hbm4b:s31+s2] =	stream.linear.scatter [tilespmem:s13], [sflag:$0x3], $0x4000, $0x38;
	[tilespmem:$0x8A00] =	vst v63  }
0x24: {  	_ =	swait.ge [sflag:s10], $0x4000  }
0x25: {  	s19 =	simm.s32 $0x80;
	s18 =	simm.s32 $0x1000;
	[sflag:s10] =	ssyncset.done $0x0  }
.LBB2_2:
0x26: {  	p0 =	sne.s32 s18, $0x8000;
	[sflag:s10] =	ssyncadd.s32 $0xFFFFC000;
	s19 =	sadd.s32 $0x100, s19  }
0x27: {  	[tilespmem:s13], [sflag:$0x2] =	stream.indirect.gather [hbm4b:s3+s12], $0x80, s19, s12, $0xb8;
	[tilespmem:$0x8A00] =	vst v63  }
0x28: {  	s20 =	smov.u32 s18;
	s18 =	sadd.s32 $0x1000, s18;
	_ =	swait.ge [sflag:s14], $0x4000  }
0x29: {  	[sflag:s14] =	ssyncset.done $0x0  }
0x2a: {  	s21 =	sadd.s32 s20, s8;
	[sflag:s14] =	ssyncadd.s32 $0xFFFFC000  }
0x2b: {  	[hbm4b:s21+s2] =	stream.linear.scatter [tilespmem:s11], [sflag:$0x3], $0x4000, $0x38;
	[tilespmem:$0x8A00] =	vst v63  }
0x2c: {  	_ =	swait.ge [sflag:s10], $0x4000  }
0x2d: {  	[sflag:s10] =	ssyncset.done $0x0  }
0x2e: {  	s21 =	sadd.s32 $0x80, s19;
	[sflag:s10] =	ssyncadd.s32 $0xFFFFC000  }
0x2f: {  	[tilespmem:s11], [sflag:$0x1] =	stream.indirect.gather [hbm4b:s3+s12], $0x80, s21, s12, $0xb8;
	[tilespmem:$0x8A00] =	vst v63  }
0x30: {  	_ =	swait.ge [sflag:s15], $0x4000  }
.Ltmp0:
0x31: {  	[sflag:s15] =	ssyncset.done $0x0;
	(pc) =	sbr.rel @p0 .LBB2_2-.Ltmp0, $4  }
0x32: {  	s20 =	sadd.s32 s20, s9;
	[sflag:s15] =	ssyncadd.s32 $0xFFFFC000  }
0x33: {  	[hbm4b:s20+s2] =	stream.linear.scatter [tilespmem:s13], [sflag:$0x3], $0x4000, $0x38;
	[tilespmem:$0x8A00] =	vst v63  }
0x34: {  	_ =	swait.ge [sflag:s10], $0x4000  }
0x35: {  	[sflag:s10] =	ssyncset.done $0x0  }
0x36: {  	[sflag:s10] =	ssyncadd.s32 $0xFFFFC000  }
0x37: {  	[tilespmem:s13], [sflag:$0x2] =	stream.indirect.gather [hbm4b:s3+s12], $0x80, s16, s12, $0xb8;
	[tilespmem:$0x8A00] =	vst v63  }
0x38: {  	_ =	swait.ge [sflag:s14], $0x4000  }
0x39: {  	[sflag:s14] =	ssyncset.done $0x0  }
0x3a: {  	[sflag:s14] =	ssyncadd.s32 $0xFFFFC000  }
0x3b: {  	[hbm4b:s6+s2] =	stream.linear.scatter [tilespmem:s11], [sflag:$0x3], $0x4000, $0x38;
	[tilespmem:$0x8A00] =	vst v63  }
0x3c: {  	_ =	swait.ge [sflag:s10], $0x4000  }
0x3d: {  	[sflag:s10] =	ssyncset.done $0x0  }
0x3e: {  	[sflag:s10] =	ssyncadd.s32 $0xFFFFC000  }
0x3f: {  	s17 =	sadd.s32 $0x1, s17;
	_ =	swait.ge [sflag:s15], $0x4000  }
0x40: {  	p0 =	sne.s32 s17, s5;
	[sflag:s15] =	ssyncset.done $0x0  }
.Ltmp1:
0x41: {  	[sflag:s15] =	ssyncadd.s32 $0xFFFFC000;
	(pc) =	sbr.rel @p0 .LBB2_1-.Ltmp1, $4  }
0x42: {  	[hbm4b:s7+s2] =	stream.linear.scatter [tilespmem:s13], [sflag:$0x3], $0x4000, $0x38;
	[tilespmem:$0x8A00] =	vst v63  }
0x43: {  	_ =	swait.ge [sflag:s10], $0x4000  }
0x44: {  	[sflag:s10] =	ssyncset.done $0x0  }
0x45: {  	[sflag:s10] =	ssyncadd.s32 $0xFFFFC000  }
0x46: {  	_ =	sfence.sel $0x180000  }
0x47: {  	[bflag:$0x0] =	sbarrier.arrive $0xFFFF  }
0x48: {  	p0 =	sne.s32 s0, $0x0;
	_ =	strace $0x90000050  }
0x49: {  	s0 =	sadd.s32 @!p0 $0x100000, s1;
	[bflag:$0x2] =	sbarrier.arrive $0xFFFF  }
0x4a: {  	[sflag:s0] =	ssyncadd.tile.s32 @!p0 $0x1;
	_ =	shalt  }
.Lfunc_end2:
_tile_overlayer_lowered:
.L_overlay_start_2:
0x4b: {  	(tag) =	ssettag $0x2  }
0x4c: {  	s0 =	rddreg [dreg:$0x0];
	s2 =	stileid.u32  }
0x4d: {  	s1 =	rddreg [dreg:$0x1];
	p0 =	sne.s32 s2, $0x0  }
0x4e: {  	s3 =	rddreg [dreg:$0x2];
	[bflag:$0x3] =	sbarrier.arrive $0xFFFF;
	s2 =	simm.s32 @!p0 $0x1C03  }
0x4f: {  	[timem:s3], [sflag:s2] =	dma.local @!p0 [hbm:s0], s1  }
0x50: {  	s0 =	simm.s32 @!p0 $0x3  }
0x51: {  	_ =	swait.ge @!p0 [sflag:s0], s1  }
0x52: {  	s1 =	ssub.s32 @!p0 $0x0, s1;
	[sflag:s0] =	ssyncset.done @!p0 $0x0  }
0x53: {  	[sflag:s0] =	ssyncadd.s32 @!p0 s1  }
0x54: {  	[bflag:$0x3] =	sbarrier.arrive $0xFFFF  }
0x55: {  	_ =	shalt  }

// kernel: kernel.35.cloned.1.call-start
scs
__scs_entry_jumppad:
0x0: {  	(pc) =	sbr.rel $0x88, $3  }
0x1: {  	(tag) =	ssettag $0x0;
	lr =	simm.s32 $0x1  }
0x2: {  	[smem:$0x3F99] =	sst lr;
	_ =	strace $0xD0000000  }
0x3: {  	_ = 	snop  }
0x4: {  	_ = 	snop  }
0x5: {  	_ = 	snop  }
0x6: {  	_ = 	snop  }
0x7: {  	_ = 	snop  }
__scs_overlays_trampoline_lowered:
0x8: {  	[smem:$0x3FA8] =	sst s0  }
0x9: {  	[smem:$0x3FA9] =	sst s1  }
0xa: {  	[smem:$0x3FAA] =	sst s2  }
0xb: {  	[smem:$0x3FAB] =	sst s3  }
0xc: {  	[smem:$0x3FAC] =	sst s4  }
0xd: {  	[smem:$0x3FAD] =	sst s5  }
0xe: {  	[smem:$0x3FAE] =	sst s6  }
0xf: {  	[smem:$0x3FAF] =	sst s7  }
0x10: {  	[smem:$0x3FB0] =	sst s8  }
0x11: {  	[smem:$0x3FB1] =	sst s9;
	s0 =	simm.s32 @!p0 $0x0  }
0x12: {  	s1 =	sld [smem:$0x3F97];
	s0 =	simm.s32 @p0 $0x1  }
0x13: {  	[smem:$0x3FB2] =	sst s0;
	s0 =	simm.s32 @!p1 $0x0  }
0x14: {  	s2 =	sld [smem:$0x3F96];
	s0 =	simm.s32 @p1 $0x1  }
0x15: {  	[smem:$0x3FB3] =	sst s0;
	s0 =	simm.s32 @!p2 $0x0  }
0x16: {  	s3 =	sld [smem:$0x3FDB];
	s0 =	simm.s32 @p2 $0x1  }
0x17: {  	s4 =	simm.s32 $0x1BF5;
	[smem:$0x3FB5] =	sst s0  }
0x18: {  	s0 =	sld [smem:$0x3F98];
	_ =	swait.ge [sflag:s4], $0x0  }
0x19: {  	s7 =	sld [smem:$0x3F99]  }
0x1a: {  	s8 =	sadd.s32 $0xFFFFE003, lr  }
0x1b: {  	s9 =	sadd.s32 $0xFFFFFEF7, lr;
	s5 =	simm.s32 $0xFFFFFFFF;
	p2 =	slt.u32 s8, $0xFFFFF086  }
0x1c: {  	p1 =	slt.u32 s9, $0xF7A;
	s5 =	simm.s32 @!p2 $0x0  }
0x1d: {  	s5 =	simm.s32 @p1 $0x1;
	p0 =	seq.s32 s7, s2  }
0x1e: {  	s7 =	smul.u32 @!p0 $0xF7A, s2;
	p2 =	seq.s32 @!p0 s5, $0x0  }
0x1f: {  	s9 =	smul.u32 $0xF7A, s1;
	s8 =	simm.s32 @!p0 $0x1BF5;
	p2 =	por !p2, p0  }
0x20: {  	[sflag:s8] =	ssyncset.s32 @!p0 $0xFFFFF086;
	s6 =	sadd.s32 @!p0 s3, s7;
	s7 =	simm.s32 @!p0 $0x108  }
0x21: {  	s3 =	sadd.s32 s3, s9;
	s6 =	sadd.s32 @!p0 $0x88, s6;
	s7 =	simm.s32 @p2 $0x1082  }
0x22: {  	[simem:s7], [sflag:s8] =	dma.local @!p0 [hbm:s6], $0xF7A  }
0x23: {  	s9 =	sor.u32 $0xD0000000, s2;
	s6 =	simm.s32 $0x108;
	_ =	swait.ge @!p0 [sflag:s8], $0x0  }
0x24: {  	s3 =	sadd.s32 $0x88, s3;
	s6 =	simm.s32 @!p1 $0x1082;
	[sflag:s4] =	ssyncset.s32 $0xFFFFF086  }
0x25: {  	[simem:s6], [sflag:s4] =	dma.local [hbm:s3], $0xF7A  }
0x26: {  	[smem:$0x3F99] =	sst s1;
	(tag) =	ssettag s2;
	_ =	strace s9  }
0x27: {  	s1 =	sld [smem:$0x3FA9]  }
0x28: {  	s2 =	sld [smem:$0x3FAA]  }
0x29: {  	s4 =	sld [smem:$0x3FAC]  }
0x2a: {  	p0 =	seq.s32 s5, $0x0;
	s5 =	sld [smem:$0x3FAD]  }
0x2b: {  	s6 =	sld [smem:$0x3FAE]  }
0x2c: {  	s7 =	sld [smem:$0x3FAF]  }
0x2d: {  	s3 =	simm.s32 $0x108;
	s8 =	sld [smem:$0x3FB0]  }
0x2e: {  	s3 =	simm.s32 @!p0 $0x1082;
	s9 =	sld [smem:$0x3FB1]  }
0x2f: {  	lr =	sadd.s32 s0, s3;
	s0 =	sld [smem:$0x3FA8]  }
0x30: {  	s3 =	sld [smem:$0x3FAB]  }
0x31: {  	[smem:$0x3FB4] =	sst s10  }
0x32: {  	s10 =	sld [smem:$0x3FB2];
	_ =	sdelay $0x3  }
0x33: {  	p0 =	seq.s32 s10, $0x1;
	s10 =	sld [smem:$0x3FB4];
	_ =	sdelay $0x3  }
0x34: {  	[smem:$0x3FB4] =	sst s10  }
0x35: {  	s10 =	sld [smem:$0x3FB3];
	_ =	sdelay $0x3  }
0x36: {  	p1 =	seq.s32 s10, $0x1;
	s10 =	sld [smem:$0x3FB4];
	_ =	sdelay $0x3  }
0x37: {  	[smem:$0x3FB4] =	sst s10  }
0x38: {  	s10 =	sld [smem:$0x3FB5]  }
0x39: {  	_ = 	snop;
	(pc) =	sbr.ind lr, $3  }
0x3a: {  	_ = 	snop  }
0x3b: {  	_ = 	snop  }
0x3c: {  	p2 =	seq.s32 s10, $0x1;
	s10 =	sld [smem:$0x3FB4]  }
0x3d: {  	_ =	shalt  }
0x3e: {  	_ =	shalt  }
0x3f: {  	_ =	shalt  }
0x40: {  	_ =	shalt  }
0x41: {  	_ =	shalt  }
0x42: {  	_ =	shalt  }
0x43: {  	_ =	shalt  }
0x44: {  	_ =	shalt  }
0x45: {  	_ =	shalt  }
0x46: {  	_ =	shalt  }
0x47: {  	_ =	shalt  }
0x48: {  	_ =	shalt  }
0x49: {  	_ =	shalt  }
0x4a: {  	_ =	shalt  }
0x4b: {  	_ =	shalt  }
0x4c: {  	_ =	shalt  }
0x4d: {  	_ =	shalt  }
0x4e: {  	_ =	shalt  }
0x4f: {  	_ =	shalt  }
0x50: {  	_ =	shalt  }
0x51: {  	_ =	shalt  }
0x52: {  	_ =	shalt  }
0x53: {  	_ =	shalt  }
0x54: {  	_ =	shalt  }
0x55: {  	_ =	shalt  }
0x56: {  	_ =	shalt  }
0x57: {  	_ =	shalt  }
0x58: {  	_ =	shalt  }
0x59: {  	_ =	shalt  }
0x5a: {  	_ =	shalt  }
0x5b: {  	_ =	shalt  }
0x5c: {  	_ =	shalt  }
0x5d: {  	_ =	shalt  }
0x5e: {  	_ =	shalt  }
0x5f: {  	_ =	shalt  }
0x60: {  	_ =	shalt  }
0x61: {  	_ =	shalt  }
0x62: {  	_ =	shalt  }
0x63: {  	_ =	shalt  }
0x64: {  	_ =	shalt  }
0x65: {  	_ =	shalt  }
0x66: {  	_ =	shalt  }
0x67: {  	_ =	shalt  }
0x68: {  	_ =	shalt  }
0x69: {  	_ =	shalt  }
0x6a: {  	_ =	shalt  }
0x6b: {  	_ =	shalt  }
0x6c: {  	_ =	shalt  }
0x6d: {  	_ =	shalt  }
0x6e: {  	_ =	shalt  }
0x6f: {  	_ =	shalt  }
0x70: {  	_ =	shalt  }
0x71: {  	_ =	shalt  }
0x72: {  	_ =	shalt  }
0x73: {  	_ =	shalt  }
0x74: {  	_ =	shalt  }
0x75: {  	_ =	shalt  }
0x76: {  	_ =	shalt  }
0x77: {  	_ =	shalt  }
0x78: {  	_ =	shalt  }
0x79: {  	_ =	shalt  }
0x7a: {  	_ =	shalt  }
0x7b: {  	_ =	shalt  }
0x7c: {  	_ =	shalt  }
0x7d: {  	_ =	shalt  }
0x7e: {  	_ =	shalt  }
0x7f: {  	_ =	shalt  }
0x80: {  	_ =	shalt  }
0x81: {  	_ =	shalt  }
0x82: {  	_ =	shalt  }
0x83: {  	_ =	shalt  }
0x84: {  	_ =	shalt  }
0x85: {  	_ =	shalt  }
0x86: {  	_ =	shalt  }
0x87: {  	_ =	shalt  }
.Lfunc_end0:
.L_simem_size_0:
called_computation.4_lowered:
.L_overlay_start_0:
0x88: {  	s2 =	sld [smem:$0x3FD9]  }
0x89: {  	s3 =	sld [smem:$0x3FFE];
	_ =	sdelay $0x1  }
0x8a: {  	s1 =	srdreg.scid  }
0x8b: {  	s0 =	sand.u32 $0x1, s1  }
0x8c: {  	s17 =	sshll.u32 s0, $0xA;
	s2 =	sadd.s32 s3, s2  }
0x8d: {  	s2 =	sadd.s32 s2, s17  }
0x8e: {  	[smem:$0x3FC0] =	sst s2  }
0x8f: {  	_ = 	snop  }
0x90: {  	(tm) =	ssettm $0x1  }
0x91: {  	s18 =	sld [smem:$0x3FFB];
	_ =	sdelay $0x3  }
0x92: {  	_ =	strace s18  }
0x93: {  	s2 =	sld [smem:$0x3FFC];
	_ =	sdelay $0x3  }
0x94: {  	_ =	strace s2  }
0x95: {  	s2 =	sld [smem:$0x3FFD];
	_ =	sdelay $0x3  }
0x96: {  	_ =	strace s2  }
0x97: {  	_ =	strace $0x8FFFFFFF  }
0x98: {  	s19 =	sld [smem:$0x3FDB];
	_ =	sdelay $0x1  }
0x99: {  	s20 =	simm.s32 $_scs_section_size  }
0x9a: {  	s4 =	simm.s32 $_size__tile_overlayer_lowered;
	s5 =	simm.s32 $_tile_overlayer_lowered  }
0x9b: {  	s6 =	simm.s32 $0x1BFF;
	s21 =	sshll.u32 s5, $0x1;
	s3 =	sadd.s32 s20, s19  }
0x9c: {  	s22 =	simm.s32 $0x0;
	s4 =	sshll.u32 s4, $0x1;
	s5 =	sadd.s32 s21, s3  }
0x9d: {  	[timem:s22], [sflag:s6] =	dma.local [hbm:s5], s4  }
0x9e: {  	_ =	swait.ge [sflag:s6], s4  }
0x9f: {  	s4 =	ssub.s32 $0x0, s4;
	[sflag:s6] =	ssyncset.done $0x0  }
0xa0: {  	[sflag:s6] =	ssyncadd.s32 s4;
	_ =	sdelay $0x1  }
0xa1: {  	s23 =	simm.s32 $0x1B8B  }
0xa2: {  	_ =	swait.ge [sflag:s23], $0x1  }
0xa3: {  	[sflag:s23] =	ssyncset.done $0x0  }
0xa4: {  	[sflag:s23] =	ssyncadd.s32 $0xFFFFFFFF  }
0xa5: {  	s4 =	sld [smem:$0x0]  }
0xa6: {  	s5 =	sand.u32 $0xFFFFFFFE, s1  }
0xa7: {  	p0 =	sne.s32 s1, s5  }
0xa8: {  	s5 =	sshll.u32 @p0 s5, $0xE  }
0xa9: {  	s5 =	sadd.s32 @p0 $0x11B8D, s5;
	s6 =	sshll.u32 @p0 s4, $0x11  }
0xaa: {  	s5 =	sor.u32 @p0 s6, s5  }
0xab: {  	[sflag:s5] =	ssyncadd.remote.s32 @p0 $0x1;
	_ =	sdelay $0x1  }
0xac: {  	s5 =	simm.s32 @p0 $0x1B8D  }
0xad: {  	_ =	swait.eq @p0 [sflag:s5], $0x1  }
0xae: {  	[sflag:s5] =	ssyncadd.s32 @p0 $0xFFFFFFFF  }
0xaf: {  	s6 =	sshll.u32 @!p0 s1, $0xE  }
0xb0: {  	s6 =	sor.u32 @!p0 $0x4000, s6;
	s5 =	simm.s32 @!p0 $0x1B8D  }
0xb1: {  	s4 =	sshll.u32 @!p0 s4, $0x11;
	s6 =	sadd.s32 @!p0 $0x11B8D, s6;
	_ =	swait.eq @!p0 [sflag:s5], $0x1  }
0xb2: {  	s4 =	sor.u32 @!p0 s4, s6;
	[sflag:s5] =	ssyncadd.s32 @!p0 $0xFFFFFFFF  }
0xb3: {  	s25 =	simm.s32 $0x1B8E;
	s24 =	sld [smem:$0x3FFE];
	[sflag:s4] =	ssyncadd.remote.s32 @!p0 $0x1  }
0xb4: {  	s26 =	simm.s32 $execute0_lowered;
	[smem:$0x3FD2] =	sst s25  }
0xb5: {  	s5 =	sshll.u32 s26, $0x1;
	_ =	strace $0x80000052;
	[dreg:$0x1] =	wrdreg $0xFFFFFFFF  }
0xb6: {  	s28 =	simm.s32 $_size_execute0_lowered;
	s3 =	sadd.s32 s3, s5;
	[dreg:$0x0] =	wrdreg $0x0  }
0xb7: {  	s5 =	sshll.u32 s28, $0x1;
	[dreg:$0x2] =	wrdreg s3  }
0xb8: {  	[dreg:$0x3] =	wrdreg s5  }
0xb9: {  	[dreg:$0x4] =	wrdreg $0xC0  }
0xba: {  	_ =	task [dreg:s22], $0x5FFFF  }
0xbb: {  	[dreg:$0x1] =	wrdreg $0xFFFFFFFF  }
0xbc: {  	[dreg:$0x0] =	wrdreg $0x60  }
0xbd: {  	[dreg:$0x2] =	wrdreg s24  }
0xbe: {  	[dreg:$0x3] =	wrdreg $0xD  }
0xbf: {  	_ =	task.clear_ibuf [dreg:s22], $0x4FFFF;
	_ =	strace $0x90000052  }
0xc0: {  	s29 =	simm.s32 $0xD;
	_ =	strace $0x80000054  }
0xc1: {  	_ =	swait.ge [sflag:s29], $0x1  }
0xc2: {  	[sflag:s29] =	ssyncadd.s32 $0xFFFFFFFF  }
0xc3: {  	_ =	strace $0x90000054  }
0xc4: {  	_ =	sfence  }
0xc5: {  	s30 =	sld [smem:$0x0];
	_ =	sdelay $0x2  }
0xc6: {  	s31 =	sshll.u32 s1, $0xD;
	s1 =	sshrl.u32 s1, $0x2  }
0xc7: {  	s4 =	sand.u32 $0x4000, s31;
	s1 =	sadd.s32 s1, s30  }
0xc8: {  	s0 =	sor.u32 s4, s0;
	s1 =	sshll.u32 s1, $0x11  }
0xc9: {  	s0 =	sor.u32 s1, s0  }
0xca: {  	s0 =	sadd.s32 $0x8F2B, s0  }
0xcb: {  	[sflag:s0] =	ssyncadd.remote.s32 $0x1  }
0xcc: {  	_ =	sfence.sel $0xFFFF  }
0xcd: {  	[dreg:$0x0] =	wrdreg $0xFFFFFFFF;
	(pc) =	sbr.abs _section_cstart, $3  }
0xce: {  	[dreg:$0x1] =	wrdreg $0xFFFFFFFF  }
0xcf: {  	_ =	task.clear_ibuf [dreg:s22], $0x2FFFF;
	_ =	strace $0x9FFFFFFF  }
0xd0: {  	(tm) =	ssettm $0x7FFFFFFF  }
0xd1: {  	_ =	shalt  }
tec
execute0_lowered:
.L_overlay_start_1:
0x0: {  	(tag) =	ssettag $0x1  }
0x1: {  	s1 =	srdreg.scid  }
0x2: {  	s0 =	stileid.u32;
	s4 =	rddreg [dreg:$0x0]  }
0x3: {  	s2 =	simm.s32 $0x0;
	s13 =	simm.s32 $0x4A00;
	s14 =	simm.s32 $0x1  }
0x4: {  	s15 =	simm.s32 $0x2;
	s16 =	simm.s32 $0x980;
	s25 =	smul.u32 $0xA0000, s0  }
0x5: {  	s17 =	simm.s32 $0x0;
	s7 =	sand.u32 $0x1, s1;
	s29 =	smul.u32 $0x14000, s0  }
0x6: {  	s3 =	sshll.u32 s0, $0x1;
	s1 =	rddreg [dreg:$0x1];
	s28 =	smul.u32 $0x50000, s7  }
0x7: {  	[smem:$0x7FF] =	sst s2;
	s5 =	sor.u32 s7, s3;
	s30 =	smul.u32 $0xA000, s7  }
0x8: {  	s12 =	sadd.s32 $0x521E00, s4;
	s8 =	ssub.s32 $0x2, s7;
	s6 =	smul.u32 $0xA00, s5  }
0x9: {  	_ =	strace $0x80000053;
	s9 =	smul.u32 $0x50000, s5;
	s10 =	sshrl.u32 s8, $0x1  }
0xa: {  	s3 =	sadd.s32 $0x7600, s4;
	s11 =	smul.u32 $0xA000, s5;
	s24 =	ssub.s32 s8, s10  }
0xb: {  	s8 =	sadd.s32 s28, s25;
	s10 =	sadd.s32 s29, s12;
	s6 =	sshrl.u32 s6, $0x3  }
0xc: {  	s26 =	sshrl.u32 s9, $0x3;
	s5 =	smax.u32 s24, $0x1;
	s31 =	sadd.s32 s12, s11  }
0xd: {  	s8 =	sshrl.u32 s8, $0x3;
	s9 =	sadd.s32 s30, s10;
	s10 =	simm.s32 $0x3  }
0xe: {  	s11 =	simm.s32 $0xA00;
	s6 =	sadd.s32 s6, s4;
	s7 =	sadd.s32 $0x9800, s31  }
0xf: {  	s8 =	sadd.s32 s8, s12;
	s4 =	sadd.s32 $0x152E00, s6;
	s6 =	sadd.s32 s12, s26  }
0x10: {  	s9 =	sadd.s32 $0x800, s9;
	s12 =	simm.s32 $0x80;
	s6 =	sadd.s32 $0x9000, s6  }
.LBB2_1:
0x11: {  	[tilespmem:s2], [sflag:$0x3] =	stream.linear.gather [hbm4b:s4+s2], $0xA00, $0x38;
	[tilespmem:$0x8A00] =	vst v63  }
0x12: {  	_ =	swait.ge [sflag:s10], $0xA00  }
0x13: {  	[sflag:s10] =	ssyncset.done $0x0  }
0x14: {  	[sflag:s10] =	ssyncadd.s32 $0xFFFFF600  }
0x15: {  	[tilespmem:s11], [sflag:$0x1] =	stream.indirect.gather [hbm4b:s3+s12], $0x80, s2, s12, $0xb8;
	[tilespmem:$0x8A00] =	vst v63  }
0x16: {  	_ = 	snop  }
0x17: {  	[tilespmem:s13], [sflag:$0x2] =	stream.indirect.gather [hbm4b:s3+s12], $0x80, s12, s12, $0xb8;
	[tilespmem:$0x8A00] =	vst v63  }
0x18: {  	_ =	swait.ge [sflag:s14], $0x4000  }
0x19: {  	[sflag:s14] =	ssyncset.done $0x0  }
0x1a: {  	s18 =	sadd.s32 $0x0, s8;
	[sflag:s14] =	ssyncadd.s32 $0xFFFFC000  }
0x1b: {  	[hbm4b:s18+s2] =	stream.linear.scatter [tilespmem:s11], [sflag:$0x3], $0x4000, $0x38;
	[tilespmem:$0x8A00] =	vst v63  }
0x1c: {  	_ =	swait.ge [sflag:s10], $0x4000  }
0x1d: {  	[sflag:s10] =	ssyncset.done $0x0  }
0x1e: {  	s30 =	simm.s32 $0x100;
	[sflag:s10] =	ssyncadd.s32 $0xFFFFC000  }
0x1f: {  	[tilespmem:s11], [sflag:$0x1] =	stream.indirect.gather [hbm4b:s3+s12], $0x80, s30, s12, $0xb8;
	[tilespmem:$0x8A00] =	vst v63  }
0x20: {  	_ =	swait.ge [sflag:s15], $0x4000  }
0x21: {  	[sflag:s15] =	ssyncset.done $0x0  }
0x22: {  	s31 =	sadd.s32 $0x0, s9;
	[sflag:s15] =	ssyncadd.s32 $0xFFFFC000  }
0x23: {  	[hbm4b:s31+s2] =	stream.linear.scatter [tilespmem:s13], [sflag:$0x3], $0x4000, $0x38;
	[tilespmem:$0x8A00] =	vst v63  }
0x24: {  	_ =	swait.ge [sflag:s10], $0x4000  }
0x25: {  	s19 =	simm.s32 $0x80;
	s18 =	simm.s32 $0x1000;
	[sflag:s10] =	ssyncset.done $0x0  }
.LBB2_2:
0x26: {  	p0 =	sne.s32 s18, $0x8000;
	[sflag:s10] =	ssyncadd.s32 $0xFFFFC000;
	s19 =	sadd.s32 $0x100, s19  }
0x27: {  	[tilespmem:s13], [sflag:$0x2] =	stream.indirect.gather [hbm4b:s3+s12], $0x80, s19, s12, $0xb8;
	[tilespmem:$0x8A00] =	vst v63  }
0x28: {  	s20 =	smov.u32 s18;
	s18 =	sadd.s32 $0x1000, s18;
	_ =	swait.ge [sflag:s14], $0x4000  }
0x29: {  	[sflag:s14] =	ssyncset.done $0x0  }
0x2a: {  	s21 =	sadd.s32 s20, s8;
	[sflag:s14] =	ssyncadd.s32 $0xFFFFC000  }
0x2b: {  	[hbm4b:s21+s2] =	stream.linear.scatter [tilespmem:s11], [sflag:$0x3], $0x4000, $0x38;
	[tilespmem:$0x8A00] =	vst v63  }
0x2c: {  	_ =	swait.ge [sflag:s10], $0x4000  }
0x2d: {  	[sflag:s10] =	ssyncset.done $0x0  }
0x2e: {  	s21 =	sadd.s32 $0x80, s19;
	[sflag:s10] =	ssyncadd.s32 $0xFFFFC000  }
0x2f: {  	[tilespmem:s11], [sflag:$0x1] =	stream.indirect.gather [hbm4b:s3+s12], $0x80, s21, s12, $0xb8;
	[tilespmem:$0x8A00] =	vst v63  }
0x30: {  	_ =	swait.ge [sflag:s15], $0x4000  }
.Ltmp0:
0x31: {  	[sflag:s15] =	ssyncset.done $0x0;
	(pc) =	sbr.rel @p0 .LBB2_2-.Ltmp0, $4  }
0x32: {  	s20 =	sadd.s32 s20, s9;
	[sflag:s15] =	ssyncadd.s32 $0xFFFFC000  }
0x33: {  	[hbm4b:s20+s2] =	stream.linear.scatter [tilespmem:s13], [sflag:$0x3], $0x4000, $0x38;
	[tilespmem:$0x8A00] =	vst v63  }
0x34: {  	_ =	swait.ge [sflag:s10], $0x4000  }
0x35: {  	[sflag:s10] =	ssyncset.done $0x0  }
0x36: {  	[sflag:s10] =	ssyncadd.s32 $0xFFFFC000  }
0x37: {  	[tilespmem:s13], [sflag:$0x2] =	stream.indirect.gather [hbm4b:s3+s12], $0x80, s16, s12, $0xb8;
	[tilespmem:$0x8A00] =	vst v63  }
0x38: {  	_ =	swait.ge [sflag:s14], $0x4000  }
0x39: {  	[sflag:s14] =	ssyncset.done $0x0  }
0x3a: {  	[sflag:s14] =	ssyncadd.s32 $0xFFFFC000  }
0x3b: {  	[hbm4b:s6+s2] =	stream.linear.scatter [tilespmem:s11], [sflag:$0x3], $0x4000, $0x38;
	[tilespmem:$0x8A00] =	vst v63  }
0x3c: {  	_ =	swait.ge [sflag:s10], $0x4000  }
0x3d: {  	[sflag:s10] =	ssyncset.done $0x0  }
0x3e: {  	[sflag:s10] =	ssyncadd.s32 $0xFFFFC000  }
0x3f: {  	s17 =	sadd.s32 $0x1, s17;
	_ =	swait.ge [sflag:s15], $0x4000  }
0x40: {  	p0 =	sne.s32 s17, s5;
	[sflag:s15] =	ssyncset.done $0x0  }
.Ltmp1:
0x41: {  	[sflag:s15] =	ssyncadd.s32 $0xFFFFC000;
	(pc) =	sbr.rel @p0 .LBB2_1-.Ltmp1, $4  }
0x42: {  	[hbm4b:s7+s2] =	stream.linear.scatter [tilespmem:s13], [sflag:$0x3], $0x4000, $0x38;
	[tilespmem:$0x8A00] =	vst v63  }
0x43: {  	_ =	swait.ge [sflag:s10], $0x4000  }
0x44: {  	[sflag:s10] =	ssyncset.done $0x0  }
0x45: {  	[sflag:s10] =	ssyncadd.s32 $0xFFFFC000  }
0x46: {  	_ =	sfence.sel $0x180000  }
0x47: {  	[bflag:$0x0] =	sbarrier.arrive $0xFFFF  }
0x48: {  	p0 =	sne.s32 s0, $0x0;
	_ =	strace $0x90000053  }
0x49: {  	s0 =	sadd.s32 @!p0 $0x100000, s1;
	[bflag:$0x2] =	sbarrier.arrive $0xFFFF  }
0x4a: {  	[sflag:s0] =	ssyncadd.tile.s32 @!p0 $0x1;
	_ =	shalt  }
.Lfunc_end2:
_tile_overlayer_lowered:
.L_overlay_start_2:
0x4b: {  	(tag) =	ssettag $0x2  }
0x4c: {  	s0 =	rddreg [dreg:$0x0];
	s2 =	stileid.u32  }
0x4d: {  	s1 =	rddreg [dreg:$0x1];
	p0 =	sne.s32 s2, $0x0  }
0x4e: {  	s3 =	rddreg [dreg:$0x2];
	[bflag:$0x3] =	sbarrier.arrive $0xFFFF;
	s2 =	simm.s32 @!p0 $0x1C03  }
0x4f: {  	[timem:s3], [sflag:s2] =	dma.local @!p0 [hbm:s0], s1  }
0x50: {  	s0 =	simm.s32 @!p0 $0x3  }
0x51: {  	_ =	swait.ge @!p0 [sflag:s0], s1  }
0x52: {  	s1 =	ssub.s32 @!p0 $0x0, s1;
	[sflag:s0] =	ssyncset.done @!p0 $0x0  }
0x53: {  	[sflag:s0] =	ssyncadd.s32 @!p0 s1  }
0x54: {  	[bflag:$0x3] =	sbarrier.arrive $0xFFFF  }
0x55: {  	_ =	shalt  }

// kernel: kernel.38.cloned.1.call-start
scs
__scs_entry_jumppad:
0x0: {  	(pc) =	sbr.rel $0x88, $3  }
0x1: {  	(tag) =	ssettag $0x0;
	lr =	simm.s32 $0x1  }
0x2: {  	[smem:$0x3F99] =	sst lr;
	_ =	strace $0xD0000000  }
0x3: {  	_ = 	snop  }
0x4: {  	_ = 	snop  }
0x5: {  	_ = 	snop  }
0x6: {  	_ = 	snop  }
0x7: {  	_ = 	snop  }
__scs_overlays_trampoline_lowered:
0x8: {  	[smem:$0x3FA8] =	sst s0  }
0x9: {  	[smem:$0x3FA9] =	sst s1  }
0xa: {  	[smem:$0x3FAA] =	sst s2  }
0xb: {  	[smem:$0x3FAB] =	sst s3  }
0xc: {  	[smem:$0x3FAC] =	sst s4  }
0xd: {  	[smem:$0x3FAD] =	sst s5  }
0xe: {  	[smem:$0x3FAE] =	sst s6  }
0xf: {  	[smem:$0x3FAF] =	sst s7  }
0x10: {  	[smem:$0x3FB0] =	sst s8  }
0x11: {  	[smem:$0x3FB1] =	sst s9;
	s0 =	simm.s32 @!p0 $0x0  }
0x12: {  	s1 =	sld [smem:$0x3F97];
	s0 =	simm.s32 @p0 $0x1  }
0x13: {  	[smem:$0x3FB2] =	sst s0;
	s0 =	simm.s32 @!p1 $0x0  }
0x14: {  	s2 =	sld [smem:$0x3F96];
	s0 =	simm.s32 @p1 $0x1  }
0x15: {  	[smem:$0x3FB3] =	sst s0;
	s0 =	simm.s32 @!p2 $0x0  }
0x16: {  	s3 =	sld [smem:$0x3FDB];
	s0 =	simm.s32 @p2 $0x1  }
0x17: {  	s4 =	simm.s32 $0x1BF5;
	[smem:$0x3FB5] =	sst s0  }
0x18: {  	s0 =	sld [smem:$0x3F98];
	_ =	swait.ge [sflag:s4], $0x0  }
0x19: {  	s7 =	sld [smem:$0x3F99]  }
0x1a: {  	s8 =	sadd.s32 $0xFFFFE003, lr  }
0x1b: {  	s9 =	sadd.s32 $0xFFFFFEF7, lr;
	s5 =	simm.s32 $0xFFFFFFFF;
	p2 =	slt.u32 s8, $0xFFFFF086  }
0x1c: {  	p1 =	slt.u32 s9, $0xF7A;
	s5 =	simm.s32 @!p2 $0x0  }
0x1d: {  	s5 =	simm.s32 @p1 $0x1;
	p0 =	seq.s32 s7, s2  }
0x1e: {  	s7 =	smul.u32 @!p0 $0xF7A, s2;
	p2 =	seq.s32 @!p0 s5, $0x0  }
0x1f: {  	s9 =	smul.u32 $0xF7A, s1;
	s8 =	simm.s32 @!p0 $0x1BF5;
	p2 =	por !p2, p0  }
0x20: {  	[sflag:s8] =	ssyncset.s32 @!p0 $0xFFFFF086;
	s6 =	sadd.s32 @!p0 s3, s7;
	s7 =	simm.s32 @!p0 $0x108  }
0x21: {  	s3 =	sadd.s32 s3, s9;
	s6 =	sadd.s32 @!p0 $0x88, s6;
	s7 =	simm.s32 @p2 $0x1082  }
0x22: {  	[simem:s7], [sflag:s8] =	dma.local @!p0 [hbm:s6], $0xF7A  }
0x23: {  	s9 =	sor.u32 $0xD0000000, s2;
	s6 =	simm.s32 $0x108;
	_ =	swait.ge @!p0 [sflag:s8], $0x0  }
0x24: {  	s3 =	sadd.s32 $0x88, s3;
	s6 =	simm.s32 @!p1 $0x1082;
	[sflag:s4] =	ssyncset.s32 $0xFFFFF086  }
0x25: {  	[simem:s6], [sflag:s4] =	dma.local [hbm:s3], $0xF7A  }
0x26: {  	[smem:$0x3F99] =	sst s1;
	(tag) =	ssettag s2;
	_ =	strace s9  }
0x27: {  	s1 =	sld [smem:$0x3FA9]  }
0x28: {  	s2 =	sld [smem:$0x3FAA]  }
0x29: {  	s4 =	sld [smem:$0x3FAC]  }
0x2a: {  	p0 =	seq.s32 s5, $0x0;
	s5 =	sld [smem:$0x3FAD]  }
0x2b: {  	s6 =	sld [smem:$0x3FAE]  }
0x2c: {  	s7 =	sld [smem:$0x3FAF]  }
0x2d: {  	s3 =	simm.s32 $0x108;
	s8 =	sld [smem:$0x3FB0]  }
0x2e: {  	s3 =	simm.s32 @!p0 $0x1082;
	s9 =	sld [smem:$0x3FB1]  }
0x2f: {  	lr =	sadd.s32 s0, s3;
	s0 =	sld [smem:$0x3FA8]  }
0x30: {  	s3 =	sld [smem:$0x3FAB]  }
0x31: {  	[smem:$0x3FB4] =	sst s10  }
0x32: {  	s10 =	sld [smem:$0x3FB2];
	_ =	sdelay $0x3  }
0x33: {  	p0 =	seq.s32 s10, $0x1;
	s10 =	sld [smem:$0x3FB4];
	_ =	sdelay $0x3  }
0x34: {  	[smem:$0x3FB4] =	sst s10  }
0x35: {  	s10 =	sld [smem:$0x3FB3];
	_ =	sdelay $0x3  }
0x36: {  	p1 =	seq.s32 s10, $0x1;
	s10 =	sld [smem:$0x3FB4];
	_ =	sdelay $0x3  }
0x37: {  	[smem:$0x3FB4] =	sst s10  }
0x38: {  	s10 =	sld [smem:$0x3FB5]  }
0x39: {  	_ = 	snop;
	(pc) =	sbr.ind lr, $3  }
0x3a: {  	_ = 	snop  }
0x3b: {  	_ = 	snop  }
0x3c: {  	p2 =	seq.s32 s10, $0x1;
	s10 =	sld [smem:$0x3FB4]  }
0x3d: {  	_ =	shalt  }
0x3e: {  	_ =	shalt  }
0x3f: {  	_ =	shalt  }
0x40: {  	_ =	shalt  }
0x41: {  	_ =	shalt  }
0x42: {  	_ =	shalt  }
0x43: {  	_ =	shalt  }
0x44: {  	_ =	shalt  }
0x45: {  	_ =	shalt  }
0x46: {  	_ =	shalt  }
0x47: {  	_ =	shalt  }
0x48: {  	_ =	shalt  }
0x49: {  	_ =	shalt  }
0x4a: {  	_ =	shalt  }
0x4b: {  	_ =	shalt  }
0x4c: {  	_ =	shalt  }
0x4d: {  	_ =	shalt  }
0x4e: {  	_ =	shalt  }
0x4f: {  	_ =	shalt  }
0x50: {  	_ =	shalt  }
0x51: {  	_ =	shalt  }
0x52: {  	_ =	shalt  }
0x53: {  	_ =	shalt  }
0x54: {  	_ =	shalt  }
0x55: {  	_ =	shalt  }
0x56: {  	_ =	shalt  }
0x57: {  	_ =	shalt  }
0x58: {  	_ =	shalt  }
0x59: {  	_ =	shalt  }
0x5a: {  	_ =	shalt  }
0x5b: {  	_ =	shalt  }
0x5c: {  	_ =	shalt  }
0x5d: {  	_ =	shalt  }
0x5e: {  	_ =	shalt  }
0x5f: {  	_ =	shalt  }
0x60: {  	_ =	shalt  }
0x61: {  	_ =	shalt  }
0x62: {  	_ =	shalt  }
0x63: {  	_ =	shalt  }
0x64: {  	_ =	shalt  }
0x65: {  	_ =	shalt  }
0x66: {  	_ =	shalt  }
0x67: {  	_ =	shalt  }
0x68: {  	_ =	shalt  }
0x69: {  	_ =	shalt  }
0x6a: {  	_ =	shalt  }
0x6b: {  	_ =	shalt  }
0x6c: {  	_ =	shalt  }
0x6d: {  	_ =	shalt  }
0x6e: {  	_ =	shalt  }
0x6f: {  	_ =	shalt  }
0x70: {  	_ =	shalt  }
0x71: {  	_ =	shalt  }
0x72: {  	_ =	shalt  }
0x73: {  	_ =	shalt  }
0x74: {  	_ =	shalt  }
0x75: {  	_ =	shalt  }
0x76: {  	_ =	shalt  }
0x77: {  	_ =	shalt  }
0x78: {  	_ =	shalt  }
0x79: {  	_ =	shalt  }
0x7a: {  	_ =	shalt  }
0x7b: {  	_ =	shalt  }
0x7c: {  	_ =	shalt  }
0x7d: {  	_ =	shalt  }
0x7e: {  	_ =	shalt  }
0x7f: {  	_ =	shalt  }
0x80: {  	_ =	shalt  }
0x81: {  	_ =	shalt  }
0x82: {  	_ =	shalt  }
0x83: {  	_ =	shalt  }
0x84: {  	_ =	shalt  }
0x85: {  	_ =	shalt  }
0x86: {  	_ =	shalt  }
0x87: {  	_ =	shalt  }
.Lfunc_end0:
.L_simem_size_0:
called_computation.5_lowered:
.L_overlay_start_0:
0x88: {  	s2 =	sld [smem:$0x3FD9]  }
0x89: {  	s3 =	sld [smem:$0x3FFE];
	_ =	sdelay $0x1  }
0x8a: {  	s1 =	srdreg.scid  }
0x8b: {  	s0 =	sand.u32 $0x1, s1  }
0x8c: {  	s17 =	sshll.u32 s0, $0xA;
	s2 =	sadd.s32 s3, s2  }
0x8d: {  	s2 =	sadd.s32 s2, s17  }
0x8e: {  	[smem:$0x3FC0] =	sst s2  }
0x8f: {  	_ = 	snop  }
0x90: {  	(tm) =	ssettm $0x1  }
0x91: {  	s18 =	sld [smem:$0x3FFB];
	_ =	sdelay $0x3  }
0x92: {  	_ =	strace s18  }
0x93: {  	s2 =	sld [smem:$0x3FFC];
	_ =	sdelay $0x3  }
0x94: {  	_ =	strace s2  }
0x95: {  	s2 =	sld [smem:$0x3FFD];
	_ =	sdelay $0x3  }
0x96: {  	_ =	strace s2  }
0x97: {  	_ =	strace $0x8FFFFFFF  }
0x98: {  	s19 =	sld [smem:$0x3FDB];
	_ =	sdelay $0x1  }
0x99: {  	s20 =	simm.s32 $_scs_section_size  }
0x9a: {  	s4 =	simm.s32 $_size__tile_overlayer_lowered;
	s5 =	simm.s32 $_tile_overlayer_lowered  }
0x9b: {  	s6 =	simm.s32 $0x1BFF;
	s21 =	sshll.u32 s5, $0x1;
	s3 =	sadd.s32 s20, s19  }
0x9c: {  	s22 =	simm.s32 $0x0;
	s4 =	sshll.u32 s4, $0x1;
	s5 =	sadd.s32 s21, s3  }
0x9d: {  	[timem:s22], [sflag:s6] =	dma.local [hbm:s5], s4  }
0x9e: {  	_ =	swait.ge [sflag:s6], s4  }
0x9f: {  	s4 =	ssub.s32 $0x0, s4;
	[sflag:s6] =	ssyncset.done $0x0  }
0xa0: {  	[sflag:s6] =	ssyncadd.s32 s4;
	_ =	sdelay $0x1  }
0xa1: {  	s23 =	simm.s32 $0x1B8B  }
0xa2: {  	_ =	swait.ge [sflag:s23], $0x1  }
0xa3: {  	[sflag:s23] =	ssyncset.done $0x0  }
0xa4: {  	[sflag:s23] =	ssyncadd.s32 $0xFFFFFFFF  }
0xa5: {  	s4 =	sld [smem:$0x0]  }
0xa6: {  	s5 =	sand.u32 $0xFFFFFFFE, s1  }
0xa7: {  	p0 =	sne.s32 s1, s5  }
0xa8: {  	s5 =	sshll.u32 @p0 s5, $0xE  }
0xa9: {  	s5 =	sadd.s32 @p0 $0x11B8D, s5;
	s6 =	sshll.u32 @p0 s4, $0x11  }
0xaa: {  	s5 =	sor.u32 @p0 s6, s5  }
0xab: {  	[sflag:s5] =	ssyncadd.remote.s32 @p0 $0x1;
	_ =	sdelay $0x1  }
0xac: {  	s5 =	simm.s32 @p0 $0x1B8D  }
0xad: {  	_ =	swait.eq @p0 [sflag:s5], $0x1  }
0xae: {  	[sflag:s5] =	ssyncadd.s32 @p0 $0xFFFFFFFF  }
0xaf: {  	s6 =	sshll.u32 @!p0 s1, $0xE  }
0xb0: {  	s6 =	sor.u32 @!p0 $0x4000, s6;
	s5 =	simm.s32 @!p0 $0x1B8D  }
0xb1: {  	s4 =	sshll.u32 @!p0 s4, $0x11;
	s6 =	sadd.s32 @!p0 $0x11B8D, s6;
	_ =	swait.eq @!p0 [sflag:s5], $0x1  }
0xb2: {  	s4 =	sor.u32 @!p0 s4, s6;
	[sflag:s5] =	ssyncadd.s32 @!p0 $0xFFFFFFFF  }
0xb3: {  	s25 =	simm.s32 $0x1B8E;
	s24 =	sld [smem:$0x3FFE];
	[sflag:s4] =	ssyncadd.remote.s32 @!p0 $0x1  }
0xb4: {  	s26 =	simm.s32 $execute0_lowered;
	[smem:$0x3FD2] =	sst s25  }
0xb5: {  	s5 =	sshll.u32 s26, $0x1;
	_ =	strace $0x80000055;
	[dreg:$0x1] =	wrdreg $0xFFFFFFFF  }
0xb6: {  	s28 =	simm.s32 $_size_execute0_lowered;
	s3 =	sadd.s32 s3, s5;
	[dreg:$0x0] =	wrdreg $0x0  }
0xb7: {  	s5 =	sshll.u32 s28, $0x1;
	[dreg:$0x2] =	wrdreg s3  }
0xb8: {  	[dreg:$0x3] =	wrdreg s5  }
0xb9: {  	[dreg:$0x4] =	wrdreg $0xC0  }
0xba: {  	_ =	task [dreg:s22], $0x5FFFF  }
0xbb: {  	[dreg:$0x1] =	wrdreg $0xFFFFFFFF  }
0xbc: {  	[dreg:$0x0] =	wrdreg $0x60  }
0xbd: {  	[dreg:$0x2] =	wrdreg s24  }
0xbe: {  	[dreg:$0x3] =	wrdreg $0xE  }
0xbf: {  	_ =	task.clear_ibuf [dreg:s22], $0x4FFFF;
	_ =	strace $0x90000055  }
0xc0: {  	s29 =	simm.s32 $0xE;
	_ =	strace $0x80000057  }
0xc1: {  	_ =	swait.ge [sflag:s29], $0x1  }
0xc2: {  	[sflag:s29] =	ssyncadd.s32 $0xFFFFFFFF  }
0xc3: {  	_ =	strace $0x90000057  }
0xc4: {  	_ =	sfence  }
0xc5: {  	s30 =	sld [smem:$0x0];
	_ =	sdelay $0x2  }
0xc6: {  	s31 =	sshll.u32 s1, $0xD;
	s1 =	sshrl.u32 s1, $0x2  }
0xc7: {  	s4 =	sand.u32 $0x4000, s31;
	s1 =	sadd.s32 s1, s30  }
0xc8: {  	s0 =	sor.u32 s4, s0;
	s1 =	sshll.u32 s1, $0x11  }
0xc9: {  	s0 =	sor.u32 s1, s0  }
0xca: {  	s0 =	sadd.s32 $0x8F2B, s0  }
0xcb: {  	[sflag:s0] =	ssyncadd.remote.s32 $0x1  }
0xcc: {  	_ =	sfence.sel $0xFFFF  }
0xcd: {  	[dreg:$0x0] =	wrdreg $0xFFFFFFFF;
	(pc) =	sbr.abs _section_cstart, $3  }
0xce: {  	[dreg:$0x1] =	wrdreg $0xFFFFFFFF  }
0xcf: {  	_ =	task.clear_ibuf [dreg:s22], $0x2FFFF;
	_ =	strace $0x9FFFFFFF  }
0xd0: {  	(tm) =	ssettm $0x7FFFFFFF  }
0xd1: {  	_ =	shalt  }
tec
execute0_lowered:
.L_overlay_start_1:
0x0: {  	(tag) =	ssettag $0x1  }
0x1: {  	s1 =	srdreg.scid  }
0x2: {  	s0 =	stileid.u32;
	s4 =	rddreg [dreg:$0x0]  }
0x3: {  	s2 =	simm.s32 $0x0;
	s13 =	simm.s32 $0x4A00;
	s14 =	simm.s32 $0x1  }
0x4: {  	s15 =	simm.s32 $0x2;
	s16 =	simm.s32 $0x980;
	s25 =	smul.u32 $0xA0000, s0  }
0x5: {  	s17 =	simm.s32 $0x0;
	s7 =	sand.u32 $0x1, s1;
	s29 =	smul.u32 $0x14000, s0  }
0x6: {  	s3 =	sshll.u32 s0, $0x1;
	s1 =	rddreg [dreg:$0x1];
	s28 =	smul.u32 $0x50000, s7  }
0x7: {  	[smem:$0x7FF] =	sst s2;
	s5 =	sor.u32 s7, s3;
	s30 =	smul.u32 $0xA000, s7  }
0x8: {  	s12 =	sadd.s32 $0x661E00, s4;
	s8 =	ssub.s32 $0x2, s7;
	s6 =	smul.u32 $0xA00, s5  }
0x9: {  	_ =	strace $0x80000056;
	s9 =	smul.u32 $0x50000, s5;
	s10 =	sshrl.u32 s8, $0x1  }
0xa: {  	s3 =	sadd.s32 $0x7600, s4;
	s11 =	smul.u32 $0xA000, s5;
	s24 =	ssub.s32 s8, s10  }
0xb: {  	s8 =	sadd.s32 s28, s25;
	s10 =	sadd.s32 s29, s12;
	s6 =	sshrl.u32 s6, $0x3  }
0xc: {  	s26 =	sshrl.u32 s9, $0x3;
	s5 =	smax.u32 s24, $0x1;
	s31 =	sadd.s32 s12, s11  }
0xd: {  	s8 =	sshrl.u32 s8, $0x3;
	s9 =	sadd.s32 s30, s10;
	s10 =	simm.s32 $0x3  }
0xe: {  	s11 =	simm.s32 $0xA00;
	s6 =	sadd.s32 s6, s4;
	s7 =	sadd.s32 $0x9800, s31  }
0xf: {  	s8 =	sadd.s32 s8, s12;
	s4 =	sadd.s32 $0x155600, s6;
	s6 =	sadd.s32 s12, s26  }
0x10: {  	s9 =	sadd.s32 $0x800, s9;
	s12 =	simm.s32 $0x80;
	s6 =	sadd.s32 $0x9000, s6  }
.LBB2_1:
0x11: {  	[tilespmem:s2], [sflag:$0x3] =	stream.linear.gather [hbm4b:s4+s2], $0xA00, $0x38;
	[tilespmem:$0x8A00] =	vst v63  }
0x12: {  	_ =	swait.ge [sflag:s10], $0xA00  }
0x13: {  	[sflag:s10] =	ssyncset.done $0x0  }
0x14: {  	[sflag:s10] =	ssyncadd.s32 $0xFFFFF600  }
0x15: {  	[tilespmem:s11], [sflag:$0x1] =	stream.indirect.gather [hbm4b:s3+s12], $0x80, s2, s12, $0xb8;
	[tilespmem:$0x8A00] =	vst v63  }
0x16: {  	_ = 	snop  }
0x17: {  	[tilespmem:s13], [sflag:$0x2] =	stream.indirect.gather [hbm4b:s3+s12], $0x80, s12, s12, $0xb8;
	[tilespmem:$0x8A00] =	vst v63  }
0x18: {  	_ =	swait.ge [sflag:s14], $0x4000  }
0x19: {  	[sflag:s14] =	ssyncset.done $0x0  }
0x1a: {  	s18 =	sadd.s32 $0x0, s8;
	[sflag:s14] =	ssyncadd.s32 $0xFFFFC000  }
0x1b: {  	[hbm4b:s18+s2] =	stream.linear.scatter [tilespmem:s11], [sflag:$0x3], $0x4000, $0x38;
	[tilespmem:$0x8A00] =	vst v63  }
0x1c: {  	_ =	swait.ge [sflag:s10], $0x4000  }
0x1d: {  	[sflag:s10] =	ssyncset.done $0x0  }
0x1e: {  	s30 =	simm.s32 $0x100;
	[sflag:s10] =	ssyncadd.s32 $0xFFFFC000  }
0x1f: {  	[tilespmem:s11], [sflag:$0x1] =	stream.indirect.gather [hbm4b:s3+s12], $0x80, s30, s12, $0xb8;
	[tilespmem:$0x8A00] =	vst v63  }
0x20: {  	_ =	swait.ge [sflag:s15], $0x4000  }
0x21: {  	[sflag:s15] =	ssyncset.done $0x0  }
0x22: {  	s31 =	sadd.s32 $0x0, s9;
	[sflag:s15] =	ssyncadd.s32 $0xFFFFC000  }
0x23: {  	[hbm4b:s31+s2] =	stream.linear.scatter [tilespmem:s13], [sflag:$0x3], $0x4000, $0x38;
	[tilespmem:$0x8A00] =	vst v63  }
0x24: {  	_ =	swait.ge [sflag:s10], $0x4000  }
0x25: {  	s19 =	simm.s32 $0x80;
	s18 =	simm.s32 $0x1000;
	[sflag:s10] =	ssyncset.done $0x0  }
.LBB2_2:
0x26: {  	p0 =	sne.s32 s18, $0x8000;
	[sflag:s10] =	ssyncadd.s32 $0xFFFFC000;
	s19 =	sadd.s32 $0x100, s19  }
0x27: {  	[tilespmem:s13], [sflag:$0x2] =	stream.indirect.gather [hbm4b:s3+s12], $0x80, s19, s12, $0xb8;
	[tilespmem:$0x8A00] =	vst v63  }
0x28: {  	s20 =	smov.u32 s18;
	s18 =	sadd.s32 $0x1000, s18;
	_ =	swait.ge [sflag:s14], $0x4000  }
0x29: {  	[sflag:s14] =	ssyncset.done $0x0  }
0x2a: {  	s21 =	sadd.s32 s20, s8;
	[sflag:s14] =	ssyncadd.s32 $0xFFFFC000  }
0x2b: {  	[hbm4b:s21+s2] =	stream.linear.scatter [tilespmem:s11], [sflag:$0x3], $0x4000, $0x38;
	[tilespmem:$0x8A00] =	vst v63  }
0x2c: {  	_ =	swait.ge [sflag:s10], $0x4000  }
0x2d: {  	[sflag:s10] =	ssyncset.done $0x0  }
0x2e: {  	s21 =	sadd.s32 $0x80, s19;
	[sflag:s10] =	ssyncadd.s32 $0xFFFFC000  }
0x2f: {  	[tilespmem:s11], [sflag:$0x1] =	stream.indirect.gather [hbm4b:s3+s12], $0x80, s21, s12, $0xb8;
	[tilespmem:$0x8A00] =	vst v63  }
0x30: {  	_ =	swait.ge [sflag:s15], $0x4000  }
.Ltmp0:
0x31: {  	[sflag:s15] =	ssyncset.done $0x0;
	(pc) =	sbr.rel @p0 .LBB2_2-.Ltmp0, $4  }
0x32: {  	s20 =	sadd.s32 s20, s9;
	[sflag:s15] =	ssyncadd.s32 $0xFFFFC000  }
0x33: {  	[hbm4b:s20+s2] =	stream.linear.scatter [tilespmem:s13], [sflag:$0x3], $0x4000, $0x38;
	[tilespmem:$0x8A00] =	vst v63  }
0x34: {  	_ =	swait.ge [sflag:s10], $0x4000  }
0x35: {  	[sflag:s10] =	ssyncset.done $0x0  }
0x36: {  	[sflag:s10] =	ssyncadd.s32 $0xFFFFC000  }
0x37: {  	[tilespmem:s13], [sflag:$0x2] =	stream.indirect.gather [hbm4b:s3+s12], $0x80, s16, s12, $0xb8;
	[tilespmem:$0x8A00] =	vst v63  }
0x38: {  	_ =	swait.ge [sflag:s14], $0x4000  }
0x39: {  	[sflag:s14] =	ssyncset.done $0x0  }
0x3a: {  	[sflag:s14] =	ssyncadd.s32 $0xFFFFC000  }
0x3b: {  	[hbm4b:s6+s2] =	stream.linear.scatter [tilespmem:s11], [sflag:$0x3], $0x4000, $0x38;
	[tilespmem:$0x8A00] =	vst v63  }
0x3c: {  	_ =	swait.ge [sflag:s10], $0x4000  }
0x3d: {  	[sflag:s10] =	ssyncset.done $0x0  }
0x3e: {  	[sflag:s10] =	ssyncadd.s32 $0xFFFFC000  }
0x3f: {  	s17 =	sadd.s32 $0x1, s17;
	_ =	swait.ge [sflag:s15], $0x4000  }
0x40: {  	p0 =	sne.s32 s17, s5;
	[sflag:s15] =	ssyncset.done $0x0  }
.Ltmp1:
0x41: {  	[sflag:s15] =	ssyncadd.s32 $0xFFFFC000;
	(pc) =	sbr.rel @p0 .LBB2_1-.Ltmp1, $4  }
0x42: {  	[hbm4b:s7+s2] =	stream.linear.scatter [tilespmem:s13], [sflag:$0x3], $0x4000, $0x38;
	[tilespmem:$0x8A00] =	vst v63  }
0x43: {  	_ =	swait.ge [sflag:s10], $0x4000  }
0x44: {  	[sflag:s10] =	ssyncset.done $0x0  }
0x45: {  	[sflag:s10] =	ssyncadd.s32 $0xFFFFC000  }
0x46: {  	_ =	sfence.sel $0x180000  }
0x47: {  	[bflag:$0x0] =	sbarrier.arrive $0xFFFF  }
0x48: {  	p0 =	sne.s32 s0, $0x0;
	_ =	strace $0x90000056  }
0x49: {  	s0 =	sadd.s32 @!p0 $0x100000, s1;
	[bflag:$0x2] =	sbarrier.arrive $0xFFFF  }
0x4a: {  	[sflag:s0] =	ssyncadd.tile.s32 @!p0 $0x1;
	_ =	shalt  }
.Lfunc_end2:
_tile_overlayer_lowered:
.L_overlay_start_2:
0x4b: {  	(tag) =	ssettag $0x2  }
0x4c: {  	s0 =	rddreg [dreg:$0x0];
	s2 =	stileid.u32  }
0x4d: {  	s1 =	rddreg [dreg:$0x1];
	p0 =	sne.s32 s2, $0x0  }
0x4e: {  	s3 =	rddreg [dreg:$0x2];
	[bflag:$0x3] =	sbarrier.arrive $0xFFFF;
	s2 =	simm.s32 @!p0 $0x1C03  }
0x4f: {  	[timem:s3], [sflag:s2] =	dma.local @!p0 [hbm:s0], s1  }
0x50: {  	s0 =	simm.s32 @!p0 $0x3  }
0x51: {  	_ =	swait.ge @!p0 [sflag:s0], s1  }
0x52: {  	s1 =	ssub.s32 @!p0 $0x0, s1;
	[sflag:s0] =	ssyncset.done @!p0 $0x0  }
0x53: {  	[sflag:s0] =	ssyncadd.s32 @!p0 s1  }
0x54: {  	[bflag:$0x3] =	sbarrier.arrive $0xFFFF  }
0x55: {  	_ =	shalt  }

// kernel: kernel.41.cloned.1.call-start
scs
__scs_entry_jumppad:
0x0: {  	(pc) =	sbr.rel $0x88, $3  }
0x1: {  	(tag) =	ssettag $0x0;
	lr =	simm.s32 $0x1  }
0x2: {  	[smem:$0x3F99] =	sst lr;
	_ =	strace $0xD0000000  }
0x3: {  	_ = 	snop  }
0x4: {  	_ = 	snop  }
0x5: {  	_ = 	snop  }
0x6: {  	_ = 	snop  }
0x7: {  	_ = 	snop  }
__scs_overlays_trampoline_lowered:
0x8: {  	[smem:$0x3FA8] =	sst s0  }
0x9: {  	[smem:$0x3FA9] =	sst s1  }
0xa: {  	[smem:$0x3FAA] =	sst s2  }
0xb: {  	[smem:$0x3FAB] =	sst s3  }
0xc: {  	[smem:$0x3FAC] =	sst s4  }
0xd: {  	[smem:$0x3FAD] =	sst s5  }
0xe: {  	[smem:$0x3FAE] =	sst s6  }
0xf: {  	[smem:$0x3FAF] =	sst s7  }
0x10: {  	[smem:$0x3FB0] =	sst s8  }
0x11: {  	[smem:$0x3FB1] =	sst s9;
	s0 =	simm.s32 @!p0 $0x0  }
0x12: {  	s1 =	sld [smem:$0x3F97];
	s0 =	simm.s32 @p0 $0x1  }
0x13: {  	[smem:$0x3FB2] =	sst s0;
	s0 =	simm.s32 @!p1 $0x0  }
0x14: {  	s2 =	sld [smem:$0x3F96];
	s0 =	simm.s32 @p1 $0x1  }
0x15: {  	[smem:$0x3FB3] =	sst s0;
	s0 =	simm.s32 @!p2 $0x0  }
0x16: {  	s3 =	sld [smem:$0x3FDB];
	s0 =	simm.s32 @p2 $0x1  }
0x17: {  	s4 =	simm.s32 $0x1BF5;
	[smem:$0x3FB5] =	sst s0  }
0x18: {  	s0 =	sld [smem:$0x3F98];
	_ =	swait.ge [sflag:s4], $0x0  }
0x19: {  	s7 =	sld [smem:$0x3F99]  }
0x1a: {  	s8 =	sadd.s32 $0xFFFFE003, lr  }
0x1b: {  	s9 =	sadd.s32 $0xFFFFFEF7, lr;
	s5 =	simm.s32 $0xFFFFFFFF;
	p2 =	slt.u32 s8, $0xFFFFF086  }
0x1c: {  	p1 =	slt.u32 s9, $0xF7A;
	s5 =	simm.s32 @!p2 $0x0  }
0x1d: {  	s5 =	simm.s32 @p1 $0x1;
	p0 =	seq.s32 s7, s2  }
0x1e: {  	s7 =	smul.u32 @!p0 $0xF7A, s2;
	p2 =	seq.s32 @!p0 s5, $0x0  }
0x1f: {  	s9 =	smul.u32 $0xF7A, s1;
	s8 =	simm.s32 @!p0 $0x1BF5;
	p2 =	por !p2, p0  }
0x20: {  	[sflag:s8] =	ssyncset.s32 @!p0 $0xFFFFF086;
	s6 =	sadd.s32 @!p0 s3, s7;
	s7 =	simm.s32 @!p0 $0x108  }
0x21: {  	s3 =	sadd.s32 s3, s9;
	s6 =	sadd.s32 @!p0 $0x88, s6;
	s7 =	simm.s32 @p2 $0x1082  }
0x22: {  	[simem:s7], [sflag:s8] =	dma.local @!p0 [hbm:s6], $0xF7A  }
0x23: {  	s9 =	sor.u32 $0xD0000000, s2;
	s6 =	simm.s32 $0x108;
	_ =	swait.ge @!p0 [sflag:s8], $0x0  }
0x24: {  	s3 =	sadd.s32 $0x88, s3;
	s6 =	simm.s32 @!p1 $0x1082;
	[sflag:s4] =	ssyncset.s32 $0xFFFFF086  }
0x25: {  	[simem:s6], [sflag:s4] =	dma.local [hbm:s3], $0xF7A  }
0x26: {  	[smem:$0x3F99] =	sst s1;
	(tag) =	ssettag s2;
	_ =	strace s9  }
0x27: {  	s1 =	sld [smem:$0x3FA9]  }
0x28: {  	s2 =	sld [smem:$0x3FAA]  }
0x29: {  	s4 =	sld [smem:$0x3FAC]  }
0x2a: {  	p0 =	seq.s32 s5, $0x0;
	s5 =	sld [smem:$0x3FAD]  }
0x2b: {  	s6 =	sld [smem:$0x3FAE]  }
0x2c: {  	s7 =	sld [smem:$0x3FAF]  }
0x2d: {  	s3 =	simm.s32 $0x108;
	s8 =	sld [smem:$0x3FB0]  }
0x2e: {  	s3 =	simm.s32 @!p0 $0x1082;
	s9 =	sld [smem:$0x3FB1]  }
0x2f: {  	lr =	sadd.s32 s0, s3;
	s0 =	sld [smem:$0x3FA8]  }
0x30: {  	s3 =	sld [smem:$0x3FAB]  }
0x31: {  	[smem:$0x3FB4] =	sst s10  }
0x32: {  	s10 =	sld [smem:$0x3FB2];
	_ =	sdelay $0x3  }
0x33: {  	p0 =	seq.s32 s10, $0x1;
	s10 =	sld [smem:$0x3FB4];
	_ =	sdelay $0x3  }
0x34: {  	[smem:$0x3FB4] =	sst s10  }
0x35: {  	s10 =	sld [smem:$0x3FB3];
	_ =	sdelay $0x3  }
0x36: {  	p1 =	seq.s32 s10, $0x1;
	s10 =	sld [smem:$0x3FB4];
	_ =	sdelay $0x3  }
0x37: {  	[smem:$0x3FB4] =	sst s10  }
0x38: {  	s10 =	sld [smem:$0x3FB5]  }
0x39: {  	_ = 	snop;
	(pc) =	sbr.ind lr, $3  }
0x3a: {  	_ = 	snop  }
0x3b: {  	_ = 	snop  }
0x3c: {  	p2 =	seq.s32 s10, $0x1;
	s10 =	sld [smem:$0x3FB4]  }
0x3d: {  	_ =	shalt  }
0x3e: {  	_ =	shalt  }
0x3f: {  	_ =	shalt  }
0x40: {  	_ =	shalt  }
0x41: {  	_ =	shalt  }
0x42: {  	_ =	shalt  }
0x43: {  	_ =	shalt  }
0x44: {  	_ =	shalt  }
0x45: {  	_ =	shalt  }
0x46: {  	_ =	shalt  }
0x47: {  	_ =	shalt  }
0x48: {  	_ =	shalt  }
0x49: {  	_ =	shalt  }
0x4a: {  	_ =	shalt  }
0x4b: {  	_ =	shalt  }
0x4c: {  	_ =	shalt  }
0x4d: {  	_ =	shalt  }
0x4e: {  	_ =	shalt  }
0x4f: {  	_ =	shalt  }
0x50: {  	_ =	shalt  }
0x51: {  	_ =	shalt  }
0x52: {  	_ =	shalt  }
0x53: {  	_ =	shalt  }
0x54: {  	_ =	shalt  }
0x55: {  	_ =	shalt  }
0x56: {  	_ =	shalt  }
0x57: {  	_ =	shalt  }
0x58: {  	_ =	shalt  }
0x59: {  	_ =	shalt  }
0x5a: {  	_ =	shalt  }
0x5b: {  	_ =	shalt  }
0x5c: {  	_ =	shalt  }
0x5d: {  	_ =	shalt  }
0x5e: {  	_ =	shalt  }
0x5f: {  	_ =	shalt  }
0x60: {  	_ =	shalt  }
0x61: {  	_ =	shalt  }
0x62: {  	_ =	shalt  }
0x63: {  	_ =	shalt  }
0x64: {  	_ =	shalt  }
0x65: {  	_ =	shalt  }
0x66: {  	_ =	shalt  }
0x67: {  	_ =	shalt  }
0x68: {  	_ =	shalt  }
0x69: {  	_ =	shalt  }
0x6a: {  	_ =	shalt  }
0x6b: {  	_ =	shalt  }
0x6c: {  	_ =	shalt  }
0x6d: {  	_ =	shalt  }
0x6e: {  	_ =	shalt  }
0x6f: {  	_ =	shalt  }
0x70: {  	_ =	shalt  }
0x71: {  	_ =	shalt  }
0x72: {  	_ =	shalt  }
0x73: {  	_ =	shalt  }
0x74: {  	_ =	shalt  }
0x75: {  	_ =	shalt  }
0x76: {  	_ =	shalt  }
0x77: {  	_ =	shalt  }
0x78: {  	_ =	shalt  }
0x79: {  	_ =	shalt  }
0x7a: {  	_ =	shalt  }
0x7b: {  	_ =	shalt  }
0x7c: {  	_ =	shalt  }
0x7d: {  	_ =	shalt  }
0x7e: {  	_ =	shalt  }
0x7f: {  	_ =	shalt  }
0x80: {  	_ =	shalt  }
0x81: {  	_ =	shalt  }
0x82: {  	_ =	shalt  }
0x83: {  	_ =	shalt  }
0x84: {  	_ =	shalt  }
0x85: {  	_ =	shalt  }
0x86: {  	_ =	shalt  }
0x87: {  	_ =	shalt  }
.Lfunc_end0:
.L_simem_size_0:
called_computation.6_lowered:
.L_overlay_start_0:
0x88: {  	s2 =	sld [smem:$0x3FD9]  }
0x89: {  	s3 =	sld [smem:$0x3FFE];
	_ =	sdelay $0x1  }
0x8a: {  	s1 =	srdreg.scid  }
0x8b: {  	s0 =	sand.u32 $0x1, s1  }
0x8c: {  	s17 =	sshll.u32 s0, $0xA;
	s2 =	sadd.s32 s3, s2  }
0x8d: {  	s2 =	sadd.s32 s2, s17  }
0x8e: {  	[smem:$0x3FC0] =	sst s2  }
0x8f: {  	_ = 	snop  }
0x90: {  	(tm) =	ssettm $0x1  }
0x91: {  	s18 =	sld [smem:$0x3FFB];
	_ =	sdelay $0x3  }
0x92: {  	_ =	strace s18  }
0x93: {  	s2 =	sld [smem:$0x3FFC];
	_ =	sdelay $0x3  }
0x94: {  	_ =	strace s2  }
0x95: {  	s2 =	sld [smem:$0x3FFD];
	_ =	sdelay $0x3  }
0x96: {  	_ =	strace s2  }
0x97: {  	_ =	strace $0x8FFFFFFF  }
0x98: {  	s19 =	sld [smem:$0x3FDB];
	_ =	sdelay $0x1  }
0x99: {  	s20 =	simm.s32 $_scs_section_size  }
0x9a: {  	s4 =	simm.s32 $_size__tile_overlayer_lowered;
	s5 =	simm.s32 $_tile_overlayer_lowered  }
0x9b: {  	s6 =	simm.s32 $0x1BFF;
	s21 =	sshll.u32 s5, $0x1;
	s3 =	sadd.s32 s20, s19  }
0x9c: {  	s22 =	simm.s32 $0x0;
	s4 =	sshll.u32 s4, $0x1;
	s5 =	sadd.s32 s21, s3  }
0x9d: {  	[timem:s22], [sflag:s6] =	dma.local [hbm:s5], s4  }
0x9e: {  	_ =	swait.ge [sflag:s6], s4  }
0x9f: {  	s4 =	ssub.s32 $0x0, s4;
	[sflag:s6] =	ssyncset.done $0x0  }
0xa0: {  	[sflag:s6] =	ssyncadd.s32 s4;
	_ =	sdelay $0x1  }
0xa1: {  	s23 =	simm.s32 $0x1B8B  }
0xa2: {  	_ =	swait.ge [sflag:s23], $0x1  }
0xa3: {  	[sflag:s23] =	ssyncset.done $0x0  }
0xa4: {  	[sflag:s23] =	ssyncadd.s32 $0xFFFFFFFF  }
0xa5: {  	s4 =	sld [smem:$0x0]  }
0xa6: {  	s5 =	sand.u32 $0xFFFFFFFE, s1  }
0xa7: {  	p0 =	sne.s32 s1, s5  }
0xa8: {  	s5 =	sshll.u32 @p0 s5, $0xE  }
0xa9: {  	s5 =	sadd.s32 @p0 $0x11B8D, s5;
	s6 =	sshll.u32 @p0 s4, $0x11  }
0xaa: {  	s5 =	sor.u32 @p0 s6, s5  }
0xab: {  	[sflag:s5] =	ssyncadd.remote.s32 @p0 $0x1;
	_ =	sdelay $0x1  }
0xac: {  	s5 =	simm.s32 @p0 $0x1B8D  }
0xad: {  	_ =	swait.eq @p0 [sflag:s5], $0x1  }
0xae: {  	[sflag:s5] =	ssyncadd.s32 @p0 $0xFFFFFFFF  }
0xaf: {  	s6 =	sshll.u32 @!p0 s1, $0xE  }
0xb0: {  	s6 =	sor.u32 @!p0 $0x4000, s6;
	s5 =	simm.s32 @!p0 $0x1B8D  }
0xb1: {  	s4 =	sshll.u32 @!p0 s4, $0x11;
	s6 =	sadd.s32 @!p0 $0x11B8D, s6;
	_ =	swait.eq @!p0 [sflag:s5], $0x1  }
0xb2: {  	s4 =	sor.u32 @!p0 s4, s6;
	[sflag:s5] =	ssyncadd.s32 @!p0 $0xFFFFFFFF  }
0xb3: {  	s25 =	simm.s32 $0x1B8E;
	s24 =	sld [smem:$0x3FFE];
	[sflag:s4] =	ssyncadd.remote.s32 @!p0 $0x1  }
0xb4: {  	s26 =	simm.s32 $execute0_lowered;
	[smem:$0x3FD2] =	sst s25  }
0xb5: {  	s5 =	sshll.u32 s26, $0x1;
	_ =	strace $0x80000058;
	[dreg:$0x1] =	wrdreg $0xFFFFFFFF  }
0xb6: {  	s28 =	simm.s32 $_size_execute0_lowered;
	s3 =	sadd.s32 s3, s5;
	[dreg:$0x0] =	wrdreg $0x0  }
0xb7: {  	s5 =	sshll.u32 s28, $0x1;
	[dreg:$0x2] =	wrdreg s3  }
0xb8: {  	[dreg:$0x3] =	wrdreg s5  }
0xb9: {  	[dreg:$0x4] =	wrdreg $0xC0  }
0xba: {  	_ =	task [dreg:s22], $0x5FFFF  }
0xbb: {  	[dreg:$0x1] =	wrdreg $0xFFFFFFFF  }
0xbc: {  	[dreg:$0x0] =	wrdreg $0x60  }
0xbd: {  	[dreg:$0x2] =	wrdreg s24  }
0xbe: {  	[dreg:$0x3] =	wrdreg $0xF  }
0xbf: {  	_ =	task.clear_ibuf [dreg:s22], $0x4FFFF;
	_ =	strace $0x90000058  }
0xc0: {  	s29 =	simm.s32 $0xF;
	_ =	strace $0x8000005A  }
0xc1: {  	_ =	swait.ge [sflag:s29], $0x1  }
0xc2: {  	[sflag:s29] =	ssyncadd.s32 $0xFFFFFFFF  }
0xc3: {  	_ =	strace $0x9000005A  }
0xc4: {  	_ =	sfence  }
0xc5: {  	s30 =	sld [smem:$0x0];
	_ =	sdelay $0x2  }
0xc6: {  	s31 =	sshll.u32 s1, $0xD;
	s1 =	sshrl.u32 s1, $0x2  }
0xc7: {  	s4 =	sand.u32 $0x4000, s31;
	s1 =	sadd.s32 s1, s30  }
0xc8: {  	s0 =	sor.u32 s4, s0;
	s1 =	sshll.u32 s1, $0x11  }
0xc9: {  	s0 =	sor.u32 s1, s0  }
0xca: {  	s0 =	sadd.s32 $0x8F2B, s0  }
0xcb: {  	[sflag:s0] =	ssyncadd.remote.s32 $0x1  }
0xcc: {  	_ =	sfence.sel $0xFFFF  }
0xcd: {  	[dreg:$0x0] =	wrdreg $0xFFFFFFFF;
	(pc) =	sbr.abs _section_cstart, $3  }
0xce: {  	[dreg:$0x1] =	wrdreg $0xFFFFFFFF  }
0xcf: {  	_ =	task.clear_ibuf [dreg:s22], $0x2FFFF;
	_ =	strace $0x9FFFFFFF  }
0xd0: {  	(tm) =	ssettm $0x7FFFFFFF  }
0xd1: {  	_ =	shalt  }
tec
execute0_lowered:
.L_overlay_start_1:
0x0: {  	(tag) =	ssettag $0x1  }
0x1: {  	s1 =	srdreg.scid  }
0x2: {  	s0 =	stileid.u32;
	s4 =	rddreg [dreg:$0x0]  }
0x3: {  	s2 =	simm.s32 $0x0;
	s13 =	simm.s32 $0x4A00;
	s14 =	simm.s32 $0x1  }
0x4: {  	s15 =	simm.s32 $0x2;
	s16 =	simm.s32 $0x980;
	s25 =	smul.u32 $0xA0000, s0  }
0x5: {  	s17 =	simm.s32 $0x0;
	s7 =	sand.u32 $0x1, s1;
	s29 =	smul.u32 $0x14000, s0  }
0x6: {  	s3 =	sshll.u32 s0, $0x1;
	s1 =	rddreg [dreg:$0x1];
	s28 =	smul.u32 $0x50000, s7  }
0x7: {  	[smem:$0x7FF] =	sst s2;
	s5 =	sor.u32 s7, s3;
	s30 =	smul.u32 $0xA000, s7  }
0x8: {  	s12 =	sadd.s32 $0x7A1E00, s4;
	s8 =	ssub.s32 $0x2, s7;
	s6 =	smul.u32 $0xA00, s5  }
0x9: {  	_ =	strace $0x80000059;
	s9 =	smul.u32 $0x50000, s5;
	s10 =	sshrl.u32 s8, $0x1  }
0xa: {  	s3 =	sadd.s32 $0x7600, s4;
	s11 =	smul.u32 $0xA000, s5;
	s24 =	ssub.s32 s8, s10  }
0xb: {  	s8 =	sadd.s32 s28, s25;
	s10 =	sadd.s32 s29, s12;
	s6 =	sshrl.u32 s6, $0x3  }
0xc: {  	s26 =	sshrl.u32 s9, $0x3;
	s5 =	smax.u32 s24, $0x1;
	s31 =	sadd.s32 s12, s11  }
0xd: {  	s8 =	sshrl.u32 s8, $0x3;
	s9 =	sadd.s32 s30, s10;
	s10 =	simm.s32 $0x3  }
0xe: {  	s11 =	simm.s32 $0xA00;
	s6 =	sadd.s32 s6, s4;
	s7 =	sadd.s32 $0x9800, s31  }
0xf: {  	s8 =	sadd.s32 s8, s12;
	s4 =	sadd.s32 $0x157E00, s6;
	s6 =	sadd.s32 s12, s26  }
0x10: {  	s9 =	sadd.s32 $0x800, s9;
	s12 =	simm.s32 $0x80;
	s6 =	sadd.s32 $0x9000, s6  }
.LBB2_1:
0x11: {  	[tilespmem:s2], [sflag:$0x3] =	stream.linear.gather [hbm4b:s4+s2], $0xA00, $0x38;
	[tilespmem:$0x8A00] =	vst v63  }
0x12: {  	_ =	swait.ge [sflag:s10], $0xA00  }
0x13: {  	[sflag:s10] =	ssyncset.done $0x0  }
0x14: {  	[sflag:s10] =	ssyncadd.s32 $0xFFFFF600  }
0x15: {  	[tilespmem:s11], [sflag:$0x1] =	stream.indirect.gather [hbm4b:s3+s12], $0x80, s2, s12, $0xb8;
	[tilespmem:$0x8A00] =	vst v63  }
0x16: {  	_ = 	snop  }
0x17: {  	[tilespmem:s13], [sflag:$0x2] =	stream.indirect.gather [hbm4b:s3+s12], $0x80, s12, s12, $0xb8;
	[tilespmem:$0x8A00] =	vst v63  }
0x18: {  	_ =	swait.ge [sflag:s14], $0x4000  }
0x19: {  	[sflag:s14] =	ssyncset.done $0x0  }
0x1a: {  	s18 =	sadd.s32 $0x0, s8;
	[sflag:s14] =	ssyncadd.s32 $0xFFFFC000  }
0x1b: {  	[hbm4b:s18+s2] =	stream.linear.scatter [tilespmem:s11], [sflag:$0x3], $0x4000, $0x38;
	[tilespmem:$0x8A00] =	vst v63  }
0x1c: {  	_ =	swait.ge [sflag:s10], $0x4000  }
0x1d: {  	[sflag:s10] =	ssyncset.done $0x0  }
0x1e: {  	s30 =	simm.s32 $0x100;
	[sflag:s10] =	ssyncadd.s32 $0xFFFFC000  }
0x1f: {  	[tilespmem:s11], [sflag:$0x1] =	stream.indirect.gather [hbm4b:s3+s12], $0x80, s30, s12, $0xb8;
	[tilespmem:$0x8A00] =	vst v63  }
0x20: {  	_ =	swait.ge [sflag:s15], $0x4000  }
0x21: {  	[sflag:s15] =	ssyncset.done $0x0  }
0x22: {  	s31 =	sadd.s32 $0x0, s9;
	[sflag:s15] =	ssyncadd.s32 $0xFFFFC000  }
0x23: {  	[hbm4b:s31+s2] =	stream.linear.scatter [tilespmem:s13], [sflag:$0x3], $0x4000, $0x38;
	[tilespmem:$0x8A00] =	vst v63  }
0x24: {  	_ =	swait.ge [sflag:s10], $0x4000  }
0x25: {  	s19 =	simm.s32 $0x80;
	s18 =	simm.s32 $0x1000;
	[sflag:s10] =	ssyncset.done $0x0  }
.LBB2_2:
0x26: {  	p0 =	sne.s32 s18, $0x8000;
	[sflag:s10] =	ssyncadd.s32 $0xFFFFC000;
	s19 =	sadd.s32 $0x100, s19  }
0x27: {  	[tilespmem:s13], [sflag:$0x2] =	stream.indirect.gather [hbm4b:s3+s12], $0x80, s19, s12, $0xb8;
	[tilespmem:$0x8A00] =	vst v63  }
0x28: {  	s20 =	smov.u32 s18;
	s18 =	sadd.s32 $0x1000, s18;
	_ =	swait.ge [sflag:s14], $0x4000  }
0x29: {  	[sflag:s14] =	ssyncset.done $0x0  }
0x2a: {  	s21 =	sadd.s32 s20, s8;
	[sflag:s14] =	ssyncadd.s32 $0xFFFFC000  }
0x2b: {  	[hbm4b:s21+s2] =	stream.linear.scatter [tilespmem:s11], [sflag:$0x3], $0x4000, $0x38;
	[tilespmem:$0x8A00] =	vst v63  }
0x2c: {  	_ =	swait.ge [sflag:s10], $0x4000  }
0x2d: {  	[sflag:s10] =	ssyncset.done $0x0  }
0x2e: {  	s21 =	sadd.s32 $0x80, s19;
	[sflag:s10] =	ssyncadd.s32 $0xFFFFC000  }
0x2f: {  	[tilespmem:s11], [sflag:$0x1] =	stream.indirect.gather [hbm4b:s3+s12], $0x80, s21, s12, $0xb8;
	[tilespmem:$0x8A00] =	vst v63  }
0x30: {  	_ =	swait.ge [sflag:s15], $0x4000  }
.Ltmp0:
0x31: {  	[sflag:s15] =	ssyncset.done $0x0;
	(pc) =	sbr.rel @p0 .LBB2_2-.Ltmp0, $4  }
0x32: {  	s20 =	sadd.s32 s20, s9;
	[sflag:s15] =	ssyncadd.s32 $0xFFFFC000  }
0x33: {  	[hbm4b:s20+s2] =	stream.linear.scatter [tilespmem:s13], [sflag:$0x3], $0x4000, $0x38;
	[tilespmem:$0x8A00] =	vst v63  }
0x34: {  	_ =	swait.ge [sflag:s10], $0x4000  }
0x35: {  	[sflag:s10] =	ssyncset.done $0x0  }
0x36: {  	[sflag:s10] =	ssyncadd.s32 $0xFFFFC000  }
0x37: {  	[tilespmem:s13], [sflag:$0x2] =	stream.indirect.gather [hbm4b:s3+s12], $0x80, s16, s12, $0xb8;
	[tilespmem:$0x8A00] =	vst v63  }
0x38: {  	_ =	swait.ge [sflag:s14], $0x4000  }
0x39: {  	[sflag:s14] =	ssyncset.done $0x0  }
0x3a: {  	[sflag:s14] =	ssyncadd.s32 $0xFFFFC000  }
0x3b: {  	[hbm4b:s6+s2] =	stream.linear.scatter [tilespmem:s11], [sflag:$0x3], $0x4000, $0x38;
	[tilespmem:$0x8A00] =	vst v63  }
0x3c: {  	_ =	swait.ge [sflag:s10], $0x4000  }
0x3d: {  	[sflag:s10] =	ssyncset.done $0x0  }
0x3e: {  	[sflag:s10] =	ssyncadd.s32 $0xFFFFC000  }
0x3f: {  	s17 =	sadd.s32 $0x1, s17;
	_ =	swait.ge [sflag:s15], $0x4000  }
0x40: {  	p0 =	sne.s32 s17, s5;
	[sflag:s15] =	ssyncset.done $0x0  }
.Ltmp1:
0x41: {  	[sflag:s15] =	ssyncadd.s32 $0xFFFFC000;
	(pc) =	sbr.rel @p0 .LBB2_1-.Ltmp1, $4  }
0x42: {  	[hbm4b:s7+s2] =	stream.linear.scatter [tilespmem:s13], [sflag:$0x3], $0x4000, $0x38;
	[tilespmem:$0x8A00] =	vst v63  }
0x43: {  	_ =	swait.ge [sflag:s10], $0x4000  }
0x44: {  	[sflag:s10] =	ssyncset.done $0x0  }
0x45: {  	[sflag:s10] =	ssyncadd.s32 $0xFFFFC000  }
0x46: {  	_ =	sfence.sel $0x180000  }
0x47: {  	[bflag:$0x0] =	sbarrier.arrive $0xFFFF  }
0x48: {  	p0 =	sne.s32 s0, $0x0;
	_ =	strace $0x90000059  }
0x49: {  	s0 =	sadd.s32 @!p0 $0x100000, s1;
	[bflag:$0x2] =	sbarrier.arrive $0xFFFF  }
0x4a: {  	[sflag:s0] =	ssyncadd.tile.s32 @!p0 $0x1;
	_ =	shalt  }
.Lfunc_end2:
_tile_overlayer_lowered:
.L_overlay_start_2:
0x4b: {  	(tag) =	ssettag $0x2  }
0x4c: {  	s0 =	rddreg [dreg:$0x0];
	s2 =	stileid.u32  }
0x4d: {  	s1 =	rddreg [dreg:$0x1];
	p0 =	sne.s32 s2, $0x0  }
0x4e: {  	s3 =	rddreg [dreg:$0x2];
	[bflag:$0x3] =	sbarrier.arrive $0xFFFF;
	s2 =	simm.s32 @!p0 $0x1C03  }
0x4f: {  	[timem:s3], [sflag:s2] =	dma.local @!p0 [hbm:s0], s1  }
0x50: {  	s0 =	simm.s32 @!p0 $0x3  }
0x51: {  	_ =	swait.ge @!p0 [sflag:s0], s1  }
0x52: {  	s1 =	ssub.s32 @!p0 $0x0, s1;
	[sflag:s0] =	ssyncset.done @!p0 $0x0  }
0x53: {  	[sflag:s0] =	ssyncadd.s32 @!p0 s1  }
0x54: {  	[bflag:$0x3] =	sbarrier.arrive $0xFFFF  }
0x55: {  	_ =	shalt  }

// kernel: kernel.44.cloned.1.call-start
scs
__scs_entry_jumppad:
0x0: {  	(pc) =	sbr.rel $0x88, $3  }
0x1: {  	(tag) =	ssettag $0x0;
	lr =	simm.s32 $0x1  }
0x2: {  	[smem:$0x3F99] =	sst lr;
	_ =	strace $0xD0000000  }
0x3: {  	_ = 	snop  }
0x4: {  	_ = 	snop  }
0x5: {  	_ = 	snop  }
0x6: {  	_ = 	snop  }
0x7: {  	_ = 	snop  }
__scs_overlays_trampoline_lowered:
0x8: {  	[smem:$0x3FA8] =	sst s0  }
0x9: {  	[smem:$0x3FA9] =	sst s1  }
0xa: {  	[smem:$0x3FAA] =	sst s2  }
0xb: {  	[smem:$0x3FAB] =	sst s3  }
0xc: {  	[smem:$0x3FAC] =	sst s4  }
0xd: {  	[smem:$0x3FAD] =	sst s5  }
0xe: {  	[smem:$0x3FAE] =	sst s6  }
0xf: {  	[smem:$0x3FAF] =	sst s7  }
0x10: {  	[smem:$0x3FB0] =	sst s8  }
0x11: {  	[smem:$0x3FB1] =	sst s9;
	s0 =	simm.s32 @!p0 $0x0  }
0x12: {  	s1 =	sld [smem:$0x3F97];
	s0 =	simm.s32 @p0 $0x1  }
0x13: {  	[smem:$0x3FB2] =	sst s0;
	s0 =	simm.s32 @!p1 $0x0  }
0x14: {  	s2 =	sld [smem:$0x3F96];
	s0 =	simm.s32 @p1 $0x1  }
0x15: {  	[smem:$0x3FB3] =	sst s0;
	s0 =	simm.s32 @!p2 $0x0  }
0x16: {  	s3 =	sld [smem:$0x3FDB];
	s0 =	simm.s32 @p2 $0x1  }
0x17: {  	s4 =	simm.s32 $0x1BF5;
	[smem:$0x3FB5] =	sst s0  }
0x18: {  	s0 =	sld [smem:$0x3F98];
	_ =	swait.ge [sflag:s4], $0x0  }
0x19: {  	s7 =	sld [smem:$0x3F99]  }
0x1a: {  	s8 =	sadd.s32 $0xFFFFE003, lr  }
0x1b: {  	s9 =	sadd.s32 $0xFFFFFEF7, lr;
	s5 =	simm.s32 $0xFFFFFFFF;
	p2 =	slt.u32 s8, $0xFFFFF086  }
0x1c: {  	p1 =	slt.u32 s9, $0xF7A;
	s5 =	simm.s32 @!p2 $0x0  }
0x1d: {  	s5 =	simm.s32 @p1 $0x1;
	p0 =	seq.s32 s7, s2  }
0x1e: {  	s7 =	smul.u32 @!p0 $0xF7A, s2;
	p2 =	seq.s32 @!p0 s5, $0x0  }
0x1f: {  	s9 =	smul.u32 $0xF7A, s1;
	s8 =	simm.s32 @!p0 $0x1BF5;
	p2 =	por !p2, p0  }
0x20: {  	[sflag:s8] =	ssyncset.s32 @!p0 $0xFFFFF086;
	s6 =	sadd.s32 @!p0 s3, s7;
	s7 =	simm.s32 @!p0 $0x108  }
0x21: {  	s3 =	sadd.s32 s3, s9;
	s6 =	sadd.s32 @!p0 $0x88, s6;
	s7 =	simm.s32 @p2 $0x1082  }
0x22: {  	[simem:s7], [sflag:s8] =	dma.local @!p0 [hbm:s6], $0xF7A  }
0x23: {  	s9 =	sor.u32 $0xD0000000, s2;
	s6 =	simm.s32 $0x108;
	_ =	swait.ge @!p0 [sflag:s8], $0x0  }
0x24: {  	s3 =	sadd.s32 $0x88, s3;
	s6 =	simm.s32 @!p1 $0x1082;
	[sflag:s4] =	ssyncset.s32 $0xFFFFF086  }
0x25: {  	[simem:s6], [sflag:s4] =	dma.local [hbm:s3], $0xF7A  }
0x26: {  	[smem:$0x3F99] =	sst s1;
	(tag) =	ssettag s2;
	_ =	strace s9  }
0x27: {  	s1 =	sld [smem:$0x3FA9]  }
0x28: {  	s2 =	sld [smem:$0x3FAA]  }
0x29: {  	s4 =	sld [smem:$0x3FAC]  }
0x2a: {  	p0 =	seq.s32 s5, $0x0;
	s5 =	sld [smem:$0x3FAD]  }
0x2b: {  	s6 =	sld [smem:$0x3FAE]  }
0x2c: {  	s7 =	sld [smem:$0x3FAF]  }
0x2d: {  	s3 =	simm.s32 $0x108;
	s8 =	sld [smem:$0x3FB0]  }
0x2e: {  	s3 =	simm.s32 @!p0 $0x1082;
	s9 =	sld [smem:$0x3FB1]  }
0x2f: {  	lr =	sadd.s32 s0, s3;
	s0 =	sld [smem:$0x3FA8]  }
0x30: {  	s3 =	sld [smem:$0x3FAB]  }
0x31: {  	[smem:$0x3FB4] =	sst s10  }
0x32: {  	s10 =	sld [smem:$0x3FB2];
	_ =	sdelay $0x3  }
0x33: {  	p0 =	seq.s32 s10, $0x1;
	s10 =	sld [smem:$0x3FB4];
	_ =	sdelay $0x3  }
0x34: {  	[smem:$0x3FB4] =	sst s10  }
0x35: {  	s10 =	sld [smem:$0x3FB3];
	_ =	sdelay $0x3  }
0x36: {  	p1 =	seq.s32 s10, $0x1;
	s10 =	sld [smem:$0x3FB4];
	_ =	sdelay $0x3  }
0x37: {  	[smem:$0x3FB4] =	sst s10  }
0x38: {  	s10 =	sld [smem:$0x3FB5]  }
0x39: {  	_ = 	snop;
	(pc) =	sbr.ind lr, $3  }
0x3a: {  	_ = 	snop  }
0x3b: {  	_ = 	snop  }
0x3c: {  	p2 =	seq.s32 s10, $0x1;
	s10 =	sld [smem:$0x3FB4]  }
0x3d: {  	_ =	shalt  }
0x3e: {  	_ =	shalt  }
0x3f: {  	_ =	shalt  }
0x40: {  	_ =	shalt  }
0x41: {  	_ =	shalt  }
0x42: {  	_ =	shalt  }
0x43: {  	_ =	shalt  }
0x44: {  	_ =	shalt  }
0x45: {  	_ =	shalt  }
0x46: {  	_ =	shalt  }
0x47: {  	_ =	shalt  }
0x48: {  	_ =	shalt  }
0x49: {  	_ =	shalt  }
0x4a: {  	_ =	shalt  }
0x4b: {  	_ =	shalt  }
0x4c: {  	_ =	shalt  }
0x4d: {  	_ =	shalt  }
0x4e: {  	_ =	shalt  }
0x4f: {  	_ =	shalt  }
0x50: {  	_ =	shalt  }
0x51: {  	_ =	shalt  }
0x52: {  	_ =	shalt  }
0x53: {  	_ =	shalt  }
0x54: {  	_ =	shalt  }
0x55: {  	_ =	shalt  }
0x56: {  	_ =	shalt  }
0x57: {  	_ =	shalt  }
0x58: {  	_ =	shalt  }
0x59: {  	_ =	shalt  }
0x5a: {  	_ =	shalt  }
0x5b: {  	_ =	shalt  }
0x5c: {  	_ =	shalt  }
0x5d: {  	_ =	shalt  }
0x5e: {  	_ =	shalt  }
0x5f: {  	_ =	shalt  }
0x60: {  	_ =	shalt  }
0x61: {  	_ =	shalt  }
0x62: {  	_ =	shalt  }
0x63: {  	_ =	shalt  }
0x64: {  	_ =	shalt  }
0x65: {  	_ =	shalt  }
0x66: {  	_ =	shalt  }
0x67: {  	_ =	shalt  }
0x68: {  	_ =	shalt  }
0x69: {  	_ =	shalt  }
0x6a: {  	_ =	shalt  }
0x6b: {  	_ =	shalt  }
0x6c: {  	_ =	shalt  }
0x6d: {  	_ =	shalt  }
0x6e: {  	_ =	shalt  }
0x6f: {  	_ =	shalt  }
0x70: {  	_ =	shalt  }
0x71: {  	_ =	shalt  }
0x72: {  	_ =	shalt  }
0x73: {  	_ =	shalt  }
0x74: {  	_ =	shalt  }
0x75: {  	_ =	shalt  }
0x76: {  	_ =	shalt  }
0x77: {  	_ =	shalt  }
0x78: {  	_ =	shalt  }
0x79: {  	_ =	shalt  }
0x7a: {  	_ =	shalt  }
0x7b: {  	_ =	shalt  }
0x7c: {  	_ =	shalt  }
0x7d: {  	_ =	shalt  }
0x7e: {  	_ =	shalt  }
0x7f: {  	_ =	shalt  }
0x80: {  	_ =	shalt  }
0x81: {  	_ =	shalt  }
0x82: {  	_ =	shalt  }
0x83: {  	_ =	shalt  }
0x84: {  	_ =	shalt  }
0x85: {  	_ =	shalt  }
0x86: {  	_ =	shalt  }
0x87: {  	_ =	shalt  }
.Lfunc_end0:
.L_simem_size_0:
called_computation.7_lowered:
.L_overlay_start_0:
0x88: {  	s2 =	sld [smem:$0x3FD9]  }
0x89: {  	s3 =	sld [smem:$0x3FFE];
	_ =	sdelay $0x1  }
0x8a: {  	s1 =	srdreg.scid  }
0x8b: {  	s0 =	sand.u32 $0x1, s1  }
0x8c: {  	s17 =	sshll.u32 s0, $0xA;
	s2 =	sadd.s32 s3, s2  }
0x8d: {  	s2 =	sadd.s32 s2, s17  }
0x8e: {  	[smem:$0x3FC0] =	sst s2  }
0x8f: {  	_ = 	snop  }
0x90: {  	(tm) =	ssettm $0x1  }
0x91: {  	s18 =	sld [smem:$0x3FFB];
	_ =	sdelay $0x3  }
0x92: {  	_ =	strace s18  }
0x93: {  	s2 =	sld [smem:$0x3FFC];
	_ =	sdelay $0x3  }
0x94: {  	_ =	strace s2  }
0x95: {  	s2 =	sld [smem:$0x3FFD];
	_ =	sdelay $0x3  }
0x96: {  	_ =	strace s2  }
0x97: {  	_ =	strace $0x8FFFFFFF  }
0x98: {  	s19 =	sld [smem:$0x3FDB];
	_ =	sdelay $0x1  }
0x99: {  	s20 =	simm.s32 $_scs_section_size  }
0x9a: {  	s4 =	simm.s32 $_size__tile_overlayer_lowered;
	s5 =	simm.s32 $_tile_overlayer_lowered  }
0x9b: {  	s6 =	simm.s32 $0x1BFF;
	s21 =	sshll.u32 s5, $0x1;
	s3 =	sadd.s32 s20, s19  }
0x9c: {  	s22 =	simm.s32 $0x0;
	s4 =	sshll.u32 s4, $0x1;
	s5 =	sadd.s32 s21, s3  }
0x9d: {  	[timem:s22], [sflag:s6] =	dma.local [hbm:s5], s4  }
0x9e: {  	_ =	swait.ge [sflag:s6], s4  }
0x9f: {  	s4 =	ssub.s32 $0x0, s4;
	[sflag:s6] =	ssyncset.done $0x0  }
0xa0: {  	[sflag:s6] =	ssyncadd.s32 s4;
	_ =	sdelay $0x1  }
0xa1: {  	s23 =	simm.s32 $0x1B8B  }
0xa2: {  	_ =	swait.ge [sflag:s23], $0x1  }
0xa3: {  	[sflag:s23] =	ssyncset.done $0x0  }
0xa4: {  	[sflag:s23] =	ssyncadd.s32 $0xFFFFFFFF  }
0xa5: {  	s4 =	sld [smem:$0x0]  }
0xa6: {  	s5 =	sand.u32 $0xFFFFFFFE, s1  }
0xa7: {  	p0 =	sne.s32 s1, s5  }
0xa8: {  	s5 =	sshll.u32 @p0 s5, $0xE  }
0xa9: {  	s5 =	sadd.s32 @p0 $0x11B8D, s5;
	s6 =	sshll.u32 @p0 s4, $0x11  }
0xaa: {  	s5 =	sor.u32 @p0 s6, s5  }
0xab: {  	[sflag:s5] =	ssyncadd.remote.s32 @p0 $0x1;
	_ =	sdelay $0x1  }
0xac: {  	s5 =	simm.s32 @p0 $0x1B8D  }
0xad: {  	_ =	swait.eq @p0 [sflag:s5], $0x1  }
0xae: {  	[sflag:s5] =	ssyncadd.s32 @p0 $0xFFFFFFFF  }
0xaf: {  	s6 =	sshll.u32 @!p0 s1, $0xE  }
0xb0: {  	s6 =	sor.u32 @!p0 $0x4000, s6;
	s5 =	simm.s32 @!p0 $0x1B8D  }
0xb1: {  	s4 =	sshll.u32 @!p0 s4, $0x11;
	s6 =	sadd.s32 @!p0 $0x11B8D, s6;
	_ =	swait.eq @!p0 [sflag:s5], $0x1  }
0xb2: {  	s4 =	sor.u32 @!p0 s4, s6;
	[sflag:s5] =	ssyncadd.s32 @!p0 $0xFFFFFFFF  }
0xb3: {  	s25 =	simm.s32 $0x1B8E;
	s24 =	sld [smem:$0x3FFE];
	[sflag:s4] =	ssyncadd.remote.s32 @!p0 $0x1  }
0xb4: {  	s26 =	simm.s32 $execute0_lowered;
	[smem:$0x3FD2] =	sst s25  }
0xb5: {  	s5 =	sshll.u32 s26, $0x1;
	_ =	strace $0x8000005B;
	[dreg:$0x1] =	wrdreg $0xFFFFFFFF  }
0xb6: {  	s28 =	simm.s32 $_size_execute0_lowered;
	s3 =	sadd.s32 s3, s5;
	[dreg:$0x0] =	wrdreg $0x0  }
0xb7: {  	s5 =	sshll.u32 s28, $0x1;
	[dreg:$0x2] =	wrdreg s3  }
0xb8: {  	[dreg:$0x3] =	wrdreg s5  }
0xb9: {  	[dreg:$0x4] =	wrdreg $0xC0  }
0xba: {  	_ =	task [dreg:s22], $0x5FFFF  }
0xbb: {  	[dreg:$0x1] =	wrdreg $0xFFFFFFFF  }
0xbc: {  	[dreg:$0x0] =	wrdreg $0x60  }
0xbd: {  	[dreg:$0x2] =	wrdreg s24  }
0xbe: {  	[dreg:$0x3] =	wrdreg $0x10  }
0xbf: {  	_ =	task.clear_ibuf [dreg:s22], $0x4FFFF;
	_ =	strace $0x9000005B  }
0xc0: {  	s29 =	simm.s32 $0x10;
	_ =	strace $0x8000005D  }
0xc1: {  	_ =	swait.ge [sflag:s29], $0x1  }
0xc2: {  	[sflag:s29] =	ssyncadd.s32 $0xFFFFFFFF  }
0xc3: {  	_ =	strace $0x9000005D  }
0xc4: {  	_ =	sfence  }
0xc5: {  	s30 =	sld [smem:$0x0];
	_ =	sdelay $0x2  }
0xc6: {  	s31 =	sshll.u32 s1, $0xD;
	s1 =	sshrl.u32 s1, $0x2  }
0xc7: {  	s4 =	sand.u32 $0x4000, s31;
	s1 =	sadd.s32 s1, s30  }
0xc8: {  	s0 =	sor.u32 s4, s0;
	s1 =	sshll.u32 s1, $0x11  }
0xc9: {  	s0 =	sor.u32 s1, s0  }
0xca: {  	s0 =	sadd.s32 $0x8F2B, s0  }
0xcb: {  	[sflag:s0] =	ssyncadd.remote.s32 $0x1  }
0xcc: {  	_ =	sfence.sel $0xFFFF  }
0xcd: {  	[dreg:$0x0] =	wrdreg $0xFFFFFFFF;
	(pc) =	sbr.abs _section_cstart, $3  }
0xce: {  	[dreg:$0x1] =	wrdreg $0xFFFFFFFF  }
0xcf: {  	_ =	task.clear_ibuf [dreg:s22], $0x2FFFF;
	_ =	strace $0x9FFFFFFF  }
0xd0: {  	(tm) =	ssettm $0x7FFFFFFF  }
0xd1: {  	_ =	shalt  }
tec
execute0_lowered:
.L_overlay_start_1:
0x0: {  	(tag) =	ssettag $0x1  }
0x1: {  	s1 =	srdreg.scid  }
0x2: {  	s0 =	stileid.u32;
	s4 =	rddreg [dreg:$0x0]  }
0x3: {  	s2 =	simm.s32 $0x0;
	s13 =	simm.s32 $0x4A00;
	s14 =	simm.s32 $0x1  }
0x4: {  	s15 =	simm.s32 $0x2;
	s16 =	simm.s32 $0x980;
	s25 =	smul.u32 $0xA0000, s0  }
0x5: {  	s17 =	simm.s32 $0x0;
	s7 =	sand.u32 $0x1, s1;
	s29 =	smul.u32 $0x14000, s0  }
0x6: {  	s3 =	sshll.u32 s0, $0x1;
	s1 =	rddreg [dreg:$0x1];
	s28 =	smul.u32 $0x50000, s7  }
0x7: {  	[smem:$0x7FF] =	sst s2;
	s5 =	sor.u32 s7, s3;
	s30 =	smul.u32 $0xA000, s7  }
0x8: {  	s12 =	sadd.s32 $0x8E1E00, s4;
	s8 =	ssub.s32 $0x2, s7;
	s6 =	smul.u32 $0xA00, s5  }
0x9: {  	_ =	strace $0x8000005C;
	s9 =	smul.u32 $0x50000, s5;
	s10 =	sshrl.u32 s8, $0x1  }
0xa: {  	s3 =	sadd.s32 $0x7600, s4;
	s11 =	smul.u32 $0xA000, s5;
	s24 =	ssub.s32 s8, s10  }
0xb: {  	s8 =	sadd.s32 s28, s25;
	s10 =	sadd.s32 s29, s12;
	s6 =	sshrl.u32 s6, $0x3  }
0xc: {  	s26 =	sshrl.u32 s9, $0x3;
	s5 =	smax.u32 s24, $0x1;
	s31 =	sadd.s32 s12, s11  }
0xd: {  	s8 =	sshrl.u32 s8, $0x3;
	s9 =	sadd.s32 s30, s10;
	s10 =	simm.s32 $0x3  }
0xe: {  	s11 =	simm.s32 $0xA00;
	s6 =	sadd.s32 s6, s4;
	s7 =	sadd.s32 $0x9800, s31  }
0xf: {  	s8 =	sadd.s32 s8, s12;
	s4 =	sadd.s32 $0x15A600, s6;
	s6 =	sadd.s32 s12, s26  }
0x10: {  	s9 =	sadd.s32 $0x800, s9;
	s12 =	simm.s32 $0x80;
	s6 =	sadd.s32 $0x9000, s6  }
.LBB2_1:
0x11: {  	[tilespmem:s2], [sflag:$0x3] =	stream.linear.gather [hbm4b:s4+s2], $0xA00, $0x38;
	[tilespmem:$0x8A00] =	vst v63  }
0x12: {  	_ =	swait.ge [sflag:s10], $0xA00  }
0x13: {  	[sflag:s10] =	ssyncset.done $0x0  }
0x14: {  	[sflag:s10] =	ssyncadd.s32 $0xFFFFF600  }
0x15: {  	[tilespmem:s11], [sflag:$0x1] =	stream.indirect.gather [hbm4b:s3+s12], $0x80, s2, s12, $0xb8;
	[tilespmem:$0x8A00] =	vst v63  }
0x16: {  	_ = 	snop  }
0x17: {  	[tilespmem:s13], [sflag:$0x2] =	stream.indirect.gather [hbm4b:s3+s12], $0x80, s12, s12, $0xb8;
	[tilespmem:$0x8A00] =	vst v63  }
0x18: {  	_ =	swait.ge [sflag:s14], $0x4000  }
0x19: {  	[sflag:s14] =	ssyncset.done $0x0  }
0x1a: {  	s18 =	sadd.s32 $0x0, s8;
	[sflag:s14] =	ssyncadd.s32 $0xFFFFC000  }
0x1b: {  	[hbm4b:s18+s2] =	stream.linear.scatter [tilespmem:s11], [sflag:$0x3], $0x4000, $0x38;
	[tilespmem:$0x8A00] =	vst v63  }
0x1c: {  	_ =	swait.ge [sflag:s10], $0x4000  }
0x1d: {  	[sflag:s10] =	ssyncset.done $0x0  }
0x1e: {  	s30 =	simm.s32 $0x100;
	[sflag:s10] =	ssyncadd.s32 $0xFFFFC000  }
0x1f: {  	[tilespmem:s11], [sflag:$0x1] =	stream.indirect.gather [hbm4b:s3+s12], $0x80, s30, s12, $0xb8;
	[tilespmem:$0x8A00] =	vst v63  }
0x20: {  	_ =	swait.ge [sflag:s15], $0x4000  }
0x21: {  	[sflag:s15] =	ssyncset.done $0x0  }
0x22: {  	s31 =	sadd.s32 $0x0, s9;
	[sflag:s15] =	ssyncadd.s32 $0xFFFFC000  }
0x23: {  	[hbm4b:s31+s2] =	stream.linear.scatter [tilespmem:s13], [sflag:$0x3], $0x4000, $0x38;
	[tilespmem:$0x8A00] =	vst v63  }
0x24: {  	_ =	swait.ge [sflag:s10], $0x4000  }
0x25: {  	s19 =	simm.s32 $0x80;
	s18 =	simm.s32 $0x1000;
	[sflag:s10] =	ssyncset.done $0x0  }
.LBB2_2:
0x26: {  	p0 =	sne.s32 s18, $0x8000;
	[sflag:s10] =	ssyncadd.s32 $0xFFFFC000;
	s19 =	sadd.s32 $0x100, s19  }
0x27: {  	[tilespmem:s13], [sflag:$0x2] =	stream.indirect.gather [hbm4b:s3+s12], $0x80, s19, s12, $0xb8;
	[tilespmem:$0x8A00] =	vst v63  }
0x28: {  	s20 =	smov.u32 s18;
	s18 =	sadd.s32 $0x1000, s18;
	_ =	swait.ge [sflag:s14], $0x4000  }
0x29: {  	[sflag:s14] =	ssyncset.done $0x0  }
0x2a: {  	s21 =	sadd.s32 s20, s8;
	[sflag:s14] =	ssyncadd.s32 $0xFFFFC000  }
0x2b: {  	[hbm4b:s21+s2] =	stream.linear.scatter [tilespmem:s11], [sflag:$0x3], $0x4000, $0x38;
	[tilespmem:$0x8A00] =	vst v63  }
0x2c: {  	_ =	swait.ge [sflag:s10], $0x4000  }
0x2d: {  	[sflag:s10] =	ssyncset.done $0x0  }
0x2e: {  	s21 =	sadd.s32 $0x80, s19;
	[sflag:s10] =	ssyncadd.s32 $0xFFFFC000  }
0x2f: {  	[tilespmem:s11], [sflag:$0x1] =	stream.indirect.gather [hbm4b:s3+s12], $0x80, s21, s12, $0xb8;
	[tilespmem:$0x8A00] =	vst v63  }
0x30: {  	_ =	swait.ge [sflag:s15], $0x4000  }
.Ltmp0:
0x31: {  	[sflag:s15] =	ssyncset.done $0x0;
	(pc) =	sbr.rel @p0 .LBB2_2-.Ltmp0, $4  }
0x32: {  	s20 =	sadd.s32 s20, s9;
	[sflag:s15] =	ssyncadd.s32 $0xFFFFC000  }
0x33: {  	[hbm4b:s20+s2] =	stream.linear.scatter [tilespmem:s13], [sflag:$0x3], $0x4000, $0x38;
	[tilespmem:$0x8A00] =	vst v63  }
0x34: {  	_ =	swait.ge [sflag:s10], $0x4000  }
0x35: {  	[sflag:s10] =	ssyncset.done $0x0  }
0x36: {  	[sflag:s10] =	ssyncadd.s32 $0xFFFFC000  }
0x37: {  	[tilespmem:s13], [sflag:$0x2] =	stream.indirect.gather [hbm4b:s3+s12], $0x80, s16, s12, $0xb8;
	[tilespmem:$0x8A00] =	vst v63  }
0x38: {  	_ =	swait.ge [sflag:s14], $0x4000  }
0x39: {  	[sflag:s14] =	ssyncset.done $0x0  }
0x3a: {  	[sflag:s14] =	ssyncadd.s32 $0xFFFFC000  }
0x3b: {  	[hbm4b:s6+s2] =	stream.linear.scatter [tilespmem:s11], [sflag:$0x3], $0x4000, $0x38;
	[tilespmem:$0x8A00] =	vst v63  }
0x3c: {  	_ =	swait.ge [sflag:s10], $0x4000  }
0x3d: {  	[sflag:s10] =	ssyncset.done $0x0  }
0x3e: {  	[sflag:s10] =	ssyncadd.s32 $0xFFFFC000  }
0x3f: {  	s17 =	sadd.s32 $0x1, s17;
	_ =	swait.ge [sflag:s15], $0x4000  }
0x40: {  	p0 =	sne.s32 s17, s5;
	[sflag:s15] =	ssyncset.done $0x0  }
.Ltmp1:
0x41: {  	[sflag:s15] =	ssyncadd.s32 $0xFFFFC000;
	(pc) =	sbr.rel @p0 .LBB2_1-.Ltmp1, $4  }
0x42: {  	[hbm4b:s7+s2] =	stream.linear.scatter [tilespmem:s13], [sflag:$0x3], $0x4000, $0x38;
	[tilespmem:$0x8A00] =	vst v63  }
0x43: {  	_ =	swait.ge [sflag:s10], $0x4000  }
0x44: {  	[sflag:s10] =	ssyncset.done $0x0  }
0x45: {  	[sflag:s10] =	ssyncadd.s32 $0xFFFFC000  }
0x46: {  	_ =	sfence.sel $0x180000  }
0x47: {  	[bflag:$0x0] =	sbarrier.arrive $0xFFFF  }
0x48: {  	p0 =	sne.s32 s0, $0x0;
	_ =	strace $0x9000005C  }
0x49: {  	s0 =	sadd.s32 @!p0 $0x100000, s1;
	[bflag:$0x2] =	sbarrier.arrive $0xFFFF  }
0x4a: {  	[sflag:s0] =	ssyncadd.tile.s32 @!p0 $0x1;
	_ =	shalt  }
.Lfunc_end2:
_tile_overlayer_lowered:
.L_overlay_start_2:
0x4b: {  	(tag) =	ssettag $0x2  }
0x4c: {  	s0 =	rddreg [dreg:$0x0];
	s2 =	stileid.u32  }
0x4d: {  	s1 =	rddreg [dreg:$0x1];
	p0 =	sne.s32 s2, $0x0  }
0x4e: {  	s3 =	rddreg [dreg:$0x2];
	[bflag:$0x3] =	sbarrier.arrive $0xFFFF;
	s2 =	simm.s32 @!p0 $0x1C03  }
0x4f: {  	[timem:s3], [sflag:s2] =	dma.local @!p0 [hbm:s0], s1  }
0x50: {  	s0 =	simm.s32 @!p0 $0x3  }
0x51: {  	_ =	swait.ge @!p0 [sflag:s0], s1  }
0x52: {  	s1 =	ssub.s32 @!p0 $0x0, s1;
	[sflag:s0] =	ssyncset.done @!p0 $0x0  }
0x53: {  	[sflag:s0] =	ssyncadd.s32 @!p0 s1  }
0x54: {  	[bflag:$0x3] =	sbarrier.arrive $0xFFFF  }
0x55: {  	_ =	shalt  }

// kernel: kernel.47.cloned.1.call-start
scs
__scs_entry_jumppad:
0x0: {  	(pc) =	sbr.rel $0x88, $3  }
0x1: {  	(tag) =	ssettag $0x0;
	lr =	simm.s32 $0x1  }
0x2: {  	[smem:$0x3F99] =	sst lr;
	_ =	strace $0xD0000000  }
0x3: {  	_ = 	snop  }
0x4: {  	_ = 	snop  }
0x5: {  	_ = 	snop  }
0x6: {  	_ = 	snop  }
0x7: {  	_ = 	snop  }
__scs_overlays_trampoline_lowered:
0x8: {  	[smem:$0x3FA8] =	sst s0  }
0x9: {  	[smem:$0x3FA9] =	sst s1  }
0xa: {  	[smem:$0x3FAA] =	sst s2  }
0xb: {  	[smem:$0x3FAB] =	sst s3  }
0xc: {  	[smem:$0x3FAC] =	sst s4  }
0xd: {  	[smem:$0x3FAD] =	sst s5  }
0xe: {  	[smem:$0x3FAE] =	sst s6  }
0xf: {  	[smem:$0x3FAF] =	sst s7  }
0x10: {  	[smem:$0x3FB0] =	sst s8  }
0x11: {  	[smem:$0x3FB1] =	sst s9;
	s0 =	simm.s32 @!p0 $0x0  }
0x12: {  	s1 =	sld [smem:$0x3F97];
	s0 =	simm.s32 @p0 $0x1  }
0x13: {  	[smem:$0x3FB2] =	sst s0;
	s0 =	simm.s32 @!p1 $0x0  }
0x14: {  	s2 =	sld [smem:$0x3F96];
	s0 =	simm.s32 @p1 $0x1  }
0x15: {  	[smem:$0x3FB3] =	sst s0;
	s0 =	simm.s32 @!p2 $0x0  }
0x16: {  	s3 =	sld [smem:$0x3FDB];
	s0 =	simm.s32 @p2 $0x1  }
0x17: {  	s4 =	simm.s32 $0x1BF5;
	[smem:$0x3FB5] =	sst s0  }
0x18: {  	s0 =	sld [smem:$0x3F98];
	_ =	swait.ge [sflag:s4], $0x0  }
0x19: {  	s7 =	sld [smem:$0x3F99]  }
0x1a: {  	s8 =	sadd.s32 $0xFFFFE003, lr  }
0x1b: {  	s9 =	sadd.s32 $0xFFFFFEF7, lr;
	s5 =	simm.s32 $0xFFFFFFFF;
	p2 =	slt.u32 s8, $0xFFFFF086  }
0x1c: {  	p1 =	slt.u32 s9, $0xF7A;
	s5 =	simm.s32 @!p2 $0x0  }
0x1d: {  	s5 =	simm.s32 @p1 $0x1;
	p0 =	seq.s32 s7, s2  }
0x1e: {  	s7 =	smul.u32 @!p0 $0xF7A, s2;
	p2 =	seq.s32 @!p0 s5, $0x0  }
0x1f: {  	s9 =	smul.u32 $0xF7A, s1;
	s8 =	simm.s32 @!p0 $0x1BF5;
	p2 =	por !p2, p0  }
0x20: {  	[sflag:s8] =	ssyncset.s32 @!p0 $0xFFFFF086;
	s6 =	sadd.s32 @!p0 s3, s7;
	s7 =	simm.s32 @!p0 $0x108  }
0x21: {  	s3 =	sadd.s32 s3, s9;
	s6 =	sadd.s32 @!p0 $0x88, s6;
	s7 =	simm.s32 @p2 $0x1082  }
0x22: {  	[simem:s7], [sflag:s8] =	dma.local @!p0 [hbm:s6], $0xF7A  }
0x23: {  	s9 =	sor.u32 $0xD0000000, s2;
	s6 =	simm.s32 $0x108;
	_ =	swait.ge @!p0 [sflag:s8], $0x0  }
0x24: {  	s3 =	sadd.s32 $0x88, s3;
	s6 =	simm.s32 @!p1 $0x1082;
	[sflag:s4] =	ssyncset.s32 $0xFFFFF086  }
0x25: {  	[simem:s6], [sflag:s4] =	dma.local [hbm:s3], $0xF7A  }
0x26: {  	[smem:$0x3F99] =	sst s1;
	(tag) =	ssettag s2;
	_ =	strace s9  }
0x27: {  	s1 =	sld [smem:$0x3FA9]  }
0x28: {  	s2 =	sld [smem:$0x3FAA]  }
0x29: {  	s4 =	sld [smem:$0x3FAC]  }
0x2a: {  	p0 =	seq.s32 s5, $0x0;
	s5 =	sld [smem:$0x3FAD]  }
0x2b: {  	s6 =	sld [smem:$0x3FAE]  }
0x2c: {  	s7 =	sld [smem:$0x3FAF]  }
0x2d: {  	s3 =	simm.s32 $0x108;
	s8 =	sld [smem:$0x3FB0]  }
0x2e: {  	s3 =	simm.s32 @!p0 $0x1082;
	s9 =	sld [smem:$0x3FB1]  }
0x2f: {  	lr =	sadd.s32 s0, s3;
	s0 =	sld [smem:$0x3FA8]  }
0x30: {  	s3 =	sld [smem:$0x3FAB]  }
0x31: {  	[smem:$0x3FB4] =	sst s10  }
0x32: {  	s10 =	sld [smem:$0x3FB2];
	_ =	sdelay $0x3  }
0x33: {  	p0 =	seq.s32 s10, $0x1;
	s10 =	sld [smem:$0x3FB4];
	_ =	sdelay $0x3  }
0x34: {  	[smem:$0x3FB4] =	sst s10  }
0x35: {  	s10 =	sld [smem:$0x3FB3];
	_ =	sdelay $0x3  }
0x36: {  	p1 =	seq.s32 s10, $0x1;
	s10 =	sld [smem:$0x3FB4];
	_ =	sdelay $0x3  }
0x37: {  	[smem:$0x3FB4] =	sst s10  }
0x38: {  	s10 =	sld [smem:$0x3FB5]  }
0x39: {  	_ = 	snop;
	(pc) =	sbr.ind lr, $3  }
0x3a: {  	_ = 	snop  }
0x3b: {  	_ = 	snop  }
0x3c: {  	p2 =	seq.s32 s10, $0x1;
	s10 =	sld [smem:$0x3FB4]  }
0x3d: {  	_ =	shalt  }
0x3e: {  	_ =	shalt  }
0x3f: {  	_ =	shalt  }
0x40: {  	_ =	shalt  }
0x41: {  	_ =	shalt  }
0x42: {  	_ =	shalt  }
0x43: {  	_ =	shalt  }
0x44: {  	_ =	shalt  }
0x45: {  	_ =	shalt  }
0x46: {  	_ =	shalt  }
0x47: {  	_ =	shalt  }
0x48: {  	_ =	shalt  }
0x49: {  	_ =	shalt  }
0x4a: {  	_ =	shalt  }
0x4b: {  	_ =	shalt  }
0x4c: {  	_ =	shalt  }
0x4d: {  	_ =	shalt  }
0x4e: {  	_ =	shalt  }
0x4f: {  	_ =	shalt  }
0x50: {  	_ =	shalt  }
0x51: {  	_ =	shalt  }
0x52: {  	_ =	shalt  }
0x53: {  	_ =	shalt  }
0x54: {  	_ =	shalt  }
0x55: {  	_ =	shalt  }
0x56: {  	_ =	shalt  }
0x57: {  	_ =	shalt  }
0x58: {  	_ =	shalt  }
0x59: {  	_ =	shalt  }
0x5a: {  	_ =	shalt  }
0x5b: {  	_ =	shalt  }
0x5c: {  	_ =	shalt  }
0x5d: {  	_ =	shalt  }
0x5e: {  	_ =	shalt  }
0x5f: {  	_ =	shalt  }
0x60: {  	_ =	shalt  }
0x61: {  	_ =	shalt  }
0x62: {  	_ =	shalt  }
0x63: {  	_ =	shalt  }
0x64: {  	_ =	shalt  }
0x65: {  	_ =	shalt  }
0x66: {  	_ =	shalt  }
0x67: {  	_ =	shalt  }
0x68: {  	_ =	shalt  }
0x69: {  	_ =	shalt  }
0x6a: {  	_ =	shalt  }
0x6b: {  	_ =	shalt  }
0x6c: {  	_ =	shalt  }
0x6d: {  	_ =	shalt  }
0x6e: {  	_ =	shalt  }
0x6f: {  	_ =	shalt  }
0x70: {  	_ =	shalt  }
0x71: {  	_ =	shalt  }
0x72: {  	_ =	shalt  }
0x73: {  	_ =	shalt  }
0x74: {  	_ =	shalt  }
0x75: {  	_ =	shalt  }
0x76: {  	_ =	shalt  }
0x77: {  	_ =	shalt  }
0x78: {  	_ =	shalt  }
0x79: {  	_ =	shalt  }
0x7a: {  	_ =	shalt  }
0x7b: {  	_ =	shalt  }
0x7c: {  	_ =	shalt  }
0x7d: {  	_ =	shalt  }
0x7e: {  	_ =	shalt  }
0x7f: {  	_ =	shalt  }
0x80: {  	_ =	shalt  }
0x81: {  	_ =	shalt  }
0x82: {  	_ =	shalt  }
0x83: {  	_ =	shalt  }
0x84: {  	_ =	shalt  }
0x85: {  	_ =	shalt  }
0x86: {  	_ =	shalt  }
0x87: {  	_ =	shalt  }
.Lfunc_end0:
.L_simem_size_0:
called_computation.8_lowered:
.L_overlay_start_0:
0x88: {  	s2 =	sld [smem:$0x3FD9]  }
0x89: {  	s3 =	sld [smem:$0x3FFE];
	_ =	sdelay $0x1  }
0x8a: {  	s1 =	srdreg.scid  }
0x8b: {  	s0 =	sand.u32 $0x1, s1  }
0x8c: {  	s17 =	sshll.u32 s0, $0xA;
	s2 =	sadd.s32 s3, s2  }
0x8d: {  	s2 =	sadd.s32 s2, s17  }
0x8e: {  	[smem:$0x3FC0] =	sst s2  }
0x8f: {  	_ = 	snop  }
0x90: {  	(tm) =	ssettm $0x1  }
0x91: {  	s18 =	sld [smem:$0x3FFB];
	_ =	sdelay $0x3  }
0x92: {  	_ =	strace s18  }
0x93: {  	s2 =	sld [smem:$0x3FFC];
	_ =	sdelay $0x3  }
0x94: {  	_ =	strace s2  }
0x95: {  	s2 =	sld [smem:$0x3FFD];
	_ =	sdelay $0x3  }
0x96: {  	_ =	strace s2  }
0x97: {  	_ =	strace $0x8FFFFFFF  }
0x98: {  	s19 =	sld [smem:$0x3FDB];
	_ =	sdelay $0x1  }
0x99: {  	s20 =	simm.s32 $_scs_section_size  }
0x9a: {  	s4 =	simm.s32 $_size__tile_overlayer_lowered;
	s5 =	simm.s32 $_tile_overlayer_lowered  }
0x9b: {  	s6 =	simm.s32 $0x1BFF;
	s21 =	sshll.u32 s5, $0x1;
	s3 =	sadd.s32 s20, s19  }
0x9c: {  	s22 =	simm.s32 $0x0;
	s4 =	sshll.u32 s4, $0x1;
	s5 =	sadd.s32 s21, s3  }
0x9d: {  	[timem:s22], [sflag:s6] =	dma.local [hbm:s5], s4  }
0x9e: {  	_ =	swait.ge [sflag:s6], s4  }
0x9f: {  	s4 =	ssub.s32 $0x0, s4;
	[sflag:s6] =	ssyncset.done $0x0  }
0xa0: {  	[sflag:s6] =	ssyncadd.s32 s4;
	_ =	sdelay $0x1  }
0xa1: {  	s23 =	simm.s32 $0x1B8B  }
0xa2: {  	_ =	swait.ge [sflag:s23], $0x1  }
0xa3: {  	[sflag:s23] =	ssyncset.done $0x0  }
0xa4: {  	[sflag:s23] =	ssyncadd.s32 $0xFFFFFFFF  }
0xa5: {  	s4 =	sld [smem:$0x0]  }
0xa6: {  	s5 =	sand.u32 $0xFFFFFFFE, s1  }
0xa7: {  	p0 =	sne.s32 s1, s5  }
0xa8: {  	s5 =	sshll.u32 @p0 s5, $0xE  }
0xa9: {  	s5 =	sadd.s32 @p0 $0x11B8D, s5;
	s6 =	sshll.u32 @p0 s4, $0x11  }
0xaa: {  	s5 =	sor.u32 @p0 s6, s5  }
0xab: {  	[sflag:s5] =	ssyncadd.remote.s32 @p0 $0x1;
	_ =	sdelay $0x1  }
0xac: {  	s5 =	simm.s32 @p0 $0x1B8D  }
0xad: {  	_ =	swait.eq @p0 [sflag:s5], $0x1  }
0xae: {  	[sflag:s5] =	ssyncadd.s32 @p0 $0xFFFFFFFF  }
0xaf: {  	s6 =	sshll.u32 @!p0 s1, $0xE  }
0xb0: {  	s6 =	sor.u32 @!p0 $0x4000, s6;
	s5 =	simm.s32 @!p0 $0x1B8D  }
0xb1: {  	s4 =	sshll.u32 @!p0 s4, $0x11;
	s6 =	sadd.s32 @!p0 $0x11B8D, s6;
	_ =	swait.eq @!p0 [sflag:s5], $0x1  }
0xb2: {  	s4 =	sor.u32 @!p0 s4, s6;
	[sflag:s5] =	ssyncadd.s32 @!p0 $0xFFFFFFFF  }
0xb3: {  	s25 =	simm.s32 $0x1B8E;
	s24 =	sld [smem:$0x3FFE];
	[sflag:s4] =	ssyncadd.remote.s32 @!p0 $0x1  }
0xb4: {  	s26 =	simm.s32 $execute0_lowered;
	[smem:$0x3FD2] =	sst s25  }
0xb5: {  	s5 =	sshll.u32 s26, $0x1;
	_ =	strace $0x8000005E;
	[dreg:$0x1] =	wrdreg $0xFFFFFFFF  }
0xb6: {  	s28 =	simm.s32 $_size_execute0_lowered;
	s3 =	sadd.s32 s3, s5;
	[dreg:$0x0] =	wrdreg $0x0  }
0xb7: {  	s5 =	sshll.u32 s28, $0x1;
	[dreg:$0x2] =	wrdreg s3  }
0xb8: {  	[dreg:$0x3] =	wrdreg s5  }
0xb9: {  	[dreg:$0x4] =	wrdreg $0xC0  }
0xba: {  	_ =	task [dreg:s22], $0x5FFFF  }
0xbb: {  	[dreg:$0x1] =	wrdreg $0xFFFFFFFF  }
0xbc: {  	[dreg:$0x0] =	wrdreg $0x60  }
0xbd: {  	[dreg:$0x2] =	wrdreg s24  }
0xbe: {  	[dreg:$0x3] =	wrdreg $0x11  }
0xbf: {  	_ =	task.clear_ibuf [dreg:s22], $0x4FFFF;
	_ =	strace $0x9000005E  }
0xc0: {  	s29 =	simm.s32 $0x11;
	_ =	strace $0x80000060  }
0xc1: {  	_ =	swait.ge [sflag:s29], $0x1  }
0xc2: {  	[sflag:s29] =	ssyncadd.s32 $0xFFFFFFFF  }
0xc3: {  	_ =	strace $0x90000060  }
0xc4: {  	_ =	sfence  }
0xc5: {  	s30 =	sld [smem:$0x0];
	_ =	sdelay $0x2  }
0xc6: {  	s31 =	sshll.u32 s1, $0xD;
	s1 =	sshrl.u32 s1, $0x2  }
0xc7: {  	s4 =	sand.u32 $0x4000, s31;
	s1 =	sadd.s32 s1, s30  }
0xc8: {  	s0 =	sor.u32 s4, s0;
	s1 =	sshll.u32 s1, $0x11  }
0xc9: {  	s0 =	sor.u32 s1, s0  }
0xca: {  	s0 =	sadd.s32 $0x8F2B, s0  }
0xcb: {  	[sflag:s0] =	ssyncadd.remote.s32 $0x1  }
0xcc: {  	_ =	sfence.sel $0xFFFF  }
0xcd: {  	[dreg:$0x0] =	wrdreg $0xFFFFFFFF;
	(pc) =	sbr.abs _section_cstart, $3  }
0xce: {  	[dreg:$0x1] =	wrdreg $0xFFFFFFFF  }
0xcf: {  	_ =	task.clear_ibuf [dreg:s22], $0x2FFFF;
	_ =	strace $0x9FFFFFFF  }
0xd0: {  	(tm) =	ssettm $0x7FFFFFFF  }
0xd1: {  	_ =	shalt  }
tec
execute0_lowered:
.L_overlay_start_1:
0x0: {  	(tag) =	ssettag $0x1  }
0x1: {  	s1 =	srdreg.scid  }
0x2: {  	s0 =	stileid.u32;
	s4 =	rddreg [dreg:$0x0]  }
0x3: {  	s2 =	simm.s32 $0x0;
	s13 =	simm.s32 $0x4A00;
	s14 =	simm.s32 $0x1  }
0x4: {  	s15 =	simm.s32 $0x2;
	s16 =	simm.s32 $0x980;
	s25 =	smul.u32 $0xA0000, s0  }
0x5: {  	s17 =	simm.s32 $0x0;
	s7 =	sand.u32 $0x1, s1;
	s29 =	smul.u32 $0x14000, s0  }
0x6: {  	s3 =	sshll.u32 s0, $0x1;
	s1 =	rddreg [dreg:$0x1];
	s28 =	smul.u32 $0x50000, s7  }
0x7: {  	[smem:$0x7FF] =	sst s2;
	s5 =	sor.u32 s7, s3;
	s30 =	smul.u32 $0xA000, s7  }
0x8: {  	s12 =	sadd.s32 $0xA21E00, s4;
	s8 =	ssub.s32 $0x2, s7;
	s6 =	smul.u32 $0xA00, s5  }
0x9: {  	_ =	strace $0x8000005F;
	s9 =	smul.u32 $0x50000, s5;
	s10 =	sshrl.u32 s8, $0x1  }
0xa: {  	s3 =	sadd.s32 $0x7600, s4;
	s11 =	smul.u32 $0xA000, s5;
	s24 =	ssub.s32 s8, s10  }
0xb: {  	s8 =	sadd.s32 s28, s25;
	s10 =	sadd.s32 s29, s12;
	s6 =	sshrl.u32 s6, $0x3  }
0xc: {  	s26 =	sshrl.u32 s9, $0x3;
	s5 =	smax.u32 s24, $0x1;
	s31 =	sadd.s32 s12, s11  }
0xd: {  	s8 =	sshrl.u32 s8, $0x3;
	s9 =	sadd.s32 s30, s10;
	s10 =	simm.s32 $0x3  }
0xe: {  	s11 =	simm.s32 $0xA00;
	s6 =	sadd.s32 s6, s4;
	s7 =	sadd.s32 $0x9800, s31  }
0xf: {  	s8 =	sadd.s32 s8, s12;
	s4 =	sadd.s32 $0x15CE00, s6;
	s6 =	sadd.s32 s12, s26  }
0x10: {  	s9 =	sadd.s32 $0x800, s9;
	s12 =	simm.s32 $0x80;
	s6 =	sadd.s32 $0x9000, s6  }
.LBB2_1:
0x11: {  	[tilespmem:s2], [sflag:$0x3] =	stream.linear.gather [hbm4b:s4+s2], $0xA00, $0x38;
	[tilespmem:$0x8A00] =	vst v63  }
0x12: {  	_ =	swait.ge [sflag:s10], $0xA00  }
0x13: {  	[sflag:s10] =	ssyncset.done $0x0  }
0x14: {  	[sflag:s10] =	ssyncadd.s32 $0xFFFFF600  }
0x15: {  	[tilespmem:s11], [sflag:$0x1] =	stream.indirect.gather [hbm4b:s3+s12], $0x80, s2, s12, $0xb8;
	[tilespmem:$0x8A00] =	vst v63  }
0x16: {  	_ = 	snop  }
0x17: {  	[tilespmem:s13], [sflag:$0x2] =	stream.indirect.gather [hbm4b:s3+s12], $0x80, s12, s12, $0xb8;
	[tilespmem:$0x8A00] =	vst v63  }
0x18: {  	_ =	swait.ge [sflag:s14], $0x4000  }
0x19: {  	[sflag:s14] =	ssyncset.done $0x0  }
0x1a: {  	s18 =	sadd.s32 $0x0, s8;
	[sflag:s14] =	ssyncadd.s32 $0xFFFFC000  }
0x1b: {  	[hbm4b:s18+s2] =	stream.linear.scatter [tilespmem:s11], [sflag:$0x3], $0x4000, $0x38;
	[tilespmem:$0x8A00] =	vst v63  }
0x1c: {  	_ =	swait.ge [sflag:s10], $0x4000  }
0x1d: {  	[sflag:s10] =	ssyncset.done $0x0  }
0x1e: {  	s30 =	simm.s32 $0x100;
	[sflag:s10] =	ssyncadd.s32 $0xFFFFC000  }
0x1f: {  	[tilespmem:s11], [sflag:$0x1] =	stream.indirect.gather [hbm4b:s3+s12], $0x80, s30, s12, $0xb8;
	[tilespmem:$0x8A00] =	vst v63  }
0x20: {  	_ =	swait.ge [sflag:s15], $0x4000  }
0x21: {  	[sflag:s15] =	ssyncset.done $0x0  }
0x22: {  	s31 =	sadd.s32 $0x0, s9;
	[sflag:s15] =	ssyncadd.s32 $0xFFFFC000  }
0x23: {  	[hbm4b:s31+s2] =	stream.linear.scatter [tilespmem:s13], [sflag:$0x3], $0x4000, $0x38;
	[tilespmem:$0x8A00] =	vst v63  }
0x24: {  	_ =	swait.ge [sflag:s10], $0x4000  }
0x25: {  	s19 =	simm.s32 $0x80;
	s18 =	simm.s32 $0x1000;
	[sflag:s10] =	ssyncset.done $0x0  }
.LBB2_2:
0x26: {  	p0 =	sne.s32 s18, $0x8000;
	[sflag:s10] =	ssyncadd.s32 $0xFFFFC000;
	s19 =	sadd.s32 $0x100, s19  }
0x27: {  	[tilespmem:s13], [sflag:$0x2] =	stream.indirect.gather [hbm4b:s3+s12], $0x80, s19, s12, $0xb8;
	[tilespmem:$0x8A00] =	vst v63  }
0x28: {  	s20 =	smov.u32 s18;
	s18 =	sadd.s32 $0x1000, s18;
	_ =	swait.ge [sflag:s14], $0x4000  }
0x29: {  	[sflag:s14] =	ssyncset.done $0x0  }
0x2a: {  	s21 =	sadd.s32 s20, s8;
	[sflag:s14] =	ssyncadd.s32 $0xFFFFC000  }
0x2b: {  	[hbm4b:s21+s2] =	stream.linear.scatter [tilespmem:s11], [sflag:$0x3], $0x4000, $0x38;
	[tilespmem:$0x8A00] =	vst v63  }
0x2c: {  	_ =	swait.ge [sflag:s10], $0x4000  }
0x2d: {  	[sflag:s10] =	ssyncset.done $0x0  }
0x2e: {  	s21 =	sadd.s32 $0x80, s19;
	[sflag:s10] =	ssyncadd.s32 $0xFFFFC000  }
0x2f: {  	[tilespmem:s11], [sflag:$0x1] =	stream.indirect.gather [hbm4b:s3+s12], $0x80, s21, s12, $0xb8;
	[tilespmem:$0x8A00] =	vst v63  }
0x30: {  	_ =	swait.ge [sflag:s15], $0x4000  }
.Ltmp0:
0x31: {  	[sflag:s15] =	ssyncset.done $0x0;
	(pc) =	sbr.rel @p0 .LBB2_2-.Ltmp0, $4  }
0x32: {  	s20 =	sadd.s32 s20, s9;
	[sflag:s15] =	ssyncadd.s32 $0xFFFFC000  }
0x33: {  	[hbm4b:s20+s2] =	stream.linear.scatter [tilespmem:s13], [sflag:$0x3], $0x4000, $0x38;
	[tilespmem:$0x8A00] =	vst v63  }
0x34: {  	_ =	swait.ge [sflag:s10], $0x4000  }
0x35: {  	[sflag:s10] =	ssyncset.done $0x0  }
0x36: {  	[sflag:s10] =	ssyncadd.s32 $0xFFFFC000  }
0x37: {  	[tilespmem:s13], [sflag:$0x2] =	stream.indirect.gather [hbm4b:s3+s12], $0x80, s16, s12, $0xb8;
	[tilespmem:$0x8A00] =	vst v63  }
0x38: {  	_ =	swait.ge [sflag:s14], $0x4000  }
0x39: {  	[sflag:s14] =	ssyncset.done $0x0  }
0x3a: {  	[sflag:s14] =	ssyncadd.s32 $0xFFFFC000  }
0x3b: {  	[hbm4b:s6+s2] =	stream.linear.scatter [tilespmem:s11], [sflag:$0x3], $0x4000, $0x38;
	[tilespmem:$0x8A00] =	vst v63  }
0x3c: {  	_ =	swait.ge [sflag:s10], $0x4000  }
0x3d: {  	[sflag:s10] =	ssyncset.done $0x0  }
0x3e: {  	[sflag:s10] =	ssyncadd.s32 $0xFFFFC000  }
0x3f: {  	s17 =	sadd.s32 $0x1, s17;
	_ =	swait.ge [sflag:s15], $0x4000  }
0x40: {  	p0 =	sne.s32 s17, s5;
	[sflag:s15] =	ssyncset.done $0x0  }
.Ltmp1:
0x41: {  	[sflag:s15] =	ssyncadd.s32 $0xFFFFC000;
	(pc) =	sbr.rel @p0 .LBB2_1-.Ltmp1, $4  }
0x42: {  	[hbm4b:s7+s2] =	stream.linear.scatter [tilespmem:s13], [sflag:$0x3], $0x4000, $0x38;
	[tilespmem:$0x8A00] =	vst v63  }
0x43: {  	_ =	swait.ge [sflag:s10], $0x4000  }
0x44: {  	[sflag:s10] =	ssyncset.done $0x0  }
0x45: {  	[sflag:s10] =	ssyncadd.s32 $0xFFFFC000  }
0x46: {  	_ =	sfence.sel $0x180000  }
0x47: {  	[bflag:$0x0] =	sbarrier.arrive $0xFFFF  }
0x48: {  	p0 =	sne.s32 s0, $0x0;
	_ =	strace $0x9000005F  }
0x49: {  	s0 =	sadd.s32 @!p0 $0x100000, s1;
	[bflag:$0x2] =	sbarrier.arrive $0xFFFF  }
0x4a: {  	[sflag:s0] =	ssyncadd.tile.s32 @!p0 $0x1;
	_ =	shalt  }
.Lfunc_end2:
_tile_overlayer_lowered:
.L_overlay_start_2:
0x4b: {  	(tag) =	ssettag $0x2  }
0x4c: {  	s0 =	rddreg [dreg:$0x0];
	s2 =	stileid.u32  }
0x4d: {  	s1 =	rddreg [dreg:$0x1];
	p0 =	sne.s32 s2, $0x0  }
0x4e: {  	s3 =	rddreg [dreg:$0x2];
	[bflag:$0x3] =	sbarrier.arrive $0xFFFF;
	s2 =	simm.s32 @!p0 $0x1C03  }
0x4f: {  	[timem:s3], [sflag:s2] =	dma.local @!p0 [hbm:s0], s1  }
0x50: {  	s0 =	simm.s32 @!p0 $0x3  }
0x51: {  	_ =	swait.ge @!p0 [sflag:s0], s1  }
0x52: {  	s1 =	ssub.s32 @!p0 $0x0, s1;
	[sflag:s0] =	ssyncset.done @!p0 $0x0  }
0x53: {  	[sflag:s0] =	ssyncadd.s32 @!p0 s1  }
0x54: {  	[bflag:$0x3] =	sbarrier.arrive $0xFFFF  }
0x55: {  	_ =	shalt  }

// kernel: kernel.50.cloned.1.call-start
scs
__scs_entry_jumppad:
0x0: {  	(pc) =	sbr.rel $0x88, $3  }
0x1: {  	(tag) =	ssettag $0x0;
	lr =	simm.s32 $0x1  }
0x2: {  	[smem:$0x3F99] =	sst lr;
	_ =	strace $0xD0000000  }
0x3: {  	_ = 	snop  }
0x4: {  	_ = 	snop  }
0x5: {  	_ = 	snop  }
0x6: {  	_ = 	snop  }
0x7: {  	_ = 	snop  }
__scs_overlays_trampoline_lowered:
0x8: {  	[smem:$0x3FA8] =	sst s0  }
0x9: {  	[smem:$0x3FA9] =	sst s1  }
0xa: {  	[smem:$0x3FAA] =	sst s2  }
0xb: {  	[smem:$0x3FAB] =	sst s3  }
0xc: {  	[smem:$0x3FAC] =	sst s4  }
0xd: {  	[smem:$0x3FAD] =	sst s5  }
0xe: {  	[smem:$0x3FAE] =	sst s6  }
0xf: {  	[smem:$0x3FAF] =	sst s7  }
0x10: {  	[smem:$0x3FB0] =	sst s8  }
0x11: {  	[smem:$0x3FB1] =	sst s9;
	s0 =	simm.s32 @!p0 $0x0  }
0x12: {  	s1 =	sld [smem:$0x3F97];
	s0 =	simm.s32 @p0 $0x1  }
0x13: {  	[smem:$0x3FB2] =	sst s0;
	s0 =	simm.s32 @!p1 $0x0  }
0x14: {  	s2 =	sld [smem:$0x3F96];
	s0 =	simm.s32 @p1 $0x1  }
0x15: {  	[smem:$0x3FB3] =	sst s0;
	s0 =	simm.s32 @!p2 $0x0  }
0x16: {  	s3 =	sld [smem:$0x3FDB];
	s0 =	simm.s32 @p2 $0x1  }
0x17: {  	s4 =	simm.s32 $0x1BF5;
	[smem:$0x3FB5] =	sst s0  }
0x18: {  	s0 =	sld [smem:$0x3F98];
	_ =	swait.ge [sflag:s4], $0x0  }
0x19: {  	s7 =	sld [smem:$0x3F99]  }
0x1a: {  	s8 =	sadd.s32 $0xFFFFE003, lr  }
0x1b: {  	s9 =	sadd.s32 $0xFFFFFEF7, lr;
	s5 =	simm.s32 $0xFFFFFFFF;
	p2 =	slt.u32 s8, $0xFFFFF086  }
0x1c: {  	p1 =	slt.u32 s9, $0xF7A;
	s5 =	simm.s32 @!p2 $0x0  }
0x1d: {  	s5 =	simm.s32 @p1 $0x1;
	p0 =	seq.s32 s7, s2  }
0x1e: {  	s7 =	smul.u32 @!p0 $0xF7A, s2;
	p2 =	seq.s32 @!p0 s5, $0x0  }
0x1f: {  	s9 =	smul.u32 $0xF7A, s1;
	s8 =	simm.s32 @!p0 $0x1BF5;
	p2 =	por !p2, p0  }
0x20: {  	[sflag:s8] =	ssyncset.s32 @!p0 $0xFFFFF086;
	s6 =	sadd.s32 @!p0 s3, s7;
	s7 =	simm.s32 @!p0 $0x108  }
0x21: {  	s3 =	sadd.s32 s3, s9;
	s6 =	sadd.s32 @!p0 $0x88, s6;
	s7 =	simm.s32 @p2 $0x1082  }
0x22: {  	[simem:s7], [sflag:s8] =	dma.local @!p0 [hbm:s6], $0xF7A  }
0x23: {  	s9 =	sor.u32 $0xD0000000, s2;
	s6 =	simm.s32 $0x108;
	_ =	swait.ge @!p0 [sflag:s8], $0x0  }
0x24: {  	s3 =	sadd.s32 $0x88, s3;
	s6 =	simm.s32 @!p1 $0x1082;
	[sflag:s4] =	ssyncset.s32 $0xFFFFF086  }
0x25: {  	[simem:s6], [sflag:s4] =	dma.local [hbm:s3], $0xF7A  }
0x26: {  	[smem:$0x3F99] =	sst s1;
	(tag) =	ssettag s2;
	_ =	strace s9  }
0x27: {  	s1 =	sld [smem:$0x3FA9]  }
0x28: {  	s2 =	sld [smem:$0x3FAA]  }
0x29: {  	s4 =	sld [smem:$0x3FAC]  }
0x2a: {  	p0 =	seq.s32 s5, $0x0;
	s5 =	sld [smem:$0x3FAD]  }
0x2b: {  	s6 =	sld [smem:$0x3FAE]  }
0x2c: {  	s7 =	sld [smem:$0x3FAF]  }
0x2d: {  	s3 =	simm.s32 $0x108;
	s8 =	sld [smem:$0x3FB0]  }
0x2e: {  	s3 =	simm.s32 @!p0 $0x1082;
	s9 =	sld [smem:$0x3FB1]  }
0x2f: {  	lr =	sadd.s32 s0, s3;
	s0 =	sld [smem:$0x3FA8]  }
0x30: {  	s3 =	sld [smem:$0x3FAB]  }
0x31: {  	[smem:$0x3FB4] =	sst s10  }
0x32: {  	s10 =	sld [smem:$0x3FB2];
	_ =	sdelay $0x3  }
0x33: {  	p0 =	seq.s32 s10, $0x1;
	s10 =	sld [smem:$0x3FB4];
	_ =	sdelay $0x3  }
0x34: {  	[smem:$0x3FB4] =	sst s10  }
0x35: {  	s10 =	sld [smem:$0x3FB3];
	_ =	sdelay $0x3  }
0x36: {  	p1 =	seq.s32 s10, $0x1;
	s10 =	sld [smem:$0x3FB4];
	_ =	sdelay $0x3  }
0x37: {  	[smem:$0x3FB4] =	sst s10  }
0x38: {  	s10 =	sld [smem:$0x3FB5]  }
0x39: {  	_ = 	snop;
	(pc) =	sbr.ind lr, $3  }
0x3a: {  	_ = 	snop  }
0x3b: {  	_ = 	snop  }
0x3c: {  	p2 =	seq.s32 s10, $0x1;
	s10 =	sld [smem:$0x3FB4]  }
0x3d: {  	_ =	shalt  }
0x3e: {  	_ =	shalt  }
0x3f: {  	_ =	shalt  }
0x40: {  	_ =	shalt  }
0x41: {  	_ =	shalt  }
0x42: {  	_ =	shalt  }
0x43: {  	_ =	shalt  }
0x44: {  	_ =	shalt  }
0x45: {  	_ =	shalt  }
0x46: {  	_ =	shalt  }
0x47: {  	_ =	shalt  }
0x48: {  	_ =	shalt  }
0x49: {  	_ =	shalt  }
0x4a: {  	_ =	shalt  }
0x4b: {  	_ =	shalt  }
0x4c: {  	_ =	shalt  }
0x4d: {  	_ =	shalt  }
0x4e: {  	_ =	shalt  }
0x4f: {  	_ =	shalt  }
0x50: {  	_ =	shalt  }
0x51: {  	_ =	shalt  }
0x52: {  	_ =	shalt  }
0x53: {  	_ =	shalt  }
0x54: {  	_ =	shalt  }
0x55: {  	_ =	shalt  }
0x56: {  	_ =	shalt  }
0x57: {  	_ =	shalt  }
0x58: {  	_ =	shalt  }
0x59: {  	_ =	shalt  }
0x5a: {  	_ =	shalt  }
0x5b: {  	_ =	shalt  }
0x5c: {  	_ =	shalt  }
0x5d: {  	_ =	shalt  }
0x5e: {  	_ =	shalt  }
0x5f: {  	_ =	shalt  }
0x60: {  	_ =	shalt  }
0x61: {  	_ =	shalt  }
0x62: {  	_ =	shalt  }
0x63: {  	_ =	shalt  }
0x64: {  	_ =	shalt  }
0x65: {  	_ =	shalt  }
0x66: {  	_ =	shalt  }
0x67: {  	_ =	shalt  }
0x68: {  	_ =	shalt  }
0x69: {  	_ =	shalt  }
0x6a: {  	_ =	shalt  }
0x6b: {  	_ =	shalt  }
0x6c: {  	_ =	shalt  }
0x6d: {  	_ =	shalt  }
0x6e: {  	_ =	shalt  }
0x6f: {  	_ =	shalt  }
0x70: {  	_ =	shalt  }
0x71: {  	_ =	shalt  }
0x72: {  	_ =	shalt  }
0x73: {  	_ =	shalt  }
0x74: {  	_ =	shalt  }
0x75: {  	_ =	shalt  }
0x76: {  	_ =	shalt  }
0x77: {  	_ =	shalt  }
0x78: {  	_ =	shalt  }
0x79: {  	_ =	shalt  }
0x7a: {  	_ =	shalt  }
0x7b: {  	_ =	shalt  }
0x7c: {  	_ =	shalt  }
0x7d: {  	_ =	shalt  }
0x7e: {  	_ =	shalt  }
0x7f: {  	_ =	shalt  }
0x80: {  	_ =	shalt  }
0x81: {  	_ =	shalt  }
0x82: {  	_ =	shalt  }
0x83: {  	_ =	shalt  }
0x84: {  	_ =	shalt  }
0x85: {  	_ =	shalt  }
0x86: {  	_ =	shalt  }
0x87: {  	_ =	shalt  }
.Lfunc_end0:
.L_simem_size_0:
called_computation.9_lowered:
.L_overlay_start_0:
0x88: {  	s2 =	sld [smem:$0x3FD9]  }
0x89: {  	s3 =	sld [smem:$0x3FFE];
	_ =	sdelay $0x1  }
0x8a: {  	s1 =	srdreg.scid  }
0x8b: {  	s0 =	sand.u32 $0x1, s1  }
0x8c: {  	s17 =	sshll.u32 s0, $0xA;
	s2 =	sadd.s32 s3, s2  }
0x8d: {  	s2 =	sadd.s32 s2, s17  }
0x8e: {  	[smem:$0x3FC0] =	sst s2  }
0x8f: {  	_ = 	snop  }
0x90: {  	(tm) =	ssettm $0x1  }
0x91: {  	s18 =	sld [smem:$0x3FFB];
	_ =	sdelay $0x3  }
0x92: {  	_ =	strace s18  }
0x93: {  	s2 =	sld [smem:$0x3FFC];
	_ =	sdelay $0x3  }
0x94: {  	_ =	strace s2  }
0x95: {  	s2 =	sld [smem:$0x3FFD];
	_ =	sdelay $0x3  }
0x96: {  	_ =	strace s2  }
0x97: {  	_ =	strace $0x8FFFFFFF  }
0x98: {  	s19 =	sld [smem:$0x3FDB];
	_ =	sdelay $0x1  }
0x99: {  	s20 =	simm.s32 $_scs_section_size  }
0x9a: {  	s4 =	simm.s32 $_size__tile_overlayer_lowered;
	s5 =	simm.s32 $_tile_overlayer_lowered  }
0x9b: {  	s6 =	simm.s32 $0x1BFF;
	s21 =	sshll.u32 s5, $0x1;
	s3 =	sadd.s32 s20, s19  }
0x9c: {  	s22 =	simm.s32 $0x0;
	s4 =	sshll.u32 s4, $0x1;
	s5 =	sadd.s32 s21, s3  }
0x9d: {  	[timem:s22], [sflag:s6] =	dma.local [hbm:s5], s4  }
0x9e: {  	_ =	swait.ge [sflag:s6], s4  }
0x9f: {  	s4 =	ssub.s32 $0x0, s4;
	[sflag:s6] =	ssyncset.done $0x0  }
0xa0: {  	[sflag:s6] =	ssyncadd.s32 s4;
	_ =	sdelay $0x1  }
0xa1: {  	s23 =	simm.s32 $0x1B8B  }
0xa2: {  	_ =	swait.ge [sflag:s23], $0x1  }
0xa3: {  	[sflag:s23] =	ssyncset.done $0x0  }
0xa4: {  	[sflag:s23] =	ssyncadd.s32 $0xFFFFFFFF  }
0xa5: {  	s4 =	sld [smem:$0x0]  }
0xa6: {  	s5 =	sand.u32 $0xFFFFFFFE, s1  }
0xa7: {  	p0 =	sne.s32 s1, s5  }
0xa8: {  	s5 =	sshll.u32 @p0 s5, $0xE  }
0xa9: {  	s5 =	sadd.s32 @p0 $0x11B8D, s5;
	s6 =	sshll.u32 @p0 s4, $0x11  }
0xaa: {  	s5 =	sor.u32 @p0 s6, s5  }
0xab: {  	[sflag:s5] =	ssyncadd.remote.s32 @p0 $0x1;
	_ =	sdelay $0x1  }
0xac: {  	s5 =	simm.s32 @p0 $0x1B8D  }
0xad: {  	_ =	swait.eq @p0 [sflag:s5], $0x1  }
0xae: {  	[sflag:s5] =	ssyncadd.s32 @p0 $0xFFFFFFFF  }
0xaf: {  	s6 =	sshll.u32 @!p0 s1, $0xE  }
0xb0: {  	s6 =	sor.u32 @!p0 $0x4000, s6;
	s5 =	simm.s32 @!p0 $0x1B8D  }
0xb1: {  	s4 =	sshll.u32 @!p0 s4, $0x11;
	s6 =	sadd.s32 @!p0 $0x11B8D, s6;
	_ =	swait.eq @!p0 [sflag:s5], $0x1  }
0xb2: {  	s4 =	sor.u32 @!p0 s4, s6;
	[sflag:s5] =	ssyncadd.s32 @!p0 $0xFFFFFFFF  }
0xb3: {  	s25 =	simm.s32 $0x1B8E;
	s24 =	sld [smem:$0x3FFE];
	[sflag:s4] =	ssyncadd.remote.s32 @!p0 $0x1  }
0xb4: {  	s26 =	simm.s32 $execute0_lowered;
	[smem:$0x3FD2] =	sst s25  }
0xb5: {  	s5 =	sshll.u32 s26, $0x1;
	_ =	strace $0x80000061;
	[dreg:$0x1] =	wrdreg $0xFFFFFFFF  }
0xb6: {  	s28 =	simm.s32 $_size_execute0_lowered;
	s3 =	sadd.s32 s3, s5;
	[dreg:$0x0] =	wrdreg $0x0  }
0xb7: {  	s5 =	sshll.u32 s28, $0x1;
	[dreg:$0x2] =	wrdreg s3  }
0xb8: {  	[dreg:$0x3] =	wrdreg s5  }
0xb9: {  	[dreg:$0x4] =	wrdreg $0xC0  }
0xba: {  	_ =	task [dreg:s22], $0x5FFFF  }
0xbb: {  	[dreg:$0x1] =	wrdreg $0xFFFFFFFF  }
0xbc: {  	[dreg:$0x0] =	wrdreg $0x60  }
0xbd: {  	[dreg:$0x2] =	wrdreg s24  }
0xbe: {  	[dreg:$0x3] =	wrdreg $0x12  }
0xbf: {  	_ =	task.clear_ibuf [dreg:s22], $0x4FFFF;
	_ =	strace $0x90000061  }
0xc0: {  	s29 =	simm.s32 $0x12;
	_ =	strace $0x80000063  }
0xc1: {  	_ =	swait.ge [sflag:s29], $0x1  }
0xc2: {  	[sflag:s29] =	ssyncadd.s32 $0xFFFFFFFF  }
0xc3: {  	_ =	strace $0x90000063  }
0xc4: {  	_ =	sfence  }
0xc5: {  	s30 =	sld [smem:$0x0];
	_ =	sdelay $0x2  }
0xc6: {  	s31 =	sshll.u32 s1, $0xD;
	s1 =	sshrl.u32 s1, $0x2  }
0xc7: {  	s4 =	sand.u32 $0x4000, s31;
	s1 =	sadd.s32 s1, s30  }
0xc8: {  	s0 =	sor.u32 s4, s0;
	s1 =	sshll.u32 s1, $0x11  }
0xc9: {  	s0 =	sor.u32 s1, s0  }
0xca: {  	s0 =	sadd.s32 $0x8F2B, s0  }
0xcb: {  	[sflag:s0] =	ssyncadd.remote.s32 $0x1  }
0xcc: {  	_ =	sfence.sel $0xFFFF  }
0xcd: {  	[dreg:$0x0] =	wrdreg $0xFFFFFFFF;
	(pc) =	sbr.abs _section_cstart, $3  }
0xce: {  	[dreg:$0x1] =	wrdreg $0xFFFFFFFF  }
0xcf: {  	_ =	task.clear_ibuf [dreg:s22], $0x2FFFF;
	_ =	strace $0x9FFFFFFF  }
0xd0: {  	(tm) =	ssettm $0x7FFFFFFF  }
0xd1: {  	_ =	shalt  }
tec
execute0_lowered:
.L_overlay_start_1:
0x0: {  	(tag) =	ssettag $0x1  }
0x1: {  	s1 =	srdreg.scid  }
0x2: {  	s0 =	stileid.u32;
	s4 =	rddreg [dreg:$0x0]  }
0x3: {  	s2 =	simm.s32 $0x0;
	s13 =	simm.s32 $0x4A00;
	s14 =	simm.s32 $0x1  }
0x4: {  	s15 =	simm.s32 $0x2;
	s16 =	simm.s32 $0x980;
	s25 =	smul.u32 $0xA0000, s0  }
0x5: {  	s17 =	simm.s32 $0x0;
	s7 =	sand.u32 $0x1, s1;
	s29 =	smul.u32 $0x14000, s0  }
0x6: {  	s3 =	sshll.u32 s0, $0x1;
	s1 =	rddreg [dreg:$0x1];
	s28 =	smul.u32 $0x50000, s7  }
0x7: {  	[smem:$0x7FF] =	sst s2;
	s5 =	sor.u32 s7, s3;
	s30 =	smul.u32 $0xA000, s7  }
0x8: {  	s12 =	sadd.s32 $0xB61E00, s4;
	s8 =	ssub.s32 $0x2, s7;
	s6 =	smul.u32 $0xA00, s5  }
0x9: {  	_ =	strace $0x80000062;
	s9 =	smul.u32 $0x50000, s5;
	s10 =	sshrl.u32 s8, $0x1  }
0xa: {  	s3 =	sadd.s32 $0x7600, s4;
	s11 =	smul.u32 $0xA000, s5;
	s24 =	ssub.s32 s8, s10  }
0xb: {  	s8 =	sadd.s32 s28, s25;
	s10 =	sadd.s32 s29, s12;
	s6 =	sshrl.u32 s6, $0x3  }
0xc: {  	s26 =	sshrl.u32 s9, $0x3;
	s5 =	smax.u32 s24, $0x1;
	s31 =	sadd.s32 s12, s11  }
0xd: {  	s8 =	sshrl.u32 s8, $0x3;
	s9 =	sadd.s32 s30, s10;
	s10 =	simm.s32 $0x3  }
0xe: {  	s11 =	simm.s32 $0xA00;
	s6 =	sadd.s32 s6, s4;
	s7 =	sadd.s32 $0x9800, s31  }
0xf: {  	s8 =	sadd.s32 s8, s12;
	s4 =	sadd.s32 $0x15F600, s6;
	s6 =	sadd.s32 s12, s26  }
0x10: {  	s9 =	sadd.s32 $0x800, s9;
	s12 =	simm.s32 $0x80;
	s6 =	sadd.s32 $0x9000, s6  }
.LBB2_1:
0x11: {  	[tilespmem:s2], [sflag:$0x3] =	stream.linear.gather [hbm4b:s4+s2], $0xA00, $0x38;
	[tilespmem:$0x8A00] =	vst v63  }
0x12: {  	_ =	swait.ge [sflag:s10], $0xA00  }
0x13: {  	[sflag:s10] =	ssyncset.done $0x0  }
0x14: {  	[sflag:s10] =	ssyncadd.s32 $0xFFFFF600  }
0x15: {  	[tilespmem:s11], [sflag:$0x1] =	stream.indirect.gather [hbm4b:s3+s12], $0x80, s2, s12, $0xb8;
	[tilespmem:$0x8A00] =	vst v63  }
0x16: {  	_ = 	snop  }
0x17: {  	[tilespmem:s13], [sflag:$0x2] =	stream.indirect.gather [hbm4b:s3+s12], $0x80, s12, s12, $0xb8;
	[tilespmem:$0x8A00] =	vst v63  }
0x18: {  	_ =	swait.ge [sflag:s14], $0x4000  }
0x19: {  	[sflag:s14] =	ssyncset.done $0x0  }
0x1a: {  	s18 =	sadd.s32 $0x0, s8;
	[sflag:s14] =	ssyncadd.s32 $0xFFFFC000  }
0x1b: {  	[hbm4b:s18+s2] =	stream.linear.scatter [tilespmem:s11], [sflag:$0x3], $0x4000, $0x38;
	[tilespmem:$0x8A00] =	vst v63  }
0x1c: {  	_ =	swait.ge [sflag:s10], $0x4000  }
0x1d: {  	[sflag:s10] =	ssyncset.done $0x0  }
0x1e: {  	s30 =	simm.s32 $0x100;
	[sflag:s10] =	ssyncadd.s32 $0xFFFFC000  }
0x1f: {  	[tilespmem:s11], [sflag:$0x1] =	stream.indirect.gather [hbm4b:s3+s12], $0x80, s30, s12, $0xb8;
	[tilespmem:$0x8A00] =	vst v63  }
0x20: {  	_ =	swait.ge [sflag:s15], $0x4000  }
0x21: {  	[sflag:s15] =	ssyncset.done $0x0  }
0x22: {  	s31 =	sadd.s32 $0x0, s9;
	[sflag:s15] =	ssyncadd.s32 $0xFFFFC000  }
0x23: {  	[hbm4b:s31+s2] =	stream.linear.scatter [tilespmem:s13], [sflag:$0x3], $0x4000, $0x38;
	[tilespmem:$0x8A00] =	vst v63  }
0x24: {  	_ =	swait.ge [sflag:s10], $0x4000  }
0x25: {  	s19 =	simm.s32 $0x80;
	s18 =	simm.s32 $0x1000;
	[sflag:s10] =	ssyncset.done $0x0  }
.LBB2_2:
0x26: {  	p0 =	sne.s32 s18, $0x8000;
	[sflag:s10] =	ssyncadd.s32 $0xFFFFC000;
	s19 =	sadd.s32 $0x100, s19  }
0x27: {  	[tilespmem:s13], [sflag:$0x2] =	stream.indirect.gather [hbm4b:s3+s12], $0x80, s19, s12, $0xb8;
	[tilespmem:$0x8A00] =	vst v63  }
0x28: {  	s20 =	smov.u32 s18;
	s18 =	sadd.s32 $0x1000, s18;
	_ =	swait.ge [sflag:s14], $0x4000  }
0x29: {  	[sflag:s14] =	ssyncset.done $0x0  }
0x2a: {  	s21 =	sadd.s32 s20, s8;
	[sflag:s14] =	ssyncadd.s32 $0xFFFFC000  }
0x2b: {  	[hbm4b:s21+s2] =	stream.linear.scatter [tilespmem:s11], [sflag:$0x3], $0x4000, $0x38;
	[tilespmem:$0x8A00] =	vst v63  }
0x2c: {  	_ =	swait.ge [sflag:s10], $0x4000  }
0x2d: {  	[sflag:s10] =	ssyncset.done $0x0  }
0x2e: {  	s21 =	sadd.s32 $0x80, s19;
	[sflag:s10] =	ssyncadd.s32 $0xFFFFC000  }
0x2f: {  	[tilespmem:s11], [sflag:$0x1] =	stream.indirect.gather [hbm4b:s3+s12], $0x80, s21, s12, $0xb8;
	[tilespmem:$0x8A00] =	vst v63  }
0x30: {  	_ =	swait.ge [sflag:s15], $0x4000  }
.Ltmp0:
0x31: {  	[sflag:s15] =	ssyncset.done $0x0;
	(pc) =	sbr.rel @p0 .LBB2_2-.Ltmp0, $4  }
0x32: {  	s20 =	sadd.s32 s20, s9;
	[sflag:s15] =	ssyncadd.s32 $0xFFFFC000  }
0x33: {  	[hbm4b:s20+s2] =	stream.linear.scatter [tilespmem:s13], [sflag:$0x3], $0x4000, $0x38;
	[tilespmem:$0x8A00] =	vst v63  }
0x34: {  	_ =	swait.ge [sflag:s10], $0x4000  }
0x35: {  	[sflag:s10] =	ssyncset.done $0x0  }
0x36: {  	[sflag:s10] =	ssyncadd.s32 $0xFFFFC000  }
0x37: {  	[tilespmem:s13], [sflag:$0x2] =	stream.indirect.gather [hbm4b:s3+s12], $0x80, s16, s12, $0xb8;
	[tilespmem:$0x8A00] =	vst v63  }
0x38: {  	_ =	swait.ge [sflag:s14], $0x4000  }
0x39: {  	[sflag:s14] =	ssyncset.done $0x0  }
0x3a: {  	[sflag:s14] =	ssyncadd.s32 $0xFFFFC000  }
0x3b: {  	[hbm4b:s6+s2] =	stream.linear.scatter [tilespmem:s11], [sflag:$0x3], $0x4000, $0x38;
	[tilespmem:$0x8A00] =	vst v63  }
0x3c: {  	_ =	swait.ge [sflag:s10], $0x4000  }
0x3d: {  	[sflag:s10] =	ssyncset.done $0x0  }
0x3e: {  	[sflag:s10] =	ssyncadd.s32 $0xFFFFC000  }
0x3f: {  	s17 =	sadd.s32 $0x1, s17;
	_ =	swait.ge [sflag:s15], $0x4000  }
0x40: {  	p0 =	sne.s32 s17, s5;
	[sflag:s15] =	ssyncset.done $0x0  }
.Ltmp1:
0x41: {  	[sflag:s15] =	ssyncadd.s32 $0xFFFFC000;
	(pc) =	sbr.rel @p0 .LBB2_1-.Ltmp1, $4  }
0x42: {  	[hbm4b:s7+s2] =	stream.linear.scatter [tilespmem:s13], [sflag:$0x3], $0x4000, $0x38;
	[tilespmem:$0x8A00] =	vst v63  }
0x43: {  	_ =	swait.ge [sflag:s10], $0x4000  }
0x44: {  	[sflag:s10] =	ssyncset.done $0x0  }
0x45: {  	[sflag:s10] =	ssyncadd.s32 $0xFFFFC000  }
0x46: {  	_ =	sfence.sel $0x180000  }
0x47: {  	[bflag:$0x0] =	sbarrier.arrive $0xFFFF  }
0x48: {  	p0 =	sne.s32 s0, $0x0;
	_ =	strace $0x90000062  }
0x49: {  	s0 =	sadd.s32 @!p0 $0x100000, s1;
	[bflag:$0x2] =	sbarrier.arrive $0xFFFF  }
0x4a: {  	[sflag:s0] =	ssyncadd.tile.s32 @!p0 $0x1;
	_ =	shalt  }
.Lfunc_end2:
_tile_overlayer_lowered:
.L_overlay_start_2:
0x4b: {  	(tag) =	ssettag $0x2  }
0x4c: {  	s0 =	rddreg [dreg:$0x0];
	s2 =	stileid.u32  }
0x4d: {  	s1 =	rddreg [dreg:$0x1];
	p0 =	sne.s32 s2, $0x0  }
0x4e: {  	s3 =	rddreg [dreg:$0x2];
	[bflag:$0x3] =	sbarrier.arrive $0xFFFF;
	s2 =	simm.s32 @!p0 $0x1C03  }
0x4f: {  	[timem:s3], [sflag:s2] =	dma.local @!p0 [hbm:s0], s1  }
0x50: {  	s0 =	simm.s32 @!p0 $0x3  }
0x51: {  	_ =	swait.ge @!p0 [sflag:s0], s1  }
0x52: {  	s1 =	ssub.s32 @!p0 $0x0, s1;
	[sflag:s0] =	ssyncset.done @!p0 $0x0  }
0x53: {  	[sflag:s0] =	ssyncadd.s32 @!p0 s1  }
0x54: {  	[bflag:$0x3] =	sbarrier.arrive $0xFFFF  }
0x55: {  	_ =	shalt  }

</sc_bundles>
